<compile_context>
chip_gen: v7x
topology: tpu7x:2x2x1
jax: 0.10.2.dev20260603
libtpu: 0.0.44.dev20260713+nightly
codegen_flags: <defaults>
</compile_context>

<pallas_src>
import jax
import jax.numpy as jnp
from jax import lax
from jax.experimental import pallas as pl
from jax.experimental.pallas import tpu as pltpu
from jax.experimental.pallas import tpu_sc as plsc

N, E, F, H1, H2, C = 10000, 320000, 128, 100, 100, 16
DP = 128
NPAD = 10240
NC, NS = 2, 16
CHUNK = 88
CPT = 120
EROWS = NC * NS * CPT
EPAD = EROWS * CHUNK
ROWS_PER_TILE = NPAD // NS
NBUF = 3
SUPB = 40
MBLK = 1000


def _make_agg():
    def body(support, src2d, dst2d, zeros, out,
             src_all, dst_all, agg, *rows_and_sems):
        rows = rows_and_sems[:NBUF]
        sems = rows_and_sems[NBUF:2 * NBUF]
        ssems = rows_and_sems[2 * NBUF:]
        c = lax.axis_index("c")
        s = lax.axis_index("s")
        t = c * NS + s
        slab = pl.ds(s * ROWS_PER_TILE, ROWS_PER_TILE)
        pltpu.sync_copy(zeros, agg.at[slab])
        plsc.subcore_barrier()

        def gwait(b):
            pltpu.make_async_copy(
                support.at[pl.ds(0, CHUNK)], rows[b], sems[b]).wait()

        def swait(b):
            pltpu.make_async_copy(
                rows[b], agg.at[pl.ds(0, CHUNK)], ssems[b]).wait()

        def gfire(j, b):
            pltpu.async_copy(support.at[src_all.at[j]], rows[b], sems[b])

        def sfire(j, b):
            pltpu.async_copy(rows[b], agg.at[dst_all.at[j]], ssems[b],
                             add=True)

        for half in range(CPT // SUPB):
            base = t * CPT + half * SUPB
            pltpu.sync_copy(src2d.at[pl.ds(base, SUPB)], src_all)
            pltpu.sync_copy(dst2d.at[pl.ds(base, SUPB)], dst_all)
            gfire(0, 0)
            gfire(1, 1)
            gwait(0); sfire(0, 0); gfire(2, 2)
            gwait(1); sfire(1, 1); swait(0); gfire(3, 0)
            gwait(2); sfire(2, 2); swait(1); gfire(4, 1)

            def step(g, carry):
                for b in range(NBUF):
                    k = g * NBUF + b
                    gwait(b)
                    sfire(k, b)
                    b2 = (b + 2) % NBUF
                    swait(b2)
                    jn = jnp.where(k + 2 < SUPB, k + 2, b2)
                    gfire(jn, b2)
                return carry

            lax.fori_loop(1, 13, step, 0)
            gwait(0); sfire(39, 0); swait(2); gfire(2, 2)
            gwait(1)
            gwait(2)
            swait(0)
        plsc.subcore_barrier()
        pltpu.sync_copy(agg.at[slab], out.at[c, slab])

    return pl.kernel(
        body,
        out_type=jax.ShapeDtypeStruct((NC, NPAD, DP), jnp.float32),
        mesh=plsc.VectorSubcoreMesh(core_axis_name="c", subcore_axis_name="s"),
        scratch_types=(
            [pltpu.VMEM((SUPB, CHUNK), jnp.int32),
             pltpu.VMEM((SUPB, CHUNK), jnp.int32),
             pltpu.VMEM_SHARED((NPAD, DP), jnp.float32)]
            + [pltpu.VMEM((CHUNK, DP), jnp.float32)] * NBUF
            + [pltpu.SemaphoreType.DMA] * (2 * NBUF)
        ),
    )


_aggregate = _make_agg()


def _mm_body(x_ref, w_ref, o_ref):
    o_ref[...] = jnp.dot(x_ref[...], w_ref[...],
                         preferred_element_type=jnp.float32)


def _combine_mm_body(p_ref, b_ref, w_ref, o_ref):
    h = jnp.maximum(p_ref[0] + p_ref[1] + b_ref[...], 0.0)
    o_ref[...] = jnp.dot(h, w_ref[...], preferred_element_type=jnp.float32)


def _head_body(p_ref, b2_ref, w3_ref, b3_ref, o_ref):
    h = jnp.maximum(p_ref[0] + p_ref[1] + b2_ref[...], 0.0)
    logits = jnp.dot(h, w3_ref[...], preferred_element_type=jnp.float32)
    logits = logits + b3_ref[...]
    m = jnp.max(logits, axis=1, keepdims=True)
    lse = jnp.log(jnp.sum(jnp.exp(logits - m), axis=1, keepdims=True)) + m
    o_ref[...] = logits - lse


def _mm(x, w):
    grid = N // MBLK
    return pl.pallas_call(
        _mm_body,
        grid=(grid,),
        in_specs=[
            pl.BlockSpec((MBLK, F), lambda i: (i, 0)),
            pl.BlockSpec((F, DP), lambda i: (0, 0)),
        ],
        out_specs=pl.BlockSpec((MBLK, DP), lambda i: (i, 0)),
        out_shape=jax.ShapeDtypeStruct((N, DP), jnp.float32),
    )(x, w)


def _combine_mm(parts, b, w):
    grid = N // MBLK
    return pl.pallas_call(
        _combine_mm_body,
        grid=(grid,),
        in_specs=[
            pl.BlockSpec((NC, MBLK, DP), lambda i: (0, i, 0)),
            pl.BlockSpec((1, DP), lambda i: (0, 0)),
            pl.BlockSpec((DP, DP), lambda i: (0, 0)),
        ],
        out_specs=pl.BlockSpec((MBLK, DP), lambda i: (i, 0)),
        out_shape=jax.ShapeDtypeStruct((N, DP), jnp.float32),
    )(parts, b, w)


def _head(parts, b2, w3, b3):
    grid = N // MBLK
    return pl.pallas_call(
        _head_body,
        grid=(grid,),
        in_specs=[
            pl.BlockSpec((NC, MBLK, DP), lambda i: (0, i, 0)),
            pl.BlockSpec((1, DP), lambda i: (0, 0)),
            pl.BlockSpec((DP, C), lambda i: (0, 0)),
            pl.BlockSpec((1, C), lambda i: (0, 0)),
        ],
        out_specs=pl.BlockSpec((MBLK, C), lambda i: (i, 0)),
        out_shape=jax.ShapeDtypeStruct((N, C), jnp.float32),
    )(parts, b2, w3, b3)


def kernel(x, edge_index, W1, b1, W2, b2, W3, b3):
    src = edge_index[0]
    dst = edge_index[1]

    w1p = jnp.zeros((F, DP), jnp.float32).at[:, :H1].set(W1)
    b1p = jnp.zeros((1, DP), jnp.float32).at[0, :H1].set(b1)
    w2p = jnp.zeros((DP, DP), jnp.float32).at[:H1, :H2].set(W2)
    b2p = jnp.zeros((1, DP), jnp.float32).at[0, :H2].set(b2)
    w3p = jnp.zeros((DP, C), jnp.float32).at[:H2, :].set(W3)
    b3p = b3.reshape(1, C)

    pidx = jnp.arange(EPAD - E, dtype=jnp.int32)
    srcp = jnp.concatenate([src, pidx % N]).reshape(EROWS, CHUNK)
    dstp = jnp.concatenate(
        [dst, N + pidx % (NPAD - N)]).reshape(EROWS, CHUNK)
    zeros = jnp.zeros((ROWS_PER_TILE, DP), jnp.float32)

    support1 = _mm(x, w1p)
    parts1 = _aggregate(support1, srcp, dstp, zeros)
    support2 = _combine_mm(parts1, b1p, w2p)
    parts2 = _aggregate(support2, srcp, dstp, zeros)
    return _head(parts2, b2p, w3p, b3p)

# --- scband reference (transcript-rebuilt; emitter-appended) ---
"""Pipeline reference for scband-cora-gcn-method-33363305955867 (READ-ONLY COPY).

The authoritative reference and input builder live on the scoring server;
editing this copy changes nothing except your own understanding.
"""

import jax, jax.numpy as jnp
import numpy as np

N, E, F, H1, H2, C = 10000, 320000, 128, 100, 100, 16

def setup_inputs(seed: int = 0) -> dict:
    key = jax.random.key(seed)
    ks = jax.random.split(key, 10)
    x = jax.random.normal(ks[0], (N, F), dtype=jnp.float32)
    edge_index = jax.random.randint(ks[1], (2, E), 0, N, dtype=jnp.int32)
    W1 = jax.random.normal(ks[2], (F, H1), dtype=jnp.float32) * 0.1
    b1 = jnp.zeros((H1,), dtype=jnp.float32)
    W2 = jax.random.normal(ks[3], (H1, H2), dtype=jnp.float32) * 0.1
    b2 = jnp.zeros((H2,), dtype=jnp.float32)
    W3 = jax.random.normal(ks[4], (H2, C), dtype=jnp.float32) * 0.1
    b3 = jnp.zeros((C,), dtype=jnp.float32)
    return {"x": x, "edge_index": edge_index, "W1": W1, "b1": b1, "W2": W2, "b2": b2, "W3": W3, "b3": b3}

def _graph_conv(h, src, dst, W, b, n_nodes):
    support = h @ W
    msgs = jnp.take(support, src, axis=0)
    agg = jax.ops.segment_sum(msgs, dst, num_segments=n_nodes)
    return agg + b

def reference(x, edge_index, W1, b1, W2, b2, W3, b3):
    src = edge_index[0]
    dst = edge_index[1]
    n_nodes = x.shape[0]
    # gc1 + ReLU (dropout is identity in eval mode)
    h1 = jax.nn.relu(_graph_conv(x, src, dst, W1, b1, n_nodes))
    # gc2 + ReLU
    h2 = jax.nn.relu(_graph_conv(h1, src, dst, W2, b2, n_nodes))
    # fc3 + LogSoftmax
    logits = h2 @ W3 + b3
    return jax.nn.log_softmax(logits, axis=1)

if __name__ == "__main__":
    import jax
    _d = setup_inputs()
    print(jax.jit(kernel)(*tuple(_d.values())))

</pallas_src>

<mosaic_0001>
#map = affine_map<(d0, d1) -> (0, 0)>
#map1 = affine_map<(d0, d1) -> (0, 0, 0)>
module attributes {stable_mosaic.version = 14 : i64} {
  func.func @body(%arg0: i32, %arg1: i32, %arg2: memref<10000x128xf32, #tpu.memory_space<hbm>>, %arg3: memref<3840x88xi32, #tpu.memory_space<hbm>>, %arg4: memref<3840x88xi32, #tpu.memory_space<hbm>>, %arg5: memref<640x128xf32, #tpu.memory_space<hbm>>, %arg6: memref<2x10240x128xf32, #tpu.memory_space<hbm>>, %arg7: memref<40x88xi32, #tpu.memory_space<vmem>>, %arg8: memref<40x88xi32, #tpu.memory_space<vmem>>, %arg9: memref<10240x128xf32, #tpu.memory_space<vmem_shared>>, %arg10: memref<88x128xf32, #tpu.memory_space<vmem>>, %arg11: memref<88x128xf32, #tpu.memory_space<vmem>>, %arg12: memref<88x128xf32, #tpu.memory_space<vmem>>, %arg13: memref<!tpu.dma_semaphore, #tpu.memory_space<semaphore_mem>>, %arg14: memref<!tpu.dma_semaphore, #tpu.memory_space<semaphore_mem>>, %arg15: memref<!tpu.dma_semaphore, #tpu.memory_space<semaphore_mem>>, %arg16: memref<!tpu.dma_semaphore, #tpu.memory_space<semaphore_mem>>, %arg17: memref<!tpu.dma_semaphore, #tpu.memory_space<semaphore_mem>>, %arg18: memref<!tpu.dma_semaphore, #tpu.memory_space<semaphore_mem>>) attributes {dimension_semantics = [#tpu.dimension_semantics<core_parallel>, #tpu.dimension_semantics<subcore_parallel>], iteration_bounds = array<i64: 2, 16>, scalar_prefetch = 0 : i64, scratch_operands = 12 : i64, tpu.core_type = #tpu.core_type<sc_vector_subcore>, window_params = [{transform_indices = #map}, {transform_indices = #map}, {transform_indices = #map}, {transform_indices = #map}, {transform_indices = #map1}]} {
    %mul3A = arith.constant 16 : i32
    %mul3A_0 = arith.muli %arg0, %mul3A : i32
    %add3A = arith.addi %mul3A_0, %arg1 : i32
    %mul3A_1 = arith.constant 640 : i32
    %mul3A_2 = arith.muli %arg1, %mul3A_1 : i32
    "tpu.region"() ({
      %run_scoped3A = tpu.sem_alloc : memref<!tpu.dma_semaphore, #tpu.memory_space<semaphore_mem>>
      %dma_start3A_421 = arith.constant 0 : i32
      %dma_start3A_422 = tpu.memref_slice %arg9[%mul3A_2, %dma_start3A_421] : memref<10240x128xf32, #tpu.memory_space<vmem_shared>> -> memref<640x128xf32, #tpu.memory_space<vmem_shared>>
      tpu.enqueue_dma source(%arg5 : memref<640x128xf32, #tpu.memory_space<hbm>>) target(%dma_start3A_422 : memref<640x128xf32, #tpu.memory_space<vmem_shared>>) target_semaphore(%run_scoped3A : memref<!tpu.dma_semaphore, #tpu.memory_space<semaphore_mem>>)
      %dma_wait3A_423 = arith.constant 0 : i32
      %dma_wait3A_424 = tpu.memref_slice %arg9[%mul3A_2, %dma_wait3A_423] : memref<10240x128xf32, #tpu.memory_space<vmem_shared>> -> memref<640x128xf32, #tpu.memory_space<vmem_shared>>
      tpu.wait_dma2 semaphore(%run_scoped3A : memref<!tpu.dma_semaphore, #tpu.memory_space<semaphore_mem>>) src(%arg5 : memref<640x128xf32, #tpu.memory_space<hbm>>) dst(%dma_wait3A_424 : memref<640x128xf32, #tpu.memory_space<vmem_shared>>)
      tpu.yield
    }) : () -> ()
    %barrier3A = arith.constant 0 : index
    tpu.barrier barrier_id(%barrier3A)
    %mul3A_3 = arith.constant 120 : i32
    %mul3A_4 = arith.muli %add3A, %mul3A_3 : i32
    %add3A_5 = arith.constant 0 : i32
    %add3A_6 = arith.addi %mul3A_4, %add3A_5 : i32
    "tpu.region"() ({
      %run_scoped3A = tpu.sem_alloc : memref<!tpu.dma_semaphore, #tpu.memory_space<semaphore_mem>>
      %dma_start3A_421 = arith.constant 0 : i32
      %dma_start3A_422 = tpu.memref_slice %arg3[%add3A_6, %dma_start3A_421] : memref<3840x88xi32, #tpu.memory_space<hbm>> -> memref<40x88xi32, #tpu.memory_space<hbm>>
      %dma_start3A_423 = arith.constant 0 : i32
      %dma_start3A_424 = tpu.memref_slice %arg3[%add3A_6, %dma_start3A_423] : memref<3840x88xi32, #tpu.memory_space<hbm>> -> memref<40x88xi32, #tpu.memory_space<hbm>>
      tpu.enqueue_dma source(%dma_start3A_424 : memref<40x88xi32, #tpu.memory_space<hbm>>) target(%arg7 : memref<40x88xi32, #tpu.memory_space<vmem>>) target_semaphore(%run_scoped3A : memref<!tpu.dma_semaphore, #tpu.memory_space<semaphore_mem>>)
      %dma_wait3A_425 = arith.constant 0 : i32
      %dma_wait3A_426 = tpu.memref_slice %arg3[%add3A_6, %dma_wait3A_425] : memref<3840x88xi32, #tpu.memory_space<hbm>> -> memref<40x88xi32, #tpu.memory_space<hbm>>
      %dma_wait3A_427 = arith.constant 0 : i32
      %dma_wait3A_428 = tpu.memref_slice %arg3[%add3A_6, %dma_wait3A_427] : memref<3840x88xi32, #tpu.memory_space<hbm>> -> memref<40x88xi32, #tpu.memory_space<hbm>>
      tpu.wait_dma2 semaphore(%run_scoped3A : memref<!tpu.dma_semaphore, #tpu.memory_space<semaphore_mem>>) src(%dma_wait3A_428 : memref<40x88xi32, #tpu.memory_space<hbm>>) dst(%arg7 : memref<40x88xi32, #tpu.memory_space<vmem>>)
      tpu.yield
    }) : () -> ()
    "tpu.region"() ({
      %run_scoped3A = tpu.sem_alloc : memref<!tpu.dma_semaphore, #tpu.memory_space<semaphore_mem>>
      %dma_start3A_421 = arith.constant 0 : i32
      %dma_start3A_422 = tpu.memref_slice %arg4[%add3A_6, %dma_start3A_421] : memref<3840x88xi32, #tpu.memory_space<hbm>> -> memref<40x88xi32, #tpu.memory_space<hbm>>
      %dma_start3A_423 = arith.constant 0 : i32
      %dma_start3A_424 = tpu.memref_slice %arg4[%add3A_6, %dma_start3A_423] : memref<3840x88xi32, #tpu.memory_space<hbm>> -> memref<40x88xi32, #tpu.memory_space<hbm>>
      tpu.enqueue_dma source(%dma_start3A_424 : memref<40x88xi32, #tpu.memory_space<hbm>>) target(%arg8 : memref<40x88xi32, #tpu.memory_space<vmem>>) target_semaphore(%run_scoped3A : memref<!tpu.dma_semaphore, #tpu.memory_space<semaphore_mem>>)
      %dma_wait3A_425 = arith.constant 0 : i32
      %dma_wait3A_426 = tpu.memref_slice %arg4[%add3A_6, %dma_wait3A_425] : memref<3840x88xi32, #tpu.memory_space<hbm>> -> memref<40x88xi32, #tpu.memory_space<hbm>>
      %dma_wait3A_427 = arith.constant 0 : i32
      %dma_wait3A_428 = tpu.memref_slice %arg4[%add3A_6, %dma_wait3A_427] : memref<3840x88xi32, #tpu.memory_space<hbm>> -> memref<40x88xi32, #tpu.memory_space<hbm>>
      tpu.wait_dma2 semaphore(%run_scoped3A : memref<!tpu.dma_semaphore, #tpu.memory_space<semaphore_mem>>) src(%dma_wait3A_428 : memref<40x88xi32, #tpu.memory_space<hbm>>) dst(%arg8 : memref<40x88xi32, #tpu.memory_space<vmem>>)
      tpu.yield
    }) : () -> ()
    %dma_start3A = arith.constant 0 : i32
    %dma_start3A_7 = arith.constant 0 : i32
    %dma_start3A_8 = tpu.memref_slice %arg7[%dma_start3A, %dma_start3A_7] : memref<40x88xi32, #tpu.memory_space<vmem>> -> memref<1x88xi32, #tpu.memory_space<vmem>>
    %dma_start3A_9 = tpu.memref_squeeze %dma_start3A_8 : memref<1x88xi32, #tpu.memory_space<vmem>> -> memref<88xi32, #tpu.memory_space<vmem>>
    %dma_start3A_10 = arith.constant 0 : i32
    %dma_start3A_11 = arith.constant 0 : i32
    %dma_start3A_12 = tpu.memref_slice %arg2[%dma_start3A_10, %dma_start3A_11] : memref<10000x128xf32, #tpu.memory_space<hbm>> -> memref<10000x128xf32, #tpu.memory_space<hbm>>
    tpu.enqueue_indirect_dma source(%dma_start3A_12 : memref<10000x128xf32, #tpu.memory_space<hbm>>) target(%arg10 : memref<88x128xf32, #tpu.memory_space<vmem>>) offsets(%dma_start3A_9 : memref<88xi32, #tpu.memory_space<vmem>>) semaphore(%arg13 : memref<!tpu.dma_semaphore, #tpu.memory_space<semaphore_mem>>)
    %dma_start3A_13 = arith.constant 1 : i32
    %dma_start3A_14 = arith.constant 0 : i32
    %dma_start3A_15 = tpu.memref_slice %arg7[%dma_start3A_13, %dma_start3A_14] : memref<40x88xi32, #tpu.memory_space<vmem>> -> memref<1x88xi32, #tpu.memory_space<vmem>>
    %dma_start3A_16 = tpu.memref_squeeze %dma_start3A_15 : memref<1x88xi32, #tpu.memory_space<vmem>> -> memref<88xi32, #tpu.memory_space<vmem>>
    %dma_start3A_17 = arith.constant 0 : i32
    %dma_start3A_18 = arith.constant 0 : i32
    %dma_start3A_19 = tpu.memref_slice %arg2[%dma_start3A_17, %dma_start3A_18] : memref<10000x128xf32, #tpu.memory_space<hbm>> -> memref<10000x128xf32, #tpu.memory_space<hbm>>
    tpu.enqueue_indirect_dma source(%dma_start3A_19 : memref<10000x128xf32, #tpu.memory_space<hbm>>) target(%arg11 : memref<88x128xf32, #tpu.memory_space<vmem>>) offsets(%dma_start3A_16 : memref<88xi32, #tpu.memory_space<vmem>>) semaphore(%arg14 : memref<!tpu.dma_semaphore, #tpu.memory_space<semaphore_mem>>)
    %dma_wait3A = arith.constant 0 : i32
    %dma_wait3A_20 = arith.constant 0 : i32
    %dma_wait3A_21 = tpu.memref_slice %arg2[%dma_wait3A, %dma_wait3A_20] : memref<10000x128xf32, #tpu.memory_space<hbm>> -> memref<88x128xf32, #tpu.memory_space<hbm>>
    %dma_wait3A_22 = arith.constant 0 : i32
    %dma_wait3A_23 = arith.constant 0 : i32
    %dma_wait3A_24 = tpu.memref_slice %arg2[%dma_wait3A_22, %dma_wait3A_23] : memref<10000x128xf32, #tpu.memory_space<hbm>> -> memref<88x128xf32, #tpu.memory_space<hbm>>
    tpu.wait_dma2 semaphore(%arg13 : memref<!tpu.dma_semaphore, #tpu.memory_space<semaphore_mem>>) src(%dma_wait3A_24 : memref<88x128xf32, #tpu.memory_space<hbm>>) dst(%arg10 : memref<88x128xf32, #tpu.memory_space<vmem>>)
    %dma_start3A_25 = arith.constant 0 : i32
    %dma_start3A_26 = arith.constant 0 : i32
    %dma_start3A_27 = tpu.memref_slice %arg8[%dma_start3A_25, %dma_start3A_26] : memref<40x88xi32, #tpu.memory_space<vmem>> -> memref<1x88xi32, #tpu.memory_space<vmem>>
    %dma_start3A_28 = tpu.memref_squeeze %dma_start3A_27 : memref<1x88xi32, #tpu.memory_space<vmem>> -> memref<88xi32, #tpu.memory_space<vmem>>
    %dma_start3A_29 = arith.constant 0 : i32
    %dma_start3A_30 = arith.constant 0 : i32
    %dma_start3A_31 = tpu.memref_slice %arg9[%dma_start3A_29, %dma_start3A_30] : memref<10240x128xf32, #tpu.memory_space<vmem_shared>> -> memref<10240x128xf32, #tpu.memory_space<vmem_shared>>
    tpu.enqueue_indirect_dma source(%arg10 : memref<88x128xf32, #tpu.memory_space<vmem>>) target(%dma_start3A_31 : memref<10240x128xf32, #tpu.memory_space<vmem_shared>>) offsets(%dma_start3A_28 : memref<88xi32, #tpu.memory_space<vmem>>) semaphore(%arg16 : memref<!tpu.dma_semaphore, #tpu.memory_space<semaphore_mem>>) {add = true}
    %dma_start3A_32 = arith.constant 2 : i32
    %dma_start3A_33 = arith.constant 0 : i32
    %dma_start3A_34 = tpu.memref_slice %arg7[%dma_start3A_32, %dma_start3A_33] : memref<40x88xi32, #tpu.memory_space<vmem>> -> memref<1x88xi32, #tpu.memory_space<vmem>>
    %dma_start3A_35 = tpu.memref_squeeze %dma_start3A_34 : memref<1x88xi32, #tpu.memory_space<vmem>> -> memref<88xi32, #tpu.memory_space<vmem>>
    %dma_start3A_36 = arith.constant 0 : i32
    %dma_start3A_37 = arith.constant 0 : i32
    %dma_start3A_38 = tpu.memref_slice %arg2[%dma_start3A_36, %dma_start3A_37] : memref<10000x128xf32, #tpu.memory_space<hbm>> -> memref<10000x128xf32, #tpu.memory_space<hbm>>
    tpu.enqueue_indirect_dma source(%dma_start3A_38 : memref<10000x128xf32, #tpu.memory_space<hbm>>) target(%arg12 : memref<88x128xf32, #tpu.memory_space<vmem>>) offsets(%dma_start3A_35 : memref<88xi32, #tpu.memory_space<vmem>>) semaphore(%arg15 : memref<!tpu.dma_semaphore, #tpu.memory_space<semaphore_mem>>)
    %dma_wait3A_39 = arith.constant 0 : i32
    %dma_wait3A_40 = arith.constant 0 : i32
    %dma_wait3A_41 = tpu.memref_slice %arg2[%dma_wait3A_39, %dma_wait3A_40] : memref<10000x128xf32, #tpu.memory_space<hbm>> -> memref<88x128xf32, #tpu.memory_space<hbm>>
    %dma_wait3A_42 = arith.constant 0 : i32
    %dma_wait3A_43 = arith.constant 0 : i32
    %dma_wait3A_44 = tpu.memref_slice %arg2[%dma_wait3A_42, %dma_wait3A_43] : memref<10000x128xf32, #tpu.memory_space<hbm>> -> memref<88x128xf32, #tpu.memory_space<hbm>>
    tpu.wait_dma2 semaphore(%arg14 : memref<!tpu.dma_semaphore, #tpu.memory_space<semaphore_mem>>) src(%dma_wait3A_44 : memref<88x128xf32, #tpu.memory_space<hbm>>) dst(%arg11 : memref<88x128xf32, #tpu.memory_space<vmem>>)
    %dma_start3A_45 = arith.constant 1 : i32
    %dma_start3A_46 = arith.constant 0 : i32
    %dma_start3A_47 = tpu.memref_slice %arg8[%dma_start3A_45, %dma_start3A_46] : memref<40x88xi32, #tpu.memory_space<vmem>> -> memref<1x88xi32, #tpu.memory_space<vmem>>
    %dma_start3A_48 = tpu.memref_squeeze %dma_start3A_47 : memref<1x88xi32, #tpu.memory_space<vmem>> -> memref<88xi32, #tpu.memory_space<vmem>>
    %dma_start3A_49 = arith.constant 0 : i32
    %dma_start3A_50 = arith.constant 0 : i32
    %dma_start3A_51 = tpu.memref_slice %arg9[%dma_start3A_49, %dma_start3A_50] : memref<10240x128xf32, #tpu.memory_space<vmem_shared>> -> memref<10240x128xf32, #tpu.memory_space<vmem_shared>>
    tpu.enqueue_indirect_dma source(%arg11 : memref<88x128xf32, #tpu.memory_space<vmem>>) target(%dma_start3A_51 : memref<10240x128xf32, #tpu.memory_space<vmem_shared>>) offsets(%dma_start3A_48 : memref<88xi32, #tpu.memory_space<vmem>>) semaphore(%arg17 : memref<!tpu.dma_semaphore, #tpu.memory_space<semaphore_mem>>) {add = true}
    %dma_wait3A_52 = arith.constant 0 : i32
    %dma_wait3A_53 = arith.constant 0 : i32
    %dma_wait3A_54 = tpu.memref_slice %arg9[%dma_wait3A_52, %dma_wait3A_53] : memref<10240x128xf32, #tpu.memory_space<vmem_shared>> -> memref<88x128xf32, #tpu.memory_space<vmem_shared>>
    %dma_wait3A_55 = arith.constant 0 : i32
    %dma_wait3A_56 = arith.constant 0 : i32
    %dma_wait3A_57 = tpu.memref_slice %arg9[%dma_wait3A_55, %dma_wait3A_56] : memref<10240x128xf32, #tpu.memory_space<vmem_shared>> -> memref<88x128xf32, #tpu.memory_space<vmem_shared>>
    tpu.wait_dma2 semaphore(%arg16 : memref<!tpu.dma_semaphore, #tpu.memory_space<semaphore_mem>>) src(%arg10 : memref<88x128xf32, #tpu.memory_space<vmem>>) dst(%dma_wait3A_57 : memref<88x128xf32, #tpu.memory_space<vmem_shared>>)
    %dma_start3A_58 = arith.constant 3 : i32
    %dma_start3A_59 = arith.constant 0 : i32
    %dma_start3A_60 = tpu.memref_slice %arg7[%dma_start3A_58, %dma_start3A_59] : memref<40x88xi32, #tpu.memory_space<vmem>> -> memref<1x88xi32, #tpu.memory_space<vmem>>
    %dma_start3A_61 = tpu.memref_squeeze %dma_start3A_60 : memref<1x88xi32, #tpu.memory_space<vmem>> -> memref<88xi32, #tpu.memory_space<vmem>>
    %dma_start3A_62 = arith.constant 0 : i32
    %dma_start3A_63 = arith.constant 0 : i32
    %dma_start3A_64 = tpu.memref_slice %arg2[%dma_start3A_62, %dma_start3A_63] : memref<10000x128xf32, #tpu.memory_space<hbm>> -> memref<10000x128xf32, #tpu.memory_space<hbm>>
    tpu.enqueue_indirect_dma source(%dma_start3A_64 : memref<10000x128xf32, #tpu.memory_space<hbm>>) target(%arg10 : memref<88x128xf32, #tpu.memory_space<vmem>>) offsets(%dma_start3A_61 : memref<88xi32, #tpu.memory_space<vmem>>) semaphore(%arg13 : memref<!tpu.dma_semaphore, #tpu.memory_space<semaphore_mem>>)
    %dma_wait3A_65 = arith.constant 0 : i32
    %dma_wait3A_66 = arith.constant 0 : i32
    %dma_wait3A_67 = tpu.memref_slice %arg2[%dma_wait3A_65, %dma_wait3A_66] : memref<10000x128xf32, #tpu.memory_space<hbm>> -> memref<88x128xf32, #tpu.memory_space<hbm>>
    %dma_wait3A_68 = arith.constant 0 : i32
    %dma_wait3A_69 = arith.constant 0 : i32
    %dma_wait3A_70 = tpu.memref_slice %arg2[%dma_wait3A_68, %dma_wait3A_69] : memref<10000x128xf32, #tpu.memory_space<hbm>> -> memref<88x128xf32, #tpu.memory_space<hbm>>
    tpu.wait_dma2 semaphore(%arg15 : memref<!tpu.dma_semaphore, #tpu.memory_space<semaphore_mem>>) src(%dma_wait3A_70 : memref<88x128xf32, #tpu.memory_space<hbm>>) dst(%arg12 : memref<88x128xf32, #tpu.memory_space<vmem>>)
    %dma_start3A_71 = arith.constant 2 : i32
    %dma_start3A_72 = arith.constant 0 : i32
    %dma_start3A_73 = tpu.memref_slice %arg8[%dma_start3A_71, %dma_start3A_72] : memref<40x88xi32, #tpu.memory_space<vmem>> -> memref<1x88xi32, #tpu.memory_space<vmem>>
    %dma_start3A_74 = tpu.memref_squeeze %dma_start3A_73 : memref<1x88xi32, #tpu.memory_space<vmem>> -> memref<88xi32, #tpu.memory_space<vmem>>
    %dma_start3A_75 = arith.constant 0 : i32
    %dma_start3A_76 = arith.constant 0 : i32
    %dma_start3A_77 = tpu.memref_slice %arg9[%dma_start3A_75, %dma_start3A_76] : memref<10240x128xf32, #tpu.memory_space<vmem_shared>> -> memref<10240x128xf32, #tpu.memory_space<vmem_shared>>
    tpu.enqueue_indirect_dma source(%arg12 : memref<88x128xf32, #tpu.memory_space<vmem>>) target(%dma_start3A_77 : memref<10240x128xf32, #tpu.memory_space<vmem_shared>>) offsets(%dma_start3A_74 : memref<88xi32, #tpu.memory_space<vmem>>) semaphore(%arg18 : memref<!tpu.dma_semaphore, #tpu.memory_space<semaphore_mem>>) {add = true}
    %dma_wait3A_78 = arith.constant 0 : i32
    %dma_wait3A_79 = arith.constant 0 : i32
    %dma_wait3A_80 = tpu.memref_slice %arg9[%dma_wait3A_78, %dma_wait3A_79] : memref<10240x128xf32, #tpu.memory_space<vmem_shared>> -> memref<88x128xf32, #tpu.memory_space<vmem_shared>>
    %dma_wait3A_81 = arith.constant 0 : i32
    %dma_wait3A_82 = arith.constant 0 : i32
    %dma_wait3A_83 = tpu.memref_slice %arg9[%dma_wait3A_81, %dma_wait3A_82] : memref<10240x128xf32, #tpu.memory_space<vmem_shared>> -> memref<88x128xf32, #tpu.memory_space<vmem_shared>>
    tpu.wait_dma2 semaphore(%arg17 : memref<!tpu.dma_semaphore, #tpu.memory_space<semaphore_mem>>) src(%arg11 : memref<88x128xf32, #tpu.memory_space<vmem>>) dst(%dma_wait3A_83 : memref<88x128xf32, #tpu.memory_space<vmem_shared>>)
    %dma_start3A_84 = arith.constant 4 : i32
    %dma_start3A_85 = arith.constant 0 : i32
    %dma_start3A_86 = tpu.memref_slice %arg7[%dma_start3A_84, %dma_start3A_85] : memref<40x88xi32, #tpu.memory_space<vmem>> -> memref<1x88xi32, #tpu.memory_space<vmem>>
    %dma_start3A_87 = tpu.memref_squeeze %dma_start3A_86 : memref<1x88xi32, #tpu.memory_space<vmem>> -> memref<88xi32, #tpu.memory_space<vmem>>
    %dma_start3A_88 = arith.constant 0 : i32
    %dma_start3A_89 = arith.constant 0 : i32
    %dma_start3A_90 = tpu.memref_slice %arg2[%dma_start3A_88, %dma_start3A_89] : memref<10000x128xf32, #tpu.memory_space<hbm>> -> memref<10000x128xf32, #tpu.memory_space<hbm>>
    tpu.enqueue_indirect_dma source(%dma_start3A_90 : memref<10000x128xf32, #tpu.memory_space<hbm>>) target(%arg11 : memref<88x128xf32, #tpu.memory_space<vmem>>) offsets(%dma_start3A_87 : memref<88xi32, #tpu.memory_space<vmem>>) semaphore(%arg14 : memref<!tpu.dma_semaphore, #tpu.memory_space<semaphore_mem>>)
    %scan3A = arith.constant 0 : i32
    %scan3A_91 = arith.constant 1 : i32
    %scan3A_92 = arith.constant 12 : i32
    %scan3A_93 = arith.addi %scan3A_91, %scan3A_92 : i32
    %scan3A_94 = arith.constant 1 : i32
    scf.for %scan3A_421 = %scan3A_91 to %scan3A_93 step %scan3A_94  : i32 {
      %mul3A_422 = arith.constant 3 : i32
      %mul3A_423 = arith.muli %scan3A_421, %mul3A_422 : i32
      %add3A_424 = arith.constant 0 : i32
      %add3A_425 = arith.addi %mul3A_423, %add3A_424 : i32
      %dma_wait3A_426 = arith.constant 0 : i32
      %dma_wait3A_427 = arith.constant 0 : i32
      %dma_wait3A_428 = tpu.memref_slice %arg2[%dma_wait3A_426, %dma_wait3A_427] : memref<10000x128xf32, #tpu.memory_space<hbm>> -> memref<88x128xf32, #tpu.memory_space<hbm>>
      %dma_wait3A_429 = arith.constant 0 : i32
      %dma_wait3A_430 = arith.constant 0 : i32
      %dma_wait3A_431 = tpu.memref_slice %arg2[%dma_wait3A_429, %dma_wait3A_430] : memref<10000x128xf32, #tpu.memory_space<hbm>> -> memref<88x128xf32, #tpu.memory_space<hbm>>
      tpu.wait_dma2 semaphore(%arg13 : memref<!tpu.dma_semaphore, #tpu.memory_space<semaphore_mem>>) src(%dma_wait3A_431 : memref<88x128xf32, #tpu.memory_space<hbm>>) dst(%arg10 : memref<88x128xf32, #tpu.memory_space<vmem>>)
      %dma_start3A_432 = arith.constant 0 : i32
      %dma_start3A_433 = tpu.memref_slice %arg8[%add3A_425, %dma_start3A_432] : memref<40x88xi32, #tpu.memory_space<vmem>> -> memref<1x88xi32, #tpu.memory_space<vmem>>
      %dma_start3A_434 = tpu.memref_squeeze %dma_start3A_433 : memref<1x88xi32, #tpu.memory_space<vmem>> -> memref<88xi32, #tpu.memory_space<vmem>>
      %dma_start3A_435 = arith.constant 0 : i32
      %dma_start3A_436 = arith.constant 0 : i32
      %dma_start3A_437 = tpu.memref_slice %arg9[%dma_start3A_435, %dma_start3A_436] : memref<10240x128xf32, #tpu.memory_space<vmem_shared>> -> memref<10240x128xf32, #tpu.memory_space<vmem_shared>>
      tpu.enqueue_indirect_dma source(%arg10 : memref<88x128xf32, #tpu.memory_space<vmem>>) target(%dma_start3A_437 : memref<10240x128xf32, #tpu.memory_space<vmem_shared>>) offsets(%dma_start3A_434 : memref<88xi32, #tpu.memory_space<vmem>>) semaphore(%arg16 : memref<!tpu.dma_semaphore, #tpu.memory_space<semaphore_mem>>) {add = true}
      %dma_wait3A_438 = arith.constant 0 : i32
      %dma_wait3A_439 = arith.constant 0 : i32
      %dma_wait3A_440 = tpu.memref_slice %arg9[%dma_wait3A_438, %dma_wait3A_439] : memref<10240x128xf32, #tpu.memory_space<vmem_shared>> -> memref<88x128xf32, #tpu.memory_space<vmem_shared>>
      %dma_wait3A_441 = arith.constant 0 : i32
      %dma_wait3A_442 = arith.constant 0 : i32
      %dma_wait3A_443 = tpu.memref_slice %arg9[%dma_wait3A_441, %dma_wait3A_442] : memref<10240x128xf32, #tpu.memory_space<vmem_shared>> -> memref<88x128xf32, #tpu.memory_space<vmem_shared>>
      tpu.wait_dma2 semaphore(%arg18 : memref<!tpu.dma_semaphore, #tpu.memory_space<semaphore_mem>>) src(%arg12 : memref<88x128xf32, #tpu.memory_space<vmem>>) dst(%dma_wait3A_443 : memref<88x128xf32, #tpu.memory_space<vmem_shared>>)
      %add3A_444 = arith.constant 2 : i32
      %add3A_445 = arith.addi %add3A_425, %add3A_444 : i32
      %lt3A = arith.constant 40 : i32
      %lt3A_446 = arith.cmpi slt, %add3A_445, %lt3A : i32
      %add3A_447 = arith.constant 2 : i32
      %add3A_448 = arith.addi %add3A_425, %add3A_447 : i32
      %jit3A = arith.constant 2 : i32
      %select_n3A = arith.select %lt3A_446, %add3A_448, %jit3A : i32
      %dma_start3A_449 = arith.constant 0 : i32
      %dma_start3A_450 = tpu.memref_slice %arg7[%select_n3A, %dma_start3A_449] : memref<40x88xi32, #tpu.memory_space<vmem>> -> memref<1x88xi32, #tpu.memory_space<vmem>>
      %dma_start3A_451 = tpu.memref_squeeze %dma_start3A_450 : memref<1x88xi32, #tpu.memory_space<vmem>> -> memref<88xi32, #tpu.memory_space<vmem>>
      %dma_start3A_452 = arith.constant 0 : i32
      %dma_start3A_453 = arith.constant 0 : i32
      %dma_start3A_454 = tpu.memref_slice %arg2[%dma_start3A_452, %dma_start3A_453] : memref<10000x128xf32, #tpu.memory_space<hbm>> -> memref<10000x128xf32, #tpu.memory_space<hbm>>
      tpu.enqueue_indirect_dma source(%dma_start3A_454 : memref<10000x128xf32, #tpu.memory_space<hbm>>) target(%arg12 : memref<88x128xf32, #tpu.memory_space<vmem>>) offsets(%dma_start3A_451 : memref<88xi32, #tpu.memory_space<vmem>>) semaphore(%arg15 : memref<!tpu.dma_semaphore, #tpu.memory_space<semaphore_mem>>)
      %mul3A_455 = arith.constant 3 : i32
      %mul3A_456 = arith.muli %scan3A_421, %mul3A_455 : i32
      %add3A_457 = arith.constant 1 : i32
      %add3A_458 = arith.addi %mul3A_456, %add3A_457 : i32
      %dma_wait3A_459 = arith.constant 0 : i32
      %dma_wait3A_460 = arith.constant 0 : i32
      %dma_wait3A_461 = tpu.memref_slice %arg2[%dma_wait3A_459, %dma_wait3A_460] : memref<10000x128xf32, #tpu.memory_space<hbm>> -> memref<88x128xf32, #tpu.memory_space<hbm>>
      %dma_wait3A_462 = arith.constant 0 : i32
      %dma_wait3A_463 = arith.constant 0 : i32
      %dma_wait3A_464 = tpu.memref_slice %arg2[%dma_wait3A_462, %dma_wait3A_463] : memref<10000x128xf32, #tpu.memory_space<hbm>> -> memref<88x128xf32, #tpu.memory_space<hbm>>
      tpu.wait_dma2 semaphore(%arg14 : memref<!tpu.dma_semaphore, #tpu.memory_space<semaphore_mem>>) src(%dma_wait3A_464 : memref<88x128xf32, #tpu.memory_space<hbm>>) dst(%arg11 : memref<88x128xf32, #tpu.memory_space<vmem>>)
      %dma_start3A_465 = arith.constant 0 : i32
      %dma_start3A_466 = tpu.memref_slice %arg8[%add3A_458, %dma_start3A_465] : memref<40x88xi32, #tpu.memory_space<vmem>> -> memref<1x88xi32, #tpu.memory_space<vmem>>
      %dma_start3A_467 = tpu.memref_squeeze %dma_start3A_466 : memref<1x88xi32, #tpu.memory_space<vmem>> -> memref<88xi32, #tpu.memory_space<vmem>>
      %dma_start3A_468 = arith.constant 0 : i32
      %dma_start3A_469 = arith.constant 0 : i32
      %dma_start3A_470 = tpu.memref_slice %arg9[%dma_start3A_468, %dma_start3A_469] : memref<10240x128xf32, #tpu.memory_space<vmem_shared>> -> memref<10240x128xf32, #tpu.memory_space<vmem_shared>>
      tpu.enqueue_indirect_dma source(%arg11 : memref<88x128xf32, #tpu.memory_space<vmem>>) target(%dma_start3A_470 : memref<10240x128xf32, #tpu.memory_space<vmem_shared>>) offsets(%dma_start3A_467 : memref<88xi32, #tpu.memory_space<vmem>>) semaphore(%arg17 : memref<!tpu.dma_semaphore, #tpu.memory_space<semaphore_mem>>) {add = true}
      %dma_wait3A_471 = arith.constant 0 : i32
      %dma_wait3A_472 = arith.constant 0 : i32
      %dma_wait3A_473 = tpu.memref_slice %arg9[%dma_wait3A_471, %dma_wait3A_472] : memref<10240x128xf32, #tpu.memory_space<vmem_shared>> -> memref<88x128xf32, #tpu.memory_space<vmem_shared>>
      %dma_wait3A_474 = arith.constant 0 : i32
      %dma_wait3A_475 = arith.constant 0 : i32
      %dma_wait3A_476 = tpu.memref_slice %arg9[%dma_wait3A_474, %dma_wait3A_475] : memref<10240x128xf32, #tpu.memory_space<vmem_shared>> -> memref<88x128xf32, #tpu.memory_space<vmem_shared>>
      tpu.wait_dma2 semaphore(%arg16 : memref<!tpu.dma_semaphore, #tpu.memory_space<semaphore_mem>>) src(%arg10 : memref<88x128xf32, #tpu.memory_space<vmem>>) dst(%dma_wait3A_476 : memref<88x128xf32, #tpu.memory_space<vmem_shared>>)
      %add3A_477 = arith.constant 2 : i32
      %add3A_478 = arith.addi %add3A_458, %add3A_477 : i32
      %lt3A_479 = arith.constant 40 : i32
      %lt3A_480 = arith.cmpi slt, %add3A_478, %lt3A_479 : i32
      %add3A_481 = arith.constant 2 : i32
      %add3A_482 = arith.addi %add3A_458, %add3A_481 : i32
      %jit3A_483 = arith.constant 0 : i32
      %select_n3A_484 = arith.select %lt3A_480, %add3A_482, %jit3A_483 : i32
      %dma_start3A_485 = arith.constant 0 : i32
      %dma_start3A_486 = tpu.memref_slice %arg7[%select_n3A_484, %dma_start3A_485] : memref<40x88xi32, #tpu.memory_space<vmem>> -> memref<1x88xi32, #tpu.memory_space<vmem>>
      %dma_start3A_487 = tpu.memref_squeeze %dma_start3A_486 : memref<1x88xi32, #tpu.memory_space<vmem>> -> memref<88xi32, #tpu.memory_space<vmem>>
      %dma_start3A_488 = arith.constant 0 : i32
      %dma_start3A_489 = arith.constant 0 : i32
      %dma_start3A_490 = tpu.memref_slice %arg2[%dma_start3A_488, %dma_start3A_489] : memref<10000x128xf32, #tpu.memory_space<hbm>> -> memref<10000x128xf32, #tpu.memory_space<hbm>>
      tpu.enqueue_indirect_dma source(%dma_start3A_490 : memref<10000x128xf32, #tpu.memory_space<hbm>>) target(%arg10 : memref<88x128xf32, #tpu.memory_space<vmem>>) offsets(%dma_start3A_487 : memref<88xi32, #tpu.memory_space<vmem>>) semaphore(%arg13 : memref<!tpu.dma_semaphore, #tpu.memory_space<semaphore_mem>>)
      %mul3A_491 = arith.constant 3 : i32
      %mul3A_492 = arith.muli %scan3A_421, %mul3A_491 : i32
      %add3A_493 = arith.constant 2 : i32
      %add3A_494 = arith.addi %mul3A_492, %add3A_493 : i32
      %dma_wait3A_495 = arith.constant 0 : i32
      %dma_wait3A_496 = arith.constant 0 : i32
      %dma_wait3A_497 = tpu.memref_slice %arg2[%dma_wait3A_495, %dma_wait3A_496] : memref<10000x128xf32, #tpu.memory_space<hbm>> -> memref<88x128xf32, #tpu.memory_space<hbm>>
      %dma_wait3A_498 = arith.constant 0 : i32
      %dma_wait3A_499 = arith.constant 0 : i32
      %dma_wait3A_500 = tpu.memref_slice %arg2[%dma_wait3A_498, %dma_wait3A_499] : memref<10000x128xf32, #tpu.memory_space<hbm>> -> memref<88x128xf32, #tpu.memory_space<hbm>>
      tpu.wait_dma2 semaphore(%arg15 : memref<!tpu.dma_semaphore, #tpu.memory_space<semaphore_mem>>) src(%dma_wait3A_500 : memref<88x128xf32, #tpu.memory_space<hbm>>) dst(%arg12 : memref<88x128xf32, #tpu.memory_space<vmem>>)
      %dma_start3A_501 = arith.constant 0 : i32
      %dma_start3A_502 = tpu.memref_slice %arg8[%add3A_494, %dma_start3A_501] : memref<40x88xi32, #tpu.memory_space<vmem>> -> memref<1x88xi32, #tpu.memory_space<vmem>>
      %dma_start3A_503 = tpu.memref_squeeze %dma_start3A_502 : memref<1x88xi32, #tpu.memory_space<vmem>> -> memref<88xi32, #tpu.memory_space<vmem>>
      %dma_start3A_504 = arith.constant 0 : i32
      %dma_start3A_505 = arith.constant 0 : i32
      %dma_start3A_506 = tpu.memref_slice %arg9[%dma_start3A_504, %dma_start3A_505] : memref<10240x128xf32, #tpu.memory_space<vmem_shared>> -> memref<10240x128xf32, #tpu.memory_space<vmem_shared>>
      tpu.enqueue_indirect_dma source(%arg12 : memref<88x128xf32, #tpu.memory_space<vmem>>) target(%dma_start3A_506 : memref<10240x128xf32, #tpu.memory_space<vmem_shared>>) offsets(%dma_start3A_503 : memref<88xi32, #tpu.memory_space<vmem>>) semaphore(%arg18 : memref<!tpu.dma_semaphore, #tpu.memory_space<semaphore_mem>>) {add = true}
      %dma_wait3A_507 = arith.constant 0 : i32
      %dma_wait3A_508 = arith.constant 0 : i32
      %dma_wait3A_509 = tpu.memref_slice %arg9[%dma_wait3A_507, %dma_wait3A_508] : memref<10240x128xf32, #tpu.memory_space<vmem_shared>> -> memref<88x128xf32, #tpu.memory_space<vmem_shared>>
      %dma_wait3A_510 = arith.constant 0 : i32
      %dma_wait3A_511 = arith.constant 0 : i32
      %dma_wait3A_512 = tpu.memref_slice %arg9[%dma_wait3A_510, %dma_wait3A_511] : memref<10240x128xf32, #tpu.memory_space<vmem_shared>> -> memref<88x128xf32, #tpu.memory_space<vmem_shared>>
      tpu.wait_dma2 semaphore(%arg17 : memref<!tpu.dma_semaphore, #tpu.memory_space<semaphore_mem>>) src(%arg11 : memref<88x128xf32, #tpu.memory_space<vmem>>) dst(%dma_wait3A_512 : memref<88x128xf32, #tpu.memory_space<vmem_shared>>)
      %add3A_513 = arith.constant 2 : i32
      %add3A_514 = arith.addi %add3A_494, %add3A_513 : i32
      %lt3A_515 = arith.constant 40 : i32
      %lt3A_516 = arith.cmpi slt, %add3A_514, %lt3A_515 : i32
      %add3A_517 = arith.constant 2 : i32
      %add3A_518 = arith.addi %add3A_494, %add3A_517 : i32
      %jit3A_519 = arith.constant 1 : i32
      %select_n3A_520 = arith.select %lt3A_516, %add3A_518, %jit3A_519 : i32
      %dma_start3A_521 = arith.constant 0 : i32
      %dma_start3A_522 = tpu.memref_slice %arg7[%select_n3A_520, %dma_start3A_521] : memref<40x88xi32, #tpu.memory_space<vmem>> -> memref<1x88xi32, #tpu.memory_space<vmem>>
      %dma_start3A_523 = tpu.memref_squeeze %dma_start3A_522 : memref<1x88xi32, #tpu.memory_space<vmem>> -> memref<88xi32, #tpu.memory_space<vmem>>
      %dma_start3A_524 = arith.constant 0 : i32
      %dma_start3A_525 = arith.constant 0 : i32
      %dma_start3A_526 = tpu.memref_slice %arg2[%dma_start3A_524, %dma_start3A_525] : memref<10000x128xf32, #tpu.memory_space<hbm>> -> memref<10000x128xf32, #tpu.memory_space<hbm>>
      tpu.enqueue_indirect_dma source(%dma_start3A_526 : memref<10000x128xf32, #tpu.memory_space<hbm>>) target(%arg11 : memref<88x128xf32, #tpu.memory_space<vmem>>) offsets(%dma_start3A_523 : memref<88xi32, #tpu.memory_space<vmem>>) semaphore(%arg14 : memref<!tpu.dma_semaphore, #tpu.memory_space<semaphore_mem>>)
    }
    %scan3A_95 = arith.constant 12 : i32
    %dma_wait3A_96 = arith.constant 0 : i32
    %dma_wait3A_97 = arith.constant 0 : i32
    %dma_wait3A_98 = tpu.memref_slice %arg2[%dma_wait3A_96, %dma_wait3A_97] : memref<10000x128xf32, #tpu.memory_space<hbm>> -> memref<88x128xf32, #tpu.memory_space<hbm>>
    %dma_wait3A_99 = arith.constant 0 : i32
    %dma_wait3A_100 = arith.constant 0 : i32
    %dma_wait3A_101 = tpu.memref_slice %arg2[%dma_wait3A_99, %dma_wait3A_100] : memref<10000x128xf32, #tpu.memory_space<hbm>> -> memref<88x128xf32, #tpu.memory_space<hbm>>
    tpu.wait_dma2 semaphore(%arg13 : memref<!tpu.dma_semaphore, #tpu.memory_space<semaphore_mem>>) src(%dma_wait3A_101 : memref<88x128xf32, #tpu.memory_space<hbm>>) dst(%arg10 : memref<88x128xf32, #tpu.memory_space<vmem>>)
    %dma_start3A_102 = arith.constant 39 : i32
    %dma_start3A_103 = arith.constant 0 : i32
    %dma_start3A_104 = tpu.memref_slice %arg8[%dma_start3A_102, %dma_start3A_103] : memref<40x88xi32, #tpu.memory_space<vmem>> -> memref<1x88xi32, #tpu.memory_space<vmem>>
    %dma_start3A_105 = tpu.memref_squeeze %dma_start3A_104 : memref<1x88xi32, #tpu.memory_space<vmem>> -> memref<88xi32, #tpu.memory_space<vmem>>
    %dma_start3A_106 = arith.constant 0 : i32
    %dma_start3A_107 = arith.constant 0 : i32
    %dma_start3A_108 = tpu.memref_slice %arg9[%dma_start3A_106, %dma_start3A_107] : memref<10240x128xf32, #tpu.memory_space<vmem_shared>> -> memref<10240x128xf32, #tpu.memory_space<vmem_shared>>
    tpu.enqueue_indirect_dma source(%arg10 : memref<88x128xf32, #tpu.memory_space<vmem>>) target(%dma_start3A_108 : memref<10240x128xf32, #tpu.memory_space<vmem_shared>>) offsets(%dma_start3A_105 : memref<88xi32, #tpu.memory_space<vmem>>) semaphore(%arg16 : memref<!tpu.dma_semaphore, #tpu.memory_space<semaphore_mem>>) {add = true}
    %dma_wait3A_109 = arith.constant 0 : i32
    %dma_wait3A_110 = arith.constant 0 : i32
    %dma_wait3A_111 = tpu.memref_slice %arg9[%dma_wait3A_109, %dma_wait3A_110] : memref<10240x128xf32, #tpu.memory_space<vmem_shared>> -> memref<88x128xf32, #tpu.memory_space<vmem_shared>>
    %dma_wait3A_112 = arith.constant 0 : i32
    %dma_wait3A_113 = arith.constant 0 : i32
    %dma_wait3A_114 = tpu.memref_slice %arg9[%dma_wait3A_112, %dma_wait3A_113] : memref<10240x128xf32, #tpu.memory_space<vmem_shared>> -> memref<88x128xf32, #tpu.memory_space<vmem_shared>>
    tpu.wait_dma2 semaphore(%arg18 : memref<!tpu.dma_semaphore, #tpu.memory_space<semaphore_mem>>) src(%arg12 : memref<88x128xf32, #tpu.memory_space<vmem>>) dst(%dma_wait3A_114 : memref<88x128xf32, #tpu.memory_space<vmem_shared>>)
    %dma_start3A_115 = arith.constant 2 : i32
    %dma_start3A_116 = arith.constant 0 : i32
    %dma_start3A_117 = tpu.memref_slice %arg7[%dma_start3A_115, %dma_start3A_116] : memref<40x88xi32, #tpu.memory_space<vmem>> -> memref<1x88xi32, #tpu.memory_space<vmem>>
    %dma_start3A_118 = tpu.memref_squeeze %dma_start3A_117 : memref<1x88xi32, #tpu.memory_space<vmem>> -> memref<88xi32, #tpu.memory_space<vmem>>
    %dma_start3A_119 = arith.constant 0 : i32
    %dma_start3A_120 = arith.constant 0 : i32
    %dma_start3A_121 = tpu.memref_slice %arg2[%dma_start3A_119, %dma_start3A_120] : memref<10000x128xf32, #tpu.memory_space<hbm>> -> memref<10000x128xf32, #tpu.memory_space<hbm>>
    tpu.enqueue_indirect_dma source(%dma_start3A_121 : memref<10000x128xf32, #tpu.memory_space<hbm>>) target(%arg12 : memref<88x128xf32, #tpu.memory_space<vmem>>) offsets(%dma_start3A_118 : memref<88xi32, #tpu.memory_space<vmem>>) semaphore(%arg15 : memref<!tpu.dma_semaphore, #tpu.memory_space<semaphore_mem>>)
    %dma_wait3A_122 = arith.constant 0 : i32
    %dma_wait3A_123 = arith.constant 0 : i32
    %dma_wait3A_124 = tpu.memref_slice %arg2[%dma_wait3A_122, %dma_wait3A_123] : memref<10000x128xf32, #tpu.memory_space<hbm>> -> memref<88x128xf32, #tpu.memory_space<hbm>>
    %dma_wait3A_125 = arith.constant 0 : i32
    %dma_wait3A_126 = arith.constant 0 : i32
    %dma_wait3A_127 = tpu.memref_slice %arg2[%dma_wait3A_125, %dma_wait3A_126] : memref<10000x128xf32, #tpu.memory_space<hbm>> -> memref<88x128xf32, #tpu.memory_space<hbm>>
    tpu.wait_dma2 semaphore(%arg14 : memref<!tpu.dma_semaphore, #tpu.memory_space<semaphore_mem>>) src(%dma_wait3A_127 : memref<88x128xf32, #tpu.memory_space<hbm>>) dst(%arg11 : memref<88x128xf32, #tpu.memory_space<vmem>>)
    %dma_wait3A_128 = arith.constant 0 : i32
    %dma_wait3A_129 = arith.constant 0 : i32
    %dma_wait3A_130 = tpu.memref_slice %arg2[%dma_wait3A_128, %dma_wait3A_129] : memref<10000x128xf32, #tpu.memory_space<hbm>> -> memref<88x128xf32, #tpu.memory_space<hbm>>
    %dma_wait3A_131 = arith.constant 0 : i32
    %dma_wait3A_132 = arith.constant 0 : i32
    %dma_wait3A_133 = tpu.memref_slice %arg2[%dma_wait3A_131, %dma_wait3A_132] : memref<10000x128xf32, #tpu.memory_space<hbm>> -> memref<88x128xf32, #tpu.memory_space<hbm>>
    tpu.wait_dma2 semaphore(%arg15 : memref<!tpu.dma_semaphore, #tpu.memory_space<semaphore_mem>>) src(%dma_wait3A_133 : memref<88x128xf32, #tpu.memory_space<hbm>>) dst(%arg12 : memref<88x128xf32, #tpu.memory_space<vmem>>)
    %dma_wait3A_134 = arith.constant 0 : i32
    %dma_wait3A_135 = arith.constant 0 : i32
    %dma_wait3A_136 = tpu.memref_slice %arg9[%dma_wait3A_134, %dma_wait3A_135] : memref<10240x128xf32, #tpu.memory_space<vmem_shared>> -> memref<88x128xf32, #tpu.memory_space<vmem_shared>>
    %dma_wait3A_137 = arith.constant 0 : i32
    %dma_wait3A_138 = arith.constant 0 : i32
    %dma_wait3A_139 = tpu.memref_slice %arg9[%dma_wait3A_137, %dma_wait3A_138] : memref<10240x128xf32, #tpu.memory_space<vmem_shared>> -> memref<88x128xf32, #tpu.memory_space<vmem_shared>>
    tpu.wait_dma2 semaphore(%arg16 : memref<!tpu.dma_semaphore, #tpu.memory_space<semaphore_mem>>) src(%arg10 : memref<88x128xf32, #tpu.memory_space<vmem>>) dst(%dma_wait3A_139 : memref<88x128xf32, #tpu.memory_space<vmem_shared>>)
    %mul3A_140 = arith.constant 120 : i32
    %mul3A_141 = arith.muli %add3A, %mul3A_140 : i32
    %add3A_142 = arith.constant 40 : i32
    %add3A_143 = arith.addi %mul3A_141, %add3A_142 : i32
    "tpu.region"() ({
      %run_scoped3A = tpu.sem_alloc : memref<!tpu.dma_semaphore, #tpu.memory_space<semaphore_mem>>
      %dma_start3A_421 = arith.constant 0 : i32
      %dma_start3A_422 = tpu.memref_slice %arg3[%add3A_143, %dma_start3A_421] : memref<3840x88xi32, #tpu.memory_space<hbm>> -> memref<40x88xi32, #tpu.memory_space<hbm>>
      %dma_start3A_423 = arith.constant 0 : i32
      %dma_start3A_424 = tpu.memref_slice %arg3[%add3A_143, %dma_start3A_423] : memref<3840x88xi32, #tpu.memory_space<hbm>> -> memref<40x88xi32, #tpu.memory_space<hbm>>
      tpu.enqueue_dma source(%dma_start3A_424 : memref<40x88xi32, #tpu.memory_space<hbm>>) target(%arg7 : memref<40x88xi32, #tpu.memory_space<vmem>>) target_semaphore(%run_scoped3A : memref<!tpu.dma_semaphore, #tpu.memory_space<semaphore_mem>>)
      %dma_wait3A_425 = arith.constant 0 : i32
      %dma_wait3A_426 = tpu.memref_slice %arg3[%add3A_143, %dma_wait3A_425] : memref<3840x88xi32, #tpu.memory_space<hbm>> -> memref<40x88xi32, #tpu.memory_space<hbm>>
      %dma_wait3A_427 = arith.constant 0 : i32
      %dma_wait3A_428 = tpu.memref_slice %arg3[%add3A_143, %dma_wait3A_427] : memref<3840x88xi32, #tpu.memory_space<hbm>> -> memref<40x88xi32, #tpu.memory_space<hbm>>
      tpu.wait_dma2 semaphore(%run_scoped3A : memref<!tpu.dma_semaphore, #tpu.memory_space<semaphore_mem>>) src(%dma_wait3A_428 : memref<40x88xi32, #tpu.memory_space<hbm>>) dst(%arg7 : memref<40x88xi32, #tpu.memory_space<vmem>>)
      tpu.yield
    }) : () -> ()
    "tpu.region"() ({
      %run_scoped3A = tpu.sem_alloc : memref<!tpu.dma_semaphore, #tpu.memory_space<semaphore_mem>>
      %dma_start3A_421 = arith.constant 0 : i32
      %dma_start3A_422 = tpu.memref_slice %arg4[%add3A_143, %dma_start3A_421] : memref<3840x88xi32, #tpu.memory_space<hbm>> -> memref<40x88xi32, #tpu.memory_space<hbm>>
      %dma_start3A_423 = arith.constant 0 : i32
      %dma_start3A_424 = tpu.memref_slice %arg4[%add3A_143, %dma_start3A_423] : memref<3840x88xi32, #tpu.memory_space<hbm>> -> memref<40x88xi32, #tpu.memory_space<hbm>>
      tpu.enqueue_dma source(%dma_start3A_424 : memref<40x88xi32, #tpu.memory_space<hbm>>) target(%arg8 : memref<40x88xi32, #tpu.memory_space<vmem>>) target_semaphore(%run_scoped3A : memref<!tpu.dma_semaphore, #tpu.memory_space<semaphore_mem>>)
      %dma_wait3A_425 = arith.constant 0 : i32
      %dma_wait3A_426 = tpu.memref_slice %arg4[%add3A_143, %dma_wait3A_425] : memref<3840x88xi32, #tpu.memory_space<hbm>> -> memref<40x88xi32, #tpu.memory_space<hbm>>
      %dma_wait3A_427 = arith.constant 0 : i32
      %dma_wait3A_428 = tpu.memref_slice %arg4[%add3A_143, %dma_wait3A_427] : memref<3840x88xi32, #tpu.memory_space<hbm>> -> memref<40x88xi32, #tpu.memory_space<hbm>>
      tpu.wait_dma2 semaphore(%run_scoped3A : memref<!tpu.dma_semaphore, #tpu.memory_space<semaphore_mem>>) src(%dma_wait3A_428 : memref<40x88xi32, #tpu.memory_space<hbm>>) dst(%arg8 : memref<40x88xi32, #tpu.memory_space<vmem>>)
      tpu.yield
    }) : () -> ()
    %dma_start3A_144 = arith.constant 0 : i32
    %dma_start3A_145 = arith.constant 0 : i32
    %dma_start3A_146 = tpu.memref_slice %arg7[%dma_start3A_144, %dma_start3A_145] : memref<40x88xi32, #tpu.memory_space<vmem>> -> memref<1x88xi32, #tpu.memory_space<vmem>>
    %dma_start3A_147 = tpu.memref_squeeze %dma_start3A_146 : memref<1x88xi32, #tpu.memory_space<vmem>> -> memref<88xi32, #tpu.memory_space<vmem>>
    %dma_start3A_148 = arith.constant 0 : i32
    %dma_start3A_149 = arith.constant 0 : i32
    %dma_start3A_150 = tpu.memref_slice %arg2[%dma_start3A_148, %dma_start3A_149] : memref<10000x128xf32, #tpu.memory_space<hbm>> -> memref<10000x128xf32, #tpu.memory_space<hbm>>
    tpu.enqueue_indirect_dma source(%dma_start3A_150 : memref<10000x128xf32, #tpu.memory_space<hbm>>) target(%arg10 : memref<88x128xf32, #tpu.memory_space<vmem>>) offsets(%dma_start3A_147 : memref<88xi32, #tpu.memory_space<vmem>>) semaphore(%arg13 : memref<!tpu.dma_semaphore, #tpu.memory_space<semaphore_mem>>)
    %dma_start3A_151 = arith.constant 1 : i32
    %dma_start3A_152 = arith.constant 0 : i32
    %dma_start3A_153 = tpu.memref_slice %arg7[%dma_start3A_151, %dma_start3A_152] : memref<40x88xi32, #tpu.memory_space<vmem>> -> memref<1x88xi32, #tpu.memory_space<vmem>>
    %dma_start3A_154 = tpu.memref_squeeze %dma_start3A_153 : memref<1x88xi32, #tpu.memory_space<vmem>> -> memref<88xi32, #tpu.memory_space<vmem>>
    %dma_start3A_155 = arith.constant 0 : i32
    %dma_start3A_156 = arith.constant 0 : i32
    %dma_start3A_157 = tpu.memref_slice %arg2[%dma_start3A_155, %dma_start3A_156] : memref<10000x128xf32, #tpu.memory_space<hbm>> -> memref<10000x128xf32, #tpu.memory_space<hbm>>
    tpu.enqueue_indirect_dma source(%dma_start3A_157 : memref<10000x128xf32, #tpu.memory_space<hbm>>) target(%arg11 : memref<88x128xf32, #tpu.memory_space<vmem>>) offsets(%dma_start3A_154 : memref<88xi32, #tpu.memory_space<vmem>>) semaphore(%arg14 : memref<!tpu.dma_semaphore, #tpu.memory_space<semaphore_mem>>)
    %dma_wait3A_158 = arith.constant 0 : i32
    %dma_wait3A_159 = arith.constant 0 : i32
    %dma_wait3A_160 = tpu.memref_slice %arg2[%dma_wait3A_158, %dma_wait3A_159] : memref<10000x128xf32, #tpu.memory_space<hbm>> -> memref<88x128xf32, #tpu.memory_space<hbm>>
    %dma_wait3A_161 = arith.constant 0 : i32
    %dma_wait3A_162 = arith.constant 0 : i32
    %dma_wait3A_163 = tpu.memref_slice %arg2[%dma_wait3A_161, %dma_wait3A_162] : memref<10000x128xf32, #tpu.memory_space<hbm>> -> memref<88x128xf32, #tpu.memory_space<hbm>>
    tpu.wait_dma2 semaphore(%arg13 : memref<!tpu.dma_semaphore, #tpu.memory_space<semaphore_mem>>) src(%dma_wait3A_163 : memref<88x128xf32, #tpu.memory_space<hbm>>) dst(%arg10 : memref<88x128xf32, #tpu.memory_space<vmem>>)
    %dma_start3A_164 = arith.constant 0 : i32
    %dma_start3A_165 = arith.constant 0 : i32
    %dma_start3A_166 = tpu.memref_slice %arg8[%dma_start3A_164, %dma_start3A_165] : memref<40x88xi32, #tpu.memory_space<vmem>> -> memref<1x88xi32, #tpu.memory_space<vmem>>
    %dma_start3A_167 = tpu.memref_squeeze %dma_start3A_166 : memref<1x88xi32, #tpu.memory_space<vmem>> -> memref<88xi32, #tpu.memory_space<vmem>>
    %dma_start3A_168 = arith.constant 0 : i32
    %dma_start3A_169 = arith.constant 0 : i32
    %dma_start3A_170 = tpu.memref_slice %arg9[%dma_start3A_168, %dma_start3A_169] : memref<10240x128xf32, #tpu.memory_space<vmem_shared>> -> memref<10240x128xf32, #tpu.memory_space<vmem_shared>>
    tpu.enqueue_indirect_dma source(%arg10 : memref<88x128xf32, #tpu.memory_space<vmem>>) target(%dma_start3A_170 : memref<10240x128xf32, #tpu.memory_space<vmem_shared>>) offsets(%dma_start3A_167 : memref<88xi32, #tpu.memory_space<vmem>>) semaphore(%arg16 : memref<!tpu.dma_semaphore, #tpu.memory_space<semaphore_mem>>) {add = true}
    %dma_start3A_171 = arith.constant 2 : i32
    %dma_start3A_172 = arith.constant 0 : i32
    %dma_start3A_173 = tpu.memref_slice %arg7[%dma_start3A_171, %dma_start3A_172] : memref<40x88xi32, #tpu.memory_space<vmem>> -> memref<1x88xi32, #tpu.memory_space<vmem>>
    %dma_start3A_174 = tpu.memref_squeeze %dma_start3A_173 : memref<1x88xi32, #tpu.memory_space<vmem>> -> memref<88xi32, #tpu.memory_space<vmem>>
    %dma_start3A_175 = arith.constant 0 : i32
    %dma_start3A_176 = arith.constant 0 : i32
    %dma_start3A_177 = tpu.memref_slice %arg2[%dma_start3A_175, %dma_start3A_176] : memref<10000x128xf32, #tpu.memory_space<hbm>> -> memref<10000x128xf32, #tpu.memory_space<hbm>>
    tpu.enqueue_indirect_dma source(%dma_start3A_177 : memref<10000x128xf32, #tpu.memory_space<hbm>>) target(%arg12 : memref<88x128xf32, #tpu.memory_space<vmem>>) offsets(%dma_start3A_174 : memref<88xi32, #tpu.memory_space<vmem>>) semaphore(%arg15 : memref<!tpu.dma_semaphore, #tpu.memory_space<semaphore_mem>>)
    %dma_wait3A_178 = arith.constant 0 : i32
    %dma_wait3A_179 = arith.constant 0 : i32
    %dma_wait3A_180 = tpu.memref_slice %arg2[%dma_wait3A_178, %dma_wait3A_179] : memref<10000x128xf32, #tpu.memory_space<hbm>> -> memref<88x128xf32, #tpu.memory_space<hbm>>
    %dma_wait3A_181 = arith.constant 0 : i32
    %dma_wait3A_182 = arith.constant 0 : i32
    %dma_wait3A_183 = tpu.memref_slice %arg2[%dma_wait3A_181, %dma_wait3A_182] : memref<10000x128xf32, #tpu.memory_space<hbm>> -> memref<88x128xf32, #tpu.memory_space<hbm>>
    tpu.wait_dma2 semaphore(%arg14 : memref<!tpu.dma_semaphore, #tpu.memory_space<semaphore_mem>>) src(%dma_wait3A_183 : memref<88x128xf32, #tpu.memory_space<hbm>>) dst(%arg11 : memref<88x128xf32, #tpu.memory_space<vmem>>)
    %dma_start3A_184 = arith.constant 1 : i32
    %dma_start3A_185 = arith.constant 0 : i32
    %dma_start3A_186 = tpu.memref_slice %arg8[%dma_start3A_184, %dma_start3A_185] : memref<40x88xi32, #tpu.memory_space<vmem>> -> memref<1x88xi32, #tpu.memory_space<vmem>>
    %dma_start3A_187 = tpu.memref_squeeze %dma_start3A_186 : memref<1x88xi32, #tpu.memory_space<vmem>> -> memref<88xi32, #tpu.memory_space<vmem>>
    %dma_start3A_188 = arith.constant 0 : i32
    %dma_start3A_189 = arith.constant 0 : i32
    %dma_start3A_190 = tpu.memref_slice %arg9[%dma_start3A_188, %dma_start3A_189] : memref<10240x128xf32, #tpu.memory_space<vmem_shared>> -> memref<10240x128xf32, #tpu.memory_space<vmem_shared>>
    tpu.enqueue_indirect_dma source(%arg11 : memref<88x128xf32, #tpu.memory_space<vmem>>) target(%dma_start3A_190 : memref<10240x128xf32, #tpu.memory_space<vmem_shared>>) offsets(%dma_start3A_187 : memref<88xi32, #tpu.memory_space<vmem>>) semaphore(%arg17 : memref<!tpu.dma_semaphore, #tpu.memory_space<semaphore_mem>>) {add = true}
    %dma_wait3A_191 = arith.constant 0 : i32
    %dma_wait3A_192 = arith.constant 0 : i32
    %dma_wait3A_193 = tpu.memref_slice %arg9[%dma_wait3A_191, %dma_wait3A_192] : memref<10240x128xf32, #tpu.memory_space<vmem_shared>> -> memref<88x128xf32, #tpu.memory_space<vmem_shared>>
    %dma_wait3A_194 = arith.constant 0 : i32
    %dma_wait3A_195 = arith.constant 0 : i32
    %dma_wait3A_196 = tpu.memref_slice %arg9[%dma_wait3A_194, %dma_wait3A_195] : memref<10240x128xf32, #tpu.memory_space<vmem_shared>> -> memref<88x128xf32, #tpu.memory_space<vmem_shared>>
    tpu.wait_dma2 semaphore(%arg16 : memref<!tpu.dma_semaphore, #tpu.memory_space<semaphore_mem>>) src(%arg10 : memref<88x128xf32, #tpu.memory_space<vmem>>) dst(%dma_wait3A_196 : memref<88x128xf32, #tpu.memory_space<vmem_shared>>)
    %dma_start3A_197 = arith.constant 3 : i32
    %dma_start3A_198 = arith.constant 0 : i32
    %dma_start3A_199 = tpu.memref_slice %arg7[%dma_start3A_197, %dma_start3A_198] : memref<40x88xi32, #tpu.memory_space<vmem>> -> memref<1x88xi32, #tpu.memory_space<vmem>>
    %dma_start3A_200 = tpu.memref_squeeze %dma_start3A_199 : memref<1x88xi32, #tpu.memory_space<vmem>> -> memref<88xi32, #tpu.memory_space<vmem>>
    %dma_start3A_201 = arith.constant 0 : i32
    %dma_start3A_202 = arith.constant 0 : i32
    %dma_start3A_203 = tpu.memref_slice %arg2[%dma_start3A_201, %dma_start3A_202] : memref<10000x128xf32, #tpu.memory_space<hbm>> -> memref<10000x128xf32, #tpu.memory_space<hbm>>
    tpu.enqueue_indirect_dma source(%dma_start3A_203 : memref<10000x128xf32, #tpu.memory_space<hbm>>) target(%arg10 : memref<88x128xf32, #tpu.memory_space<vmem>>) offsets(%dma_start3A_200 : memref<88xi32, #tpu.memory_space<vmem>>) semaphore(%arg13 : memref<!tpu.dma_semaphore, #tpu.memory_space<semaphore_mem>>)
    %dma_wait3A_204 = arith.constant 0 : i32
    %dma_wait3A_205 = arith.constant 0 : i32
    %dma_wait3A_206 = tpu.memref_slice %arg2[%dma_wait3A_204, %dma_wait3A_205] : memref<10000x128xf32, #tpu.memory_space<hbm>> -> memref<88x128xf32, #tpu.memory_space<hbm>>
    %dma_wait3A_207 = arith.constant 0 : i32
    %dma_wait3A_208 = arith.constant 0 : i32
    %dma_wait3A_209 = tpu.memref_slice %arg2[%dma_wait3A_207, %dma_wait3A_208] : memref<10000x128xf32, #tpu.memory_space<hbm>> -> memref<88x128xf32, #tpu.memory_space<hbm>>
    tpu.wait_dma2 semaphore(%arg15 : memref<!tpu.dma_semaphore, #tpu.memory_space<semaphore_mem>>) src(%dma_wait3A_209 : memref<88x128xf32, #tpu.memory_space<hbm>>) dst(%arg12 : memref<88x128xf32, #tpu.memory_space<vmem>>)
    %dma_start3A_210 = arith.constant 2 : i32
    %dma_start3A_211 = arith.constant 0 : i32
    %dma_start3A_212 = tpu.memref_slice %arg8[%dma_start3A_210, %dma_start3A_211] : memref<40x88xi32, #tpu.memory_space<vmem>> -> memref<1x88xi32, #tpu.memory_space<vmem>>
    %dma_start3A_213 = tpu.memref_squeeze %dma_start3A_212 : memref<1x88xi32, #tpu.memory_space<vmem>> -> memref<88xi32, #tpu.memory_space<vmem>>
    %dma_start3A_214 = arith.constant 0 : i32
    %dma_start3A_215 = arith.constant 0 : i32
    %dma_start3A_216 = tpu.memref_slice %arg9[%dma_start3A_214, %dma_start3A_215] : memref<10240x128xf32, #tpu.memory_space<vmem_shared>> -> memref<10240x128xf32, #tpu.memory_space<vmem_shared>>
    tpu.enqueue_indirect_dma source(%arg12 : memref<88x128xf32, #tpu.memory_space<vmem>>) target(%dma_start3A_216 : memref<10240x128xf32, #tpu.memory_space<vmem_shared>>) offsets(%dma_start3A_213 : memref<88xi32, #tpu.memory_space<vmem>>) semaphore(%arg18 : memref<!tpu.dma_semaphore, #tpu.memory_space<semaphore_mem>>) {add = true}
    %dma_wait3A_217 = arith.constant 0 : i32
    %dma_wait3A_218 = arith.constant 0 : i32
    %dma_wait3A_219 = tpu.memref_slice %arg9[%dma_wait3A_217, %dma_wait3A_218] : memref<10240x128xf32, #tpu.memory_space<vmem_shared>> -> memref<88x128xf32, #tpu.memory_space<vmem_shared>>
    %dma_wait3A_220 = arith.constant 0 : i32
    %dma_wait3A_221 = arith.constant 0 : i32
    %dma_wait3A_222 = tpu.memref_slice %arg9[%dma_wait3A_220, %dma_wait3A_221] : memref<10240x128xf32, #tpu.memory_space<vmem_shared>> -> memref<88x128xf32, #tpu.memory_space<vmem_shared>>
    tpu.wait_dma2 semaphore(%arg17 : memref<!tpu.dma_semaphore, #tpu.memory_space<semaphore_mem>>) src(%arg11 : memref<88x128xf32, #tpu.memory_space<vmem>>) dst(%dma_wait3A_222 : memref<88x128xf32, #tpu.memory_space<vmem_shared>>)
    %dma_start3A_223 = arith.constant 4 : i32
    %dma_start3A_224 = arith.constant 0 : i32
    %dma_start3A_225 = tpu.memref_slice %arg7[%dma_start3A_223, %dma_start3A_224] : memref<40x88xi32, #tpu.memory_space<vmem>> -> memref<1x88xi32, #tpu.memory_space<vmem>>
    %dma_start3A_226 = tpu.memref_squeeze %dma_start3A_225 : memref<1x88xi32, #tpu.memory_space<vmem>> -> memref<88xi32, #tpu.memory_space<vmem>>
    %dma_start3A_227 = arith.constant 0 : i32
    %dma_start3A_228 = arith.constant 0 : i32
    %dma_start3A_229 = tpu.memref_slice %arg2[%dma_start3A_227, %dma_start3A_228] : memref<10000x128xf32, #tpu.memory_space<hbm>> -> memref<10000x128xf32, #tpu.memory_space<hbm>>
    tpu.enqueue_indirect_dma source(%dma_start3A_229 : memref<10000x128xf32, #tpu.memory_space<hbm>>) target(%arg11 : memref<88x128xf32, #tpu.memory_space<vmem>>) offsets(%dma_start3A_226 : memref<88xi32, #tpu.memory_space<vmem>>) semaphore(%arg14 : memref<!tpu.dma_semaphore, #tpu.memory_space<semaphore_mem>>)
    %scan3A_230 = arith.constant 0 : i32
    %scan3A_231 = arith.constant 1 : i32
    %scan3A_232 = arith.constant 12 : i32
    %scan3A_233 = arith.addi %scan3A_231, %scan3A_232 : i32
    %scan3A_234 = arith.constant 1 : i32
    scf.for %scan3A_421 = %scan3A_231 to %scan3A_233 step %scan3A_234  : i32 {
      %mul3A_422 = arith.constant 3 : i32
      %mul3A_423 = arith.muli %scan3A_421, %mul3A_422 : i32
      %add3A_424 = arith.constant 0 : i32
      %add3A_425 = arith.addi %mul3A_423, %add3A_424 : i32
      %dma_wait3A_426 = arith.constant 0 : i32
      %dma_wait3A_427 = arith.constant 0 : i32
      %dma_wait3A_428 = tpu.memref_slice %arg2[%dma_wait3A_426, %dma_wait3A_427] : memref<10000x128xf32, #tpu.memory_space<hbm>> -> memref<88x128xf32, #tpu.memory_space<hbm>>
      %dma_wait3A_429 = arith.constant 0 : i32
      %dma_wait3A_430 = arith.constant 0 : i32
      %dma_wait3A_431 = tpu.memref_slice %arg2[%dma_wait3A_429, %dma_wait3A_430] : memref<10000x128xf32, #tpu.memory_space<hbm>> -> memref<88x128xf32, #tpu.memory_space<hbm>>
      tpu.wait_dma2 semaphore(%arg13 : memref<!tpu.dma_semaphore, #tpu.memory_space<semaphore_mem>>) src(%dma_wait3A_431 : memref<88x128xf32, #tpu.memory_space<hbm>>) dst(%arg10 : memref<88x128xf32, #tpu.memory_space<vmem>>)
      %dma_start3A_432 = arith.constant 0 : i32
      %dma_start3A_433 = tpu.memref_slice %arg8[%add3A_425, %dma_start3A_432] : memref<40x88xi32, #tpu.memory_space<vmem>> -> memref<1x88xi32, #tpu.memory_space<vmem>>
      %dma_start3A_434 = tpu.memref_squeeze %dma_start3A_433 : memref<1x88xi32, #tpu.memory_space<vmem>> -> memref<88xi32, #tpu.memory_space<vmem>>
      %dma_start3A_435 = arith.constant 0 : i32
      %dma_start3A_436 = arith.constant 0 : i32
      %dma_start3A_437 = tpu.memref_slice %arg9[%dma_start3A_435, %dma_start3A_436] : memref<10240x128xf32, #tpu.memory_space<vmem_shared>> -> memref<10240x128xf32, #tpu.memory_space<vmem_shared>>
      tpu.enqueue_indirect_dma source(%arg10 : memref<88x128xf32, #tpu.memory_space<vmem>>) target(%dma_start3A_437 : memref<10240x128xf32, #tpu.memory_space<vmem_shared>>) offsets(%dma_start3A_434 : memref<88xi32, #tpu.memory_space<vmem>>) semaphore(%arg16 : memref<!tpu.dma_semaphore, #tpu.memory_space<semaphore_mem>>) {add = true}
      %dma_wait3A_438 = arith.constant 0 : i32
      %dma_wait3A_439 = arith.constant 0 : i32
      %dma_wait3A_440 = tpu.memref_slice %arg9[%dma_wait3A_438, %dma_wait3A_439] : memref<10240x128xf32, #tpu.memory_space<vmem_shared>> -> memref<88x128xf32, #tpu.memory_space<vmem_shared>>
      %dma_wait3A_441 = arith.constant 0 : i32
      %dma_wait3A_442 = arith.constant 0 : i32
      %dma_wait3A_443 = tpu.memref_slice %arg9[%dma_wait3A_441, %dma_wait3A_442] : memref<10240x128xf32, #tpu.memory_space<vmem_shared>> -> memref<88x128xf32, #tpu.memory_space<vmem_shared>>
      tpu.wait_dma2 semaphore(%arg18 : memref<!tpu.dma_semaphore, #tpu.memory_space<semaphore_mem>>) src(%arg12 : memref<88x128xf32, #tpu.memory_space<vmem>>) dst(%dma_wait3A_443 : memref<88x128xf32, #tpu.memory_space<vmem_shared>>)
      %add3A_444 = arith.constant 2 : i32
      %add3A_445 = arith.addi %add3A_425, %add3A_444 : i32
      %lt3A = arith.constant 40 : i32
      %lt3A_446 = arith.cmpi slt, %add3A_445, %lt3A : i32
      %add3A_447 = arith.constant 2 : i32
      %add3A_448 = arith.addi %add3A_425, %add3A_447 : i32
      %jit3A = arith.constant 2 : i32
      %select_n3A = arith.select %lt3A_446, %add3A_448, %jit3A : i32
      %dma_start3A_449 = arith.constant 0 : i32
      %dma_start3A_450 = tpu.memref_slice %arg7[%select_n3A, %dma_start3A_449] : memref<40x88xi32, #tpu.memory_space<vmem>> -> memref<1x88xi32, #tpu.memory_space<vmem>>
      %dma_start3A_451 = tpu.memref_squeeze %dma_start3A_450 : memref<1x88xi32, #tpu.memory_space<vmem>> -> memref<88xi32, #tpu.memory_space<vmem>>
      %dma_start3A_452 = arith.constant 0 : i32
      %dma_start3A_453 = arith.constant 0 : i32
      %dma_start3A_454 = tpu.memref_slice %arg2[%dma_start3A_452, %dma_start3A_453] : memref<10000x128xf32, #tpu.memory_space<hbm>> -> memref<10000x128xf32, #tpu.memory_space<hbm>>
      tpu.enqueue_indirect_dma source(%dma_start3A_454 : memref<10000x128xf32, #tpu.memory_space<hbm>>) target(%arg12 : memref<88x128xf32, #tpu.memory_space<vmem>>) offsets(%dma_start3A_451 : memref<88xi32, #tpu.memory_space<vmem>>) semaphore(%arg15 : memref<!tpu.dma_semaphore, #tpu.memory_space<semaphore_mem>>)
      %mul3A_455 = arith.constant 3 : i32
      %mul3A_456 = arith.muli %scan3A_421, %mul3A_455 : i32
      %add3A_457 = arith.constant 1 : i32
      %add3A_458 = arith.addi %mul3A_456, %add3A_457 : i32
      %dma_wait3A_459 = arith.constant 0 : i32
      %dma_wait3A_460 = arith.constant 0 : i32
      %dma_wait3A_461 = tpu.memref_slice %arg2[%dma_wait3A_459, %dma_wait3A_460] : memref<10000x128xf32, #tpu.memory_space<hbm>> -> memref<88x128xf32, #tpu.memory_space<hbm>>
      %dma_wait3A_462 = arith.constant 0 : i32
      %dma_wait3A_463 = arith.constant 0 : i32
      %dma_wait3A_464 = tpu.memref_slice %arg2[%dma_wait3A_462, %dma_wait3A_463] : memref<10000x128xf32, #tpu.memory_space<hbm>> -> memref<88x128xf32, #tpu.memory_space<hbm>>
      tpu.wait_dma2 semaphore(%arg14 : memref<!tpu.dma_semaphore, #tpu.memory_space<semaphore_mem>>) src(%dma_wait3A_464 : memref<88x128xf32, #tpu.memory_space<hbm>>) dst(%arg11 : memref<88x128xf32, #tpu.memory_space<vmem>>)
      %dma_start3A_465 = arith.constant 0 : i32
      %dma_start3A_466 = tpu.memref_slice %arg8[%add3A_458, %dma_start3A_465] : memref<40x88xi32, #tpu.memory_space<vmem>> -> memref<1x88xi32, #tpu.memory_space<vmem>>
      %dma_start3A_467 = tpu.memref_squeeze %dma_start3A_466 : memref<1x88xi32, #tpu.memory_space<vmem>> -> memref<88xi32, #tpu.memory_space<vmem>>
      %dma_start3A_468 = arith.constant 0 : i32
      %dma_start3A_469 = arith.constant 0 : i32
      %dma_start3A_470 = tpu.memref_slice %arg9[%dma_start3A_468, %dma_start3A_469] : memref<10240x128xf32, #tpu.memory_space<vmem_shared>> -> memref<10240x128xf32, #tpu.memory_space<vmem_shared>>
      tpu.enqueue_indirect_dma source(%arg11 : memref<88x128xf32, #tpu.memory_space<vmem>>) target(%dma_start3A_470 : memref<10240x128xf32, #tpu.memory_space<vmem_shared>>) offsets(%dma_start3A_467 : memref<88xi32, #tpu.memory_space<vmem>>) semaphore(%arg17 : memref<!tpu.dma_semaphore, #tpu.memory_space<semaphore_mem>>) {add = true}
      %dma_wait3A_471 = arith.constant 0 : i32
      %dma_wait3A_472 = arith.constant 0 : i32
      %dma_wait3A_473 = tpu.memref_slice %arg9[%dma_wait3A_471, %dma_wait3A_472] : memref<10240x128xf32, #tpu.memory_space<vmem_shared>> -> memref<88x128xf32, #tpu.memory_space<vmem_shared>>
      %dma_wait3A_474 = arith.constant 0 : i32
      %dma_wait3A_475 = arith.constant 0 : i32
      %dma_wait3A_476 = tpu.memref_slice %arg9[%dma_wait3A_474, %dma_wait3A_475] : memref<10240x128xf32, #tpu.memory_space<vmem_shared>> -> memref<88x128xf32, #tpu.memory_space<vmem_shared>>
      tpu.wait_dma2 semaphore(%arg16 : memref<!tpu.dma_semaphore, #tpu.memory_space<semaphore_mem>>) src(%arg10 : memref<88x128xf32, #tpu.memory_space<vmem>>) dst(%dma_wait3A_476 : memref<88x128xf32, #tpu.memory_space<vmem_shared>>)
      %add3A_477 = arith.constant 2 : i32
      %add3A_478 = arith.addi %add3A_458, %add3A_477 : i32
      %lt3A_479 = arith.constant 40 : i32
      %lt3A_480 = arith.cmpi slt, %add3A_478, %lt3A_479 : i32
      %add3A_481 = arith.constant 2 : i32
      %add3A_482 = arith.addi %add3A_458, %add3A_481 : i32
      %jit3A_483 = arith.constant 0 : i32
      %select_n3A_484 = arith.select %lt3A_480, %add3A_482, %jit3A_483 : i32
      %dma_start3A_485 = arith.constant 0 : i32
      %dma_start3A_486 = tpu.memref_slice %arg7[%select_n3A_484, %dma_start3A_485] : memref<40x88xi32, #tpu.memory_space<vmem>> -> memref<1x88xi32, #tpu.memory_space<vmem>>
      %dma_start3A_487 = tpu.memref_squeeze %dma_start3A_486 : memref<1x88xi32, #tpu.memory_space<vmem>> -> memref<88xi32, #tpu.memory_space<vmem>>
      %dma_start3A_488 = arith.constant 0 : i32
      %dma_start3A_489 = arith.constant 0 : i32
      %dma_start3A_490 = tpu.memref_slice %arg2[%dma_start3A_488, %dma_start3A_489] : memref<10000x128xf32, #tpu.memory_space<hbm>> -> memref<10000x128xf32, #tpu.memory_space<hbm>>
      tpu.enqueue_indirect_dma source(%dma_start3A_490 : memref<10000x128xf32, #tpu.memory_space<hbm>>) target(%arg10 : memref<88x128xf32, #tpu.memory_space<vmem>>) offsets(%dma_start3A_487 : memref<88xi32, #tpu.memory_space<vmem>>) semaphore(%arg13 : memref<!tpu.dma_semaphore, #tpu.memory_space<semaphore_mem>>)
      %mul3A_491 = arith.constant 3 : i32
      %mul3A_492 = arith.muli %scan3A_421, %mul3A_491 : i32
      %add3A_493 = arith.constant 2 : i32
      %add3A_494 = arith.addi %mul3A_492, %add3A_493 : i32
      %dma_wait3A_495 = arith.constant 0 : i32
      %dma_wait3A_496 = arith.constant 0 : i32
      %dma_wait3A_497 = tpu.memref_slice %arg2[%dma_wait3A_495, %dma_wait3A_496] : memref<10000x128xf32, #tpu.memory_space<hbm>> -> memref<88x128xf32, #tpu.memory_space<hbm>>
      %dma_wait3A_498 = arith.constant 0 : i32
      %dma_wait3A_499 = arith.constant 0 : i32
      %dma_wait3A_500 = tpu.memref_slice %arg2[%dma_wait3A_498, %dma_wait3A_499] : memref<10000x128xf32, #tpu.memory_space<hbm>> -> memref<88x128xf32, #tpu.memory_space<hbm>>
      tpu.wait_dma2 semaphore(%arg15 : memref<!tpu.dma_semaphore, #tpu.memory_space<semaphore_mem>>) src(%dma_wait3A_500 : memref<88x128xf32, #tpu.memory_space<hbm>>) dst(%arg12 : memref<88x128xf32, #tpu.memory_space<vmem>>)
      %dma_start3A_501 = arith.constant 0 : i32
      %dma_start3A_502 = tpu.memref_slice %arg8[%add3A_494, %dma_start3A_501] : memref<40x88xi32, #tpu.memory_space<vmem>> -> memref<1x88xi32, #tpu.memory_space<vmem>>
      %dma_start3A_503 = tpu.memref_squeeze %dma_start3A_502 : memref<1x88xi32, #tpu.memory_space<vmem>> -> memref<88xi32, #tpu.memory_space<vmem>>
      %dma_start3A_504 = arith.constant 0 : i32
      %dma_start3A_505 = arith.constant 0 : i32
      %dma_start3A_506 = tpu.memref_slice %arg9[%dma_start3A_504, %dma_start3A_505] : memref<10240x128xf32, #tpu.memory_space<vmem_shared>> -> memref<10240x128xf32, #tpu.memory_space<vmem_shared>>
      tpu.enqueue_indirect_dma source(%arg12 : memref<88x128xf32, #tpu.memory_space<vmem>>) target(%dma_start3A_506 : memref<10240x128xf32, #tpu.memory_space<vmem_shared>>) offsets(%dma_start3A_503 : memref<88xi32, #tpu.memory_space<vmem>>) semaphore(%arg18 : memref<!tpu.dma_semaphore, #tpu.memory_space<semaphore_mem>>) {add = true}
      %dma_wait3A_507 = arith.constant 0 : i32
      %dma_wait3A_508 = arith.constant 0 : i32
      %dma_wait3A_509 = tpu.memref_slice %arg9[%dma_wait3A_507, %dma_wait3A_508] : memref<10240x128xf32, #tpu.memory_space<vmem_shared>> -> memref<88x128xf32, #tpu.memory_space<vmem_shared>>
      %dma_wait3A_510 = arith.constant 0 : i32
      %dma_wait3A_511 = arith.constant 0 : i32
      %dma_wait3A_512 = tpu.memref_slice %arg9[%dma_wait3A_510, %dma_wait3A_511] : memref<10240x128xf32, #tpu.memory_space<vmem_shared>> -> memref<88x128xf32, #tpu.memory_space<vmem_shared>>
      tpu.wait_dma2 semaphore(%arg17 : memref<!tpu.dma_semaphore, #tpu.memory_space<semaphore_mem>>) src(%arg11 : memref<88x128xf32, #tpu.memory_space<vmem>>) dst(%dma_wait3A_512 : memref<88x128xf32, #tpu.memory_space<vmem_shared>>)
      %add3A_513 = arith.constant 2 : i32
      %add3A_514 = arith.addi %add3A_494, %add3A_513 : i32
      %lt3A_515 = arith.constant 40 : i32
      %lt3A_516 = arith.cmpi slt, %add3A_514, %lt3A_515 : i32
      %add3A_517 = arith.constant 2 : i32
      %add3A_518 = arith.addi %add3A_494, %add3A_517 : i32
      %jit3A_519 = arith.constant 1 : i32
      %select_n3A_520 = arith.select %lt3A_516, %add3A_518, %jit3A_519 : i32
      %dma_start3A_521 = arith.constant 0 : i32
      %dma_start3A_522 = tpu.memref_slice %arg7[%select_n3A_520, %dma_start3A_521] : memref<40x88xi32, #tpu.memory_space<vmem>> -> memref<1x88xi32, #tpu.memory_space<vmem>>
      %dma_start3A_523 = tpu.memref_squeeze %dma_start3A_522 : memref<1x88xi32, #tpu.memory_space<vmem>> -> memref<88xi32, #tpu.memory_space<vmem>>
      %dma_start3A_524 = arith.constant 0 : i32
      %dma_start3A_525 = arith.constant 0 : i32
      %dma_start3A_526 = tpu.memref_slice %arg2[%dma_start3A_524, %dma_start3A_525] : memref<10000x128xf32, #tpu.memory_space<hbm>> -> memref<10000x128xf32, #tpu.memory_space<hbm>>
      tpu.enqueue_indirect_dma source(%dma_start3A_526 : memref<10000x128xf32, #tpu.memory_space<hbm>>) target(%arg11 : memref<88x128xf32, #tpu.memory_space<vmem>>) offsets(%dma_start3A_523 : memref<88xi32, #tpu.memory_space<vmem>>) semaphore(%arg14 : memref<!tpu.dma_semaphore, #tpu.memory_space<semaphore_mem>>)
    }
    %scan3A_235 = arith.constant 12 : i32
    %dma_wait3A_236 = arith.constant 0 : i32
    %dma_wait3A_237 = arith.constant 0 : i32
    %dma_wait3A_238 = tpu.memref_slice %arg2[%dma_wait3A_236, %dma_wait3A_237] : memref<10000x128xf32, #tpu.memory_space<hbm>> -> memref<88x128xf32, #tpu.memory_space<hbm>>
    %dma_wait3A_239 = arith.constant 0 : i32
    %dma_wait3A_240 = arith.constant 0 : i32
    %dma_wait3A_241 = tpu.memref_slice %arg2[%dma_wait3A_239, %dma_wait3A_240] : memref<10000x128xf32, #tpu.memory_space<hbm>> -> memref<88x128xf32, #tpu.memory_space<hbm>>
    tpu.wait_dma2 semaphore(%arg13 : memref<!tpu.dma_semaphore, #tpu.memory_space<semaphore_mem>>) src(%dma_wait3A_241 : memref<88x128xf32, #tpu.memory_space<hbm>>) dst(%arg10 : memref<88x128xf32, #tpu.memory_space<vmem>>)
    %dma_start3A_242 = arith.constant 39 : i32
    %dma_start3A_243 = arith.constant 0 : i32
    %dma_start3A_244 = tpu.memref_slice %arg8[%dma_start3A_242, %dma_start3A_243] : memref<40x88xi32, #tpu.memory_space<vmem>> -> memref<1x88xi32, #tpu.memory_space<vmem>>
    %dma_start3A_245 = tpu.memref_squeeze %dma_start3A_244 : memref<1x88xi32, #tpu.memory_space<vmem>> -> memref<88xi32, #tpu.memory_space<vmem>>
    %dma_start3A_246 = arith.constant 0 : i32
    %dma_start3A_247 = arith.constant 0 : i32
    %dma_start3A_248 = tpu.memref_slice %arg9[%dma_start3A_246, %dma_start3A_247] : memref<10240x128xf32, #tpu.memory_space<vmem_shared>> -> memref<10240x128xf32, #tpu.memory_space<vmem_shared>>
    tpu.enqueue_indirect_dma source(%arg10 : memref<88x128xf32, #tpu.memory_space<vmem>>) target(%dma_start3A_248 : memref<10240x128xf32, #tpu.memory_space<vmem_shared>>) offsets(%dma_start3A_245 : memref<88xi32, #tpu.memory_space<vmem>>) semaphore(%arg16 : memref<!tpu.dma_semaphore, #tpu.memory_space<semaphore_mem>>) {add = true}
    %dma_wait3A_249 = arith.constant 0 : i32
    %dma_wait3A_250 = arith.constant 0 : i32
    %dma_wait3A_251 = tpu.memref_slice %arg9[%dma_wait3A_249, %dma_wait3A_250] : memref<10240x128xf32, #tpu.memory_space<vmem_shared>> -> memref<88x128xf32, #tpu.memory_space<vmem_shared>>
    %dma_wait3A_252 = arith.constant 0 : i32
    %dma_wait3A_253 = arith.constant 0 : i32
    %dma_wait3A_254 = tpu.memref_slice %arg9[%dma_wait3A_252, %dma_wait3A_253] : memref<10240x128xf32, #tpu.memory_space<vmem_shared>> -> memref<88x128xf32, #tpu.memory_space<vmem_shared>>
    tpu.wait_dma2 semaphore(%arg18 : memref<!tpu.dma_semaphore, #tpu.memory_space<semaphore_mem>>) src(%arg12 : memref<88x128xf32, #tpu.memory_space<vmem>>) dst(%dma_wait3A_254 : memref<88x128xf32, #tpu.memory_space<vmem_shared>>)
    %dma_start3A_255 = arith.constant 2 : i32
    %dma_start3A_256 = arith.constant 0 : i32
    %dma_start3A_257 = tpu.memref_slice %arg7[%dma_start3A_255, %dma_start3A_256] : memref<40x88xi32, #tpu.memory_space<vmem>> -> memref<1x88xi32, #tpu.memory_space<vmem>>
    %dma_start3A_258 = tpu.memref_squeeze %dma_start3A_257 : memref<1x88xi32, #tpu.memory_space<vmem>> -> memref<88xi32, #tpu.memory_space<vmem>>
    %dma_start3A_259 = arith.constant 0 : i32
    %dma_start3A_260 = arith.constant 0 : i32
    %dma_start3A_261 = tpu.memref_slice %arg2[%dma_start3A_259, %dma_start3A_260] : memref<10000x128xf32, #tpu.memory_space<hbm>> -> memref<10000x128xf32, #tpu.memory_space<hbm>>
    tpu.enqueue_indirect_dma source(%dma_start3A_261 : memref<10000x128xf32, #tpu.memory_space<hbm>>) target(%arg12 : memref<88x128xf32, #tpu.memory_space<vmem>>) offsets(%dma_start3A_258 : memref<88xi32, #tpu.memory_space<vmem>>) semaphore(%arg15 : memref<!tpu.dma_semaphore, #tpu.memory_space<semaphore_mem>>)
    %dma_wait3A_262 = arith.constant 0 : i32
    %dma_wait3A_263 = arith.constant 0 : i32
    %dma_wait3A_264 = tpu.memref_slice %arg2[%dma_wait3A_262, %dma_wait3A_263] : memref<10000x128xf32, #tpu.memory_space<hbm>> -> memref<88x128xf32, #tpu.memory_space<hbm>>
    %dma_wait3A_265 = arith.constant 0 : i32
    %dma_wait3A_266 = arith.constant 0 : i32
    %dma_wait3A_267 = tpu.memref_slice %arg2[%dma_wait3A_265, %dma_wait3A_266] : memref<10000x128xf32, #tpu.memory_space<hbm>> -> memref<88x128xf32, #tpu.memory_space<hbm>>
    tpu.wait_dma2 semaphore(%arg14 : memref<!tpu.dma_semaphore, #tpu.memory_space<semaphore_mem>>) src(%dma_wait3A_267 : memref<88x128xf32, #tpu.memory_space<hbm>>) dst(%arg11 : memref<88x128xf32, #tpu.memory_space<vmem>>)
    %dma_wait3A_268 = arith.constant 0 : i32
    %dma_wait3A_269 = arith.constant 0 : i32
    %dma_wait3A_270 = tpu.memref_slice %arg2[%dma_wait3A_268, %dma_wait3A_269] : memref<10000x128xf32, #tpu.memory_space<hbm>> -> memref<88x128xf32, #tpu.memory_space<hbm>>
    %dma_wait3A_271 = arith.constant 0 : i32
    %dma_wait3A_272 = arith.constant 0 : i32
    %dma_wait3A_273 = tpu.memref_slice %arg2[%dma_wait3A_271, %dma_wait3A_272] : memref<10000x128xf32, #tpu.memory_space<hbm>> -> memref<88x128xf32, #tpu.memory_space<hbm>>
    tpu.wait_dma2 semaphore(%arg15 : memref<!tpu.dma_semaphore, #tpu.memory_space<semaphore_mem>>) src(%dma_wait3A_273 : memref<88x128xf32, #tpu.memory_space<hbm>>) dst(%arg12 : memref<88x128xf32, #tpu.memory_space<vmem>>)
    %dma_wait3A_274 = arith.constant 0 : i32
    %dma_wait3A_275 = arith.constant 0 : i32
    %dma_wait3A_276 = tpu.memref_slice %arg9[%dma_wait3A_274, %dma_wait3A_275] : memref<10240x128xf32, #tpu.memory_space<vmem_shared>> -> memref<88x128xf32, #tpu.memory_space<vmem_shared>>
    %dma_wait3A_277 = arith.constant 0 : i32
    %dma_wait3A_278 = arith.constant 0 : i32
    %dma_wait3A_279 = tpu.memref_slice %arg9[%dma_wait3A_277, %dma_wait3A_278] : memref<10240x128xf32, #tpu.memory_space<vmem_shared>> -> memref<88x128xf32, #tpu.memory_space<vmem_shared>>
    tpu.wait_dma2 semaphore(%arg16 : memref<!tpu.dma_semaphore, #tpu.memory_space<semaphore_mem>>) src(%arg10 : memref<88x128xf32, #tpu.memory_space<vmem>>) dst(%dma_wait3A_279 : memref<88x128xf32, #tpu.memory_space<vmem_shared>>)
    %mul3A_280 = arith.constant 120 : i32
    %mul3A_281 = arith.muli %add3A, %mul3A_280 : i32
    %add3A_282 = arith.constant 80 : i32
    %add3A_283 = arith.addi %mul3A_281, %add3A_282 : i32
    "tpu.region"() ({
      %run_scoped3A = tpu.sem_alloc : memref<!tpu.dma_semaphore, #tpu.memory_space<semaphore_mem>>
      %dma_start3A_421 = arith.constant 0 : i32
      %dma_start3A_422 = tpu.memref_slice %arg3[%add3A_283, %dma_start3A_421] : memref<3840x88xi32, #tpu.memory_space<hbm>> -> memref<40x88xi32, #tpu.memory_space<hbm>>
      %dma_start3A_423 = arith.constant 0 : i32
      %dma_start3A_424 = tpu.memref_slice %arg3[%add3A_283, %dma_start3A_423] : memref<3840x88xi32, #tpu.memory_space<hbm>> -> memref<40x88xi32, #tpu.memory_space<hbm>>
      tpu.enqueue_dma source(%dma_start3A_424 : memref<40x88xi32, #tpu.memory_space<hbm>>) target(%arg7 : memref<40x88xi32, #tpu.memory_space<vmem>>) target_semaphore(%run_scoped3A : memref<!tpu.dma_semaphore, #tpu.memory_space<semaphore_mem>>)
      %dma_wait3A_425 = arith.constant 0 : i32
      %dma_wait3A_426 = tpu.memref_slice %arg3[%add3A_283, %dma_wait3A_425] : memref<3840x88xi32, #tpu.memory_space<hbm>> -> memref<40x88xi32, #tpu.memory_space<hbm>>
      %dma_wait3A_427 = arith.constant 0 : i32
      %dma_wait3A_428 = tpu.memref_slice %arg3[%add3A_283, %dma_wait3A_427] : memref<3840x88xi32, #tpu.memory_space<hbm>> -> memref<40x88xi32, #tpu.memory_space<hbm>>
      tpu.wait_dma2 semaphore(%run_scoped3A : memref<!tpu.dma_semaphore, #tpu.memory_space<semaphore_mem>>) src(%dma_wait3A_428 : memref<40x88xi32, #tpu.memory_space<hbm>>) dst(%arg7 : memref<40x88xi32, #tpu.memory_space<vmem>>)
      tpu.yield
    }) : () -> ()
    "tpu.region"() ({
      %run_scoped3A = tpu.sem_alloc : memref<!tpu.dma_semaphore, #tpu.memory_space<semaphore_mem>>
      %dma_start3A_421 = arith.constant 0 : i32
      %dma_start3A_422 = tpu.memref_slice %arg4[%add3A_283, %dma_start3A_421] : memref<3840x88xi32, #tpu.memory_space<hbm>> -> memref<40x88xi32, #tpu.memory_space<hbm>>
      %dma_start3A_423 = arith.constant 0 : i32
      %dma_start3A_424 = tpu.memref_slice %arg4[%add3A_283, %dma_start3A_423] : memref<3840x88xi32, #tpu.memory_space<hbm>> -> memref<40x88xi32, #tpu.memory_space<hbm>>
      tpu.enqueue_dma source(%dma_start3A_424 : memref<40x88xi32, #tpu.memory_space<hbm>>) target(%arg8 : memref<40x88xi32, #tpu.memory_space<vmem>>) target_semaphore(%run_scoped3A : memref<!tpu.dma_semaphore, #tpu.memory_space<semaphore_mem>>)
      %dma_wait3A_425 = arith.constant 0 : i32
      %dma_wait3A_426 = tpu.memref_slice %arg4[%add3A_283, %dma_wait3A_425] : memref<3840x88xi32, #tpu.memory_space<hbm>> -> memref<40x88xi32, #tpu.memory_space<hbm>>
      %dma_wait3A_427 = arith.constant 0 : i32
      %dma_wait3A_428 = tpu.memref_slice %arg4[%add3A_283, %dma_wait3A_427] : memref<3840x88xi32, #tpu.memory_space<hbm>> -> memref<40x88xi32, #tpu.memory_space<hbm>>
      tpu.wait_dma2 semaphore(%run_scoped3A : memref<!tpu.dma_semaphore, #tpu.memory_space<semaphore_mem>>) src(%dma_wait3A_428 : memref<40x88xi32, #tpu.memory_space<hbm>>) dst(%arg8 : memref<40x88xi32, #tpu.memory_space<vmem>>)
      tpu.yield
    }) : () -> ()
    %dma_start3A_284 = arith.constant 0 : i32
    %dma_start3A_285 = arith.constant 0 : i32
    %dma_start3A_286 = tpu.memref_slice %arg7[%dma_start3A_284, %dma_start3A_285] : memref<40x88xi32, #tpu.memory_space<vmem>> -> memref<1x88xi32, #tpu.memory_space<vmem>>
    %dma_start3A_287 = tpu.memref_squeeze %dma_start3A_286 : memref<1x88xi32, #tpu.memory_space<vmem>> -> memref<88xi32, #tpu.memory_space<vmem>>
    %dma_start3A_288 = arith.constant 0 : i32
    %dma_start3A_289 = arith.constant 0 : i32
    %dma_start3A_290 = tpu.memref_slice %arg2[%dma_start3A_288, %dma_start3A_289] : memref<10000x128xf32, #tpu.memory_space<hbm>> -> memref<10000x128xf32, #tpu.memory_space<hbm>>
    tpu.enqueue_indirect_dma source(%dma_start3A_290 : memref<10000x128xf32, #tpu.memory_space<hbm>>) target(%arg10 : memref<88x128xf32, #tpu.memory_space<vmem>>) offsets(%dma_start3A_287 : memref<88xi32, #tpu.memory_space<vmem>>) semaphore(%arg13 : memref<!tpu.dma_semaphore, #tpu.memory_space<semaphore_mem>>)
    %dma_start3A_291 = arith.constant 1 : i32
    %dma_start3A_292 = arith.constant 0 : i32
    %dma_start3A_293 = tpu.memref_slice %arg7[%dma_start3A_291, %dma_start3A_292] : memref<40x88xi32, #tpu.memory_space<vmem>> -> memref<1x88xi32, #tpu.memory_space<vmem>>
    %dma_start3A_294 = tpu.memref_squeeze %dma_start3A_293 : memref<1x88xi32, #tpu.memory_space<vmem>> -> memref<88xi32, #tpu.memory_space<vmem>>
    %dma_start3A_295 = arith.constant 0 : i32
    %dma_start3A_296 = arith.constant 0 : i32
    %dma_start3A_297 = tpu.memref_slice %arg2[%dma_start3A_295, %dma_start3A_296] : memref<10000x128xf32, #tpu.memory_space<hbm>> -> memref<10000x128xf32, #tpu.memory_space<hbm>>
    tpu.enqueue_indirect_dma source(%dma_start3A_297 : memref<10000x128xf32, #tpu.memory_space<hbm>>) target(%arg11 : memref<88x128xf32, #tpu.memory_space<vmem>>) offsets(%dma_start3A_294 : memref<88xi32, #tpu.memory_space<vmem>>) semaphore(%arg14 : memref<!tpu.dma_semaphore, #tpu.memory_space<semaphore_mem>>)
    %dma_wait3A_298 = arith.constant 0 : i32
    %dma_wait3A_299 = arith.constant 0 : i32
    %dma_wait3A_300 = tpu.memref_slice %arg2[%dma_wait3A_298, %dma_wait3A_299] : memref<10000x128xf32, #tpu.memory_space<hbm>> -> memref<88x128xf32, #tpu.memory_space<hbm>>
    %dma_wait3A_301 = arith.constant 0 : i32
    %dma_wait3A_302 = arith.constant 0 : i32
    %dma_wait3A_303 = tpu.memref_slice %arg2[%dma_wait3A_301, %dma_wait3A_302] : memref<10000x128xf32, #tpu.memory_space<hbm>> -> memref<88x128xf32, #tpu.memory_space<hbm>>
    tpu.wait_dma2 semaphore(%arg13 : memref<!tpu.dma_semaphore, #tpu.memory_space<semaphore_mem>>) src(%dma_wait3A_303 : memref<88x128xf32, #tpu.memory_space<hbm>>) dst(%arg10 : memref<88x128xf32, #tpu.memory_space<vmem>>)
    %dma_start3A_304 = arith.constant 0 : i32
    %dma_start3A_305 = arith.constant 0 : i32
    %dma_start3A_306 = tpu.memref_slice %arg8[%dma_start3A_304, %dma_start3A_305] : memref<40x88xi32, #tpu.memory_space<vmem>> -> memref<1x88xi32, #tpu.memory_space<vmem>>
    %dma_start3A_307 = tpu.memref_squeeze %dma_start3A_306 : memref<1x88xi32, #tpu.memory_space<vmem>> -> memref<88xi32, #tpu.memory_space<vmem>>
    %dma_start3A_308 = arith.constant 0 : i32
    %dma_start3A_309 = arith.constant 0 : i32
    %dma_start3A_310 = tpu.memref_slice %arg9[%dma_start3A_308, %dma_start3A_309] : memref<10240x128xf32, #tpu.memory_space<vmem_shared>> -> memref<10240x128xf32, #tpu.memory_space<vmem_shared>>
    tpu.enqueue_indirect_dma source(%arg10 : memref<88x128xf32, #tpu.memory_space<vmem>>) target(%dma_start3A_310 : memref<10240x128xf32, #tpu.memory_space<vmem_shared>>) offsets(%dma_start3A_307 : memref<88xi32, #tpu.memory_space<vmem>>) semaphore(%arg16 : memref<!tpu.dma_semaphore, #tpu.memory_space<semaphore_mem>>) {add = true}
    %dma_start3A_311 = arith.constant 2 : i32
    %dma_start3A_312 = arith.constant 0 : i32
    %dma_start3A_313 = tpu.memref_slice %arg7[%dma_start3A_311, %dma_start3A_312] : memref<40x88xi32, #tpu.memory_space<vmem>> -> memref<1x88xi32, #tpu.memory_space<vmem>>
    %dma_start3A_314 = tpu.memref_squeeze %dma_start3A_313 : memref<1x88xi32, #tpu.memory_space<vmem>> -> memref<88xi32, #tpu.memory_space<vmem>>
    %dma_start3A_315 = arith.constant 0 : i32
    %dma_start3A_316 = arith.constant 0 : i32
    %dma_start3A_317 = tpu.memref_slice %arg2[%dma_start3A_315, %dma_start3A_316] : memref<10000x128xf32, #tpu.memory_space<hbm>> -> memref<10000x128xf32, #tpu.memory_space<hbm>>
    tpu.enqueue_indirect_dma source(%dma_start3A_317 : memref<10000x128xf32, #tpu.memory_space<hbm>>) target(%arg12 : memref<88x128xf32, #tpu.memory_space<vmem>>) offsets(%dma_start3A_314 : memref<88xi32, #tpu.memory_space<vmem>>) semaphore(%arg15 : memref<!tpu.dma_semaphore, #tpu.memory_space<semaphore_mem>>)
    %dma_wait3A_318 = arith.constant 0 : i32
    %dma_wait3A_319 = arith.constant 0 : i32
    %dma_wait3A_320 = tpu.memref_slice %arg2[%dma_wait3A_318, %dma_wait3A_319] : memref<10000x128xf32, #tpu.memory_space<hbm>> -> memref<88x128xf32, #tpu.memory_space<hbm>>
    %dma_wait3A_321 = arith.constant 0 : i32
    %dma_wait3A_322 = arith.constant 0 : i32
    %dma_wait3A_323 = tpu.memref_slice %arg2[%dma_wait3A_321, %dma_wait3A_322] : memref<10000x128xf32, #tpu.memory_space<hbm>> -> memref<88x128xf32, #tpu.memory_space<hbm>>
    tpu.wait_dma2 semaphore(%arg14 : memref<!tpu.dma_semaphore, #tpu.memory_space<semaphore_mem>>) src(%dma_wait3A_323 : memref<88x128xf32, #tpu.memory_space<hbm>>) dst(%arg11 : memref<88x128xf32, #tpu.memory_space<vmem>>)
    %dma_start3A_324 = arith.constant 1 : i32
    %dma_start3A_325 = arith.constant 0 : i32
    %dma_start3A_326 = tpu.memref_slice %arg8[%dma_start3A_324, %dma_start3A_325] : memref<40x88xi32, #tpu.memory_space<vmem>> -> memref<1x88xi32, #tpu.memory_space<vmem>>
    %dma_start3A_327 = tpu.memref_squeeze %dma_start3A_326 : memref<1x88xi32, #tpu.memory_space<vmem>> -> memref<88xi32, #tpu.memory_space<vmem>>
    %dma_start3A_328 = arith.constant 0 : i32
    %dma_start3A_329 = arith.constant 0 : i32
    %dma_start3A_330 = tpu.memref_slice %arg9[%dma_start3A_328, %dma_start3A_329] : memref<10240x128xf32, #tpu.memory_space<vmem_shared>> -> memref<10240x128xf32, #tpu.memory_space<vmem_shared>>
    tpu.enqueue_indirect_dma source(%arg11 : memref<88x128xf32, #tpu.memory_space<vmem>>) target(%dma_start3A_330 : memref<10240x128xf32, #tpu.memory_space<vmem_shared>>) offsets(%dma_start3A_327 : memref<88xi32, #tpu.memory_space<vmem>>) semaphore(%arg17 : memref<!tpu.dma_semaphore, #tpu.memory_space<semaphore_mem>>) {add = true}
    %dma_wait3A_331 = arith.constant 0 : i32
    %dma_wait3A_332 = arith.constant 0 : i32
    %dma_wait3A_333 = tpu.memref_slice %arg9[%dma_wait3A_331, %dma_wait3A_332] : memref<10240x128xf32, #tpu.memory_space<vmem_shared>> -> memref<88x128xf32, #tpu.memory_space<vmem_shared>>
    %dma_wait3A_334 = arith.constant 0 : i32
    %dma_wait3A_335 = arith.constant 0 : i32
    %dma_wait3A_336 = tpu.memref_slice %arg9[%dma_wait3A_334, %dma_wait3A_335] : memref<10240x128xf32, #tpu.memory_space<vmem_shared>> -> memref<88x128xf32, #tpu.memory_space<vmem_shared>>
    tpu.wait_dma2 semaphore(%arg16 : memref<!tpu.dma_semaphore, #tpu.memory_space<semaphore_mem>>) src(%arg10 : memref<88x128xf32, #tpu.memory_space<vmem>>) dst(%dma_wait3A_336 : memref<88x128xf32, #tpu.memory_space<vmem_shared>>)
    %dma_start3A_337 = arith.constant 3 : i32
    %dma_start3A_338 = arith.constant 0 : i32
    %dma_start3A_339 = tpu.memref_slice %arg7[%dma_start3A_337, %dma_start3A_338] : memref<40x88xi32, #tpu.memory_space<vmem>> -> memref<1x88xi32, #tpu.memory_space<vmem>>
    %dma_start3A_340 = tpu.memref_squeeze %dma_start3A_339 : memref<1x88xi32, #tpu.memory_space<vmem>> -> memref<88xi32, #tpu.memory_space<vmem>>
    %dma_start3A_341 = arith.constant 0 : i32
    %dma_start3A_342 = arith.constant 0 : i32
    %dma_start3A_343 = tpu.memref_slice %arg2[%dma_start3A_341, %dma_start3A_342] : memref<10000x128xf32, #tpu.memory_space<hbm>> -> memref<10000x128xf32, #tpu.memory_space<hbm>>
    tpu.enqueue_indirect_dma source(%dma_start3A_343 : memref<10000x128xf32, #tpu.memory_space<hbm>>) target(%arg10 : memref<88x128xf32, #tpu.memory_space<vmem>>) offsets(%dma_start3A_340 : memref<88xi32, #tpu.memory_space<vmem>>) semaphore(%arg13 : memref<!tpu.dma_semaphore, #tpu.memory_space<semaphore_mem>>)
    %dma_wait3A_344 = arith.constant 0 : i32
    %dma_wait3A_345 = arith.constant 0 : i32
    %dma_wait3A_346 = tpu.memref_slice %arg2[%dma_wait3A_344, %dma_wait3A_345] : memref<10000x128xf32, #tpu.memory_space<hbm>> -> memref<88x128xf32, #tpu.memory_space<hbm>>
    %dma_wait3A_347 = arith.constant 0 : i32
    %dma_wait3A_348 = arith.constant 0 : i32
    %dma_wait3A_349 = tpu.memref_slice %arg2[%dma_wait3A_347, %dma_wait3A_348] : memref<10000x128xf32, #tpu.memory_space<hbm>> -> memref<88x128xf32, #tpu.memory_space<hbm>>
    tpu.wait_dma2 semaphore(%arg15 : memref<!tpu.dma_semaphore, #tpu.memory_space<semaphore_mem>>) src(%dma_wait3A_349 : memref<88x128xf32, #tpu.memory_space<hbm>>) dst(%arg12 : memref<88x128xf32, #tpu.memory_space<vmem>>)
    %dma_start3A_350 = arith.constant 2 : i32
    %dma_start3A_351 = arith.constant 0 : i32
    %dma_start3A_352 = tpu.memref_slice %arg8[%dma_start3A_350, %dma_start3A_351] : memref<40x88xi32, #tpu.memory_space<vmem>> -> memref<1x88xi32, #tpu.memory_space<vmem>>
    %dma_start3A_353 = tpu.memref_squeeze %dma_start3A_352 : memref<1x88xi32, #tpu.memory_space<vmem>> -> memref<88xi32, #tpu.memory_space<vmem>>
    %dma_start3A_354 = arith.constant 0 : i32
    %dma_start3A_355 = arith.constant 0 : i32
    %dma_start3A_356 = tpu.memref_slice %arg9[%dma_start3A_354, %dma_start3A_355] : memref<10240x128xf32, #tpu.memory_space<vmem_shared>> -> memref<10240x128xf32, #tpu.memory_space<vmem_shared>>
    tpu.enqueue_indirect_dma source(%arg12 : memref<88x128xf32, #tpu.memory_space<vmem>>) target(%dma_start3A_356 : memref<10240x128xf32, #tpu.memory_space<vmem_shared>>) offsets(%dma_start3A_353 : memref<88xi32, #tpu.memory_space<vmem>>) semaphore(%arg18 : memref<!tpu.dma_semaphore, #tpu.memory_space<semaphore_mem>>) {add = true}
    %dma_wait3A_357 = arith.constant 0 : i32
    %dma_wait3A_358 = arith.constant 0 : i32
    %dma_wait3A_359 = tpu.memref_slice %arg9[%dma_wait3A_357, %dma_wait3A_358] : memref<10240x128xf32, #tpu.memory_space<vmem_shared>> -> memref<88x128xf32, #tpu.memory_space<vmem_shared>>
    %dma_wait3A_360 = arith.constant 0 : i32
    %dma_wait3A_361 = arith.constant 0 : i32
    %dma_wait3A_362 = tpu.memref_slice %arg9[%dma_wait3A_360, %dma_wait3A_361] : memref<10240x128xf32, #tpu.memory_space<vmem_shared>> -> memref<88x128xf32, #tpu.memory_space<vmem_shared>>
    tpu.wait_dma2 semaphore(%arg17 : memref<!tpu.dma_semaphore, #tpu.memory_space<semaphore_mem>>) src(%arg11 : memref<88x128xf32, #tpu.memory_space<vmem>>) dst(%dma_wait3A_362 : memref<88x128xf32, #tpu.memory_space<vmem_shared>>)
    %dma_start3A_363 = arith.constant 4 : i32
    %dma_start3A_364 = arith.constant 0 : i32
    %dma_start3A_365 = tpu.memref_slice %arg7[%dma_start3A_363, %dma_start3A_364] : memref<40x88xi32, #tpu.memory_space<vmem>> -> memref<1x88xi32, #tpu.memory_space<vmem>>
    %dma_start3A_366 = tpu.memref_squeeze %dma_start3A_365 : memref<1x88xi32, #tpu.memory_space<vmem>> -> memref<88xi32, #tpu.memory_space<vmem>>
    %dma_start3A_367 = arith.constant 0 : i32
    %dma_start3A_368 = arith.constant 0 : i32
    %dma_start3A_369 = tpu.memref_slice %arg2[%dma_start3A_367, %dma_start3A_368] : memref<10000x128xf32, #tpu.memory_space<hbm>> -> memref<10000x128xf32, #tpu.memory_space<hbm>>
    tpu.enqueue_indirect_dma source(%dma_start3A_369 : memref<10000x128xf32, #tpu.memory_space<hbm>>) target(%arg11 : memref<88x128xf32, #tpu.memory_space<vmem>>) offsets(%dma_start3A_366 : memref<88xi32, #tpu.memory_space<vmem>>) semaphore(%arg14 : memref<!tpu.dma_semaphore, #tpu.memory_space<semaphore_mem>>)
    %scan3A_370 = arith.constant 0 : i32
    %scan3A_371 = arith.constant 1 : i32
    %scan3A_372 = arith.constant 12 : i32
    %scan3A_373 = arith.addi %scan3A_371, %scan3A_372 : i32
    %scan3A_374 = arith.constant 1 : i32
    scf.for %scan3A_421 = %scan3A_371 to %scan3A_373 step %scan3A_374  : i32 {
      %mul3A_422 = arith.constant 3 : i32
      %mul3A_423 = arith.muli %scan3A_421, %mul3A_422 : i32
      %add3A_424 = arith.constant 0 : i32
      %add3A_425 = arith.addi %mul3A_423, %add3A_424 : i32
      %dma_wait3A_426 = arith.constant 0 : i32
      %dma_wait3A_427 = arith.constant 0 : i32
      %dma_wait3A_428 = tpu.memref_slice %arg2[%dma_wait3A_426, %dma_wait3A_427] : memref<10000x128xf32, #tpu.memory_space<hbm>> -> memref<88x128xf32, #tpu.memory_space<hbm>>
      %dma_wait3A_429 = arith.constant 0 : i32
      %dma_wait3A_430 = arith.constant 0 : i32
      %dma_wait3A_431 = tpu.memref_slice %arg2[%dma_wait3A_429, %dma_wait3A_430] : memref<10000x128xf32, #tpu.memory_space<hbm>> -> memref<88x128xf32, #tpu.memory_space<hbm>>
      tpu.wait_dma2 semaphore(%arg13 : memref<!tpu.dma_semaphore, #tpu.memory_space<semaphore_mem>>) src(%dma_wait3A_431 : memref<88x128xf32, #tpu.memory_space<hbm>>) dst(%arg10 : memref<88x128xf32, #tpu.memory_space<vmem>>)
      %dma_start3A_432 = arith.constant 0 : i32
      %dma_start3A_433 = tpu.memref_slice %arg8[%add3A_425, %dma_start3A_432] : memref<40x88xi32, #tpu.memory_space<vmem>> -> memref<1x88xi32, #tpu.memory_space<vmem>>
      %dma_start3A_434 = tpu.memref_squeeze %dma_start3A_433 : memref<1x88xi32, #tpu.memory_space<vmem>> -> memref<88xi32, #tpu.memory_space<vmem>>
      %dma_start3A_435 = arith.constant 0 : i32
      %dma_start3A_436 = arith.constant 0 : i32
      %dma_start3A_437 = tpu.memref_slice %arg9[%dma_start3A_435, %dma_start3A_436] : memref<10240x128xf32, #tpu.memory_space<vmem_shared>> -> memref<10240x128xf32, #tpu.memory_space<vmem_shared>>
      tpu.enqueue_indirect_dma source(%arg10 : memref<88x128xf32, #tpu.memory_space<vmem>>) target(%dma_start3A_437 : memref<10240x128xf32, #tpu.memory_space<vmem_shared>>) offsets(%dma_start3A_434 : memref<88xi32, #tpu.memory_space<vmem>>) semaphore(%arg16 : memref<!tpu.dma_semaphore, #tpu.memory_space<semaphore_mem>>) {add = true}
      %dma_wait3A_438 = arith.constant 0 : i32
      %dma_wait3A_439 = arith.constant 0 : i32
      %dma_wait3A_440 = tpu.memref_slice %arg9[%dma_wait3A_438, %dma_wait3A_439] : memref<10240x128xf32, #tpu.memory_space<vmem_shared>> -> memref<88x128xf32, #tpu.memory_space<vmem_shared>>
      %dma_wait3A_441 = arith.constant 0 : i32
      %dma_wait3A_442 = arith.constant 0 : i32
      %dma_wait3A_443 = tpu.memref_slice %arg9[%dma_wait3A_441, %dma_wait3A_442] : memref<10240x128xf32, #tpu.memory_space<vmem_shared>> -> memref<88x128xf32, #tpu.memory_space<vmem_shared>>
      tpu.wait_dma2 semaphore(%arg18 : memref<!tpu.dma_semaphore, #tpu.memory_space<semaphore_mem>>) src(%arg12 : memref<88x128xf32, #tpu.memory_space<vmem>>) dst(%dma_wait3A_443 : memref<88x128xf32, #tpu.memory_space<vmem_shared>>)
      %add3A_444 = arith.constant 2 : i32
      %add3A_445 = arith.addi %add3A_425, %add3A_444 : i32
      %lt3A = arith.constant 40 : i32
      %lt3A_446 = arith.cmpi slt, %add3A_445, %lt3A : i32
      %add3A_447 = arith.constant 2 : i32
      %add3A_448 = arith.addi %add3A_425, %add3A_447 : i32
      %jit3A = arith.constant 2 : i32
      %select_n3A = arith.select %lt3A_446, %add3A_448, %jit3A : i32
      %dma_start3A_449 = arith.constant 0 : i32
      %dma_start3A_450 = tpu.memref_slice %arg7[%select_n3A, %dma_start3A_449] : memref<40x88xi32, #tpu.memory_space<vmem>> -> memref<1x88xi32, #tpu.memory_space<vmem>>
      %dma_start3A_451 = tpu.memref_squeeze %dma_start3A_450 : memref<1x88xi32, #tpu.memory_space<vmem>> -> memref<88xi32, #tpu.memory_space<vmem>>
      %dma_start3A_452 = arith.constant 0 : i32
      %dma_start3A_453 = arith.constant 0 : i32
      %dma_start3A_454 = tpu.memref_slice %arg2[%dma_start3A_452, %dma_start3A_453] : memref<10000x128xf32, #tpu.memory_space<hbm>> -> memref<10000x128xf32, #tpu.memory_space<hbm>>
      tpu.enqueue_indirect_dma source(%dma_start3A_454 : memref<10000x128xf32, #tpu.memory_space<hbm>>) target(%arg12 : memref<88x128xf32, #tpu.memory_space<vmem>>) offsets(%dma_start3A_451 : memref<88xi32, #tpu.memory_space<vmem>>) semaphore(%arg15 : memref<!tpu.dma_semaphore, #tpu.memory_space<semaphore_mem>>)
      %mul3A_455 = arith.constant 3 : i32
      %mul3A_456 = arith.muli %scan3A_421, %mul3A_455 : i32
      %add3A_457 = arith.constant 1 : i32
      %add3A_458 = arith.addi %mul3A_456, %add3A_457 : i32
      %dma_wait3A_459 = arith.constant 0 : i32
      %dma_wait3A_460 = arith.constant 0 : i32
      %dma_wait3A_461 = tpu.memref_slice %arg2[%dma_wait3A_459, %dma_wait3A_460] : memref<10000x128xf32, #tpu.memory_space<hbm>> -> memref<88x128xf32, #tpu.memory_space<hbm>>
      %dma_wait3A_462 = arith.constant 0 : i32
      %dma_wait3A_463 = arith.constant 0 : i32
      %dma_wait3A_464 = tpu.memref_slice %arg2[%dma_wait3A_462, %dma_wait3A_463] : memref<10000x128xf32, #tpu.memory_space<hbm>> -> memref<88x128xf32, #tpu.memory_space<hbm>>
      tpu.wait_dma2 semaphore(%arg14 : memref<!tpu.dma_semaphore, #tpu.memory_space<semaphore_mem>>) src(%dma_wait3A_464 : memref<88x128xf32, #tpu.memory_space<hbm>>) dst(%arg11 : memref<88x128xf32, #tpu.memory_space<vmem>>)
      %dma_start3A_465 = arith.constant 0 : i32
      %dma_start3A_466 = tpu.memref_slice %arg8[%add3A_458, %dma_start3A_465] : memref<40x88xi32, #tpu.memory_space<vmem>> -> memref<1x88xi32, #tpu.memory_space<vmem>>
      %dma_start3A_467 = tpu.memref_squeeze %dma_start3A_466 : memref<1x88xi32, #tpu.memory_space<vmem>> -> memref<88xi32, #tpu.memory_space<vmem>>
      %dma_start3A_468 = arith.constant 0 : i32
      %dma_start3A_469 = arith.constant 0 : i32
      %dma_start3A_470 = tpu.memref_slice %arg9[%dma_start3A_468, %dma_start3A_469] : memref<10240x128xf32, #tpu.memory_space<vmem_shared>> -> memref<10240x128xf32, #tpu.memory_space<vmem_shared>>
      tpu.enqueue_indirect_dma source(%arg11 : memref<88x128xf32, #tpu.memory_space<vmem>>) target(%dma_start3A_470 : memref<10240x128xf32, #tpu.memory_space<vmem_shared>>) offsets(%dma_start3A_467 : memref<88xi32, #tpu.memory_space<vmem>>) semaphore(%arg17 : memref<!tpu.dma_semaphore, #tpu.memory_space<semaphore_mem>>) {add = true}
      %dma_wait3A_471 = arith.constant 0 : i32
      %dma_wait3A_472 = arith.constant 0 : i32
      %dma_wait3A_473 = tpu.memref_slice %arg9[%dma_wait3A_471, %dma_wait3A_472] : memref<10240x128xf32, #tpu.memory_space<vmem_shared>> -> memref<88x128xf32, #tpu.memory_space<vmem_shared>>
      %dma_wait3A_474 = arith.constant 0 : i32
      %dma_wait3A_475 = arith.constant 0 : i32
      %dma_wait3A_476 = tpu.memref_slice %arg9[%dma_wait3A_474, %dma_wait3A_475] : memref<10240x128xf32, #tpu.memory_space<vmem_shared>> -> memref<88x128xf32, #tpu.memory_space<vmem_shared>>
      tpu.wait_dma2 semaphore(%arg16 : memref<!tpu.dma_semaphore, #tpu.memory_space<semaphore_mem>>) src(%arg10 : memref<88x128xf32, #tpu.memory_space<vmem>>) dst(%dma_wait3A_476 : memref<88x128xf32, #tpu.memory_space<vmem_shared>>)
      %add3A_477 = arith.constant 2 : i32
      %add3A_478 = arith.addi %add3A_458, %add3A_477 : i32
      %lt3A_479 = arith.constant 40 : i32
      %lt3A_480 = arith.cmpi slt, %add3A_478, %lt3A_479 : i32
      %add3A_481 = arith.constant 2 : i32
      %add3A_482 = arith.addi %add3A_458, %add3A_481 : i32
      %jit3A_483 = arith.constant 0 : i32
      %select_n3A_484 = arith.select %lt3A_480, %add3A_482, %jit3A_483 : i32
      %dma_start3A_485 = arith.constant 0 : i32
      %dma_start3A_486 = tpu.memref_slice %arg7[%select_n3A_484, %dma_start3A_485] : memref<40x88xi32, #tpu.memory_space<vmem>> -> memref<1x88xi32, #tpu.memory_space<vmem>>
      %dma_start3A_487 = tpu.memref_squeeze %dma_start3A_486 : memref<1x88xi32, #tpu.memory_space<vmem>> -> memref<88xi32, #tpu.memory_space<vmem>>
      %dma_start3A_488 = arith.constant 0 : i32
      %dma_start3A_489 = arith.constant 0 : i32
      %dma_start3A_490 = tpu.memref_slice %arg2[%dma_start3A_488, %dma_start3A_489] : memref<10000x128xf32, #tpu.memory_space<hbm>> -> memref<10000x128xf32, #tpu.memory_space<hbm>>
      tpu.enqueue_indirect_dma source(%dma_start3A_490 : memref<10000x128xf32, #tpu.memory_space<hbm>>) target(%arg10 : memref<88x128xf32, #tpu.memory_space<vmem>>) offsets(%dma_start3A_487 : memref<88xi32, #tpu.memory_space<vmem>>) semaphore(%arg13 : memref<!tpu.dma_semaphore, #tpu.memory_space<semaphore_mem>>)
      %mul3A_491 = arith.constant 3 : i32
      %mul3A_492 = arith.muli %scan3A_421, %mul3A_491 : i32
      %add3A_493 = arith.constant 2 : i32
      %add3A_494 = arith.addi %mul3A_492, %add3A_493 : i32
      %dma_wait3A_495 = arith.constant 0 : i32
      %dma_wait3A_496 = arith.constant 0 : i32
      %dma_wait3A_497 = tpu.memref_slice %arg2[%dma_wait3A_495, %dma_wait3A_496] : memref<10000x128xf32, #tpu.memory_space<hbm>> -> memref<88x128xf32, #tpu.memory_space<hbm>>
      %dma_wait3A_498 = arith.constant 0 : i32
      %dma_wait3A_499 = arith.constant 0 : i32
      %dma_wait3A_500 = tpu.memref_slice %arg2[%dma_wait3A_498, %dma_wait3A_499] : memref<10000x128xf32, #tpu.memory_space<hbm>> -> memref<88x128xf32, #tpu.memory_space<hbm>>
      tpu.wait_dma2 semaphore(%arg15 : memref<!tpu.dma_semaphore, #tpu.memory_space<semaphore_mem>>) src(%dma_wait3A_500 : memref<88x128xf32, #tpu.memory_space<hbm>>) dst(%arg12 : memref<88x128xf32, #tpu.memory_space<vmem>>)
      %dma_start3A_501 = arith.constant 0 : i32
      %dma_start3A_502 = tpu.memref_slice %arg8[%add3A_494, %dma_start3A_501] : memref<40x88xi32, #tpu.memory_space<vmem>> -> memref<1x88xi32, #tpu.memory_space<vmem>>
      %dma_start3A_503 = tpu.memref_squeeze %dma_start3A_502 : memref<1x88xi32, #tpu.memory_space<vmem>> -> memref<88xi32, #tpu.memory_space<vmem>>
      %dma_start3A_504 = arith.constant 0 : i32
      %dma_start3A_505 = arith.constant 0 : i32
      %dma_start3A_506 = tpu.memref_slice %arg9[%dma_start3A_504, %dma_start3A_505] : memref<10240x128xf32, #tpu.memory_space<vmem_shared>> -> memref<10240x128xf32, #tpu.memory_space<vmem_shared>>
      tpu.enqueue_indirect_dma source(%arg12 : memref<88x128xf32, #tpu.memory_space<vmem>>) target(%dma_start3A_506 : memref<10240x128xf32, #tpu.memory_space<vmem_shared>>) offsets(%dma_start3A_503 : memref<88xi32, #tpu.memory_space<vmem>>) semaphore(%arg18 : memref<!tpu.dma_semaphore, #tpu.memory_space<semaphore_mem>>) {add = true}
      %dma_wait3A_507 = arith.constant 0 : i32
      %dma_wait3A_508 = arith.constant 0 : i32
      %dma_wait3A_509 = tpu.memref_slice %arg9[%dma_wait3A_507, %dma_wait3A_508] : memref<10240x128xf32, #tpu.memory_space<vmem_shared>> -> memref<88x128xf32, #tpu.memory_space<vmem_shared>>
      %dma_wait3A_510 = arith.constant 0 : i32
      %dma_wait3A_511 = arith.constant 0 : i32
      %dma_wait3A_512 = tpu.memref_slice %arg9[%dma_wait3A_510, %dma_wait3A_511] : memref<10240x128xf32, #tpu.memory_space<vmem_shared>> -> memref<88x128xf32, #tpu.memory_space<vmem_shared>>
      tpu.wait_dma2 semaphore(%arg17 : memref<!tpu.dma_semaphore, #tpu.memory_space<semaphore_mem>>) src(%arg11 : memref<88x128xf32, #tpu.memory_space<vmem>>) dst(%dma_wait3A_512 : memref<88x128xf32, #tpu.memory_space<vmem_shared>>)
      %add3A_513 = arith.constant 2 : i32
      %add3A_514 = arith.addi %add3A_494, %add3A_513 : i32
      %lt3A_515 = arith.constant 40 : i32
      %lt3A_516 = arith.cmpi slt, %add3A_514, %lt3A_515 : i32
      %add3A_517 = arith.constant 2 : i32
      %add3A_518 = arith.addi %add3A_494, %add3A_517 : i32
      %jit3A_519 = arith.constant 1 : i32
      %select_n3A_520 = arith.select %lt3A_516, %add3A_518, %jit3A_519 : i32
      %dma_start3A_521 = arith.constant 0 : i32
      %dma_start3A_522 = tpu.memref_slice %arg7[%select_n3A_520, %dma_start3A_521] : memref<40x88xi32, #tpu.memory_space<vmem>> -> memref<1x88xi32, #tpu.memory_space<vmem>>
      %dma_start3A_523 = tpu.memref_squeeze %dma_start3A_522 : memref<1x88xi32, #tpu.memory_space<vmem>> -> memref<88xi32, #tpu.memory_space<vmem>>
      %dma_start3A_524 = arith.constant 0 : i32
      %dma_start3A_525 = arith.constant 0 : i32
      %dma_start3A_526 = tpu.memref_slice %arg2[%dma_start3A_524, %dma_start3A_525] : memref<10000x128xf32, #tpu.memory_space<hbm>> -> memref<10000x128xf32, #tpu.memory_space<hbm>>
      tpu.enqueue_indirect_dma source(%dma_start3A_526 : memref<10000x128xf32, #tpu.memory_space<hbm>>) target(%arg11 : memref<88x128xf32, #tpu.memory_space<vmem>>) offsets(%dma_start3A_523 : memref<88xi32, #tpu.memory_space<vmem>>) semaphore(%arg14 : memref<!tpu.dma_semaphore, #tpu.memory_space<semaphore_mem>>)
    }
    %scan3A_375 = arith.constant 12 : i32
    %dma_wait3A_376 = arith.constant 0 : i32
    %dma_wait3A_377 = arith.constant 0 : i32
    %dma_wait3A_378 = tpu.memref_slice %arg2[%dma_wait3A_376, %dma_wait3A_377] : memref<10000x128xf32, #tpu.memory_space<hbm>> -> memref<88x128xf32, #tpu.memory_space<hbm>>
    %dma_wait3A_379 = arith.constant 0 : i32
    %dma_wait3A_380 = arith.constant 0 : i32
    %dma_wait3A_381 = tpu.memref_slice %arg2[%dma_wait3A_379, %dma_wait3A_380] : memref<10000x128xf32, #tpu.memory_space<hbm>> -> memref<88x128xf32, #tpu.memory_space<hbm>>
    tpu.wait_dma2 semaphore(%arg13 : memref<!tpu.dma_semaphore, #tpu.memory_space<semaphore_mem>>) src(%dma_wait3A_381 : memref<88x128xf32, #tpu.memory_space<hbm>>) dst(%arg10 : memref<88x128xf32, #tpu.memory_space<vmem>>)
    %dma_start3A_382 = arith.constant 39 : i32
    %dma_start3A_383 = arith.constant 0 : i32
    %dma_start3A_384 = tpu.memref_slice %arg8[%dma_start3A_382, %dma_start3A_383] : memref<40x88xi32, #tpu.memory_space<vmem>> -> memref<1x88xi32, #tpu.memory_space<vmem>>
    %dma_start3A_385 = tpu.memref_squeeze %dma_start3A_384 : memref<1x88xi32, #tpu.memory_space<vmem>> -> memref<88xi32, #tpu.memory_space<vmem>>
    %dma_start3A_386 = arith.constant 0 : i32
    %dma_start3A_387 = arith.constant 0 : i32
    %dma_start3A_388 = tpu.memref_slice %arg9[%dma_start3A_386, %dma_start3A_387] : memref<10240x128xf32, #tpu.memory_space<vmem_shared>> -> memref<10240x128xf32, #tpu.memory_space<vmem_shared>>
    tpu.enqueue_indirect_dma source(%arg10 : memref<88x128xf32, #tpu.memory_space<vmem>>) target(%dma_start3A_388 : memref<10240x128xf32, #tpu.memory_space<vmem_shared>>) offsets(%dma_start3A_385 : memref<88xi32, #tpu.memory_space<vmem>>) semaphore(%arg16 : memref<!tpu.dma_semaphore, #tpu.memory_space<semaphore_mem>>) {add = true}
    %dma_wait3A_389 = arith.constant 0 : i32
    %dma_wait3A_390 = arith.constant 0 : i32
    %dma_wait3A_391 = tpu.memref_slice %arg9[%dma_wait3A_389, %dma_wait3A_390] : memref<10240x128xf32, #tpu.memory_space<vmem_shared>> -> memref<88x128xf32, #tpu.memory_space<vmem_shared>>
    %dma_wait3A_392 = arith.constant 0 : i32
    %dma_wait3A_393 = arith.constant 0 : i32
    %dma_wait3A_394 = tpu.memref_slice %arg9[%dma_wait3A_392, %dma_wait3A_393] : memref<10240x128xf32, #tpu.memory_space<vmem_shared>> -> memref<88x128xf32, #tpu.memory_space<vmem_shared>>
    tpu.wait_dma2 semaphore(%arg18 : memref<!tpu.dma_semaphore, #tpu.memory_space<semaphore_mem>>) src(%arg12 : memref<88x128xf32, #tpu.memory_space<vmem>>) dst(%dma_wait3A_394 : memref<88x128xf32, #tpu.memory_space<vmem_shared>>)
    %dma_start3A_395 = arith.constant 2 : i32
    %dma_start3A_396 = arith.constant 0 : i32
    %dma_start3A_397 = tpu.memref_slice %arg7[%dma_start3A_395, %dma_start3A_396] : memref<40x88xi32, #tpu.memory_space<vmem>> -> memref<1x88xi32, #tpu.memory_space<vmem>>
    %dma_start3A_398 = tpu.memref_squeeze %dma_start3A_397 : memref<1x88xi32, #tpu.memory_space<vmem>> -> memref<88xi32, #tpu.memory_space<vmem>>
    %dma_start3A_399 = arith.constant 0 : i32
    %dma_start3A_400 = arith.constant 0 : i32
    %dma_start3A_401 = tpu.memref_slice %arg2[%dma_start3A_399, %dma_start3A_400] : memref<10000x128xf32, #tpu.memory_space<hbm>> -> memref<10000x128xf32, #tpu.memory_space<hbm>>
    tpu.enqueue_indirect_dma source(%dma_start3A_401 : memref<10000x128xf32, #tpu.memory_space<hbm>>) target(%arg12 : memref<88x128xf32, #tpu.memory_space<vmem>>) offsets(%dma_start3A_398 : memref<88xi32, #tpu.memory_space<vmem>>) semaphore(%arg15 : memref<!tpu.dma_semaphore, #tpu.memory_space<semaphore_mem>>)
    %dma_wait3A_402 = arith.constant 0 : i32
    %dma_wait3A_403 = arith.constant 0 : i32
    %dma_wait3A_404 = tpu.memref_slice %arg2[%dma_wait3A_402, %dma_wait3A_403] : memref<10000x128xf32, #tpu.memory_space<hbm>> -> memref<88x128xf32, #tpu.memory_space<hbm>>
    %dma_wait3A_405 = arith.constant 0 : i32
    %dma_wait3A_406 = arith.constant 0 : i32
    %dma_wait3A_407 = tpu.memref_slice %arg2[%dma_wait3A_405, %dma_wait3A_406] : memref<10000x128xf32, #tpu.memory_space<hbm>> -> memref<88x128xf32, #tpu.memory_space<hbm>>
    tpu.wait_dma2 semaphore(%arg14 : memref<!tpu.dma_semaphore, #tpu.memory_space<semaphore_mem>>) src(%dma_wait3A_407 : memref<88x128xf32, #tpu.memory_space<hbm>>) dst(%arg11 : memref<88x128xf32, #tpu.memory_space<vmem>>)
    %dma_wait3A_408 = arith.constant 0 : i32
    %dma_wait3A_409 = arith.constant 0 : i32
    %dma_wait3A_410 = tpu.memref_slice %arg2[%dma_wait3A_408, %dma_wait3A_409] : memref<10000x128xf32, #tpu.memory_space<hbm>> -> memref<88x128xf32, #tpu.memory_space<hbm>>
    %dma_wait3A_411 = arith.constant 0 : i32
    %dma_wait3A_412 = arith.constant 0 : i32
    %dma_wait3A_413 = tpu.memref_slice %arg2[%dma_wait3A_411, %dma_wait3A_412] : memref<10000x128xf32, #tpu.memory_space<hbm>> -> memref<88x128xf32, #tpu.memory_space<hbm>>
    tpu.wait_dma2 semaphore(%arg15 : memref<!tpu.dma_semaphore, #tpu.memory_space<semaphore_mem>>) src(%dma_wait3A_413 : memref<88x128xf32, #tpu.memory_space<hbm>>) dst(%arg12 : memref<88x128xf32, #tpu.memory_space<vmem>>)
    %dma_wait3A_414 = arith.constant 0 : i32
    %dma_wait3A_415 = arith.constant 0 : i32
    %dma_wait3A_416 = tpu.memref_slice %arg9[%dma_wait3A_414, %dma_wait3A_415] : memref<10240x128xf32, #tpu.memory_space<vmem_shared>> -> memref<88x128xf32, #tpu.memory_space<vmem_shared>>
    %dma_wait3A_417 = arith.constant 0 : i32
    %dma_wait3A_418 = arith.constant 0 : i32
    %dma_wait3A_419 = tpu.memref_slice %arg9[%dma_wait3A_417, %dma_wait3A_418] : memref<10240x128xf32, #tpu.memory_space<vmem_shared>> -> memref<88x128xf32, #tpu.memory_space<vmem_shared>>
    tpu.wait_dma2 semaphore(%arg16 : memref<!tpu.dma_semaphore, #tpu.memory_space<semaphore_mem>>) src(%arg10 : memref<88x128xf32, #tpu.memory_space<vmem>>) dst(%dma_wait3A_419 : memref<88x128xf32, #tpu.memory_space<vmem_shared>>)
    %barrier3A_420 = arith.constant 0 : index
    tpu.barrier barrier_id(%barrier3A_420)
    "tpu.region"() ({
      %run_scoped3A = tpu.sem_alloc : memref<!tpu.dma_semaphore, #tpu.memory_space<semaphore_mem>>
      %dma_start3A_421 = arith.constant 0 : i32
      %dma_start3A_422 = tpu.memref_slice %arg6[%arg0, %mul3A_2, %dma_start3A_421] : memref<2x10240x128xf32, #tpu.memory_space<hbm>> -> memref<1x640x128xf32, #tpu.memory_space<hbm>>
      %dma_start3A_423 = tpu.memref_squeeze %dma_start3A_422 : memref<1x640x128xf32, #tpu.memory_space<hbm>> -> memref<640x128xf32, #tpu.memory_space<hbm>>
      %dma_start3A_424 = arith.constant 0 : i32
      %dma_start3A_425 = tpu.memref_slice %arg9[%mul3A_2, %dma_start3A_424] : memref<10240x128xf32, #tpu.memory_space<vmem_shared>> -> memref<640x128xf32, #tpu.memory_space<vmem_shared>>
      tpu.enqueue_dma source(%dma_start3A_425 : memref<640x128xf32, #tpu.memory_space<vmem_shared>>) target(%dma_start3A_423 : memref<640x128xf32, #tpu.memory_space<hbm>>) target_semaphore(%run_scoped3A : memref<!tpu.dma_semaphore, #tpu.memory_space<semaphore_mem>>)
      %dma_wait3A_426 = arith.constant 0 : i32
      %dma_wait3A_427 = tpu.memref_slice %arg6[%arg0, %mul3A_2, %dma_wait3A_426] : memref<2x10240x128xf32, #tpu.memory_space<hbm>> -> memref<1x640x128xf32, #tpu.memory_space<hbm>>
      %dma_wait3A_428 = tpu.memref_squeeze %dma_wait3A_427 : memref<1x640x128xf32, #tpu.memory_space<hbm>> -> memref<640x128xf32, #tpu.memory_space<hbm>>
      %dma_wait3A_429 = arith.constant 0 : i32
      %dma_wait3A_430 = tpu.memref_slice %arg9[%mul3A_2, %dma_wait3A_429] : memref<10240x128xf32, #tpu.memory_space<vmem_shared>> -> memref<640x128xf32, #tpu.memory_space<vmem_shared>>
      tpu.wait_dma2 semaphore(%run_scoped3A : memref<!tpu.dma_semaphore, #tpu.memory_space<semaphore_mem>>) src(%dma_wait3A_430 : memref<640x128xf32, #tpu.memory_space<vmem_shared>>) dst(%dma_wait3A_428 : memref<640x128xf32, #tpu.memory_space<hbm>>)
      tpu.yield
    }) : () -> ()
    return
  }
}

#map = affine_map<(d0, d1) -> (0, 0)>
#map1 = affine_map<(d0, d1) -> (0, 0, 0)>
module attributes {stable_mosaic.version = 14 : i64} {
  func.func @body(%arg0: i32, %arg1: i32, %arg2: memref<10000x128xf32, #tpu.memory_space<hbm>>, %arg3: memref<3840x88xi32, #tpu.memory_space<hbm>>, %arg4: memref<3840x88xi32, #tpu.memory_space<hbm>>, %arg5: memref<640x128xf32, #tpu.memory_space<hbm>>, %arg6: memref<2x10240x128xf32, #tpu.memory_space<hbm>>, %arg7: memref<40x88xi32, #tpu.memory_space<vmem>>, %arg8: memref<40x88xi32, #tpu.memory_space<vmem>>, %arg9: memref<10240x128xf32, #tpu.memory_space<vmem_shared>>, %arg10: memref<88x128xf32, #tpu.memory_space<vmem>>, %arg11: memref<88x128xf32, #tpu.memory_space<vmem>>, %arg12: memref<88x128xf32, #tpu.memory_space<vmem>>, %arg13: memref<!tpu.dma_semaphore, #tpu.memory_space<semaphore_mem>>, %arg14: memref<!tpu.dma_semaphore, #tpu.memory_space<semaphore_mem>>, %arg15: memref<!tpu.dma_semaphore, #tpu.memory_space<semaphore_mem>>, %arg16: memref<!tpu.dma_semaphore, #tpu.memory_space<semaphore_mem>>, %arg17: memref<!tpu.dma_semaphore, #tpu.memory_space<semaphore_mem>>, %arg18: memref<!tpu.dma_semaphore, #tpu.memory_space<semaphore_mem>>) attributes {dimension_semantics = [#tpu.dimension_semantics<core_parallel>, #tpu.dimension_semantics<subcore_parallel>], iteration_bounds = array<i64: 2, 16>, scalar_prefetch = 0 : i64, scratch_operands = 12 : i64, tpu.core_type = #tpu.core_type<sc_vector_subcore>, window_params = [{transform_indices = #map}, {transform_indices = #map}, {transform_indices = #map}, {transform_indices = #map}, {transform_indices = #map1}]} {
    %mul3A = arith.constant 16 : i32
    %mul3A_0 = arith.muli %arg0, %mul3A : i32
    %add3A = arith.addi %mul3A_0, %arg1 : i32
    %mul3A_1 = arith.constant 640 : i32
    %mul3A_2 = arith.muli %arg1, %mul3A_1 : i32
    "tpu.region"() ({
      %run_scoped3A = tpu.sem_alloc : memref<!tpu.dma_semaphore, #tpu.memory_space<semaphore_mem>>
      %dma_start3A_421 = arith.constant 0 : i32
      %dma_start3A_422 = tpu.memref_slice %arg9[%mul3A_2, %dma_start3A_421] : memref<10240x128xf32, #tpu.memory_space<vmem_shared>> -> memref<640x128xf32, #tpu.memory_space<vmem_shared>>
      tpu.enqueue_dma source(%arg5 : memref<640x128xf32, #tpu.memory_space<hbm>>) target(%dma_start3A_422 : memref<640x128xf32, #tpu.memory_space<vmem_shared>>) target_semaphore(%run_scoped3A : memref<!tpu.dma_semaphore, #tpu.memory_space<semaphore_mem>>)
      %dma_wait3A_423 = arith.constant 0 : i32
      %dma_wait3A_424 = tpu.memref_slice %arg9[%mul3A_2, %dma_wait3A_423] : memref<10240x128xf32, #tpu.memory_space<vmem_shared>> -> memref<640x128xf32, #tpu.memory_space<vmem_shared>>
      tpu.wait_dma2 semaphore(%run_scoped3A : memref<!tpu.dma_semaphore, #tpu.memory_space<semaphore_mem>>) src(%arg5 : memref<640x128xf32, #tpu.memory_space<hbm>>) dst(%dma_wait3A_424 : memref<640x128xf32, #tpu.memory_space<vmem_shared>>)
      tpu.yield
    }) : () -> ()
    %barrier3A = arith.constant 0 : index
    tpu.barrier barrier_id(%barrier3A)
    %mul3A_3 = arith.constant 120 : i32
    %mul3A_4 = arith.muli %add3A, %mul3A_3 : i32
    %add3A_5 = arith.constant 0 : i32
    %add3A_6 = arith.addi %mul3A_4, %add3A_5 : i32
    "tpu.region"() ({
      %run_scoped3A = tpu.sem_alloc : memref<!tpu.dma_semaphore, #tpu.memory_space<semaphore_mem>>
      %dma_start3A_421 = arith.constant 0 : i32
      %dma_start3A_422 = tpu.memref_slice %arg3[%add3A_6, %dma_start3A_421] : memref<3840x88xi32, #tpu.memory_space<hbm>> -> memref<40x88xi32, #tpu.memory_space<hbm>>
      %dma_start3A_423 = arith.constant 0 : i32
      %dma_start3A_424 = tpu.memref_slice %arg3[%add3A_6, %dma_start3A_423] : memref<3840x88xi32, #tpu.memory_space<hbm>> -> memref<40x88xi32, #tpu.memory_space<hbm>>
      tpu.enqueue_dma source(%dma_start3A_424 : memref<40x88xi32, #tpu.memory_space<hbm>>) target(%arg7 : memref<40x88xi32, #tpu.memory_space<vmem>>) target_semaphore(%run_scoped3A : memref<!tpu.dma_semaphore, #tpu.memory_space<semaphore_mem>>)
      %dma_wait3A_425 = arith.constant 0 : i32
      %dma_wait3A_426 = tpu.memref_slice %arg3[%add3A_6, %dma_wait3A_425] : memref<3840x88xi32, #tpu.memory_space<hbm>> -> memref<40x88xi32, #tpu.memory_space<hbm>>
      %dma_wait3A_427 = arith.constant 0 : i32
      %dma_wait3A_428 = tpu.memref_slice %arg3[%add3A_6, %dma_wait3A_427] : memref<3840x88xi32, #tpu.memory_space<hbm>> -> memref<40x88xi32, #tpu.memory_space<hbm>>
      tpu.wait_dma2 semaphore(%run_scoped3A : memref<!tpu.dma_semaphore, #tpu.memory_space<semaphore_mem>>) src(%dma_wait3A_428 : memref<40x88xi32, #tpu.memory_space<hbm>>) dst(%arg7 : memref<40x88xi32, #tpu.memory_space<vmem>>)
      tpu.yield
    }) : () -> ()
    "tpu.region"() ({
      %run_scoped3A = tpu.sem_alloc : memref<!tpu.dma_semaphore, #tpu.memory_space<semaphore_mem>>
      %dma_start3A_421 = arith.constant 0 : i32
      %dma_start3A_422 = tpu.memref_slice %arg4[%add3A_6, %dma_start3A_421] : memref<3840x88xi32, #tpu.memory_space<hbm>> -> memref<40x88xi32, #tpu.memory_space<hbm>>
      %dma_start3A_423 = arith.constant 0 : i32
      %dma_start3A_424 = tpu.memref_slice %arg4[%add3A_6, %dma_start3A_423] : memref<3840x88xi32, #tpu.memory_space<hbm>> -> memref<40x88xi32, #tpu.memory_space<hbm>>
      tpu.enqueue_dma source(%dma_start3A_424 : memref<40x88xi32, #tpu.memory_space<hbm>>) target(%arg8 : memref<40x88xi32, #tpu.memory_space<vmem>>) target_semaphore(%run_scoped3A : memref<!tpu.dma_semaphore, #tpu.memory_space<semaphore_mem>>)
      %dma_wait3A_425 = arith.constant 0 : i32
      %dma_wait3A_426 = tpu.memref_slice %arg4[%add3A_6, %dma_wait3A_425] : memref<3840x88xi32, #tpu.memory_space<hbm>> -> memref<40x88xi32, #tpu.memory_space<hbm>>
      %dma_wait3A_427 = arith.constant 0 : i32
      %dma_wait3A_428 = tpu.memref_slice %arg4[%add3A_6, %dma_wait3A_427] : memref<3840x88xi32, #tpu.memory_space<hbm>> -> memref<40x88xi32, #tpu.memory_space<hbm>>
      tpu.wait_dma2 semaphore(%run_scoped3A : memref<!tpu.dma_semaphore, #tpu.memory_space<semaphore_mem>>) src(%dma_wait3A_428 : memref<40x88xi32, #tpu.memory_space<hbm>>) dst(%arg8 : memref<40x88xi32, #tpu.memory_space<vmem>>)
      tpu.yield
    }) : () -> ()
    %dma_start3A = arith.constant 0 : i32
    %dma_start3A_7 = arith.constant 0 : i32
    %dma_start3A_8 = tpu.memref_slice %arg7[%dma_start3A, %dma_start3A_7] : memref<40x88xi32, #tpu.memory_space<vmem>> -> memref<1x88xi32, #tpu.memory_space<vmem>>
    %dma_start3A_9 = tpu.memref_squeeze %dma_start3A_8 : memref<1x88xi32, #tpu.memory_space<vmem>> -> memref<88xi32, #tpu.memory_space<vmem>>
    %dma_start3A_10 = arith.constant 0 : i32
    %dma_start3A_11 = arith.constant 0 : i32
    %dma_start3A_12 = tpu.memref_slice %arg2[%dma_start3A_10, %dma_start3A_11] : memref<10000x128xf32, #tpu.memory_space<hbm>> -> memref<10000x128xf32, #tpu.memory_space<hbm>>
    tpu.enqueue_indirect_dma source(%dma_start3A_12 : memref<10000x128xf32, #tpu.memory_space<hbm>>) target(%arg10 : memref<88x128xf32, #tpu.memory_space<vmem>>) offsets(%dma_start3A_9 : memref<88xi32, #tpu.memory_space<vmem>>) semaphore(%arg13 : memref<!tpu.dma_semaphore, #tpu.memory_space<semaphore_mem>>)
    %dma_start3A_13 = arith.constant 1 : i32
    %dma_start3A_14 = arith.constant 0 : i32
    %dma_start3A_15 = tpu.memref_slice %arg7[%dma_start3A_13, %dma_start3A_14] : memref<40x88xi32, #tpu.memory_space<vmem>> -> memref<1x88xi32, #tpu.memory_space<vmem>>
    %dma_start3A_16 = tpu.memref_squeeze %dma_start3A_15 : memref<1x88xi32, #tpu.memory_space<vmem>> -> memref<88xi32, #tpu.memory_space<vmem>>
    %dma_start3A_17 = arith.constant 0 : i32
    %dma_start3A_18 = arith.constant 0 : i32
    %dma_start3A_19 = tpu.memref_slice %arg2[%dma_start3A_17, %dma_start3A_18] : memref<10000x128xf32, #tpu.memory_space<hbm>> -> memref<10000x128xf32, #tpu.memory_space<hbm>>
    tpu.enqueue_indirect_dma source(%dma_start3A_19 : memref<10000x128xf32, #tpu.memory_space<hbm>>) target(%arg11 : memref<88x128xf32, #tpu.memory_space<vmem>>) offsets(%dma_start3A_16 : memref<88xi32, #tpu.memory_space<vmem>>) semaphore(%arg14 : memref<!tpu.dma_semaphore, #tpu.memory_space<semaphore_mem>>)
    %dma_wait3A = arith.constant 0 : i32
    %dma_wait3A_20 = arith.constant 0 : i32
    %dma_wait3A_21 = tpu.memref_slice %arg2[%dma_wait3A, %dma_wait3A_20] : memref<10000x128xf32, #tpu.memory_space<hbm>> -> memref<88x128xf32, #tpu.memory_space<hbm>>
    %dma_wait3A_22 = arith.constant 0 : i32
    %dma_wait3A_23 = arith.constant 0 : i32
    %dma_wait3A_24 = tpu.memref_slice %arg2[%dma_wait3A_22, %dma_wait3A_23] : memref<10000x128xf32, #tpu.memory_space<hbm>> -> memref<88x128xf32, #tpu.memory_space<hbm>>
    tpu.wait_dma2 semaphore(%arg13 : memref<!tpu.dma_semaphore, #tpu.memory_space<semaphore_mem>>) src(%dma_wait3A_24 : memref<88x128xf32, #tpu.memory_space<hbm>>) dst(%arg10 : memref<88x128xf32, #tpu.memory_space<vmem>>)
    %dma_start3A_25 = arith.constant 0 : i32
    %dma_start3A_26 = arith.constant 0 : i32
    %dma_start3A_27 = tpu.memref_slice %arg8[%dma_start3A_25, %dma_start3A_26] : memref<40x88xi32, #tpu.memory_space<vmem>> -> memref<1x88xi32, #tpu.memory_space<vmem>>
    %dma_start3A_28 = tpu.memref_squeeze %dma_start3A_27 : memref<1x88xi32, #tpu.memory_space<vmem>> -> memref<88xi32, #tpu.memory_space<vmem>>
    %dma_start3A_29 = arith.constant 0 : i32
    %dma_start3A_30 = arith.constant 0 : i32
    %dma_start3A_31 = tpu.memref_slice %arg9[%dma_start3A_29, %dma_start3A_30] : memref<10240x128xf32, #tpu.memory_space<vmem_shared>> -> memref<10240x128xf32, #tpu.memory_space<vmem_shared>>
    tpu.enqueue_indirect_dma source(%arg10 : memref<88x128xf32, #tpu.memory_space<vmem>>) target(%dma_start3A_31 : memref<10240x128xf32, #tpu.memory_space<vmem_shared>>) offsets(%dma_start3A_28 : memref<88xi32, #tpu.memory_space<vmem>>) semaphore(%arg16 : memref<!tpu.dma_semaphore, #tpu.memory_space<semaphore_mem>>) {add = true}
    %dma_start3A_32 = arith.constant 2 : i32
    %dma_start3A_33 = arith.constant 0 : i32
    %dma_start3A_34 = tpu.memref_slice %arg7[%dma_start3A_32, %dma_start3A_33] : memref<40x88xi32, #tpu.memory_space<vmem>> -> memref<1x88xi32, #tpu.memory_space<vmem>>
    %dma_start3A_35 = tpu.memref_squeeze %dma_start3A_34 : memref<1x88xi32, #tpu.memory_space<vmem>> -> memref<88xi32, #tpu.memory_space<vmem>>
    %dma_start3A_36 = arith.constant 0 : i32
    %dma_start3A_37 = arith.constant 0 : i32
    %dma_start3A_38 = tpu.memref_slice %arg2[%dma_start3A_36, %dma_start3A_37] : memref<10000x128xf32, #tpu.memory_space<hbm>> -> memref<10000x128xf32, #tpu.memory_space<hbm>>
    tpu.enqueue_indirect_dma source(%dma_start3A_38 : memref<10000x128xf32, #tpu.memory_space<hbm>>) target(%arg12 : memref<88x128xf32, #tpu.memory_space<vmem>>) offsets(%dma_start3A_35 : memref<88xi32, #tpu.memory_space<vmem>>) semaphore(%arg15 : memref<!tpu.dma_semaphore, #tpu.memory_space<semaphore_mem>>)
    %dma_wait3A_39 = arith.constant 0 : i32
    %dma_wait3A_40 = arith.constant 0 : i32
    %dma_wait3A_41 = tpu.memref_slice %arg2[%dma_wait3A_39, %dma_wait3A_40] : memref<10000x128xf32, #tpu.memory_space<hbm>> -> memref<88x128xf32, #tpu.memory_space<hbm>>
    %dma_wait3A_42 = arith.constant 0 : i32
    %dma_wait3A_43 = arith.constant 0 : i32
    %dma_wait3A_44 = tpu.memref_slice %arg2[%dma_wait3A_42, %dma_wait3A_43] : memref<10000x128xf32, #tpu.memory_space<hbm>> -> memref<88x128xf32, #tpu.memory_space<hbm>>
    tpu.wait_dma2 semaphore(%arg14 : memref<!tpu.dma_semaphore, #tpu.memory_space<semaphore_mem>>) src(%dma_wait3A_44 : memref<88x128xf32, #tpu.memory_space<hbm>>) dst(%arg11 : memref<88x128xf32, #tpu.memory_space<vmem>>)
    %dma_start3A_45 = arith.constant 1 : i32
    %dma_start3A_46 = arith.constant 0 : i32
    %dma_start3A_47 = tpu.memref_slice %arg8[%dma_start3A_45, %dma_start3A_46] : memref<40x88xi32, #tpu.memory_space<vmem>> -> memref<1x88xi32, #tpu.memory_space<vmem>>
    %dma_start3A_48 = tpu.memref_squeeze %dma_start3A_47 : memref<1x88xi32, #tpu.memory_space<vmem>> -> memref<88xi32, #tpu.memory_space<vmem>>
    %dma_start3A_49 = arith.constant 0 : i32
    %dma_start3A_50 = arith.constant 0 : i32
    %dma_start3A_51 = tpu.memref_slice %arg9[%dma_start3A_49, %dma_start3A_50] : memref<10240x128xf32, #tpu.memory_space<vmem_shared>> -> memref<10240x128xf32, #tpu.memory_space<vmem_shared>>
    tpu.enqueue_indirect_dma source(%arg11 : memref<88x128xf32, #tpu.memory_space<vmem>>) target(%dma_start3A_51 : memref<10240x128xf32, #tpu.memory_space<vmem_shared>>) offsets(%dma_start3A_48 : memref<88xi32, #tpu.memory_space<vmem>>) semaphore(%arg17 : memref<!tpu.dma_semaphore, #tpu.memory_space<semaphore_mem>>) {add = true}
    %dma_wait3A_52 = arith.constant 0 : i32
    %dma_wait3A_53 = arith.constant 0 : i32
    %dma_wait3A_54 = tpu.memref_slice %arg9[%dma_wait3A_52, %dma_wait3A_53] : memref<10240x128xf32, #tpu.memory_space<vmem_shared>> -> memref<88x128xf32, #tpu.memory_space<vmem_shared>>
    %dma_wait3A_55 = arith.constant 0 : i32
    %dma_wait3A_56 = arith.constant 0 : i32
    %dma_wait3A_57 = tpu.memref_slice %arg9[%dma_wait3A_55, %dma_wait3A_56] : memref<10240x128xf32, #tpu.memory_space<vmem_shared>> -> memref<88x128xf32, #tpu.memory_space<vmem_shared>>
    tpu.wait_dma2 semaphore(%arg16 : memref<!tpu.dma_semaphore, #tpu.memory_space<semaphore_mem>>) src(%arg10 : memref<88x128xf32, #tpu.memory_space<vmem>>) dst(%dma_wait3A_57 : memref<88x128xf32, #tpu.memory_space<vmem_shared>>)
    %dma_start3A_58 = arith.constant 3 : i32
    %dma_start3A_59 = arith.constant 0 : i32
    %dma_start3A_60 = tpu.memref_slice %arg7[%dma_start3A_58, %dma_start3A_59] : memref<40x88xi32, #tpu.memory_space<vmem>> -> memref<1x88xi32, #tpu.memory_space<vmem>>
    %dma_start3A_61 = tpu.memref_squeeze %dma_start3A_60 : memref<1x88xi32, #tpu.memory_space<vmem>> -> memref<88xi32, #tpu.memory_space<vmem>>
    %dma_start3A_62 = arith.constant 0 : i32
    %dma_start3A_63 = arith.constant 0 : i32
    %dma_start3A_64 = tpu.memref_slice %arg2[%dma_start3A_62, %dma_start3A_63] : memref<10000x128xf32, #tpu.memory_space<hbm>> -> memref<10000x128xf32, #tpu.memory_space<hbm>>
    tpu.enqueue_indirect_dma source(%dma_start3A_64 : memref<10000x128xf32, #tpu.memory_space<hbm>>) target(%arg10 : memref<88x128xf32, #tpu.memory_space<vmem>>) offsets(%dma_start3A_61 : memref<88xi32, #tpu.memory_space<vmem>>) semaphore(%arg13 : memref<!tpu.dma_semaphore, #tpu.memory_space<semaphore_mem>>)
    %dma_wait3A_65 = arith.constant 0 : i32
    %dma_wait3A_66 = arith.constant 0 : i32
    %dma_wait3A_67 = tpu.memref_slice %arg2[%dma_wait3A_65, %dma_wait3A_66] : memref<10000x128xf32, #tpu.memory_space<hbm>> -> memref<88x128xf32, #tpu.memory_space<hbm>>
    %dma_wait3A_68 = arith.constant 0 : i32
    %dma_wait3A_69 = arith.constant 0 : i32
    %dma_wait3A_70 = tpu.memref_slice %arg2[%dma_wait3A_68, %dma_wait3A_69] : memref<10000x128xf32, #tpu.memory_space<hbm>> -> memref<88x128xf32, #tpu.memory_space<hbm>>
    tpu.wait_dma2 semaphore(%arg15 : memref<!tpu.dma_semaphore, #tpu.memory_space<semaphore_mem>>) src(%dma_wait3A_70 : memref<88x128xf32, #tpu.memory_space<hbm>>) dst(%arg12 : memref<88x128xf32, #tpu.memory_space<vmem>>)
    %dma_start3A_71 = arith.constant 2 : i32
    %dma_start3A_72 = arith.constant 0 : i32
    %dma_start3A_73 = tpu.memref_slice %arg8[%dma_start3A_71, %dma_start3A_72] : memref<40x88xi32, #tpu.memory_space<vmem>> -> memref<1x88xi32, #tpu.memory_space<vmem>>
    %dma_start3A_74 = tpu.memref_squeeze %dma_start3A_73 : memref<1x88xi32, #tpu.memory_space<vmem>> -> memref<88xi32, #tpu.memory_space<vmem>>
    %dma_start3A_75 = arith.constant 0 : i32
    %dma_start3A_76 = arith.constant 0 : i32
    %dma_start3A_77 = tpu.memref_slice %arg9[%dma_start3A_75, %dma_start3A_76] : memref<10240x128xf32, #tpu.memory_space<vmem_shared>> -> memref<10240x128xf32, #tpu.memory_space<vmem_shared>>
    tpu.enqueue_indirect_dma source(%arg12 : memref<88x128xf32, #tpu.memory_space<vmem>>) target(%dma_start3A_77 : memref<10240x128xf32, #tpu.memory_space<vmem_shared>>) offsets(%dma_start3A_74 : memref<88xi32, #tpu.memory_space<vmem>>) semaphore(%arg18 : memref<!tpu.dma_semaphore, #tpu.memory_space<semaphore_mem>>) {add = true}
    %dma_wait3A_78 = arith.constant 0 : i32
    %dma_wait3A_79 = arith.constant 0 : i32
    %dma_wait3A_80 = tpu.memref_slice %arg9[%dma_wait3A_78, %dma_wait3A_79] : memref<10240x128xf32, #tpu.memory_space<vmem_shared>> -> memref<88x128xf32, #tpu.memory_space<vmem_shared>>
    %dma_wait3A_81 = arith.constant 0 : i32
    %dma_wait3A_82 = arith.constant 0 : i32
    %dma_wait3A_83 = tpu.memref_slice %arg9[%dma_wait3A_81, %dma_wait3A_82] : memref<10240x128xf32, #tpu.memory_space<vmem_shared>> -> memref<88x128xf32, #tpu.memory_space<vmem_shared>>
    tpu.wait_dma2 semaphore(%arg17 : memref<!tpu.dma_semaphore, #tpu.memory_space<semaphore_mem>>) src(%arg11 : memref<88x128xf32, #tpu.memory_space<vmem>>) dst(%dma_wait3A_83 : memref<88x128xf32, #tpu.memory_space<vmem_shared>>)
    %dma_start3A_84 = arith.constant 4 : i32
    %dma_start3A_85 = arith.constant 0 : i32
    %dma_start3A_86 = tpu.memref_slice %arg7[%dma_start3A_84, %dma_start3A_85] : memref<40x88xi32, #tpu.memory_space<vmem>> -> memref<1x88xi32, #tpu.memory_space<vmem>>
    %dma_start3A_87 = tpu.memref_squeeze %dma_start3A_86 : memref<1x88xi32, #tpu.memory_space<vmem>> -> memref<88xi32, #tpu.memory_space<vmem>>
    %dma_start3A_88 = arith.constant 0 : i32
    %dma_start3A_89 = arith.constant 0 : i32
    %dma_start3A_90 = tpu.memref_slice %arg2[%dma_start3A_88, %dma_start3A_89] : memref<10000x128xf32, #tpu.memory_space<hbm>> -> memref<10000x128xf32, #tpu.memory_space<hbm>>
    tpu.enqueue_indirect_dma source(%dma_start3A_90 : memref<10000x128xf32, #tpu.memory_space<hbm>>) target(%arg11 : memref<88x128xf32, #tpu.memory_space<vmem>>) offsets(%dma_start3A_87 : memref<88xi32, #tpu.memory_space<vmem>>) semaphore(%arg14 : memref<!tpu.dma_semaphore, #tpu.memory_space<semaphore_mem>>)
    %scan3A = arith.constant 0 : i32
    %scan3A_91 = arith.constant 1 : i32
    %scan3A_92 = arith.constant 12 : i32
    %scan3A_93 = arith.addi %scan3A_91, %scan3A_92 : i32
    %scan3A_94 = arith.constant 1 : i32
    scf.for %scan3A_421 = %scan3A_91 to %scan3A_93 step %scan3A_94  : i32 {
      %mul3A_422 = arith.constant 3 : i32
      %mul3A_423 = arith.muli %scan3A_421, %mul3A_422 : i32
      %add3A_424 = arith.constant 0 : i32
      %add3A_425 = arith.addi %mul3A_423, %add3A_424 : i32
      %dma_wait3A_426 = arith.constant 0 : i32
      %dma_wait3A_427 = arith.constant 0 : i32
      %dma_wait3A_428 = tpu.memref_slice %arg2[%dma_wait3A_426, %dma_wait3A_427] : memref<10000x128xf32, #tpu.memory_space<hbm>> -> memref<88x128xf32, #tpu.memory_space<hbm>>
      %dma_wait3A_429 = arith.constant 0 : i32
      %dma_wait3A_430 = arith.constant 0 : i32
      %dma_wait3A_431 = tpu.memref_slice %arg2[%dma_wait3A_429, %dma_wait3A_430] : memref<10000x128xf32, #tpu.memory_space<hbm>> -> memref<88x128xf32, #tpu.memory_space<hbm>>
      tpu.wait_dma2 semaphore(%arg13 : memref<!tpu.dma_semaphore, #tpu.memory_space<semaphore_mem>>) src(%dma_wait3A_431 : memref<88x128xf32, #tpu.memory_space<hbm>>) dst(%arg10 : memref<88x128xf32, #tpu.memory_space<vmem>>)
      %dma_start3A_432 = arith.constant 0 : i32
      %dma_start3A_433 = tpu.memref_slice %arg8[%add3A_425, %dma_start3A_432] : memref<40x88xi32, #tpu.memory_space<vmem>> -> memref<1x88xi32, #tpu.memory_space<vmem>>
      %dma_start3A_434 = tpu.memref_squeeze %dma_start3A_433 : memref<1x88xi32, #tpu.memory_space<vmem>> -> memref<88xi32, #tpu.memory_space<vmem>>
      %dma_start3A_435 = arith.constant 0 : i32
      %dma_start3A_436 = arith.constant 0 : i32
      %dma_start3A_437 = tpu.memref_slice %arg9[%dma_start3A_435, %dma_start3A_436] : memref<10240x128xf32, #tpu.memory_space<vmem_shared>> -> memref<10240x128xf32, #tpu.memory_space<vmem_shared>>
      tpu.enqueue_indirect_dma source(%arg10 : memref<88x128xf32, #tpu.memory_space<vmem>>) target(%dma_start3A_437 : memref<10240x128xf32, #tpu.memory_space<vmem_shared>>) offsets(%dma_start3A_434 : memref<88xi32, #tpu.memory_space<vmem>>) semaphore(%arg16 : memref<!tpu.dma_semaphore, #tpu.memory_space<semaphore_mem>>) {add = true}
      %dma_wait3A_438 = arith.constant 0 : i32
      %dma_wait3A_439 = arith.constant 0 : i32
      %dma_wait3A_440 = tpu.memref_slice %arg9[%dma_wait3A_438, %dma_wait3A_439] : memref<10240x128xf32, #tpu.memory_space<vmem_shared>> -> memref<88x128xf32, #tpu.memory_space<vmem_shared>>
      %dma_wait3A_441 = arith.constant 0 : i32
      %dma_wait3A_442 = arith.constant 0 : i32
      %dma_wait3A_443 = tpu.memref_slice %arg9[%dma_wait3A_441, %dma_wait3A_442] : memref<10240x128xf32, #tpu.memory_space<vmem_shared>> -> memref<88x128xf32, #tpu.memory_space<vmem_shared>>
      tpu.wait_dma2 semaphore(%arg18 : memref<!tpu.dma_semaphore, #tpu.memory_space<semaphore_mem>>) src(%arg12 : memref<88x128xf32, #tpu.memory_space<vmem>>) dst(%dma_wait3A_443 : memref<88x128xf32, #tpu.memory_space<vmem_shared>>)
      %add3A_444 = arith.constant 2 : i32
      %add3A_445 = arith.addi %add3A_425, %add3A_444 : i32
      %lt3A = arith.constant 40 : i32
      %lt3A_446 = arith.cmpi slt, %add3A_445, %lt3A : i32
      %add3A_447 = arith.constant 2 : i32
      %add3A_448 = arith.addi %add3A_425, %add3A_447 : i32
      %jit3A = arith.constant 2 : i32
      %select_n3A = arith.select %lt3A_446, %add3A_448, %jit3A : i32
      %dma_start3A_449 = arith.constant 0 : i32
      %dma_start3A_450 = tpu.memref_slice %arg7[%select_n3A, %dma_start3A_449] : memref<40x88xi32, #tpu.memory_space<vmem>> -> memref<1x88xi32, #tpu.memory_space<vmem>>
      %dma_start3A_451 = tpu.memref_squeeze %dma_start3A_450 : memref<1x88xi32, #tpu.memory_space<vmem>> -> memref<88xi32, #tpu.memory_space<vmem>>
      %dma_start3A_452 = arith.constant 0 : i32
      %dma_start3A_453 = arith.constant 0 : i32
      %dma_start3A_454 = tpu.memref_slice %arg2[%dma_start3A_452, %dma_start3A_453] : memref<10000x128xf32, #tpu.memory_space<hbm>> -> memref<10000x128xf32, #tpu.memory_space<hbm>>
      tpu.enqueue_indirect_dma source(%dma_start3A_454 : memref<10000x128xf32, #tpu.memory_space<hbm>>) target(%arg12 : memref<88x128xf32, #tpu.memory_space<vmem>>) offsets(%dma_start3A_451 : memref<88xi32, #tpu.memory_space<vmem>>) semaphore(%arg15 : memref<!tpu.dma_semaphore, #tpu.memory_space<semaphore_mem>>)
      %mul3A_455 = arith.constant 3 : i32
      %mul3A_456 = arith.muli %scan3A_421, %mul3A_455 : i32
      %add3A_457 = arith.constant 1 : i32
      %add3A_458 = arith.addi %mul3A_456, %add3A_457 : i32
      %dma_wait3A_459 = arith.constant 0 : i32
      %dma_wait3A_460 = arith.constant 0 : i32
      %dma_wait3A_461 = tpu.memref_slice %arg2[%dma_wait3A_459, %dma_wait3A_460] : memref<10000x128xf32, #tpu.memory_space<hbm>> -> memref<88x128xf32, #tpu.memory_space<hbm>>
      %dma_wait3A_462 = arith.constant 0 : i32
      %dma_wait3A_463 = arith.constant 0 : i32
      %dma_wait3A_464 = tpu.memref_slice %arg2[%dma_wait3A_462, %dma_wait3A_463] : memref<10000x128xf32, #tpu.memory_space<hbm>> -> memref<88x128xf32, #tpu.memory_space<hbm>>
      tpu.wait_dma2 semaphore(%arg14 : memref<!tpu.dma_semaphore, #tpu.memory_space<semaphore_mem>>) src(%dma_wait3A_464 : memref<88x128xf32, #tpu.memory_space<hbm>>) dst(%arg11 : memref<88x128xf32, #tpu.memory_space<vmem>>)
      %dma_start3A_465 = arith.constant 0 : i32
      %dma_start3A_466 = tpu.memref_slice %arg8[%add3A_458, %dma_start3A_465] : memref<40x88xi32, #tpu.memory_space<vmem>> -> memref<1x88xi32, #tpu.memory_space<vmem>>
      %dma_start3A_467 = tpu.memref_squeeze %dma_start3A_466 : memref<1x88xi32, #tpu.memory_space<vmem>> -> memref<88xi32, #tpu.memory_space<vmem>>
      %dma_start3A_468 = arith.constant 0 : i32
      %dma_start3A_469 = arith.constant 0 : i32
      %dma_start3A_470 = tpu.memref_slice %arg9[%dma_start3A_468, %dma_start3A_469] : memref<10240x128xf32, #tpu.memory_space<vmem_shared>> -> memref<10240x128xf32, #tpu.memory_space<vmem_shared>>
      tpu.enqueue_indirect_dma source(%arg11 : memref<88x128xf32, #tpu.memory_space<vmem>>) target(%dma_start3A_470 : memref<10240x128xf32, #tpu.memory_space<vmem_shared>>) offsets(%dma_start3A_467 : memref<88xi32, #tpu.memory_space<vmem>>) semaphore(%arg17 : memref<!tpu.dma_semaphore, #tpu.memory_space<semaphore_mem>>) {add = true}
      %dma_wait3A_471 = arith.constant 0 : i32
      %dma_wait3A_472 = arith.constant 0 : i32
      %dma_wait3A_473 = tpu.memref_slice %arg9[%dma_wait3A_471, %dma_wait3A_472] : memref<10240x128xf32, #tpu.memory_space<vmem_shared>> -> memref<88x128xf32, #tpu.memory_space<vmem_shared>>
      %dma_wait3A_474 = arith.constant 0 : i32
      %dma_wait3A_475 = arith.constant 0 : i32
      %dma_wait3A_476 = tpu.memref_slice %arg9[%dma_wait3A_474, %dma_wait3A_475] : memref<10240x128xf32, #tpu.memory_space<vmem_shared>> -> memref<88x128xf32, #tpu.memory_space<vmem_shared>>
      tpu.wait_dma2 semaphore(%arg16 : memref<!tpu.dma_semaphore, #tpu.memory_space<semaphore_mem>>) src(%arg10 : memref<88x128xf32, #tpu.memory_space<vmem>>) dst(%dma_wait3A_476 : memref<88x128xf32, #tpu.memory_space<vmem_shared>>)
      %add3A_477 = arith.constant 2 : i32
      %add3A_478 = arith.addi %add3A_458, %add3A_477 : i32
      %lt3A_479 = arith.constant 40 : i32
      %lt3A_480 = arith.cmpi slt, %add3A_478, %lt3A_479 : i32
      %add3A_481 = arith.constant 2 : i32
      %add3A_482 = arith.addi %add3A_458, %add3A_481 : i32
      %jit3A_483 = arith.constant 0 : i32
      %select_n3A_484 = arith.select %lt3A_480, %add3A_482, %jit3A_483 : i32
      %dma_start3A_485 = arith.constant 0 : i32
      %dma_start3A_486 = tpu.memref_slice %arg7[%select_n3A_484, %dma_start3A_485] : memref<40x88xi32, #tpu.memory_space<vmem>> -> memref<1x88xi32, #tpu.memory_space<vmem>>
      %dma_start3A_487 = tpu.memref_squeeze %dma_start3A_486 : memref<1x88xi32, #tpu.memory_space<vmem>> -> memref<88xi32, #tpu.memory_space<vmem>>
      %dma_start3A_488 = arith.constant 0 : i32
      %dma_start3A_489 = arith.constant 0 : i32
      %dma_start3A_490 = tpu.memref_slice %arg2[%dma_start3A_488, %dma_start3A_489] : memref<10000x128xf32, #tpu.memory_space<hbm>> -> memref<10000x128xf32, #tpu.memory_space<hbm>>
      tpu.enqueue_indirect_dma source(%dma_start3A_490 : memref<10000x128xf32, #tpu.memory_space<hbm>>) target(%arg10 : memref<88x128xf32, #tpu.memory_space<vmem>>) offsets(%dma_start3A_487 : memref<88xi32, #tpu.memory_space<vmem>>) semaphore(%arg13 : memref<!tpu.dma_semaphore, #tpu.memory_space<semaphore_mem>>)
      %mul3A_491 = arith.constant 3 : i32
      %mul3A_492 = arith.muli %scan3A_421, %mul3A_491 : i32
      %add3A_493 = arith.constant 2 : i32
      %add3A_494 = arith.addi %mul3A_492, %add3A_493 : i32
      %dma_wait3A_495 = arith.constant 0 : i32
      %dma_wait3A_496 = arith.constant 0 : i32
      %dma_wait3A_497 = tpu.memref_slice %arg2[%dma_wait3A_495, %dma_wait3A_496] : memref<10000x128xf32, #tpu.memory_space<hbm>> -> memref<88x128xf32, #tpu.memory_space<hbm>>
      %dma_wait3A_498 = arith.constant 0 : i32
      %dma_wait3A_499 = arith.constant 0 : i32
      %dma_wait3A_500 = tpu.memref_slice %arg2[%dma_wait3A_498, %dma_wait3A_499] : memref<10000x128xf32, #tpu.memory_space<hbm>> -> memref<88x128xf32, #tpu.memory_space<hbm>>
      tpu.wait_dma2 semaphore(%arg15 : memref<!tpu.dma_semaphore, #tpu.memory_space<semaphore_mem>>) src(%dma_wait3A_500 : memref<88x128xf32, #tpu.memory_space<hbm>>) dst(%arg12 : memref<88x128xf32, #tpu.memory_space<vmem>>)
      %dma_start3A_501 = arith.constant 0 : i32
      %dma_start3A_502 = tpu.memref_slice %arg8[%add3A_494, %dma_start3A_501] : memref<40x88xi32, #tpu.memory_space<vmem>> -> memref<1x88xi32, #tpu.memory_space<vmem>>
      %dma_start3A_503 = tpu.memref_squeeze %dma_start3A_502 : memref<1x88xi32, #tpu.memory_space<vmem>> -> memref<88xi32, #tpu.memory_space<vmem>>
      %dma_start3A_504 = arith.constant 0 : i32
      %dma_start3A_505 = arith.constant 0 : i32
      %dma_start3A_506 = tpu.memref_slice %arg9[%dma_start3A_504, %dma_start3A_505] : memref<10240x128xf32, #tpu.memory_space<vmem_shared>> -> memref<10240x128xf32, #tpu.memory_space<vmem_shared>>
      tpu.enqueue_indirect_dma source(%arg12 : memref<88x128xf32, #tpu.memory_space<vmem>>) target(%dma_start3A_506 : memref<10240x128xf32, #tpu.memory_space<vmem_shared>>) offsets(%dma_start3A_503 : memref<88xi32, #tpu.memory_space<vmem>>) semaphore(%arg18 : memref<!tpu.dma_semaphore, #tpu.memory_space<semaphore_mem>>) {add = true}
      %dma_wait3A_507 = arith.constant 0 : i32
      %dma_wait3A_508 = arith.constant 0 : i32
      %dma_wait3A_509 = tpu.memref_slice %arg9[%dma_wait3A_507, %dma_wait3A_508] : memref<10240x128xf32, #tpu.memory_space<vmem_shared>> -> memref<88x128xf32, #tpu.memory_space<vmem_shared>>
      %dma_wait3A_510 = arith.constant 0 : i32
      %dma_wait3A_511 = arith.constant 0 : i32
      %dma_wait3A_512 = tpu.memref_slice %arg9[%dma_wait3A_510, %dma_wait3A_511] : memref<10240x128xf32, #tpu.memory_space<vmem_shared>> -> memref<88x128xf32, #tpu.memory_space<vmem_shared>>
      tpu.wait_dma2 semaphore(%arg17 : memref<!tpu.dma_semaphore, #tpu.memory_space<semaphore_mem>>) src(%arg11 : memref<88x128xf32, #tpu.memory_space<vmem>>) dst(%dma_wait3A_512 : memref<88x128xf32, #tpu.memory_space<vmem_shared>>)
      %add3A_513 = arith.constant 2 : i32
      %add3A_514 = arith.addi %add3A_494, %add3A_513 : i32
      %lt3A_515 = arith.constant 40 : i32
      %lt3A_516 = arith.cmpi slt, %add3A_514, %lt3A_515 : i32
      %add3A_517 = arith.constant 2 : i32
      %add3A_518 = arith.addi %add3A_494, %add3A_517 : i32
      %jit3A_519 = arith.constant 1 : i32
      %select_n3A_520 = arith.select %lt3A_516, %add3A_518, %jit3A_519 : i32
      %dma_start3A_521 = arith.constant 0 : i32
      %dma_start3A_522 = tpu.memref_slice %arg7[%select_n3A_520, %dma_start3A_521] : memref<40x88xi32, #tpu.memory_space<vmem>> -> memref<1x88xi32, #tpu.memory_space<vmem>>
      %dma_start3A_523 = tpu.memref_squeeze %dma_start3A_522 : memref<1x88xi32, #tpu.memory_space<vmem>> -> memref<88xi32, #tpu.memory_space<vmem>>
      %dma_start3A_524 = arith.constant 0 : i32
      %dma_start3A_525 = arith.constant 0 : i32
      %dma_start3A_526 = tpu.memref_slice %arg2[%dma_start3A_524, %dma_start3A_525] : memref<10000x128xf32, #tpu.memory_space<hbm>> -> memref<10000x128xf32, #tpu.memory_space<hbm>>
      tpu.enqueue_indirect_dma source(%dma_start3A_526 : memref<10000x128xf32, #tpu.memory_space<hbm>>) target(%arg11 : memref<88x128xf32, #tpu.memory_space<vmem>>) offsets(%dma_start3A_523 : memref<88xi32, #tpu.memory_space<vmem>>) semaphore(%arg14 : memref<!tpu.dma_semaphore, #tpu.memory_space<semaphore_mem>>)
    }
    %scan3A_95 = arith.constant 12 : i32
    %dma_wait3A_96 = arith.constant 0 : i32
    %dma_wait3A_97 = arith.constant 0 : i32
    %dma_wait3A_98 = tpu.memref_slice %arg2[%dma_wait3A_96, %dma_wait3A_97] : memref<10000x128xf32, #tpu.memory_space<hbm>> -> memref<88x128xf32, #tpu.memory_space<hbm>>
    %dma_wait3A_99 = arith.constant 0 : i32
    %dma_wait3A_100 = arith.constant 0 : i32
    %dma_wait3A_101 = tpu.memref_slice %arg2[%dma_wait3A_99, %dma_wait3A_100] : memref<10000x128xf32, #tpu.memory_space<hbm>> -> memref<88x128xf32, #tpu.memory_space<hbm>>
    tpu.wait_dma2 semaphore(%arg13 : memref<!tpu.dma_semaphore, #tpu.memory_space<semaphore_mem>>) src(%dma_wait3A_101 : memref<88x128xf32, #tpu.memory_space<hbm>>) dst(%arg10 : memref<88x128xf32, #tpu.memory_space<vmem>>)
    %dma_start3A_102 = arith.constant 39 : i32
    %dma_start3A_103 = arith.constant 0 : i32
    %dma_start3A_104 = tpu.memref_slice %arg8[%dma_start3A_102, %dma_start3A_103] : memref<40x88xi32, #tpu.memory_space<vmem>> -> memref<1x88xi32, #tpu.memory_space<vmem>>
    %dma_start3A_105 = tpu.memref_squeeze %dma_start3A_104 : memref<1x88xi32, #tpu.memory_space<vmem>> -> memref<88xi32, #tpu.memory_space<vmem>>
    %dma_start3A_106 = arith.constant 0 : i32
    %dma_start3A_107 = arith.constant 0 : i32
    %dma_start3A_108 = tpu.memref_slice %arg9[%dma_start3A_106, %dma_start3A_107] : memref<10240x128xf32, #tpu.memory_space<vmem_shared>> -> memref<10240x128xf32, #tpu.memory_space<vmem_shared>>
    tpu.enqueue_indirect_dma source(%arg10 : memref<88x128xf32, #tpu.memory_space<vmem>>) target(%dma_start3A_108 : memref<10240x128xf32, #tpu.memory_space<vmem_shared>>) offsets(%dma_start3A_105 : memref<88xi32, #tpu.memory_space<vmem>>) semaphore(%arg16 : memref<!tpu.dma_semaphore, #tpu.memory_space<semaphore_mem>>) {add = true}
    %dma_wait3A_109 = arith.constant 0 : i32
    %dma_wait3A_110 = arith.constant 0 : i32
    %dma_wait3A_111 = tpu.memref_slice %arg9[%dma_wait3A_109, %dma_wait3A_110] : memref<10240x128xf32, #tpu.memory_space<vmem_shared>> -> memref<88x128xf32, #tpu.memory_space<vmem_shared>>
    %dma_wait3A_112 = arith.constant 0 : i32
    %dma_wait3A_113 = arith.constant 0 : i32
    %dma_wait3A_114 = tpu.memref_slice %arg9[%dma_wait3A_112, %dma_wait3A_113] : memref<10240x128xf32, #tpu.memory_space<vmem_shared>> -> memref<88x128xf32, #tpu.memory_space<vmem_shared>>
    tpu.wait_dma2 semaphore(%arg18 : memref<!tpu.dma_semaphore, #tpu.memory_space<semaphore_mem>>) src(%arg12 : memref<88x128xf32, #tpu.memory_space<vmem>>) dst(%dma_wait3A_114 : memref<88x128xf32, #tpu.memory_space<vmem_shared>>)
    %dma_start3A_115 = arith.constant 2 : i32
    %dma_start3A_116 = arith.constant 0 : i32
    %dma_start3A_117 = tpu.memref_slice %arg7[%dma_start3A_115, %dma_start3A_116] : memref<40x88xi32, #tpu.memory_space<vmem>> -> memref<1x88xi32, #tpu.memory_space<vmem>>
    %dma_start3A_118 = tpu.memref_squeeze %dma_start3A_117 : memref<1x88xi32, #tpu.memory_space<vmem>> -> memref<88xi32, #tpu.memory_space<vmem>>
    %dma_start3A_119 = arith.constant 0 : i32
    %dma_start3A_120 = arith.constant 0 : i32
    %dma_start3A_121 = tpu.memref_slice %arg2[%dma_start3A_119, %dma_start3A_120] : memref<10000x128xf32, #tpu.memory_space<hbm>> -> memref<10000x128xf32, #tpu.memory_space<hbm>>
    tpu.enqueue_indirect_dma source(%dma_start3A_121 : memref<10000x128xf32, #tpu.memory_space<hbm>>) target(%arg12 : memref<88x128xf32, #tpu.memory_space<vmem>>) offsets(%dma_start3A_118 : memref<88xi32, #tpu.memory_space<vmem>>) semaphore(%arg15 : memref<!tpu.dma_semaphore, #tpu.memory_space<semaphore_mem>>)
    %dma_wait3A_122 = arith.constant 0 : i32
    %dma_wait3A_123 = arith.constant 0 : i32
    %dma_wait3A_124 = tpu.memref_slice %arg2[%dma_wait3A_122, %dma_wait3A_123] : memref<10000x128xf32, #tpu.memory_space<hbm>> -> memref<88x128xf32, #tpu.memory_space<hbm>>
    %dma_wait3A_125 = arith.constant 0 : i32
    %dma_wait3A_126 = arith.constant 0 : i32
    %dma_wait3A_127 = tpu.memref_slice %arg2[%dma_wait3A_125, %dma_wait3A_126] : memref<10000x128xf32, #tpu.memory_space<hbm>> -> memref<88x128xf32, #tpu.memory_space<hbm>>
    tpu.wait_dma2 semaphore(%arg14 : memref<!tpu.dma_semaphore, #tpu.memory_space<semaphore_mem>>) src(%dma_wait3A_127 : memref<88x128xf32, #tpu.memory_space<hbm>>) dst(%arg11 : memref<88x128xf32, #tpu.memory_space<vmem>>)
    %dma_wait3A_128 = arith.constant 0 : i32
    %dma_wait3A_129 = arith.constant 0 : i32
    %dma_wait3A_130 = tpu.memref_slice %arg2[%dma_wait3A_128, %dma_wait3A_129] : memref<10000x128xf32, #tpu.memory_space<hbm>> -> memref<88x128xf32, #tpu.memory_space<hbm>>
    %dma_wait3A_131 = arith.constant 0 : i32
    %dma_wait3A_132 = arith.constant 0 : i32
    %dma_wait3A_133 = tpu.memref_slice %arg2[%dma_wait3A_131, %dma_wait3A_132] : memref<10000x128xf32, #tpu.memory_space<hbm>> -> memref<88x128xf32, #tpu.memory_space<hbm>>
    tpu.wait_dma2 semaphore(%arg15 : memref<!tpu.dma_semaphore, #tpu.memory_space<semaphore_mem>>) src(%dma_wait3A_133 : memref<88x128xf32, #tpu.memory_space<hbm>>) dst(%arg12 : memref<88x128xf32, #tpu.memory_space<vmem>>)
    %dma_wait3A_134 = arith.constant 0 : i32
    %dma_wait3A_135 = arith.constant 0 : i32
    %dma_wait3A_136 = tpu.memref_slice %arg9[%dma_wait3A_134, %dma_wait3A_135] : memref<10240x128xf32, #tpu.memory_space<vmem_shared>> -> memref<88x128xf32, #tpu.memory_space<vmem_shared>>
    %dma_wait3A_137 = arith.constant 0 : i32
    %dma_wait3A_138 = arith.constant 0 : i32
    %dma_wait3A_139 = tpu.memref_slice %arg9[%dma_wait3A_137, %dma_wait3A_138] : memref<10240x128xf32, #tpu.memory_space<vmem_shared>> -> memref<88x128xf32, #tpu.memory_space<vmem_shared>>
    tpu.wait_dma2 semaphore(%arg16 : memref<!tpu.dma_semaphore, #tpu.memory_space<semaphore_mem>>) src(%arg10 : memref<88x128xf32, #tpu.memory_space<vmem>>) dst(%dma_wait3A_139 : memref<88x128xf32, #tpu.memory_space<vmem_shared>>)
    %mul3A_140 = arith.constant 120 : i32
    %mul3A_141 = arith.muli %add3A, %mul3A_140 : i32
    %add3A_142 = arith.constant 40 : i32
    %add3A_143 = arith.addi %mul3A_141, %add3A_142 : i32
    "tpu.region"() ({
      %run_scoped3A = tpu.sem_alloc : memref<!tpu.dma_semaphore, #tpu.memory_space<semaphore_mem>>
      %dma_start3A_421 = arith.constant 0 : i32
      %dma_start3A_422 = tpu.memref_slice %arg3[%add3A_143, %dma_start3A_421] : memref<3840x88xi32, #tpu.memory_space<hbm>> -> memref<40x88xi32, #tpu.memory_space<hbm>>
      %dma_start3A_423 = arith.constant 0 : i32
      %dma_start3A_424 = tpu.memref_slice %arg3[%add3A_143, %dma_start3A_423] : memref<3840x88xi32, #tpu.memory_space<hbm>> -> memref<40x88xi32, #tpu.memory_space<hbm>>
      tpu.enqueue_dma source(%dma_start3A_424 : memref<40x88xi32, #tpu.memory_space<hbm>>) target(%arg7 : memref<40x88xi32, #tpu.memory_space<vmem>>) target_semaphore(%run_scoped3A : memref<!tpu.dma_semaphore, #tpu.memory_space<semaphore_mem>>)
      %dma_wait3A_425 = arith.constant 0 : i32
      %dma_wait3A_426 = tpu.memref_slice %arg3[%add3A_143, %dma_wait3A_425] : memref<3840x88xi32, #tpu.memory_space<hbm>> -> memref<40x88xi32, #tpu.memory_space<hbm>>
      %dma_wait3A_427 = arith.constant 0 : i32
      %dma_wait3A_428 = tpu.memref_slice %arg3[%add3A_143, %dma_wait3A_427] : memref<3840x88xi32, #tpu.memory_space<hbm>> -> memref<40x88xi32, #tpu.memory_space<hbm>>
      tpu.wait_dma2 semaphore(%run_scoped3A : memref<!tpu.dma_semaphore, #tpu.memory_space<semaphore_mem>>) src(%dma_wait3A_428 : memref<40x88xi32, #tpu.memory_space<hbm>>) dst(%arg7 : memref<40x88xi32, #tpu.memory_space<vmem>>)
      tpu.yield
    }) : () -> ()
    "tpu.region"() ({
      %run_scoped3A = tpu.sem_alloc : memref<!tpu.dma_semaphore, #tpu.memory_space<semaphore_mem>>
      %dma_start3A_421 = arith.constant 0 : i32
      %dma_start3A_422 = tpu.memref_slice %arg4[%add3A_143, %dma_start3A_421] : memref<3840x88xi32, #tpu.memory_space<hbm>> -> memref<40x88xi32, #tpu.memory_space<hbm>>
      %dma_start3A_423 = arith.constant 0 : i32
      %dma_start3A_424 = tpu.memref_slice %arg4[%add3A_143, %dma_start3A_423] : memref<3840x88xi32, #tpu.memory_space<hbm>> -> memref<40x88xi32, #tpu.memory_space<hbm>>
      tpu.enqueue_dma source(%dma_start3A_424 : memref<40x88xi32, #tpu.memory_space<hbm>>) target(%arg8 : memref<40x88xi32, #tpu.memory_space<vmem>>) target_semaphore(%run_scoped3A : memref<!tpu.dma_semaphore, #tpu.memory_space<semaphore_mem>>)
      %dma_wait3A_425 = arith.constant 0 : i32
      %dma_wait3A_426 = tpu.memref_slice %arg4[%add3A_143, %dma_wait3A_425] : memref<3840x88xi32, #tpu.memory_space<hbm>> -> memref<40x88xi32, #tpu.memory_space<hbm>>
      %dma_wait3A_427 = arith.constant 0 : i32
      %dma_wait3A_428 = tpu.memref_slice %arg4[%add3A_143, %dma_wait3A_427] : memref<3840x88xi32, #tpu.memory_space<hbm>> -> memref<40x88xi32, #tpu.memory_space<hbm>>
      tpu.wait_dma2 semaphore(%run_scoped3A : memref<!tpu.dma_semaphore, #tpu.memory_space<semaphore_mem>>) src(%dma_wait3A_428 : memref<40x88xi32, #tpu.memory_space<hbm>>) dst(%arg8 : memref<40x88xi32, #tpu.memory_space<vmem>>)
      tpu.yield
    }) : () -> ()
    %dma_start3A_144 = arith.constant 0 : i32
    %dma_start3A_145 = arith.constant 0 : i32
    %dma_start3A_146 = tpu.memref_slice %arg7[%dma_start3A_144, %dma_start3A_145] : memref<40x88xi32, #tpu.memory_space<vmem>> -> memref<1x88xi32, #tpu.memory_space<vmem>>
    %dma_start3A_147 = tpu.memref_squeeze %dma_start3A_146 : memref<1x88xi32, #tpu.memory_space<vmem>> -> memref<88xi32, #tpu.memory_space<vmem>>
    %dma_start3A_148 = arith.constant 0 : i32
    %dma_start3A_149 = arith.constant 0 : i32
    %dma_start3A_150 = tpu.memref_slice %arg2[%dma_start3A_148, %dma_start3A_149] : memref<10000x128xf32, #tpu.memory_space<hbm>> -> memref<10000x128xf32, #tpu.memory_space<hbm>>
    tpu.enqueue_indirect_dma source(%dma_start3A_150 : memref<10000x128xf32, #tpu.memory_space<hbm>>) target(%arg10 : memref<88x128xf32, #tpu.memory_space<vmem>>) offsets(%dma_start3A_147 : memref<88xi32, #tpu.memory_space<vmem>>) semaphore(%arg13 : memref<!tpu.dma_semaphore, #tpu.memory_space<semaphore_mem>>)
    %dma_start3A_151 = arith.constant 1 : i32
    %dma_start3A_152 = arith.constant 0 : i32
    %dma_start3A_153 = tpu.memref_slice %arg7[%dma_start3A_151, %dma_start3A_152] : memref<40x88xi32, #tpu.memory_space<vmem>> -> memref<1x88xi32, #tpu.memory_space<vmem>>
    %dma_start3A_154 = tpu.memref_squeeze %dma_start3A_153 : memref<1x88xi32, #tpu.memory_space<vmem>> -> memref<88xi32, #tpu.memory_space<vmem>>
    %dma_start3A_155 = arith.constant 0 : i32
    %dma_start3A_156 = arith.constant 0 : i32
    %dma_start3A_157 = tpu.memref_slice %arg2[%dma_start3A_155, %dma_start3A_156] : memref<10000x128xf32, #tpu.memory_space<hbm>> -> memref<10000x128xf32, #tpu.memory_space<hbm>>
    tpu.enqueue_indirect_dma source(%dma_start3A_157 : memref<10000x128xf32, #tpu.memory_space<hbm>>) target(%arg11 : memref<88x128xf32, #tpu.memory_space<vmem>>) offsets(%dma_start3A_154 : memref<88xi32, #tpu.memory_space<vmem>>) semaphore(%arg14 : memref<!tpu.dma_semaphore, #tpu.memory_space<semaphore_mem>>)
    %dma_wait3A_158 = arith.constant 0 : i32
    %dma_wait3A_159 = arith.constant 0 : i32
    %dma_wait3A_160 = tpu.memref_slice %arg2[%dma_wait3A_158, %dma_wait3A_159] : memref<10000x128xf32, #tpu.memory_space<hbm>> -> memref<88x128xf32, #tpu.memory_space<hbm>>
    %dma_wait3A_161 = arith.constant 0 : i32
    %dma_wait3A_162 = arith.constant 0 : i32
    %dma_wait3A_163 = tpu.memref_slice %arg2[%dma_wait3A_161, %dma_wait3A_162] : memref<10000x128xf32, #tpu.memory_space<hbm>> -> memref<88x128xf32, #tpu.memory_space<hbm>>
    tpu.wait_dma2 semaphore(%arg13 : memref<!tpu.dma_semaphore, #tpu.memory_space<semaphore_mem>>) src(%dma_wait3A_163 : memref<88x128xf32, #tpu.memory_space<hbm>>) dst(%arg10 : memref<88x128xf32, #tpu.memory_space<vmem>>)
    %dma_start3A_164 = arith.constant 0 : i32
    %dma_start3A_165 = arith.constant 0 : i32
    %dma_start3A_166 = tpu.memref_slice %arg8[%dma_start3A_164, %dma_start3A_165] : memref<40x88xi32, #tpu.memory_space<vmem>> -> memref<1x88xi32, #tpu.memory_space<vmem>>
    %dma_start3A_167 = tpu.memref_squeeze %dma_start3A_166 : memref<1x88xi32, #tpu.memory_space<vmem>> -> memref<88xi32, #tpu.memory_space<vmem>>
    %dma_start3A_168 = arith.constant 0 : i32
    %dma_start3A_169 = arith.constant 0 : i32
    %dma_start3A_170 = tpu.memref_slice %arg9[%dma_start3A_168, %dma_start3A_169] : memref<10240x128xf32, #tpu.memory_space<vmem_shared>> -> memref<10240x128xf32, #tpu.memory_space<vmem_shared>>
    tpu.enqueue_indirect_dma source(%arg10 : memref<88x128xf32, #tpu.memory_space<vmem>>) target(%dma_start3A_170 : memref<10240x128xf32, #tpu.memory_space<vmem_shared>>) offsets(%dma_start3A_167 : memref<88xi32, #tpu.memory_space<vmem>>) semaphore(%arg16 : memref<!tpu.dma_semaphore, #tpu.memory_space<semaphore_mem>>) {add = true}
    %dma_start3A_171 = arith.constant 2 : i32
    %dma_start3A_172 = arith.constant 0 : i32
    %dma_start3A_173 = tpu.memref_slice %arg7[%dma_start3A_171, %dma_start3A_172] : memref<40x88xi32, #tpu.memory_space<vmem>> -> memref<1x88xi32, #tpu.memory_space<vmem>>
    %dma_start3A_174 = tpu.memref_squeeze %dma_start3A_173 : memref<1x88xi32, #tpu.memory_space<vmem>> -> memref<88xi32, #tpu.memory_space<vmem>>
    %dma_start3A_175 = arith.constant 0 : i32
    %dma_start3A_176 = arith.constant 0 : i32
    %dma_start3A_177 = tpu.memref_slice %arg2[%dma_start3A_175, %dma_start3A_176] : memref<10000x128xf32, #tpu.memory_space<hbm>> -> memref<10000x128xf32, #tpu.memory_space<hbm>>
    tpu.enqueue_indirect_dma source(%dma_start3A_177 : memref<10000x128xf32, #tpu.memory_space<hbm>>) target(%arg12 : memref<88x128xf32, #tpu.memory_space<vmem>>) offsets(%dma_start3A_174 : memref<88xi32, #tpu.memory_space<vmem>>) semaphore(%arg15 : memref<!tpu.dma_semaphore, #tpu.memory_space<semaphore_mem>>)
    %dma_wait3A_178 = arith.constant 0 : i32
    %dma_wait3A_179 = arith.constant 0 : i32
    %dma_wait3A_180 = tpu.memref_slice %arg2[%dma_wait3A_178, %dma_wait3A_179] : memref<10000x128xf32, #tpu.memory_space<hbm>> -> memref<88x128xf32, #tpu.memory_space<hbm>>
    %dma_wait3A_181 = arith.constant 0 : i32
    %dma_wait3A_182 = arith.constant 0 : i32
    %dma_wait3A_183 = tpu.memref_slice %arg2[%dma_wait3A_181, %dma_wait3A_182] : memref<10000x128xf32, #tpu.memory_space<hbm>> -> memref<88x128xf32, #tpu.memory_space<hbm>>
    tpu.wait_dma2 semaphore(%arg14 : memref<!tpu.dma_semaphore, #tpu.memory_space<semaphore_mem>>) src(%dma_wait3A_183 : memref<88x128xf32, #tpu.memory_space<hbm>>) dst(%arg11 : memref<88x128xf32, #tpu.memory_space<vmem>>)
    %dma_start3A_184 = arith.constant 1 : i32
    %dma_start3A_185 = arith.constant 0 : i32
    %dma_start3A_186 = tpu.memref_slice %arg8[%dma_start3A_184, %dma_start3A_185] : memref<40x88xi32, #tpu.memory_space<vmem>> -> memref<1x88xi32, #tpu.memory_space<vmem>>
    %dma_start3A_187 = tpu.memref_squeeze %dma_start3A_186 : memref<1x88xi32, #tpu.memory_space<vmem>> -> memref<88xi32, #tpu.memory_space<vmem>>
    %dma_start3A_188 = arith.constant 0 : i32
    %dma_start3A_189 = arith.constant 0 : i32
    %dma_start3A_190 = tpu.memref_slice %arg9[%dma_start3A_188, %dma_start3A_189] : memref<10240x128xf32, #tpu.memory_space<vmem_shared>> -> memref<10240x128xf32, #tpu.memory_space<vmem_shared>>
    tpu.enqueue_indirect_dma source(%arg11 : memref<88x128xf32, #tpu.memory_space<vmem>>) target(%dma_start3A_190 : memref<10240x128xf32, #tpu.memory_space<vmem_shared>>) offsets(%dma_start3A_187 : memref<88xi32, #tpu.memory_space<vmem>>) semaphore(%arg17 : memref<!tpu.dma_semaphore, #tpu.memory_space<semaphore_mem>>) {add = true}
    %dma_wait3A_191 = arith.constant 0 : i32
    %dma_wait3A_192 = arith.constant 0 : i32
    %dma_wait3A_193 = tpu.memref_slice %arg9[%dma_wait3A_191, %dma_wait3A_192] : memref<10240x128xf32, #tpu.memory_space<vmem_shared>> -> memref<88x128xf32, #tpu.memory_space<vmem_shared>>
    %dma_wait3A_194 = arith.constant 0 : i32
    %dma_wait3A_195 = arith.constant 0 : i32
    %dma_wait3A_196 = tpu.memref_slice %arg9[%dma_wait3A_194, %dma_wait3A_195] : memref<10240x128xf32, #tpu.memory_space<vmem_shared>> -> memref<88x128xf32, #tpu.memory_space<vmem_shared>>
    tpu.wait_dma2 semaphore(%arg16 : memref<!tpu.dma_semaphore, #tpu.memory_space<semaphore_mem>>) src(%arg10 : memref<88x128xf32, #tpu.memory_space<vmem>>) dst(%dma_wait3A_196 : memref<88x128xf32, #tpu.memory_space<vmem_shared>>)
    %dma_start3A_197 = arith.constant 3 : i32
    %dma_start3A_198 = arith.constant 0 : i32
    %dma_start3A_199 = tpu.memref_slice %arg7[%dma_start3A_197, %dma_start3A_198] : memref<40x88xi32, #tpu.memory_space<vmem>> -> memref<1x88xi32, #tpu.memory_space<vmem>>
    %dma_start3A_200 = tpu.memref_squeeze %dma_start3A_199 : memref<1x88xi32, #tpu.memory_space<vmem>> -> memref<88xi32, #tpu.memory_space<vmem>>
    %dma_start3A_201 = arith.constant 0 : i32
    %dma_start3A_202 = arith.constant 0 : i32
    %dma_start3A_203 = tpu.memref_slice %arg2[%dma_start3A_201, %dma_start3A_202] : memref<10000x128xf32, #tpu.memory_space<hbm>> -> memref<10000x128xf32, #tpu.memory_space<hbm>>
    tpu.enqueue_indirect_dma source(%dma_start3A_203 : memref<10000x128xf32, #tpu.memory_space<hbm>>) target(%arg10 : memref<88x128xf32, #tpu.memory_space<vmem>>) offsets(%dma_start3A_200 : memref<88xi32, #tpu.memory_space<vmem>>) semaphore(%arg13 : memref<!tpu.dma_semaphore, #tpu.memory_space<semaphore_mem>>)
    %dma_wait3A_204 = arith.constant 0 : i32
    %dma_wait3A_205 = arith.constant 0 : i32
    %dma_wait3A_206 = tpu.memref_slice %arg2[%dma_wait3A_204, %dma_wait3A_205] : memref<10000x128xf32, #tpu.memory_space<hbm>> -> memref<88x128xf32, #tpu.memory_space<hbm>>
    %dma_wait3A_207 = arith.constant 0 : i32
    %dma_wait3A_208 = arith.constant 0 : i32
    %dma_wait3A_209 = tpu.memref_slice %arg2[%dma_wait3A_207, %dma_wait3A_208] : memref<10000x128xf32, #tpu.memory_space<hbm>> -> memref<88x128xf32, #tpu.memory_space<hbm>>
    tpu.wait_dma2 semaphore(%arg15 : memref<!tpu.dma_semaphore, #tpu.memory_space<semaphore_mem>>) src(%dma_wait3A_209 : memref<88x128xf32, #tpu.memory_space<hbm>>) dst(%arg12 : memref<88x128xf32, #tpu.memory_space<vmem>>)
    %dma_start3A_210 = arith.constant 2 : i32
    %dma_start3A_211 = arith.constant 0 : i32
    %dma_start3A_212 = tpu.memref_slice %arg8[%dma_start3A_210, %dma_start3A_211] : memref<40x88xi32, #tpu.memory_space<vmem>> -> memref<1x88xi32, #tpu.memory_space<vmem>>
    %dma_start3A_213 = tpu.memref_squeeze %dma_start3A_212 : memref<1x88xi32, #tpu.memory_space<vmem>> -> memref<88xi32, #tpu.memory_space<vmem>>
    %dma_start3A_214 = arith.constant 0 : i32
    %dma_start3A_215 = arith.constant 0 : i32
    %dma_start3A_216 = tpu.memref_slice %arg9[%dma_start3A_214, %dma_start3A_215] : memref<10240x128xf32, #tpu.memory_space<vmem_shared>> -> memref<10240x128xf32, #tpu.memory_space<vmem_shared>>
    tpu.enqueue_indirect_dma source(%arg12 : memref<88x128xf32, #tpu.memory_space<vmem>>) target(%dma_start3A_216 : memref<10240x128xf32, #tpu.memory_space<vmem_shared>>) offsets(%dma_start3A_213 : memref<88xi32, #tpu.memory_space<vmem>>) semaphore(%arg18 : memref<!tpu.dma_semaphore, #tpu.memory_space<semaphore_mem>>) {add = true}
    %dma_wait3A_217 = arith.constant 0 : i32
    %dma_wait3A_218 = arith.constant 0 : i32
    %dma_wait3A_219 = tpu.memref_slice %arg9[%dma_wait3A_217, %dma_wait3A_218] : memref<10240x128xf32, #tpu.memory_space<vmem_shared>> -> memref<88x128xf32, #tpu.memory_space<vmem_shared>>
    %dma_wait3A_220 = arith.constant 0 : i32
    %dma_wait3A_221 = arith.constant 0 : i32
    %dma_wait3A_222 = tpu.memref_slice %arg9[%dma_wait3A_220, %dma_wait3A_221] : memref<10240x128xf32, #tpu.memory_space<vmem_shared>> -> memref<88x128xf32, #tpu.memory_space<vmem_shared>>
    tpu.wait_dma2 semaphore(%arg17 : memref<!tpu.dma_semaphore, #tpu.memory_space<semaphore_mem>>) src(%arg11 : memref<88x128xf32, #tpu.memory_space<vmem>>) dst(%dma_wait3A_222 : memref<88x128xf32, #tpu.memory_space<vmem_shared>>)
    %dma_start3A_223 = arith.constant 4 : i32
    %dma_start3A_224 = arith.constant 0 : i32
    %dma_start3A_225 = tpu.memref_slice %arg7[%dma_start3A_223, %dma_start3A_224] : memref<40x88xi32, #tpu.memory_space<vmem>> -> memref<1x88xi32, #tpu.memory_space<vmem>>
    %dma_start3A_226 = tpu.memref_squeeze %dma_start3A_225 : memref<1x88xi32, #tpu.memory_space<vmem>> -> memref<88xi32, #tpu.memory_space<vmem>>
    %dma_start3A_227 = arith.constant 0 : i32
    %dma_start3A_228 = arith.constant 0 : i32
    %dma_start3A_229 = tpu.memref_slice %arg2[%dma_start3A_227, %dma_start3A_228] : memref<10000x128xf32, #tpu.memory_space<hbm>> -> memref<10000x128xf32, #tpu.memory_space<hbm>>
    tpu.enqueue_indirect_dma source(%dma_start3A_229 : memref<10000x128xf32, #tpu.memory_space<hbm>>) target(%arg11 : memref<88x128xf32, #tpu.memory_space<vmem>>) offsets(%dma_start3A_226 : memref<88xi32, #tpu.memory_space<vmem>>) semaphore(%arg14 : memref<!tpu.dma_semaphore, #tpu.memory_space<semaphore_mem>>)
    %scan3A_230 = arith.constant 0 : i32
    %scan3A_231 = arith.constant 1 : i32
    %scan3A_232 = arith.constant 12 : i32
    %scan3A_233 = arith.addi %scan3A_231, %scan3A_232 : i32
    %scan3A_234 = arith.constant 1 : i32
    scf.for %scan3A_421 = %scan3A_231 to %scan3A_233 step %scan3A_234  : i32 {
      %mul3A_422 = arith.constant 3 : i32
      %mul3A_423 = arith.muli %scan3A_421, %mul3A_422 : i32
      %add3A_424 = arith.constant 0 : i32
      %add3A_425 = arith.addi %mul3A_423, %add3A_424 : i32
      %dma_wait3A_426 = arith.constant 0 : i32
      %dma_wait3A_427 = arith.constant 0 : i32
      %dma_wait3A_428 = tpu.memref_slice %arg2[%dma_wait3A_426, %dma_wait3A_427] : memref<10000x128xf32, #tpu.memory_space<hbm>> -> memref<88x128xf32, #tpu.memory_space<hbm>>
      %dma_wait3A_429 = arith.constant 0 : i32
      %dma_wait3A_430 = arith.constant 0 : i32
      %dma_wait3A_431 = tpu.memref_slice %arg2[%dma_wait3A_429, %dma_wait3A_430] : memref<10000x128xf32, #tpu.memory_space<hbm>> -> memref<88x128xf32, #tpu.memory_space<hbm>>
      tpu.wait_dma2 semaphore(%arg13 : memref<!tpu.dma_semaphore, #tpu.memory_space<semaphore_mem>>) src(%dma_wait3A_431 : memref<88x128xf32, #tpu.memory_space<hbm>>) dst(%arg10 : memref<88x128xf32, #tpu.memory_space<vmem>>)
      %dma_start3A_432 = arith.constant 0 : i32
      %dma_start3A_433 = tpu.memref_slice %arg8[%add3A_425, %dma_start3A_432] : memref<40x88xi32, #tpu.memory_space<vmem>> -> memref<1x88xi32, #tpu.memory_space<vmem>>
      %dma_start3A_434 = tpu.memref_squeeze %dma_start3A_433 : memref<1x88xi32, #tpu.memory_space<vmem>> -> memref<88xi32, #tpu.memory_space<vmem>>
      %dma_start3A_435 = arith.constant 0 : i32
      %dma_start3A_436 = arith.constant 0 : i32
      %dma_start3A_437 = tpu.memref_slice %arg9[%dma_start3A_435, %dma_start3A_436] : memref<10240x128xf32, #tpu.memory_space<vmem_shared>> -> memref<10240x128xf32, #tpu.memory_space<vmem_shared>>
      tpu.enqueue_indirect_dma source(%arg10 : memref<88x128xf32, #tpu.memory_space<vmem>>) target(%dma_start3A_437 : memref<10240x128xf32, #tpu.memory_space<vmem_shared>>) offsets(%dma_start3A_434 : memref<88xi32, #tpu.memory_space<vmem>>) semaphore(%arg16 : memref<!tpu.dma_semaphore, #tpu.memory_space<semaphore_mem>>) {add = true}
      %dma_wait3A_438 = arith.constant 0 : i32
      %dma_wait3A_439 = arith.constant 0 : i32
      %dma_wait3A_440 = tpu.memref_slice %arg9[%dma_wait3A_438, %dma_wait3A_439] : memref<10240x128xf32, #tpu.memory_space<vmem_shared>> -> memref<88x128xf32, #tpu.memory_space<vmem_shared>>
      %dma_wait3A_441 = arith.constant 0 : i32
      %dma_wait3A_442 = arith.constant 0 : i32
      %dma_wait3A_443 = tpu.memref_slice %arg9[%dma_wait3A_441, %dma_wait3A_442] : memref<10240x128xf32, #tpu.memory_space<vmem_shared>> -> memref<88x128xf32, #tpu.memory_space<vmem_shared>>
      tpu.wait_dma2 semaphore(%arg18 : memref<!tpu.dma_semaphore, #tpu.memory_space<semaphore_mem>>) src(%arg12 : memref<88x128xf32, #tpu.memory_space<vmem>>) dst(%dma_wait3A_443 : memref<88x128xf32, #tpu.memory_space<vmem_shared>>)
      %add3A_444 = arith.constant 2 : i32
      %add3A_445 = arith.addi %add3A_425, %add3A_444 : i32
      %lt3A = arith.constant 40 : i32
      %lt3A_446 = arith.cmpi slt, %add3A_445, %lt3A : i32
      %add3A_447 = arith.constant 2 : i32
      %add3A_448 = arith.addi %add3A_425, %add3A_447 : i32
      %jit3A = arith.constant 2 : i32
      %select_n3A = arith.select %lt3A_446, %add3A_448, %jit3A : i32
      %dma_start3A_449 = arith.constant 0 : i32
      %dma_start3A_450 = tpu.memref_slice %arg7[%select_n3A, %dma_start3A_449] : memref<40x88xi32, #tpu.memory_space<vmem>> -> memref<1x88xi32, #tpu.memory_space<vmem>>
      %dma_start3A_451 = tpu.memref_squeeze %dma_start3A_450 : memref<1x88xi32, #tpu.memory_space<vmem>> -> memref<88xi32, #tpu.memory_space<vmem>>
      %dma_start3A_452 = arith.constant 0 : i32
      %dma_start3A_453 = arith.constant 0 : i32
      %dma_start3A_454 = tpu.memref_slice %arg2[%dma_start3A_452, %dma_start3A_453] : memref<10000x128xf32, #tpu.memory_space<hbm>> -> memref<10000x128xf32, #tpu.memory_space<hbm>>
      tpu.enqueue_indirect_dma source(%dma_start3A_454 : memref<10000x128xf32, #tpu.memory_space<hbm>>) target(%arg12 : memref<88x128xf32, #tpu.memory_space<vmem>>) offsets(%dma_start3A_451 : memref<88xi32, #tpu.memory_space<vmem>>) semaphore(%arg15 : memref<!tpu.dma_semaphore, #tpu.memory_space<semaphore_mem>>)
      %mul3A_455 = arith.constant 3 : i32
      %mul3A_456 = arith.muli %scan3A_421, %mul3A_455 : i32
      %add3A_457 = arith.constant 1 : i32
      %add3A_458 = arith.addi %mul3A_456, %add3A_457 : i32
      %dma_wait3A_459 = arith.constant 0 : i32
      %dma_wait3A_460 = arith.constant 0 : i32
      %dma_wait3A_461 = tpu.memref_slice %arg2[%dma_wait3A_459, %dma_wait3A_460] : memref<10000x128xf32, #tpu.memory_space<hbm>> -> memref<88x128xf32, #tpu.memory_space<hbm>>
      %dma_wait3A_462 = arith.constant 0 : i32
      %dma_wait3A_463 = arith.constant 0 : i32
      %dma_wait3A_464 = tpu.memref_slice %arg2[%dma_wait3A_462, %dma_wait3A_463] : memref<10000x128xf32, #tpu.memory_space<hbm>> -> memref<88x128xf32, #tpu.memory_space<hbm>>
      tpu.wait_dma2 semaphore(%arg14 : memref<!tpu.dma_semaphore, #tpu.memory_space<semaphore_mem>>) src(%dma_wait3A_464 : memref<88x128xf32, #tpu.memory_space<hbm>>) dst(%arg11 : memref<88x128xf32, #tpu.memory_space<vmem>>)
      %dma_start3A_465 = arith.constant 0 : i32
      %dma_start3A_466 = tpu.memref_slice %arg8[%add3A_458, %dma_start3A_465] : memref<40x88xi32, #tpu.memory_space<vmem>> -> memref<1x88xi32, #tpu.memory_space<vmem>>
      %dma_start3A_467 = tpu.memref_squeeze %dma_start3A_466 : memref<1x88xi32, #tpu.memory_space<vmem>> -> memref<88xi32, #tpu.memory_space<vmem>>
      %dma_start3A_468 = arith.constant 0 : i32
      %dma_start3A_469 = arith.constant 0 : i32
      %dma_start3A_470 = tpu.memref_slice %arg9[%dma_start3A_468, %dma_start3A_469] : memref<10240x128xf32, #tpu.memory_space<vmem_shared>> -> memref<10240x128xf32, #tpu.memory_space<vmem_shared>>
      tpu.enqueue_indirect_dma source(%arg11 : memref<88x128xf32, #tpu.memory_space<vmem>>) target(%dma_start3A_470 : memref<10240x128xf32, #tpu.memory_space<vmem_shared>>) offsets(%dma_start3A_467 : memref<88xi32, #tpu.memory_space<vmem>>) semaphore(%arg17 : memref<!tpu.dma_semaphore, #tpu.memory_space<semaphore_mem>>) {add = true}
      %dma_wait3A_471 = arith.constant 0 : i32
      %dma_wait3A_472 = arith.constant 0 : i32
      %dma_wait3A_473 = tpu.memref_slice %arg9[%dma_wait3A_471, %dma_wait3A_472] : memref<10240x128xf32, #tpu.memory_space<vmem_shared>> -> memref<88x128xf32, #tpu.memory_space<vmem_shared>>
      %dma_wait3A_474 = arith.constant 0 : i32
      %dma_wait3A_475 = arith.constant 0 : i32
      %dma_wait3A_476 = tpu.memref_slice %arg9[%dma_wait3A_474, %dma_wait3A_475] : memref<10240x128xf32, #tpu.memory_space<vmem_shared>> -> memref<88x128xf32, #tpu.memory_space<vmem_shared>>
      tpu.wait_dma2 semaphore(%arg16 : memref<!tpu.dma_semaphore, #tpu.memory_space<semaphore_mem>>) src(%arg10 : memref<88x128xf32, #tpu.memory_space<vmem>>) dst(%dma_wait3A_476 : memref<88x128xf32, #tpu.memory_space<vmem_shared>>)
      %add3A_477 = arith.constant 2 : i32
      %add3A_478 = arith.addi %add3A_458, %add3A_477 : i32
      %lt3A_479 = arith.constant 40 : i32
      %lt3A_480 = arith.cmpi slt, %add3A_478, %lt3A_479 : i32
      %add3A_481 = arith.constant 2 : i32
      %add3A_482 = arith.addi %add3A_458, %add3A_481 : i32
      %jit3A_483 = arith.constant 0 : i32
      %select_n3A_484 = arith.select %lt3A_480, %add3A_482, %jit3A_483 : i32
      %dma_start3A_485 = arith.constant 0 : i32
      %dma_start3A_486 = tpu.memref_slice %arg7[%select_n3A_484, %dma_start3A_485] : memref<40x88xi32, #tpu.memory_space<vmem>> -> memref<1x88xi32, #tpu.memory_space<vmem>>
      %dma_start3A_487 = tpu.memref_squeeze %dma_start3A_486 : memref<1x88xi32, #tpu.memory_space<vmem>> -> memref<88xi32, #tpu.memory_space<vmem>>
      %dma_start3A_488 = arith.constant 0 : i32
      %dma_start3A_489 = arith.constant 0 : i32
      %dma_start3A_490 = tpu.memref_slice %arg2[%dma_start3A_488, %dma_start3A_489] : memref<10000x128xf32, #tpu.memory_space<hbm>> -> memref<10000x128xf32, #tpu.memory_space<hbm>>
      tpu.enqueue_indirect_dma source(%dma_start3A_490 : memref<10000x128xf32, #tpu.memory_space<hbm>>) target(%arg10 : memref<88x128xf32, #tpu.memory_space<vmem>>) offsets(%dma_start3A_487 : memref<88xi32, #tpu.memory_space<vmem>>) semaphore(%arg13 : memref<!tpu.dma_semaphore, #tpu.memory_space<semaphore_mem>>)
      %mul3A_491 = arith.constant 3 : i32
      %mul3A_492 = arith.muli %scan3A_421, %mul3A_491 : i32
      %add3A_493 = arith.constant 2 : i32
      %add3A_494 = arith.addi %mul3A_492, %add3A_493 : i32
      %dma_wait3A_495 = arith.constant 0 : i32
      %dma_wait3A_496 = arith.constant 0 : i32
      %dma_wait3A_497 = tpu.memref_slice %arg2[%dma_wait3A_495, %dma_wait3A_496] : memref<10000x128xf32, #tpu.memory_space<hbm>> -> memref<88x128xf32, #tpu.memory_space<hbm>>
      %dma_wait3A_498 = arith.constant 0 : i32
      %dma_wait3A_499 = arith.constant 0 : i32
      %dma_wait3A_500 = tpu.memref_slice %arg2[%dma_wait3A_498, %dma_wait3A_499] : memref<10000x128xf32, #tpu.memory_space<hbm>> -> memref<88x128xf32, #tpu.memory_space<hbm>>
      tpu.wait_dma2 semaphore(%arg15 : memref<!tpu.dma_semaphore, #tpu.memory_space<semaphore_mem>>) src(%dma_wait3A_500 : memref<88x128xf32, #tpu.memory_space<hbm>>) dst(%arg12 : memref<88x128xf32, #tpu.memory_space<vmem>>)
      %dma_start3A_501 = arith.constant 0 : i32
      %dma_start3A_502 = tpu.memref_slice %arg8[%add3A_494, %dma_start3A_501] : memref<40x88xi32, #tpu.memory_space<vmem>> -> memref<1x88xi32, #tpu.memory_space<vmem>>
      %dma_start3A_503 = tpu.memref_squeeze %dma_start3A_502 : memref<1x88xi32, #tpu.memory_space<vmem>> -> memref<88xi32, #tpu.memory_space<vmem>>
      %dma_start3A_504 = arith.constant 0 : i32
      %dma_start3A_505 = arith.constant 0 : i32
      %dma_start3A_506 = tpu.memref_slice %arg9[%dma_start3A_504, %dma_start3A_505] : memref<10240x128xf32, #tpu.memory_space<vmem_shared>> -> memref<10240x128xf32, #tpu.memory_space<vmem_shared>>
      tpu.enqueue_indirect_dma source(%arg12 : memref<88x128xf32, #tpu.memory_space<vmem>>) target(%dma_start3A_506 : memref<10240x128xf32, #tpu.memory_space<vmem_shared>>) offsets(%dma_start3A_503 : memref<88xi32, #tpu.memory_space<vmem>>) semaphore(%arg18 : memref<!tpu.dma_semaphore, #tpu.memory_space<semaphore_mem>>) {add = true}
      %dma_wait3A_507 = arith.constant 0 : i32
      %dma_wait3A_508 = arith.constant 0 : i32
      %dma_wait3A_509 = tpu.memref_slice %arg9[%dma_wait3A_507, %dma_wait3A_508] : memref<10240x128xf32, #tpu.memory_space<vmem_shared>> -> memref<88x128xf32, #tpu.memory_space<vmem_shared>>
      %dma_wait3A_510 = arith.constant 0 : i32
      %dma_wait3A_511 = arith.constant 0 : i32
      %dma_wait3A_512 = tpu.memref_slice %arg9[%dma_wait3A_510, %dma_wait3A_511] : memref<10240x128xf32, #tpu.memory_space<vmem_shared>> -> memref<88x128xf32, #tpu.memory_space<vmem_shared>>
      tpu.wait_dma2 semaphore(%arg17 : memref<!tpu.dma_semaphore, #tpu.memory_space<semaphore_mem>>) src(%arg11 : memref<88x128xf32, #tpu.memory_space<vmem>>) dst(%dma_wait3A_512 : memref<88x128xf32, #tpu.memory_space<vmem_shared>>)
      %add3A_513 = arith.constant 2 : i32
      %add3A_514 = arith.addi %add3A_494, %add3A_513 : i32
      %lt3A_515 = arith.constant 40 : i32
      %lt3A_516 = arith.cmpi slt, %add3A_514, %lt3A_515 : i32
      %add3A_517 = arith.constant 2 : i32
      %add3A_518 = arith.addi %add3A_494, %add3A_517 : i32
      %jit3A_519 = arith.constant 1 : i32
      %select_n3A_520 = arith.select %lt3A_516, %add3A_518, %jit3A_519 : i32
      %dma_start3A_521 = arith.constant 0 : i32
      %dma_start3A_522 = tpu.memref_slice %arg7[%select_n3A_520, %dma_start3A_521] : memref<40x88xi32, #tpu.memory_space<vmem>> -> memref<1x88xi32, #tpu.memory_space<vmem>>
      %dma_start3A_523 = tpu.memref_squeeze %dma_start3A_522 : memref<1x88xi32, #tpu.memory_space<vmem>> -> memref<88xi32, #tpu.memory_space<vmem>>
      %dma_start3A_524 = arith.constant 0 : i32
      %dma_start3A_525 = arith.constant 0 : i32
      %dma_start3A_526 = tpu.memref_slice %arg2[%dma_start3A_524, %dma_start3A_525] : memref<10000x128xf32, #tpu.memory_space<hbm>> -> memref<10000x128xf32, #tpu.memory_space<hbm>>
      tpu.enqueue_indirect_dma source(%dma_start3A_526 : memref<10000x128xf32, #tpu.memory_space<hbm>>) target(%arg11 : memref<88x128xf32, #tpu.memory_space<vmem>>) offsets(%dma_start3A_523 : memref<88xi32, #tpu.memory_space<vmem>>) semaphore(%arg14 : memref<!tpu.dma_semaphore, #tpu.memory_space<semaphore_mem>>)
    }
    %scan3A_235 = arith.constant 12 : i32
    %dma_wait3A_236 = arith.constant 0 : i32
    %dma_wait3A_237 = arith.constant 0 : i32
    %dma_wait3A_238 = tpu.memref_slice %arg2[%dma_wait3A_236, %dma_wait3A_237] : memref<10000x128xf32, #tpu.memory_space<hbm>> -> memref<88x128xf32, #tpu.memory_space<hbm>>
    %dma_wait3A_239 = arith.constant 0 : i32
    %dma_wait3A_240 = arith.constant 0 : i32
    %dma_wait3A_241 = tpu.memref_slice %arg2[%dma_wait3A_239, %dma_wait3A_240] : memref<10000x128xf32, #tpu.memory_space<hbm>> -> memref<88x128xf32, #tpu.memory_space<hbm>>
    tpu.wait_dma2 semaphore(%arg13 : memref<!tpu.dma_semaphore, #tpu.memory_space<semaphore_mem>>) src(%dma_wait3A_241 : memref<88x128xf32, #tpu.memory_space<hbm>>) dst(%arg10 : memref<88x128xf32, #tpu.memory_space<vmem>>)
    %dma_start3A_242 = arith.constant 39 : i32
    %dma_start3A_243 = arith.constant 0 : i32
    %dma_start3A_244 = tpu.memref_slice %arg8[%dma_start3A_242, %dma_start3A_243] : memref<40x88xi32, #tpu.memory_space<vmem>> -> memref<1x88xi32, #tpu.memory_space<vmem>>
    %dma_start3A_245 = tpu.memref_squeeze %dma_start3A_244 : memref<1x88xi32, #tpu.memory_space<vmem>> -> memref<88xi32, #tpu.memory_space<vmem>>
    %dma_start3A_246 = arith.constant 0 : i32
    %dma_start3A_247 = arith.constant 0 : i32
    %dma_start3A_248 = tpu.memref_slice %arg9[%dma_start3A_246, %dma_start3A_247] : memref<10240x128xf32, #tpu.memory_space<vmem_shared>> -> memref<10240x128xf32, #tpu.memory_space<vmem_shared>>
    tpu.enqueue_indirect_dma source(%arg10 : memref<88x128xf32, #tpu.memory_space<vmem>>) target(%dma_start3A_248 : memref<10240x128xf32, #tpu.memory_space<vmem_shared>>) offsets(%dma_start3A_245 : memref<88xi32, #tpu.memory_space<vmem>>) semaphore(%arg16 : memref<!tpu.dma_semaphore, #tpu.memory_space<semaphore_mem>>) {add = true}
    %dma_wait3A_249 = arith.constant 0 : i32
    %dma_wait3A_250 = arith.constant 0 : i32
    %dma_wait3A_251 = tpu.memref_slice %arg9[%dma_wait3A_249, %dma_wait3A_250] : memref<10240x128xf32, #tpu.memory_space<vmem_shared>> -> memref<88x128xf32, #tpu.memory_space<vmem_shared>>
    %dma_wait3A_252 = arith.constant 0 : i32
    %dma_wait3A_253 = arith.constant 0 : i32
    %dma_wait3A_254 = tpu.memref_slice %arg9[%dma_wait3A_252, %dma_wait3A_253] : memref<10240x128xf32, #tpu.memory_space<vmem_shared>> -> memref<88x128xf32, #tpu.memory_space<vmem_shared>>
    tpu.wait_dma2 semaphore(%arg18 : memref<!tpu.dma_semaphore, #tpu.memory_space<semaphore_mem>>) src(%arg12 : memref<88x128xf32, #tpu.memory_space<vmem>>) dst(%dma_wait3A_254 : memref<88x128xf32, #tpu.memory_space<vmem_shared>>)
    %dma_start3A_255 = arith.constant 2 : i32
    %dma_start3A_256 = arith.constant 0 : i32
    %dma_start3A_257 = tpu.memref_slice %arg7[%dma_start3A_255, %dma_start3A_256] : memref<40x88xi32, #tpu.memory_space<vmem>> -> memref<1x88xi32, #tpu.memory_space<vmem>>
    %dma_start3A_258 = tpu.memref_squeeze %dma_start3A_257 : memref<1x88xi32, #tpu.memory_space<vmem>> -> memref<88xi32, #tpu.memory_space<vmem>>
    %dma_start3A_259 = arith.constant 0 : i32
    %dma_start3A_260 = arith.constant 0 : i32
    %dma_start3A_261 = tpu.memref_slice %arg2[%dma_start3A_259, %dma_start3A_260] : memref<10000x128xf32, #tpu.memory_space<hbm>> -> memref<10000x128xf32, #tpu.memory_space<hbm>>
    tpu.enqueue_indirect_dma source(%dma_start3A_261 : memref<10000x128xf32, #tpu.memory_space<hbm>>) target(%arg12 : memref<88x128xf32, #tpu.memory_space<vmem>>) offsets(%dma_start3A_258 : memref<88xi32, #tpu.memory_space<vmem>>) semaphore(%arg15 : memref<!tpu.dma_semaphore, #tpu.memory_space<semaphore_mem>>)
    %dma_wait3A_262 = arith.constant 0 : i32
    %dma_wait3A_263 = arith.constant 0 : i32
    %dma_wait3A_264 = tpu.memref_slice %arg2[%dma_wait3A_262, %dma_wait3A_263] : memref<10000x128xf32, #tpu.memory_space<hbm>> -> memref<88x128xf32, #tpu.memory_space<hbm>>
    %dma_wait3A_265 = arith.constant 0 : i32
    %dma_wait3A_266 = arith.constant 0 : i32
    %dma_wait3A_267 = tpu.memref_slice %arg2[%dma_wait3A_265, %dma_wait3A_266] : memref<10000x128xf32, #tpu.memory_space<hbm>> -> memref<88x128xf32, #tpu.memory_space<hbm>>
    tpu.wait_dma2 semaphore(%arg14 : memref<!tpu.dma_semaphore, #tpu.memory_space<semaphore_mem>>) src(%dma_wait3A_267 : memref<88x128xf32, #tpu.memory_space<hbm>>) dst(%arg11 : memref<88x128xf32, #tpu.memory_space<vmem>>)
    %dma_wait3A_268 = arith.constant 0 : i32
    %dma_wait3A_269 = arith.constant 0 : i32
    %dma_wait3A_270 = tpu.memref_slice %arg2[%dma_wait3A_268, %dma_wait3A_269] : memref<10000x128xf32, #tpu.memory_space<hbm>> -> memref<88x128xf32, #tpu.memory_space<hbm>>
    %dma_wait3A_271 = arith.constant 0 : i32
    %dma_wait3A_272 = arith.constant 0 : i32
    %dma_wait3A_273 = tpu.memref_slice %arg2[%dma_wait3A_271, %dma_wait3A_272] : memref<10000x128xf32, #tpu.memory_space<hbm>> -> memref<88x128xf32, #tpu.memory_space<hbm>>
    tpu.wait_dma2 semaphore(%arg15 : memref<!tpu.dma_semaphore, #tpu.memory_space<semaphore_mem>>) src(%dma_wait3A_273 : memref<88x128xf32, #tpu.memory_space<hbm>>) dst(%arg12 : memref<88x128xf32, #tpu.memory_space<vmem>>)
    %dma_wait3A_274 = arith.constant 0 : i32
    %dma_wait3A_275 = arith.constant 0 : i32
    %dma_wait3A_276 = tpu.memref_slice %arg9[%dma_wait3A_274, %dma_wait3A_275] : memref<10240x128xf32, #tpu.memory_space<vmem_shared>> -> memref<88x128xf32, #tpu.memory_space<vmem_shared>>
    %dma_wait3A_277 = arith.constant 0 : i32
    %dma_wait3A_278 = arith.constant 0 : i32
    %dma_wait3A_279 = tpu.memref_slice %arg9[%dma_wait3A_277, %dma_wait3A_278] : memref<10240x128xf32, #tpu.memory_space<vmem_shared>> -> memref<88x128xf32, #tpu.memory_space<vmem_shared>>
    tpu.wait_dma2 semaphore(%arg16 : memref<!tpu.dma_semaphore, #tpu.memory_space<semaphore_mem>>) src(%arg10 : memref<88x128xf32, #tpu.memory_space<vmem>>) dst(%dma_wait3A_279 : memref<88x128xf32, #tpu.memory_space<vmem_shared>>)
    %mul3A_280 = arith.constant 120 : i32
    %mul3A_281 = arith.muli %add3A, %mul3A_280 : i32
    %add3A_282 = arith.constant 80 : i32
    %add3A_283 = arith.addi %mul3A_281, %add3A_282 : i32
    "tpu.region"() ({
      %run_scoped3A = tpu.sem_alloc : memref<!tpu.dma_semaphore, #tpu.memory_space<semaphore_mem>>
      %dma_start3A_421 = arith.constant 0 : i32
      %dma_start3A_422 = tpu.memref_slice %arg3[%add3A_283, %dma_start3A_421] : memref<3840x88xi32, #tpu.memory_space<hbm>> -> memref<40x88xi32, #tpu.memory_space<hbm>>
      %dma_start3A_423 = arith.constant 0 : i32
      %dma_start3A_424 = tpu.memref_slice %arg3[%add3A_283, %dma_start3A_423] : memref<3840x88xi32, #tpu.memory_space<hbm>> -> memref<40x88xi32, #tpu.memory_space<hbm>>
      tpu.enqueue_dma source(%dma_start3A_424 : memref<40x88xi32, #tpu.memory_space<hbm>>) target(%arg7 : memref<40x88xi32, #tpu.memory_space<vmem>>) target_semaphore(%run_scoped3A : memref<!tpu.dma_semaphore, #tpu.memory_space<semaphore_mem>>)
      %dma_wait3A_425 = arith.constant 0 : i32
      %dma_wait3A_426 = tpu.memref_slice %arg3[%add3A_283, %dma_wait3A_425] : memref<3840x88xi32, #tpu.memory_space<hbm>> -> memref<40x88xi32, #tpu.memory_space<hbm>>
      %dma_wait3A_427 = arith.constant 0 : i32
      %dma_wait3A_428 = tpu.memref_slice %arg3[%add3A_283, %dma_wait3A_427] : memref<3840x88xi32, #tpu.memory_space<hbm>> -> memref<40x88xi32, #tpu.memory_space<hbm>>
      tpu.wait_dma2 semaphore(%run_scoped3A : memref<!tpu.dma_semaphore, #tpu.memory_space<semaphore_mem>>) src(%dma_wait3A_428 : memref<40x88xi32, #tpu.memory_space<hbm>>) dst(%arg7 : memref<40x88xi32, #tpu.memory_space<vmem>>)
      tpu.yield
    }) : () -> ()
    "tpu.region"() ({
      %run_scoped3A = tpu.sem_alloc : memref<!tpu.dma_semaphore, #tpu.memory_space<semaphore_mem>>
      %dma_start3A_421 = arith.constant 0 : i32
      %dma_start3A_422 = tpu.memref_slice %arg4[%add3A_283, %dma_start3A_421] : memref<3840x88xi32, #tpu.memory_space<hbm>> -> memref<40x88xi32, #tpu.memory_space<hbm>>
      %dma_start3A_423 = arith.constant 0 : i32
      %dma_start3A_424 = tpu.memref_slice %arg4[%add3A_283, %dma_start3A_423] : memref<3840x88xi32, #tpu.memory_space<hbm>> -> memref<40x88xi32, #tpu.memory_space<hbm>>
      tpu.enqueue_dma source(%dma_start3A_424 : memref<40x88xi32, #tpu.memory_space<hbm>>) target(%arg8 : memref<40x88xi32, #tpu.memory_space<vmem>>) target_semaphore(%run_scoped3A : memref<!tpu.dma_semaphore, #tpu.memory_space<semaphore_mem>>)
      %dma_wait3A_425 = arith.constant 0 : i32
      %dma_wait3A_426 = tpu.memref_slice %arg4[%add3A_283, %dma_wait3A_425] : memref<3840x88xi32, #tpu.memory_space<hbm>> -> memref<40x88xi32, #tpu.memory_space<hbm>>
      %dma_wait3A_427 = arith.constant 0 : i32
      %dma_wait3A_428 = tpu.memref_slice %arg4[%add3A_283, %dma_wait3A_427] : memref<3840x88xi32, #tpu.memory_space<hbm>> -> memref<40x88xi32, #tpu.memory_space<hbm>>
      tpu.wait_dma2 semaphore(%run_scoped3A : memref<!tpu.dma_semaphore, #tpu.memory_space<semaphore_mem>>) src(%dma_wait3A_428 : memref<40x88xi32, #tpu.memory_space<hbm>>) dst(%arg8 : memref<40x88xi32, #tpu.memory_space<vmem>>)
      tpu.yield
    }) : () -> ()
    %dma_start3A_284 = arith.constant 0 : i32
    %dma_start3A_285 = arith.constant 0 : i32
    %dma_start3A_286 = tpu.memref_slice %arg7[%dma_start3A_284, %dma_start3A_285] : memref<40x88xi32, #tpu.memory_space<vmem>> -> memref<1x88xi32, #tpu.memory_space<vmem>>
    %dma_start3A_287 = tpu.memref_squeeze %dma_start3A_286 : memref<1x88xi32, #tpu.memory_space<vmem>> -> memref<88xi32, #tpu.memory_space<vmem>>
    %dma_start3A_288 = arith.constant 0 : i32
    %dma_start3A_289 = arith.constant 0 : i32
    %dma_start3A_290 = tpu.memref_slice %arg2[%dma_start3A_288, %dma_start3A_289] : memref<10000x128xf32, #tpu.memory_space<hbm>> -> memref<10000x128xf32, #tpu.memory_space<hbm>>
    tpu.enqueue_indirect_dma source(%dma_start3A_290 : memref<10000x128xf32, #tpu.memory_space<hbm>>) target(%arg10 : memref<88x128xf32, #tpu.memory_space<vmem>>) offsets(%dma_start3A_287 : memref<88xi32, #tpu.memory_space<vmem>>) semaphore(%arg13 : memref<!tpu.dma_semaphore, #tpu.memory_space<semaphore_mem>>)
    %dma_start3A_291 = arith.constant 1 : i32
    %dma_start3A_292 = arith.constant 0 : i32
    %dma_start3A_293 = tpu.memref_slice %arg7[%dma_start3A_291, %dma_start3A_292] : memref<40x88xi32, #tpu.memory_space<vmem>> -> memref<1x88xi32, #tpu.memory_space<vmem>>
    %dma_start3A_294 = tpu.memref_squeeze %dma_start3A_293 : memref<1x88xi32, #tpu.memory_space<vmem>> -> memref<88xi32, #tpu.memory_space<vmem>>
    %dma_start3A_295 = arith.constant 0 : i32
    %dma_start3A_296 = arith.constant 0 : i32
    %dma_start3A_297 = tpu.memref_slice %arg2[%dma_start3A_295, %dma_start3A_296] : memref<10000x128xf32, #tpu.memory_space<hbm>> -> memref<10000x128xf32, #tpu.memory_space<hbm>>
    tpu.enqueue_indirect_dma source(%dma_start3A_297 : memref<10000x128xf32, #tpu.memory_space<hbm>>) target(%arg11 : memref<88x128xf32, #tpu.memory_space<vmem>>) offsets(%dma_start3A_294 : memref<88xi32, #tpu.memory_space<vmem>>) semaphore(%arg14 : memref<!tpu.dma_semaphore, #tpu.memory_space<semaphore_mem>>)
    %dma_wait3A_298 = arith.constant 0 : i32
    %dma_wait3A_299 = arith.constant 0 : i32
    %dma_wait3A_300 = tpu.memref_slice %arg2[%dma_wait3A_298, %dma_wait3A_299] : memref<10000x128xf32, #tpu.memory_space<hbm>> -> memref<88x128xf32, #tpu.memory_space<hbm>>
    %dma_wait3A_301 = arith.constant 0 : i32
    %dma_wait3A_302 = arith.constant 0 : i32
    %dma_wait3A_303 = tpu.memref_slice %arg2[%dma_wait3A_301, %dma_wait3A_302] : memref<10000x128xf32, #tpu.memory_space<hbm>> -> memref<88x128xf32, #tpu.memory_space<hbm>>
    tpu.wait_dma2 semaphore(%arg13 : memref<!tpu.dma_semaphore, #tpu.memory_space<semaphore_mem>>) src(%dma_wait3A_303 : memref<88x128xf32, #tpu.memory_space<hbm>>) dst(%arg10 : memref<88x128xf32, #tpu.memory_space<vmem>>)
    %dma_start3A_304 = arith.constant 0 : i32
    %dma_start3A_305 = arith.constant 0 : i32
    %dma_start3A_306 = tpu.memref_slice %arg8[%dma_start3A_304, %dma_start3A_305] : memref<40x88xi32, #tpu.memory_space<vmem>> -> memref<1x88xi32, #tpu.memory_space<vmem>>
    %dma_start3A_307 = tpu.memref_squeeze %dma_start3A_306 : memref<1x88xi32, #tpu.memory_space<vmem>> -> memref<88xi32, #tpu.memory_space<vmem>>
    %dma_start3A_308 = arith.constant 0 : i32
    %dma_start3A_309 = arith.constant 0 : i32
    %dma_start3A_310 = tpu.memref_slice %arg9[%dma_start3A_308, %dma_start3A_309] : memref<10240x128xf32, #tpu.memory_space<vmem_shared>> -> memref<10240x128xf32, #tpu.memory_space<vmem_shared>>
    tpu.enqueue_indirect_dma source(%arg10 : memref<88x128xf32, #tpu.memory_space<vmem>>) target(%dma_start3A_310 : memref<10240x128xf32, #tpu.memory_space<vmem_shared>>) offsets(%dma_start3A_307 : memref<88xi32, #tpu.memory_space<vmem>>) semaphore(%arg16 : memref<!tpu.dma_semaphore, #tpu.memory_space<semaphore_mem>>) {add = true}
    %dma_start3A_311 = arith.constant 2 : i32
    %dma_start3A_312 = arith.constant 0 : i32
    %dma_start3A_313 = tpu.memref_slice %arg7[%dma_start3A_311, %dma_start3A_312] : memref<40x88xi32, #tpu.memory_space<vmem>> -> memref<1x88xi32, #tpu.memory_space<vmem>>
    %dma_start3A_314 = tpu.memref_squeeze %dma_start3A_313 : memref<1x88xi32, #tpu.memory_space<vmem>> -> memref<88xi32, #tpu.memory_space<vmem>>
    %dma_start3A_315 = arith.constant 0 : i32
    %dma_start3A_316 = arith.constant 0 : i32
    %dma_start3A_317 = tpu.memref_slice %arg2[%dma_start3A_315, %dma_start3A_316] : memref<10000x128xf32, #tpu.memory_space<hbm>> -> memref<10000x128xf32, #tpu.memory_space<hbm>>
    tpu.enqueue_indirect_dma source(%dma_start3A_317 : memref<10000x128xf32, #tpu.memory_space<hbm>>) target(%arg12 : memref<88x128xf32, #tpu.memory_space<vmem>>) offsets(%dma_start3A_314 : memref<88xi32, #tpu.memory_space<vmem>>) semaphore(%arg15 : memref<!tpu.dma_semaphore, #tpu.memory_space<semaphore_mem>>)
    %dma_wait3A_318 = arith.constant 0 : i32
    %dma_wait3A_319 = arith.constant 0 : i32
    %dma_wait3A_320 = tpu.memref_slice %arg2[%dma_wait3A_318, %dma_wait3A_319] : memref<10000x128xf32, #tpu.memory_space<hbm>> -> memref<88x128xf32, #tpu.memory_space<hbm>>
    %dma_wait3A_321 = arith.constant 0 : i32
    %dma_wait3A_322 = arith.constant 0 : i32
    %dma_wait3A_323 = tpu.memref_slice %arg2[%dma_wait3A_321, %dma_wait3A_322] : memref<10000x128xf32, #tpu.memory_space<hbm>> -> memref<88x128xf32, #tpu.memory_space<hbm>>
    tpu.wait_dma2 semaphore(%arg14 : memref<!tpu.dma_semaphore, #tpu.memory_space<semaphore_mem>>) src(%dma_wait3A_323 : memref<88x128xf32, #tpu.memory_space<hbm>>) dst(%arg11 : memref<88x128xf32, #tpu.memory_space<vmem>>)
    %dma_start3A_324 = arith.constant 1 : i32
    %dma_start3A_325 = arith.constant 0 : i32
    %dma_start3A_326 = tpu.memref_slice %arg8[%dma_start3A_324, %dma_start3A_325] : memref<40x88xi32, #tpu.memory_space<vmem>> -> memref<1x88xi32, #tpu.memory_space<vmem>>
    %dma_start3A_327 = tpu.memref_squeeze %dma_start3A_326 : memref<1x88xi32, #tpu.memory_space<vmem>> -> memref<88xi32, #tpu.memory_space<vmem>>
    %dma_start3A_328 = arith.constant 0 : i32
    %dma_start3A_329 = arith.constant 0 : i32
    %dma_start3A_330 = tpu.memref_slice %arg9[%dma_start3A_328, %dma_start3A_329] : memref<10240x128xf32, #tpu.memory_space<vmem_shared>> -> memref<10240x128xf32, #tpu.memory_space<vmem_shared>>
    tpu.enqueue_indirect_dma source(%arg11 : memref<88x128xf32, #tpu.memory_space<vmem>>) target(%dma_start3A_330 : memref<10240x128xf32, #tpu.memory_space<vmem_shared>>) offsets(%dma_start3A_327 : memref<88xi32, #tpu.memory_space<vmem>>) semaphore(%arg17 : memref<!tpu.dma_semaphore, #tpu.memory_space<semaphore_mem>>) {add = true}
    %dma_wait3A_331 = arith.constant 0 : i32
    %dma_wait3A_332 = arith.constant 0 : i32
    %dma_wait3A_333 = tpu.memref_slice %arg9[%dma_wait3A_331, %dma_wait3A_332] : memref<10240x128xf32, #tpu.memory_space<vmem_shared>> -> memref<88x128xf32, #tpu.memory_space<vmem_shared>>
    %dma_wait3A_334 = arith.constant 0 : i32
    %dma_wait3A_335 = arith.constant 0 : i32
    %dma_wait3A_336 = tpu.memref_slice %arg9[%dma_wait3A_334, %dma_wait3A_335] : memref<10240x128xf32, #tpu.memory_space<vmem_shared>> -> memref<88x128xf32, #tpu.memory_space<vmem_shared>>
    tpu.wait_dma2 semaphore(%arg16 : memref<!tpu.dma_semaphore, #tpu.memory_space<semaphore_mem>>) src(%arg10 : memref<88x128xf32, #tpu.memory_space<vmem>>) dst(%dma_wait3A_336 : memref<88x128xf32, #tpu.memory_space<vmem_shared>>)
    %dma_start3A_337 = arith.constant 3 : i32
    %dma_start3A_338 = arith.constant 0 : i32
    %dma_start3A_339 = tpu.memref_slice %arg7[%dma_start3A_337, %dma_start3A_338] : memref<40x88xi32, #tpu.memory_space<vmem>> -> memref<1x88xi32, #tpu.memory_space<vmem>>
    %dma_start3A_340 = tpu.memref_squeeze %dma_start3A_339 : memref<1x88xi32, #tpu.memory_space<vmem>> -> memref<88xi32, #tpu.memory_space<vmem>>
    %dma_start3A_341 = arith.constant 0 : i32
    %dma_start3A_342 = arith.constant 0 : i32
    %dma_start3A_343 = tpu.memref_slice %arg2[%dma_start3A_341, %dma_start3A_342] : memref<10000x128xf32, #tpu.memory_space<hbm>> -> memref<10000x128xf32, #tpu.memory_space<hbm>>
    tpu.enqueue_indirect_dma source(%dma_start3A_343 : memref<10000x128xf32, #tpu.memory_space<hbm>>) target(%arg10 : memref<88x128xf32, #tpu.memory_space<vmem>>) offsets(%dma_start3A_340 : memref<88xi32, #tpu.memory_space<vmem>>) semaphore(%arg13 : memref<!tpu.dma_semaphore, #tpu.memory_space<semaphore_mem>>)
    %dma_wait3A_344 = arith.constant 0 : i32
    %dma_wait3A_345 = arith.constant 0 : i32
    %dma_wait3A_346 = tpu.memref_slice %arg2[%dma_wait3A_344, %dma_wait3A_345] : memref<10000x128xf32, #tpu.memory_space<hbm>> -> memref<88x128xf32, #tpu.memory_space<hbm>>
    %dma_wait3A_347 = arith.constant 0 : i32
    %dma_wait3A_348 = arith.constant 0 : i32
    %dma_wait3A_349 = tpu.memref_slice %arg2[%dma_wait3A_347, %dma_wait3A_348] : memref<10000x128xf32, #tpu.memory_space<hbm>> -> memref<88x128xf32, #tpu.memory_space<hbm>>
    tpu.wait_dma2 semaphore(%arg15 : memref<!tpu.dma_semaphore, #tpu.memory_space<semaphore_mem>>) src(%dma_wait3A_349 : memref<88x128xf32, #tpu.memory_space<hbm>>) dst(%arg12 : memref<88x128xf32, #tpu.memory_space<vmem>>)
    %dma_start3A_350 = arith.constant 2 : i32
    %dma_start3A_351 = arith.constant 0 : i32
    %dma_start3A_352 = tpu.memref_slice %arg8[%dma_start3A_350, %dma_start3A_351] : memref<40x88xi32, #tpu.memory_space<vmem>> -> memref<1x88xi32, #tpu.memory_space<vmem>>
    %dma_start3A_353 = tpu.memref_squeeze %dma_start3A_352 : memref<1x88xi32, #tpu.memory_space<vmem>> -> memref<88xi32, #tpu.memory_space<vmem>>
    %dma_start3A_354 = arith.constant 0 : i32
    %dma_start3A_355 = arith.constant 0 : i32
    %dma_start3A_356 = tpu.memref_slice %arg9[%dma_start3A_354, %dma_start3A_355] : memref<10240x128xf32, #tpu.memory_space<vmem_shared>> -> memref<10240x128xf32, #tpu.memory_space<vmem_shared>>
    tpu.enqueue_indirect_dma source(%arg12 : memref<88x128xf32, #tpu.memory_space<vmem>>) target(%dma_start3A_356 : memref<10240x128xf32, #tpu.memory_space<vmem_shared>>) offsets(%dma_start3A_353 : memref<88xi32, #tpu.memory_space<vmem>>) semaphore(%arg18 : memref<!tpu.dma_semaphore, #tpu.memory_space<semaphore_mem>>) {add = true}
    %dma_wait3A_357 = arith.constant 0 : i32
    %dma_wait3A_358 = arith.constant 0 : i32
    %dma_wait3A_359 = tpu.memref_slice %arg9[%dma_wait3A_357, %dma_wait3A_358] : memref<10240x128xf32, #tpu.memory_space<vmem_shared>> -> memref<88x128xf32, #tpu.memory_space<vmem_shared>>
    %dma_wait3A_360 = arith.constant 0 : i32
    %dma_wait3A_361 = arith.constant 0 : i32
    %dma_wait3A_362 = tpu.memref_slice %arg9[%dma_wait3A_360, %dma_wait3A_361] : memref<10240x128xf32, #tpu.memory_space<vmem_shared>> -> memref<88x128xf32, #tpu.memory_space<vmem_shared>>
    tpu.wait_dma2 semaphore(%arg17 : memref<!tpu.dma_semaphore, #tpu.memory_space<semaphore_mem>>) src(%arg11 : memref<88x128xf32, #tpu.memory_space<vmem>>) dst(%dma_wait3A_362 : memref<88x128xf32, #tpu.memory_space<vmem_shared>>)
    %dma_start3A_363 = arith.constant 4 : i32
    %dma_start3A_364 = arith.constant 0 : i32
    %dma_start3A_365 = tpu.memref_slice %arg7[%dma_start3A_363, %dma_start3A_364] : memref<40x88xi32, #tpu.memory_space<vmem>> -> memref<1x88xi32, #tpu.memory_space<vmem>>
    %dma_start3A_366 = tpu.memref_squeeze %dma_start3A_365 : memref<1x88xi32, #tpu.memory_space<vmem>> -> memref<88xi32, #tpu.memory_space<vmem>>
    %dma_start3A_367 = arith.constant 0 : i32
    %dma_start3A_368 = arith.constant 0 : i32
    %dma_start3A_369 = tpu.memref_slice %arg2[%dma_start3A_367, %dma_start3A_368] : memref<10000x128xf32, #tpu.memory_space<hbm>> -> memref<10000x128xf32, #tpu.memory_space<hbm>>
    tpu.enqueue_indirect_dma source(%dma_start3A_369 : memref<10000x128xf32, #tpu.memory_space<hbm>>) target(%arg11 : memref<88x128xf32, #tpu.memory_space<vmem>>) offsets(%dma_start3A_366 : memref<88xi32, #tpu.memory_space<vmem>>) semaphore(%arg14 : memref<!tpu.dma_semaphore, #tpu.memory_space<semaphore_mem>>)
    %scan3A_370 = arith.constant 0 : i32
    %scan3A_371 = arith.constant 1 : i32
    %scan3A_372 = arith.constant 12 : i32
    %scan3A_373 = arith.addi %scan3A_371, %scan3A_372 : i32
    %scan3A_374 = arith.constant 1 : i32
    scf.for %scan3A_421 = %scan3A_371 to %scan3A_373 step %scan3A_374  : i32 {
      %mul3A_422 = arith.constant 3 : i32
      %mul3A_423 = arith.muli %scan3A_421, %mul3A_422 : i32
      %add3A_424 = arith.constant 0 : i32
      %add3A_425 = arith.addi %mul3A_423, %add3A_424 : i32
      %dma_wait3A_426 = arith.constant 0 : i32
      %dma_wait3A_427 = arith.constant 0 : i32
      %dma_wait3A_428 = tpu.memref_slice %arg2[%dma_wait3A_426, %dma_wait3A_427] : memref<10000x128xf32, #tpu.memory_space<hbm>> -> memref<88x128xf32, #tpu.memory_space<hbm>>
      %dma_wait3A_429 = arith.constant 0 : i32
      %dma_wait3A_430 = arith.constant 0 : i32
      %dma_wait3A_431 = tpu.memref_slice %arg2[%dma_wait3A_429, %dma_wait3A_430] : memref<10000x128xf32, #tpu.memory_space<hbm>> -> memref<88x128xf32, #tpu.memory_space<hbm>>
      tpu.wait_dma2 semaphore(%arg13 : memref<!tpu.dma_semaphore, #tpu.memory_space<semaphore_mem>>) src(%dma_wait3A_431 : memref<88x128xf32, #tpu.memory_space<hbm>>) dst(%arg10 : memref<88x128xf32, #tpu.memory_space<vmem>>)
      %dma_start3A_432 = arith.constant 0 : i32
      %dma_start3A_433 = tpu.memref_slice %arg8[%add3A_425, %dma_start3A_432] : memref<40x88xi32, #tpu.memory_space<vmem>> -> memref<1x88xi32, #tpu.memory_space<vmem>>
      %dma_start3A_434 = tpu.memref_squeeze %dma_start3A_433 : memref<1x88xi32, #tpu.memory_space<vmem>> -> memref<88xi32, #tpu.memory_space<vmem>>
      %dma_start3A_435 = arith.constant 0 : i32
      %dma_start3A_436 = arith.constant 0 : i32
      %dma_start3A_437 = tpu.memref_slice %arg9[%dma_start3A_435, %dma_start3A_436] : memref<10240x128xf32, #tpu.memory_space<vmem_shared>> -> memref<10240x128xf32, #tpu.memory_space<vmem_shared>>
      tpu.enqueue_indirect_dma source(%arg10 : memref<88x128xf32, #tpu.memory_space<vmem>>) target(%dma_start3A_437 : memref<10240x128xf32, #tpu.memory_space<vmem_shared>>) offsets(%dma_start3A_434 : memref<88xi32, #tpu.memory_space<vmem>>) semaphore(%arg16 : memref<!tpu.dma_semaphore, #tpu.memory_space<semaphore_mem>>) {add = true}
      %dma_wait3A_438 = arith.constant 0 : i32
      %dma_wait3A_439 = arith.constant 0 : i32
      %dma_wait3A_440 = tpu.memref_slice %arg9[%dma_wait3A_438, %dma_wait3A_439] : memref<10240x128xf32, #tpu.memory_space<vmem_shared>> -> memref<88x128xf32, #tpu.memory_space<vmem_shared>>
      %dma_wait3A_441 = arith.constant 0 : i32
      %dma_wait3A_442 = arith.constant 0 : i32
      %dma_wait3A_443 = tpu.memref_slice %arg9[%dma_wait3A_441, %dma_wait3A_442] : memref<10240x128xf32, #tpu.memory_space<vmem_shared>> -> memref<88x128xf32, #tpu.memory_space<vmem_shared>>
      tpu.wait_dma2 semaphore(%arg18 : memref<!tpu.dma_semaphore, #tpu.memory_space<semaphore_mem>>) src(%arg12 : memref<88x128xf32, #tpu.memory_space<vmem>>) dst(%dma_wait3A_443 : memref<88x128xf32, #tpu.memory_space<vmem_shared>>)
      %add3A_444 = arith.constant 2 : i32
      %add3A_445 = arith.addi %add3A_425, %add3A_444 : i32
      %lt3A = arith.constant 40 : i32
      %lt3A_446 = arith.cmpi slt, %add3A_445, %lt3A : i32
      %add3A_447 = arith.constant 2 : i32
      %add3A_448 = arith.addi %add3A_425, %add3A_447 : i32
      %jit3A = arith.constant 2 : i32
      %select_n3A = arith.select %lt3A_446, %add3A_448, %jit3A : i32
      %dma_start3A_449 = arith.constant 0 : i32
      %dma_start3A_450 = tpu.memref_slice %arg7[%select_n3A, %dma_start3A_449] : memref<40x88xi32, #tpu.memory_space<vmem>> -> memref<1x88xi32, #tpu.memory_space<vmem>>
      %dma_start3A_451 = tpu.memref_squeeze %dma_start3A_450 : memref<1x88xi32, #tpu.memory_space<vmem>> -> memref<88xi32, #tpu.memory_space<vmem>>
      %dma_start3A_452 = arith.constant 0 : i32
      %dma_start3A_453 = arith.constant 0 : i32
      %dma_start3A_454 = tpu.memref_slice %arg2[%dma_start3A_452, %dma_start3A_453] : memref<10000x128xf32, #tpu.memory_space<hbm>> -> memref<10000x128xf32, #tpu.memory_space<hbm>>
      tpu.enqueue_indirect_dma source(%dma_start3A_454 : memref<10000x128xf32, #tpu.memory_space<hbm>>) target(%arg12 : memref<88x128xf32, #tpu.memory_space<vmem>>) offsets(%dma_start3A_451 : memref<88xi32, #tpu.memory_space<vmem>>) semaphore(%arg15 : memref<!tpu.dma_semaphore, #tpu.memory_space<semaphore_mem>>)
      %mul3A_455 = arith.constant 3 : i32
      %mul3A_456 = arith.muli %scan3A_421, %mul3A_455 : i32
      %add3A_457 = arith.constant 1 : i32
      %add3A_458 = arith.addi %mul3A_456, %add3A_457 : i32
      %dma_wait3A_459 = arith.constant 0 : i32
      %dma_wait3A_460 = arith.constant 0 : i32
      %dma_wait3A_461 = tpu.memref_slice %arg2[%dma_wait3A_459, %dma_wait3A_460] : memref<10000x128xf32, #tpu.memory_space<hbm>> -> memref<88x128xf32, #tpu.memory_space<hbm>>
      %dma_wait3A_462 = arith.constant 0 : i32
      %dma_wait3A_463 = arith.constant 0 : i32
      %dma_wait3A_464 = tpu.memref_slice %arg2[%dma_wait3A_462, %dma_wait3A_463] : memref<10000x128xf32, #tpu.memory_space<hbm>> -> memref<88x128xf32, #tpu.memory_space<hbm>>
      tpu.wait_dma2 semaphore(%arg14 : memref<!tpu.dma_semaphore, #tpu.memory_space<semaphore_mem>>) src(%dma_wait3A_464 : memref<88x128xf32, #tpu.memory_space<hbm>>) dst(%arg11 : memref<88x128xf32, #tpu.memory_space<vmem>>)
      %dma_start3A_465 = arith.constant 0 : i32
      %dma_start3A_466 = tpu.memref_slice %arg8[%add3A_458, %dma_start3A_465] : memref<40x88xi32, #tpu.memory_space<vmem>> -> memref<1x88xi32, #tpu.memory_space<vmem>>
      %dma_start3A_467 = tpu.memref_squeeze %dma_start3A_466 : memref<1x88xi32, #tpu.memory_space<vmem>> -> memref<88xi32, #tpu.memory_space<vmem>>
      %dma_start3A_468 = arith.constant 0 : i32
      %dma_start3A_469 = arith.constant 0 : i32
      %dma_start3A_470 = tpu.memref_slice %arg9[%dma_start3A_468, %dma_start3A_469] : memref<10240x128xf32, #tpu.memory_space<vmem_shared>> -> memref<10240x128xf32, #tpu.memory_space<vmem_shared>>
      tpu.enqueue_indirect_dma source(%arg11 : memref<88x128xf32, #tpu.memory_space<vmem>>) target(%dma_start3A_470 : memref<10240x128xf32, #tpu.memory_space<vmem_shared>>) offsets(%dma_start3A_467 : memref<88xi32, #tpu.memory_space<vmem>>) semaphore(%arg17 : memref<!tpu.dma_semaphore, #tpu.memory_space<semaphore_mem>>) {add = true}
      %dma_wait3A_471 = arith.constant 0 : i32
      %dma_wait3A_472 = arith.constant 0 : i32
      %dma_wait3A_473 = tpu.memref_slice %arg9[%dma_wait3A_471, %dma_wait3A_472] : memref<10240x128xf32, #tpu.memory_space<vmem_shared>> -> memref<88x128xf32, #tpu.memory_space<vmem_shared>>
      %dma_wait3A_474 = arith.constant 0 : i32
      %dma_wait3A_475 = arith.constant 0 : i32
      %dma_wait3A_476 = tpu.memref_slice %arg9[%dma_wait3A_474, %dma_wait3A_475] : memref<10240x128xf32, #tpu.memory_space<vmem_shared>> -> memref<88x128xf32, #tpu.memory_space<vmem_shared>>
      tpu.wait_dma2 semaphore(%arg16 : memref<!tpu.dma_semaphore, #tpu.memory_space<semaphore_mem>>) src(%arg10 : memref<88x128xf32, #tpu.memory_space<vmem>>) dst(%dma_wait3A_476 : memref<88x128xf32, #tpu.memory_space<vmem_shared>>)
      %add3A_477 = arith.constant 2 : i32
      %add3A_478 = arith.addi %add3A_458, %add3A_477 : i32
      %lt3A_479 = arith.constant 40 : i32
      %lt3A_480 = arith.cmpi slt, %add3A_478, %lt3A_479 : i32
      %add3A_481 = arith.constant 2 : i32
      %add3A_482 = arith.addi %add3A_458, %add3A_481 : i32
      %jit3A_483 = arith.constant 0 : i32
      %select_n3A_484 = arith.select %lt3A_480, %add3A_482, %jit3A_483 : i32
      %dma_start3A_485 = arith.constant 0 : i32
      %dma_start3A_486 = tpu.memref_slice %arg7[%select_n3A_484, %dma_start3A_485] : memref<40x88xi32, #tpu.memory_space<vmem>> -> memref<1x88xi32, #tpu.memory_space<vmem>>
      %dma_start3A_487 = tpu.memref_squeeze %dma_start3A_486 : memref<1x88xi32, #tpu.memory_space<vmem>> -> memref<88xi32, #tpu.memory_space<vmem>>
      %dma_start3A_488 = arith.constant 0 : i32
      %dma_start3A_489 = arith.constant 0 : i32
      %dma_start3A_490 = tpu.memref_slice %arg2[%dma_start3A_488, %dma_start3A_489] : memref<10000x128xf32, #tpu.memory_space<hbm>> -> memref<10000x128xf32, #tpu.memory_space<hbm>>
      tpu.enqueue_indirect_dma source(%dma_start3A_490 : memref<10000x128xf32, #tpu.memory_space<hbm>>) target(%arg10 : memref<88x128xf32, #tpu.memory_space<vmem>>) offsets(%dma_start3A_487 : memref<88xi32, #tpu.memory_space<vmem>>) semaphore(%arg13 : memref<!tpu.dma_semaphore, #tpu.memory_space<semaphore_mem>>)
      %mul3A_491 = arith.constant 3 : i32
      %mul3A_492 = arith.muli %scan3A_421, %mul3A_491 : i32
      %add3A_493 = arith.constant 2 : i32
      %add3A_494 = arith.addi %mul3A_492, %add3A_493 : i32
      %dma_wait3A_495 = arith.constant 0 : i32
      %dma_wait3A_496 = arith.constant 0 : i32
      %dma_wait3A_497 = tpu.memref_slice %arg2[%dma_wait3A_495, %dma_wait3A_496] : memref<10000x128xf32, #tpu.memory_space<hbm>> -> memref<88x128xf32, #tpu.memory_space<hbm>>
      %dma_wait3A_498 = arith.constant 0 : i32
      %dma_wait3A_499 = arith.constant 0 : i32
      %dma_wait3A_500 = tpu.memref_slice %arg2[%dma_wait3A_498, %dma_wait3A_499] : memref<10000x128xf32, #tpu.memory_space<hbm>> -> memref<88x128xf32, #tpu.memory_space<hbm>>
      tpu.wait_dma2 semaphore(%arg15 : memref<!tpu.dma_semaphore, #tpu.memory_space<semaphore_mem>>) src(%dma_wait3A_500 : memref<88x128xf32, #tpu.memory_space<hbm>>) dst(%arg12 : memref<88x128xf32, #tpu.memory_space<vmem>>)
      %dma_start3A_501 = arith.constant 0 : i32
      %dma_start3A_502 = tpu.memref_slice %arg8[%add3A_494, %dma_start3A_501] : memref<40x88xi32, #tpu.memory_space<vmem>> -> memref<1x88xi32, #tpu.memory_space<vmem>>
      %dma_start3A_503 = tpu.memref_squeeze %dma_start3A_502 : memref<1x88xi32, #tpu.memory_space<vmem>> -> memref<88xi32, #tpu.memory_space<vmem>>
      %dma_start3A_504 = arith.constant 0 : i32
      %dma_start3A_505 = arith.constant 0 : i32
      %dma_start3A_506 = tpu.memref_slice %arg9[%dma_start3A_504, %dma_start3A_505] : memref<10240x128xf32, #tpu.memory_space<vmem_shared>> -> memref<10240x128xf32, #tpu.memory_space<vmem_shared>>
      tpu.enqueue_indirect_dma source(%arg12 : memref<88x128xf32, #tpu.memory_space<vmem>>) target(%dma_start3A_506 : memref<10240x128xf32, #tpu.memory_space<vmem_shared>>) offsets(%dma_start3A_503 : memref<88xi32, #tpu.memory_space<vmem>>) semaphore(%arg18 : memref<!tpu.dma_semaphore, #tpu.memory_space<semaphore_mem>>) {add = true}
      %dma_wait3A_507 = arith.constant 0 : i32
      %dma_wait3A_508 = arith.constant 0 : i32
      %dma_wait3A_509 = tpu.memref_slice %arg9[%dma_wait3A_507, %dma_wait3A_508] : memref<10240x128xf32, #tpu.memory_space<vmem_shared>> -> memref<88x128xf32, #tpu.memory_space<vmem_shared>>
      %dma_wait3A_510 = arith.constant 0 : i32
      %dma_wait3A_511 = arith.constant 0 : i32
      %dma_wait3A_512 = tpu.memref_slice %arg9[%dma_wait3A_510, %dma_wait3A_511] : memref<10240x128xf32, #tpu.memory_space<vmem_shared>> -> memref<88x128xf32, #tpu.memory_space<vmem_shared>>
      tpu.wait_dma2 semaphore(%arg17 : memref<!tpu.dma_semaphore, #tpu.memory_space<semaphore_mem>>) src(%arg11 : memref<88x128xf32, #tpu.memory_space<vmem>>) dst(%dma_wait3A_512 : memref<88x128xf32, #tpu.memory_space<vmem_shared>>)
      %add3A_513 = arith.constant 2 : i32
      %add3A_514 = arith.addi %add3A_494, %add3A_513 : i32
      %lt3A_515 = arith.constant 40 : i32
      %lt3A_516 = arith.cmpi slt, %add3A_514, %lt3A_515 : i32
      %add3A_517 = arith.constant 2 : i32
      %add3A_518 = arith.addi %add3A_494, %add3A_517 : i32
      %jit3A_519 = arith.constant 1 : i32
      %select_n3A_520 = arith.select %lt3A_516, %add3A_518, %jit3A_519 : i32
      %dma_start3A_521 = arith.constant 0 : i32
      %dma_start3A_522 = tpu.memref_slice %arg7[%select_n3A_520, %dma_start3A_521] : memref<40x88xi32, #tpu.memory_space<vmem>> -> memref<1x88xi32, #tpu.memory_space<vmem>>
      %dma_start3A_523 = tpu.memref_squeeze %dma_start3A_522 : memref<1x88xi32, #tpu.memory_space<vmem>> -> memref<88xi32, #tpu.memory_space<vmem>>
      %dma_start3A_524 = arith.constant 0 : i32
      %dma_start3A_525 = arith.constant 0 : i32
      %dma_start3A_526 = tpu.memref_slice %arg2[%dma_start3A_524, %dma_start3A_525] : memref<10000x128xf32, #tpu.memory_space<hbm>> -> memref<10000x128xf32, #tpu.memory_space<hbm>>
      tpu.enqueue_indirect_dma source(%dma_start3A_526 : memref<10000x128xf32, #tpu.memory_space<hbm>>) target(%arg11 : memref<88x128xf32, #tpu.memory_space<vmem>>) offsets(%dma_start3A_523 : memref<88xi32, #tpu.memory_space<vmem>>) semaphore(%arg14 : memref<!tpu.dma_semaphore, #tpu.memory_space<semaphore_mem>>)
    }
    %scan3A_375 = arith.constant 12 : i32
    %dma_wait3A_376 = arith.constant 0 : i32
    %dma_wait3A_377 = arith.constant 0 : i32
    %dma_wait3A_378 = tpu.memref_slice %arg2[%dma_wait3A_376, %dma_wait3A_377] : memref<10000x128xf32, #tpu.memory_space<hbm>> -> memref<88x128xf32, #tpu.memory_space<hbm>>
    %dma_wait3A_379 = arith.constant 0 : i32
    %dma_wait3A_380 = arith.constant 0 : i32
    %dma_wait3A_381 = tpu.memref_slice %arg2[%dma_wait3A_379, %dma_wait3A_380] : memref<10000x128xf32, #tpu.memory_space<hbm>> -> memref<88x128xf32, #tpu.memory_space<hbm>>
    tpu.wait_dma2 semaphore(%arg13 : memref<!tpu.dma_semaphore, #tpu.memory_space<semaphore_mem>>) src(%dma_wait3A_381 : memref<88x128xf32, #tpu.memory_space<hbm>>) dst(%arg10 : memref<88x128xf32, #tpu.memory_space<vmem>>)
    %dma_start3A_382 = arith.constant 39 : i32
    %dma_start3A_383 = arith.constant 0 : i32
    %dma_start3A_384 = tpu.memref_slice %arg8[%dma_start3A_382, %dma_start3A_383] : memref<40x88xi32, #tpu.memory_space<vmem>> -> memref<1x88xi32, #tpu.memory_space<vmem>>
    %dma_start3A_385 = tpu.memref_squeeze %dma_start3A_384 : memref<1x88xi32, #tpu.memory_space<vmem>> -> memref<88xi32, #tpu.memory_space<vmem>>
    %dma_start3A_386 = arith.constant 0 : i32
    %dma_start3A_387 = arith.constant 0 : i32
    %dma_start3A_388 = tpu.memref_slice %arg9[%dma_start3A_386, %dma_start3A_387] : memref<10240x128xf32, #tpu.memory_space<vmem_shared>> -> memref<10240x128xf32, #tpu.memory_space<vmem_shared>>
    tpu.enqueue_indirect_dma source(%arg10 : memref<88x128xf32, #tpu.memory_space<vmem>>) target(%dma_start3A_388 : memref<10240x128xf32, #tpu.memory_space<vmem_shared>>) offsets(%dma_start3A_385 : memref<88xi32, #tpu.memory_space<vmem>>) semaphore(%arg16 : memref<!tpu.dma_semaphore, #tpu.memory_space<semaphore_mem>>) {add = true}
    %dma_wait3A_389 = arith.constant 0 : i32
    %dma_wait3A_390 = arith.constant 0 : i32
    %dma_wait3A_391 = tpu.memref_slice %arg9[%dma_wait3A_389, %dma_wait3A_390] : memref<10240x128xf32, #tpu.memory_space<vmem_shared>> -> memref<88x128xf32, #tpu.memory_space<vmem_shared>>
    %dma_wait3A_392 = arith.constant 0 : i32
    %dma_wait3A_393 = arith.constant 0 : i32
    %dma_wait3A_394 = tpu.memref_slice %arg9[%dma_wait3A_392, %dma_wait3A_393] : memref<10240x128xf32, #tpu.memory_space<vmem_shared>> -> memref<88x128xf32, #tpu.memory_space<vmem_shared>>
    tpu.wait_dma2 semaphore(%arg18 : memref<!tpu.dma_semaphore, #tpu.memory_space<semaphore_mem>>) src(%arg12 : memref<88x128xf32, #tpu.memory_space<vmem>>) dst(%dma_wait3A_394 : memref<88x128xf32, #tpu.memory_space<vmem_shared>>)
    %dma_start3A_395 = arith.constant 2 : i32
    %dma_start3A_396 = arith.constant 0 : i32
    %dma_start3A_397 = tpu.memref_slice %arg7[%dma_start3A_395, %dma_start3A_396] : memref<40x88xi32, #tpu.memory_space<vmem>> -> memref<1x88xi32, #tpu.memory_space<vmem>>
    %dma_start3A_398 = tpu.memref_squeeze %dma_start3A_397 : memref<1x88xi32, #tpu.memory_space<vmem>> -> memref<88xi32, #tpu.memory_space<vmem>>
    %dma_start3A_399 = arith.constant 0 : i32
    %dma_start3A_400 = arith.constant 0 : i32
    %dma_start3A_401 = tpu.memref_slice %arg2[%dma_start3A_399, %dma_start3A_400] : memref<10000x128xf32, #tpu.memory_space<hbm>> -> memref<10000x128xf32, #tpu.memory_space<hbm>>
    tpu.enqueue_indirect_dma source(%dma_start3A_401 : memref<10000x128xf32, #tpu.memory_space<hbm>>) target(%arg12 : memref<88x128xf32, #tpu.memory_space<vmem>>) offsets(%dma_start3A_398 : memref<88xi32, #tpu.memory_space<vmem>>) semaphore(%arg15 : memref<!tpu.dma_semaphore, #tpu.memory_space<semaphore_mem>>)
    %dma_wait3A_402 = arith.constant 0 : i32
    %dma_wait3A_403 = arith.constant 0 : i32
    %dma_wait3A_404 = tpu.memref_slice %arg2[%dma_wait3A_402, %dma_wait3A_403] : memref<10000x128xf32, #tpu.memory_space<hbm>> -> memref<88x128xf32, #tpu.memory_space<hbm>>
    %dma_wait3A_405 = arith.constant 0 : i32
    %dma_wait3A_406 = arith.constant 0 : i32
    %dma_wait3A_407 = tpu.memref_slice %arg2[%dma_wait3A_405, %dma_wait3A_406] : memref<10000x128xf32, #tpu.memory_space<hbm>> -> memref<88x128xf32, #tpu.memory_space<hbm>>
    tpu.wait_dma2 semaphore(%arg14 : memref<!tpu.dma_semaphore, #tpu.memory_space<semaphore_mem>>) src(%dma_wait3A_407 : memref<88x128xf32, #tpu.memory_space<hbm>>) dst(%arg11 : memref<88x128xf32, #tpu.memory_space<vmem>>)
    %dma_wait3A_408 = arith.constant 0 : i32
    %dma_wait3A_409 = arith.constant 0 : i32
    %dma_wait3A_410 = tpu.memref_slice %arg2[%dma_wait3A_408, %dma_wait3A_409] : memref<10000x128xf32, #tpu.memory_space<hbm>> -> memref<88x128xf32, #tpu.memory_space<hbm>>
    %dma_wait3A_411 = arith.constant 0 : i32
    %dma_wait3A_412 = arith.constant 0 : i32
    %dma_wait3A_413 = tpu.memref_slice %arg2[%dma_wait3A_411, %dma_wait3A_412] : memref<10000x128xf32, #tpu.memory_space<hbm>> -> memref<88x128xf32, #tpu.memory_space<hbm>>
    tpu.wait_dma2 semaphore(%arg15 : memref<!tpu.dma_semaphore, #tpu.memory_space<semaphore_mem>>) src(%dma_wait3A_413 : memref<88x128xf32, #tpu.memory_space<hbm>>) dst(%arg12 : memref<88x128xf32, #tpu.memory_space<vmem>>)
    %dma_wait3A_414 = arith.constant 0 : i32
    %dma_wait3A_415 = arith.constant 0 : i32
    %dma_wait3A_416 = tpu.memref_slice %arg9[%dma_wait3A_414, %dma_wait3A_415] : memref<10240x128xf32, #tpu.memory_space<vmem_shared>> -> memref<88x128xf32, #tpu.memory_space<vmem_shared>>
    %dma_wait3A_417 = arith.constant 0 : i32
    %dma_wait3A_418 = arith.constant 0 : i32
    %dma_wait3A_419 = tpu.memref_slice %arg9[%dma_wait3A_417, %dma_wait3A_418] : memref<10240x128xf32, #tpu.memory_space<vmem_shared>> -> memref<88x128xf32, #tpu.memory_space<vmem_shared>>
    tpu.wait_dma2 semaphore(%arg16 : memref<!tpu.dma_semaphore, #tpu.memory_space<semaphore_mem>>) src(%arg10 : memref<88x128xf32, #tpu.memory_space<vmem>>) dst(%dma_wait3A_419 : memref<88x128xf32, #tpu.memory_space<vmem_shared>>)
    %barrier3A_420 = arith.constant 0 : index
    tpu.barrier barrier_id(%barrier3A_420)
    "tpu.region"() ({
      %run_scoped3A = tpu.sem_alloc : memref<!tpu.dma_semaphore, #tpu.memory_space<semaphore_mem>>
      %dma_start3A_421 = arith.constant 0 : i32
      %dma_start3A_422 = tpu.memref_slice %arg6[%arg0, %mul3A_2, %dma_start3A_421] : memref<2x10240x128xf32, #tpu.memory_space<hbm>> -> memref<1x640x128xf32, #tpu.memory_space<hbm>>
      %dma_start3A_423 = tpu.memref_squeeze %dma_start3A_422 : memref<1x640x128xf32, #tpu.memory_space<hbm>> -> memref<640x128xf32, #tpu.memory_space<hbm>>
      %dma_start3A_424 = arith.constant 0 : i32
      %dma_start3A_425 = tpu.memref_slice %arg9[%mul3A_2, %dma_start3A_424] : memref<10240x128xf32, #tpu.memory_space<vmem_shared>> -> memref<640x128xf32, #tpu.memory_space<vmem_shared>>
      tpu.enqueue_dma source(%dma_start3A_425 : memref<640x128xf32, #tpu.memory_space<vmem_shared>>) target(%dma_start3A_423 : memref<640x128xf32, #tpu.memory_space<hbm>>) target_semaphore(%run_scoped3A : memref<!tpu.dma_semaphore, #tpu.memory_space<semaphore_mem>>)
      %dma_wait3A_426 = arith.constant 0 : i32
      %dma_wait3A_427 = tpu.memref_slice %arg6[%arg0, %mul3A_2, %dma_wait3A_426] : memref<2x10240x128xf32, #tpu.memory_space<hbm>> -> memref<1x640x128xf32, #tpu.memory_space<hbm>>
      %dma_wait3A_428 = tpu.memref_squeeze %dma_wait3A_427 : memref<1x640x128xf32, #tpu.memory_space<hbm>> -> memref<640x128xf32, #tpu.memory_space<hbm>>
      %dma_wait3A_429 = arith.constant 0 : i32
      %dma_wait3A_430 = tpu.memref_slice %arg9[%mul3A_2, %dma_wait3A_429] : memref<10240x128xf32, #tpu.memory_space<vmem_shared>> -> memref<640x128xf32, #tpu.memory_space<vmem_shared>>
      tpu.wait_dma2 semaphore(%run_scoped3A : memref<!tpu.dma_semaphore, #tpu.memory_space<semaphore_mem>>) src(%dma_wait3A_430 : memref<640x128xf32, #tpu.memory_space<vmem_shared>>) dst(%dma_wait3A_428 : memref<640x128xf32, #tpu.memory_space<hbm>>)
      tpu.yield
    }) : () -> ()
    return
  }
}

module attributes {stable_mosaic.version = 14 : i64} {
  func.func @_mm_body(%arg0: i32, %arg1: memref<1000x128xf32, #tpu.memory_space<vmem>>, %arg2: memref<128x128xf32, #tpu.memory_space<vmem>>, %arg3: memref<1000x128xf32, #tpu.memory_space<vmem>>) attributes {dimension_semantics = [#tpu.dimension_semantics<arbitrary>], iteration_bounds = array<i64: 10>, scalar_prefetch = 0 : i64, scratch_operands = 0 : i64, tpu.core_type = #tpu.core_type<tc>, window_params = [{transform_indices = @transform_0, window_bounds = array<i64: 1000, 128>}, {pipeline_mode = #tpu.pipeline_mode<synchronous>, transform_indices = @transform_1, window_bounds = array<i64: 128, 128>}, {transform_indices = @transform_2, window_bounds = array<i64: 1000, 128>}]} {
    %get3A = arith.constant 0 : index
    %get3A_0 = arith.constant 0 : index
    %get3A_1 = vector.load %arg1[%get3A, %get3A_0] : memref<1000x128xf32, #tpu.memory_space<vmem>>, vector<1000x128xf32>
    %get3A_2 = arith.constant 0 : index
    %get3A_3 = arith.constant 0 : index
    %get3A_4 = vector.load %arg2[%get3A_2, %get3A_3] : memref<128x128xf32, #tpu.memory_space<vmem>>, vector<128x128xf32>
    %dot_general3A = arith.constant dense<0.000000e+00> : vector<1000x128xf32>
    %dot_general3A_5 = tpu.matmul %get3A_1, %get3A_4, %dot_general3A {dimension_numbers = #tpu.dot_dimension_numbers<[1], [0], [0], [1], [0, 0, 1, 1], [], []>, transpose_lhs_hint = false} : vector<1000x128xf32>, vector<128x128xf32>, vector<1000x128xf32> -> vector<1000x128xf32>
    %swap3A = arith.constant 0 : index
    %swap3A_6 = arith.constant 0 : index
    %swap3A_7 = vector.load %arg3[%swap3A, %swap3A_6] : memref<1000x128xf32, #tpu.memory_space<vmem>>, vector<1000x128xf32>
    tpu.vector_store %arg3[%swap3A, %swap3A_6], %dot_general3A_5 {strides = array<i32>} : memref<1000x128xf32, #tpu.memory_space<vmem>>, vector<1000x128xf32>,
    return
  }
  func.func @transform_0(%arg0: i32) -> (i32, i32) {
    %c0_i32 = arith.constant 0 : i32
    %c0_i32_0 = arith.constant 0 : i32
    return %arg0, %c0_i32 : i32, i32
  }
  func.func @transform_1(%arg0: i32) -> (i32, i32) {
    %c0_i32 = arith.constant 0 : i32
    %c0_i32_0 = arith.constant 0 : i32
    %c0_i32_1 = arith.constant 0 : i32
    return %c0_i32, %c0_i32_0 : i32, i32
  }
  func.func @transform_2(%arg0: i32) -> (i32, i32) {
    %c0_i32 = arith.constant 0 : i32
    %c0_i32_0 = arith.constant 0 : i32
    return %arg0, %c0_i32 : i32, i32
  }
}

module attributes {stable_mosaic.version = 14 : i64} {
  func.func @_combine_mm_body(%arg0: i32, %arg1: memref<2x1000x128xf32, #tpu.memory_space<vmem>>, %arg2: memref<1x128xf32, #tpu.memory_space<vmem>>, %arg3: memref<128x128xf32, #tpu.memory_space<vmem>>, %arg4: memref<1000x128xf32, #tpu.memory_space<vmem>>) attributes {dimension_semantics = [#tpu.dimension_semantics<arbitrary>], iteration_bounds = array<i64: 10>, scalar_prefetch = 0 : i64, scratch_operands = 0 : i64, tpu.core_type = #tpu.core_type<tc>, window_params = [{transform_indices = @transform_0, window_bounds = array<i64: 2, 1000, 128>}, {pipeline_mode = #tpu.pipeline_mode<synchronous>, transform_indices = @transform_1, window_bounds = array<i64: 1, 128>}, {pipeline_mode = #tpu.pipeline_mode<synchronous>, transform_indices = @transform_2, window_bounds = array<i64: 128, 128>}, {transform_indices = @transform_3, window_bounds = array<i64: 1000, 128>}]} {
    %get3A = arith.constant 0 : index
    %get3A_0 = arith.constant 0 : index
    %get3A_1 = arith.constant 0 : index
    %get3A_2 = vector.load %arg1[%get3A, %get3A_0, %get3A_1] : memref<2x1000x128xf32, #tpu.memory_space<vmem>>, vector<1x1000x128xf32>
    %get3A_3 = vector.shape_cast %get3A_2 : vector<1x1000x128xf32> to vector<1000x128xf32>
    %get3A_4 = arith.constant 1 : index
    %get3A_5 = arith.constant 0 : index
    %get3A_6 = arith.constant 0 : index
    %get3A_7 = vector.load %arg1[%get3A_4, %get3A_5, %get3A_6] : memref<2x1000x128xf32, #tpu.memory_space<vmem>>, vector<1x1000x128xf32>
    %get3A_8 = vector.shape_cast %get3A_7 : vector<1x1000x128xf32> to vector<1000x128xf32>
    %add3A = arith.addf %get3A_3, %get3A_8 : vector<1000x128xf32>
    %get3A_9 = arith.constant 0 : index
    %get3A_10 = arith.constant 0 : index
    %get3A_11 = vector.load %arg2[%get3A_9, %get3A_10] : memref<1x128xf32, #tpu.memory_space<vmem>>, vector<1x128xf32>
    %add3A_12 = vector.broadcast %get3A_11 : vector<1x128xf32> to vector<1000x128xf32>
    %add3A_13 = arith.addf %add3A, %add3A_12 : vector<1000x128xf32>
    %max3A = arith.constant 0.000000e+00 : f32
    %max3A_14 = vector.broadcast %max3A : f32 to vector<1000x128xf32>
    %max3A_15 = arith.maximumf %add3A_13, %max3A_14 : vector<1000x128xf32>
    %get3A_16 = arith.constant 0 : index
    %get3A_17 = arith.constant 0 : index
    %get3A_18 = vector.load %arg3[%get3A_16, %get3A_17] : memref<128x128xf32, #tpu.memory_space<vmem>>, vector<128x128xf32>
    %dot_general3A = arith.constant dense<0.000000e+00> : vector<1000x128xf32>
    %dot_general3A_19 = tpu.matmul %max3A_15, %get3A_18, %dot_general3A {dimension_numbers = #tpu.dot_dimension_numbers<[1], [0], [0], [1], [0, 0, 1, 1], [], []>, transpose_lhs_hint = false} : vector<1000x128xf32>, vector<128x128xf32>, vector<1000x128xf32> -> vector<1000x128xf32>
    %swap3A = arith.constant 0 : index
    %swap3A_20 = arith.constant 0 : index
    %swap3A_21 = vector.load %arg4[%swap3A, %swap3A_20] : memref<1000x128xf32, #tpu.memory_space<vmem>>, vector<1000x128xf32>
    tpu.vector_store %arg4[%swap3A, %swap3A_20], %dot_general3A_19 {strides = array<i32>} : memref<1000x128xf32, #tpu.memory_space<vmem>>, vector<1000x128xf32>,
    return
  }
  func.func @transform_0(%arg0: i32) -> (i32, i32, i32) {
    %c0_i32 = arith.constant 0 : i32
    %c0_i32_0 = arith.constant 0 : i32
    %c0_i32_1 = arith.constant 0 : i32
    return %c0_i32, %arg0, %c0_i32_0 : i32, i32, i32
  }
  func.func @transform_1(%arg0: i32) -> (i32, i32) {
    %c0_i32 = arith.constant 0 : i32
    %c0_i32_0 = arith.constant 0 : i32
    %c0_i32_1 = arith.constant 0 : i32
    return %c0_i32, %c0_i32_0 : i32, i32
  }
  func.func @transform_2(%arg0: i32) -> (i32, i32) {
    %c0_i32 = arith.constant 0 : i32
    %c0_i32_0 = arith.constant 0 : i32
    %c0_i32_1 = arith.constant 0 : i32
    return %c0_i32, %c0_i32_0 : i32, i32
  }
  func.func @transform_3(%arg0: i32) -> (i32, i32) {
    %c0_i32 = arith.constant 0 : i32
    %c0_i32_0 = arith.constant 0 : i32
    return %arg0, %c0_i32 : i32, i32
  }
}

module attributes {stable_mosaic.version = 14 : i64} {
  func.func @_head_body(%arg0: i32, %arg1: memref<2x1000x128xf32, #tpu.memory_space<vmem>>, %arg2: memref<1x128xf32, #tpu.memory_space<vmem>>, %arg3: memref<128x16xf32, #tpu.memory_space<vmem>>, %arg4: memref<1x16xf32, #tpu.memory_space<vmem>>, %arg5: memref<1000x16xf32, #tpu.memory_space<vmem>>) attributes {dimension_semantics = [#tpu.dimension_semantics<arbitrary>], iteration_bounds = array<i64: 10>, scalar_prefetch = 0 : i64, scratch_operands = 0 : i64, tpu.core_type = #tpu.core_type<tc>, window_params = [{transform_indices = @transform_0, window_bounds = array<i64: 2, 1000, 128>}, {pipeline_mode = #tpu.pipeline_mode<synchronous>, transform_indices = @transform_1, window_bounds = array<i64: 1, 128>}, {pipeline_mode = #tpu.pipeline_mode<synchronous>, transform_indices = @transform_2, window_bounds = array<i64: 128, 16>}, {pipeline_mode = #tpu.pipeline_mode<synchronous>, transform_indices = @transform_3, window_bounds = array<i64: 1, 16>}, {transform_indices = @transform_4, window_bounds = array<i64: 1000, 16>}]} {
    %get3A = arith.constant 0 : index
    %get3A_0 = arith.constant 0 : index
    %get3A_1 = arith.constant 0 : index
    %get3A_2 = vector.load %arg1[%get3A, %get3A_0, %get3A_1] : memref<2x1000x128xf32, #tpu.memory_space<vmem>>, vector<1x1000x128xf32>
    %get3A_3 = vector.shape_cast %get3A_2 : vector<1x1000x128xf32> to vector<1000x128xf32>
    %get3A_4 = arith.constant 1 : index
    %get3A_5 = arith.constant 0 : index
    %get3A_6 = arith.constant 0 : index
    %get3A_7 = vector.load %arg1[%get3A_4, %get3A_5, %get3A_6] : memref<2x1000x128xf32, #tpu.memory_space<vmem>>, vector<1x1000x128xf32>
    %get3A_8 = vector.shape_cast %get3A_7 : vector<1x1000x128xf32> to vector<1000x128xf32>
    %add3A = arith.addf %get3A_3, %get3A_8 : vector<1000x128xf32>
    %get3A_9 = arith.constant 0 : index
    %get3A_10 = arith.constant 0 : index
    %get3A_11 = vector.load %arg2[%get3A_9, %get3A_10] : memref<1x128xf32, #tpu.memory_space<vmem>>, vector<1x128xf32>
    %add3A_12 = vector.broadcast %get3A_11 : vector<1x128xf32> to vector<1000x128xf32>
    %add3A_13 = arith.addf %add3A, %add3A_12 : vector<1000x128xf32>
    %max3A = arith.constant 0.000000e+00 : f32
    %max3A_14 = vector.broadcast %max3A : f32 to vector<1000x128xf32>
    %max3A_15 = arith.maximumf %add3A_13, %max3A_14 : vector<1000x128xf32>
    %get3A_16 = arith.constant 0 : index
    %get3A_17 = arith.constant 0 : index
    %get3A_18 = vector.load %arg3[%get3A_16, %get3A_17] : memref<128x16xf32, #tpu.memory_space<vmem>>, vector<128x16xf32>
    %dot_general3A = arith.constant dense<0.000000e+00> : vector<1000x16xf32>
    %dot_general3A_19 = tpu.matmul %max3A_15, %get3A_18, %dot_general3A {dimension_numbers = #tpu.dot_dimension_numbers<[1], [0], [0], [1], [0, 0, 1, 1], [], []>, transpose_lhs_hint = false} : vector<1000x128xf32>, vector<128x16xf32>, vector<1000x16xf32> -> vector<1000x16xf32>
    %get3A_20 = arith.constant 0 : index
    %get3A_21 = arith.constant 0 : index
    %get3A_22 = vector.load %arg4[%get3A_20, %get3A_21] : memref<1x16xf32, #tpu.memory_space<vmem>>, vector<1x16xf32>
    %add3A_23 = vector.broadcast %get3A_22 : vector<1x16xf32> to vector<1000x16xf32>
    %add3A_24 = arith.addf %dot_general3A_19, %add3A_23 : vector<1000x16xf32>
    %reduce_max3A = arith.constant dense<0xFF800000> : vector<1000xf32>
    %reduce_max3A_25 = vector.multi_reduction <maximumf>, %add3A_24, %reduce_max3A [1] : vector<1000x16xf32> to vector<1000xf32>
    %broadcast_in_dim3A = vector.shape_cast %reduce_max3A_25 : vector<1000xf32> to vector<1000x1xf32>
    %sub3A = vector.broadcast %broadcast_in_dim3A : vector<1000x1xf32> to vector<1000x16xf32>
    %sub3A_26 = arith.subf %add3A_24, %sub3A : vector<1000x16xf32>
    %exp3A = math.exp %sub3A_26 : vector<1000x16xf32>
    %reduce_sum3A = arith.constant dense<0.000000e+00> : vector<1000xf32>
    %reduce_sum3A_27 = vector.multi_reduction <add>, %exp3A, %reduce_sum3A [1] : vector<1000x16xf32> to vector<1000xf32>
    %broadcast_in_dim3A_28 = vector.shape_cast %reduce_sum3A_27 : vector<1000xf32> to vector<1000x1xf32>
    %log3A = math.log %broadcast_in_dim3A_28 : vector<1000x1xf32>
    %add3A_29 = arith.addf %log3A, %broadcast_in_dim3A : vector<1000x1xf32>
    %sub3A_30 = vector.broadcast %add3A_29 : vector<1000x1xf32> to vector<1000x16xf32>
    %sub3A_31 = arith.subf %add3A_24, %sub3A_30 : vector<1000x16xf32>
    %swap3A = arith.constant 0 : index
    %swap3A_32 = arith.constant 0 : index
    %swap3A_33 = vector.load %arg5[%swap3A, %swap3A_32] : memref<1000x16xf32, #tpu.memory_space<vmem>>, vector<1000x16xf32>
    tpu.vector_store %arg5[%swap3A, %swap3A_32], %sub3A_31 {strides = array<i32>} : memref<1000x16xf32, #tpu.memory_space<vmem>>, vector<1000x16xf32>,
    return
  }
  func.func @transform_0(%arg0: i32) -> (i32, i32, i32) {
    %c0_i32 = arith.constant 0 : i32
    %c0_i32_0 = arith.constant 0 : i32
    %c0_i32_1 = arith.constant 0 : i32
    return %c0_i32, %arg0, %c0_i32_0 : i32, i32, i32
  }
  func.func @transform_1(%arg0: i32) -> (i32, i32) {
    %c0_i32 = arith.constant 0 : i32
    %c0_i32_0 = arith.constant 0 : i32
    %c0_i32_1 = arith.constant 0 : i32
    return %c0_i32, %c0_i32_0 : i32, i32
  }
  func.func @transform_2(%arg0: i32) -> (i32, i32) {
    %c0_i32 = arith.constant 0 : i32
    %c0_i32_0 = arith.constant 0 : i32
    %c0_i32_1 = arith.constant 0 : i32
    return %c0_i32, %c0_i32_0 : i32, i32
  }
  func.func @transform_3(%arg0: i32) -> (i32, i32) {
    %c0_i32 = arith.constant 0 : i32
    %c0_i32_0 = arith.constant 0 : i32
    %c0_i32_1 = arith.constant 0 : i32
    return %c0_i32, %c0_i32_0 : i32, i32
  }
  func.func @transform_4(%arg0: i32) -> (i32, i32) {
    %c0_i32 = arith.constant 0 : i32
    %c0_i32_0 = arith.constant 0 : i32
    return %arg0, %c0_i32 : i32, i32
  }
}

</mosaic_0001>

<sc_bundles>
// kernel: kernel.10.cloned.1.call-start
scs
__scs_entry_jumppad:
0x0: {  	(pc) =	sbr.rel $0x88, $3  }
0x1: {  	(tag) =	ssettag $0x0;
	lr =	simm.s32 $0x1  }
0x2: {  	[smem:$0x3F99] =	sst lr;
	_ =	strace $0xD0000000  }
0x3: {  	_ = 	snop  }
0x4: {  	_ = 	snop  }
0x5: {  	_ = 	snop  }
0x6: {  	_ = 	snop  }
0x7: {  	_ = 	snop  }
__scs_overlays_trampoline_lowered:
0x8: {  	[smem:$0x3FA8] =	sst s0  }
0x9: {  	[smem:$0x3FA9] =	sst s1  }
0xa: {  	[smem:$0x3FAA] =	sst s2  }
0xb: {  	[smem:$0x3FAB] =	sst s3  }
0xc: {  	[smem:$0x3FAC] =	sst s4  }
0xd: {  	[smem:$0x3FAD] =	sst s5  }
0xe: {  	[smem:$0x3FAE] =	sst s6  }
0xf: {  	[smem:$0x3FAF] =	sst s7  }
0x10: {  	[smem:$0x3FB0] =	sst s8  }
0x11: {  	[smem:$0x3FB1] =	sst s9;
	s0 =	simm.s32 @!p0 $0x0  }
0x12: {  	s1 =	sld [smem:$0x3F97];
	s0 =	simm.s32 @p0 $0x1  }
0x13: {  	[smem:$0x3FB2] =	sst s0;
	s0 =	simm.s32 @!p1 $0x0  }
0x14: {  	s2 =	sld [smem:$0x3F96];
	s0 =	simm.s32 @p1 $0x1  }
0x15: {  	[smem:$0x3FB3] =	sst s0;
	s0 =	simm.s32 @!p2 $0x0  }
0x16: {  	s3 =	sld [smem:$0x3FDB];
	s0 =	simm.s32 @p2 $0x1  }
0x17: {  	s4 =	simm.s32 $0x1BF5;
	[smem:$0x3FB5] =	sst s0  }
0x18: {  	s0 =	sld [smem:$0x3F98];
	_ =	swait.ge [sflag:s4], $0x0  }
0x19: {  	s7 =	sld [smem:$0x3F99]  }
0x1a: {  	s8 =	sadd.s32 $0xFFFFE003, lr  }
0x1b: {  	s9 =	sadd.s32 $0xFFFFFEF7, lr;
	s5 =	simm.s32 $0xFFFFFFFF;
	p2 =	slt.u32 s8, $0xFFFFF086  }
0x1c: {  	p1 =	slt.u32 s9, $0xF7A;
	s5 =	simm.s32 @!p2 $0x0  }
0x1d: {  	s5 =	simm.s32 @p1 $0x1;
	p0 =	seq.s32 s7, s2  }
0x1e: {  	s7 =	smul.u32 @!p0 $0xF7A, s2;
	p2 =	seq.s32 @!p0 s5, $0x0  }
0x1f: {  	s9 =	smul.u32 $0xF7A, s1;
	s8 =	simm.s32 @!p0 $0x1BF5;
	p2 =	por !p2, p0  }
0x20: {  	[sflag:s8] =	ssyncset.s32 @!p0 $0xFFFFF086;
	s6 =	sadd.s32 @!p0 s3, s7;
	s7 =	simm.s32 @!p0 $0x108  }
0x21: {  	s3 =	sadd.s32 s3, s9;
	s6 =	sadd.s32 @!p0 $0x88, s6;
	s7 =	simm.s32 @p2 $0x1082  }
0x22: {  	[simem:s7], [sflag:s8] =	dma.local @!p0 [hbm:s6], $0xF7A  }
0x23: {  	s9 =	sor.u32 $0xD0000000, s2;
	s6 =	simm.s32 $0x108;
	_ =	swait.ge @!p0 [sflag:s8], $0x0  }
0x24: {  	s3 =	sadd.s32 $0x88, s3;
	s6 =	simm.s32 @!p1 $0x1082;
	[sflag:s4] =	ssyncset.s32 $0xFFFFF086  }
0x25: {  	[simem:s6], [sflag:s4] =	dma.local [hbm:s3], $0xF7A  }
0x26: {  	[smem:$0x3F99] =	sst s1;
	(tag) =	ssettag s2;
	_ =	strace s9  }
0x27: {  	s1 =	sld [smem:$0x3FA9]  }
0x28: {  	s2 =	sld [smem:$0x3FAA]  }
0x29: {  	s4 =	sld [smem:$0x3FAC]  }
0x2a: {  	p0 =	seq.s32 s5, $0x0;
	s5 =	sld [smem:$0x3FAD]  }
0x2b: {  	s6 =	sld [smem:$0x3FAE]  }
0x2c: {  	s7 =	sld [smem:$0x3FAF]  }
0x2d: {  	s3 =	simm.s32 $0x108;
	s8 =	sld [smem:$0x3FB0]  }
0x2e: {  	s3 =	simm.s32 @!p0 $0x1082;
	s9 =	sld [smem:$0x3FB1]  }
0x2f: {  	lr =	sadd.s32 s0, s3;
	s0 =	sld [smem:$0x3FA8]  }
0x30: {  	s3 =	sld [smem:$0x3FAB]  }
0x31: {  	[smem:$0x3FB4] =	sst s10  }
0x32: {  	s10 =	sld [smem:$0x3FB2];
	_ =	sdelay $0x3  }
0x33: {  	p0 =	seq.s32 s10, $0x1;
	s10 =	sld [smem:$0x3FB4];
	_ =	sdelay $0x3  }
0x34: {  	[smem:$0x3FB4] =	sst s10  }
0x35: {  	s10 =	sld [smem:$0x3FB3];
	_ =	sdelay $0x3  }
0x36: {  	p1 =	seq.s32 s10, $0x1;
	s10 =	sld [smem:$0x3FB4];
	_ =	sdelay $0x3  }
0x37: {  	[smem:$0x3FB4] =	sst s10  }
0x38: {  	s10 =	sld [smem:$0x3FB5]  }
0x39: {  	_ = 	snop;
	(pc) =	sbr.ind lr, $3  }
0x3a: {  	_ = 	snop  }
0x3b: {  	_ = 	snop  }
0x3c: {  	p2 =	seq.s32 s10, $0x1;
	s10 =	sld [smem:$0x3FB4]  }
0x3d: {  	_ =	shalt  }
0x3e: {  	_ =	shalt  }
0x3f: {  	_ =	shalt  }
0x40: {  	_ =	shalt  }
0x41: {  	_ =	shalt  }
0x42: {  	_ =	shalt  }
0x43: {  	_ =	shalt  }
0x44: {  	_ =	shalt  }
0x45: {  	_ =	shalt  }
0x46: {  	_ =	shalt  }
0x47: {  	_ =	shalt  }
0x48: {  	_ =	shalt  }
0x49: {  	_ =	shalt  }
0x4a: {  	_ =	shalt  }
0x4b: {  	_ =	shalt  }
0x4c: {  	_ =	shalt  }
0x4d: {  	_ =	shalt  }
0x4e: {  	_ =	shalt  }
0x4f: {  	_ =	shalt  }
0x50: {  	_ =	shalt  }
0x51: {  	_ =	shalt  }
0x52: {  	_ =	shalt  }
0x53: {  	_ =	shalt  }
0x54: {  	_ =	shalt  }
0x55: {  	_ =	shalt  }
0x56: {  	_ =	shalt  }
0x57: {  	_ =	shalt  }
0x58: {  	_ =	shalt  }
0x59: {  	_ =	shalt  }
0x5a: {  	_ =	shalt  }
0x5b: {  	_ =	shalt  }
0x5c: {  	_ =	shalt  }
0x5d: {  	_ =	shalt  }
0x5e: {  	_ =	shalt  }
0x5f: {  	_ =	shalt  }
0x60: {  	_ =	shalt  }
0x61: {  	_ =	shalt  }
0x62: {  	_ =	shalt  }
0x63: {  	_ =	shalt  }
0x64: {  	_ =	shalt  }
0x65: {  	_ =	shalt  }
0x66: {  	_ =	shalt  }
0x67: {  	_ =	shalt  }
0x68: {  	_ =	shalt  }
0x69: {  	_ =	shalt  }
0x6a: {  	_ =	shalt  }
0x6b: {  	_ =	shalt  }
0x6c: {  	_ =	shalt  }
0x6d: {  	_ =	shalt  }
0x6e: {  	_ =	shalt  }
0x6f: {  	_ =	shalt  }
0x70: {  	_ =	shalt  }
0x71: {  	_ =	shalt  }
0x72: {  	_ =	shalt  }
0x73: {  	_ =	shalt  }
0x74: {  	_ =	shalt  }
0x75: {  	_ =	shalt  }
0x76: {  	_ =	shalt  }
0x77: {  	_ =	shalt  }
0x78: {  	_ =	shalt  }
0x79: {  	_ =	shalt  }
0x7a: {  	_ =	shalt  }
0x7b: {  	_ =	shalt  }
0x7c: {  	_ =	shalt  }
0x7d: {  	_ =	shalt  }
0x7e: {  	_ =	shalt  }
0x7f: {  	_ =	shalt  }
0x80: {  	_ =	shalt  }
0x81: {  	_ =	shalt  }
0x82: {  	_ =	shalt  }
0x83: {  	_ =	shalt  }
0x84: {  	_ =	shalt  }
0x85: {  	_ =	shalt  }
0x86: {  	_ =	shalt  }
0x87: {  	_ =	shalt  }
.Lfunc_end0:
.L_simem_size_0:
called_computation.1_lowered:
.L_overlay_start_0:
0x88: {  	s2 =	sld [smem:$0x3FD9]  }
0x89: {  	s3 =	sld [smem:$0x3FFE];
	_ =	sdelay $0x1  }
0x8a: {  	s1 =	srdreg.scid  }
0x8b: {  	s0 =	sand.u32 $0x1, s1  }
0x8c: {  	s17 =	sshll.u32 s0, $0xA;
	s2 =	sadd.s32 s3, s2  }
0x8d: {  	s2 =	sadd.s32 s2, s17  }
0x8e: {  	[smem:$0x3FC0] =	sst s2  }
0x8f: {  	_ = 	snop  }
0x90: {  	s2 =	sld [smem:$0x3FD0];
	(tm) =	ssettm $0x1  }
0x91: {  	s18 =	sld [smem:$0x3FFB];
	_ =	sdelay $0x3  }
0x92: {  	_ =	strace s18  }
0x93: {  	s3 =	sld [smem:$0x3FFC];
	_ =	sdelay $0x3  }
0x94: {  	_ =	strace s3  }
0x95: {  	s3 =	sld [smem:$0x3FFD];
	_ =	sdelay $0x3  }
0x96: {  	_ =	strace s3  }
0x97: {  	_ =	strace $0x8FFFFFFF  }
0x98: {  	s19 =	sld [smem:$0x3FDB];
	_ =	sdelay $0x1  }
0x99: {  	s4 =	simm.s32 $_scs_section_size  }
0x9a: {  	s5 =	simm.s32 $_size__tile_overlayer_lowered;
	s6 =	simm.s32 $_tile_overlayer_lowered  }
0x9b: {  	s22 =	simm.s32 $0x1BFF;
	s21 =	sshll.u32 s6, $0x1;
	s3 =	sadd.s32 s4, s19  }
0x9c: {  	s7 =	simm.s32 $0x0;
	s20 =	sshll.u32 s5, $0x1;
	s5 =	sadd.s32 s21, s3  }
0x9d: {  	[timem:s7], [sflag:s22] =	dma.local [hbm:s5], s20  }
0x9e: {  	_ =	swait.ge [sflag:s22], s20  }
0x9f: {  	s4 =	ssub.s32 $0x0, s20;
	[sflag:s22] =	ssyncset.done $0x0  }
0xa0: {  	[sflag:s22] =	ssyncadd.s32 s4;
	_ =	sdelay $0x1  }
0xa1: {  	s23 =	simm.s32 $0x1B8B  }
0xa2: {  	_ =	swait.ge [sflag:s23], $0x1  }
0xa3: {  	[sflag:s23] =	ssyncset.done $0x0  }
0xa4: {  	s25 =	simm.s32 $0x1B8E;
	s24 =	sld [smem:$0x3FFE];
	[sflag:s23] =	ssyncadd.s32 $0xFFFFFFFF  }
0xa5: {  	s26 =	simm.s32 $execute0_lowered;
	[smem:$0x3FD2] =	sst s25  }
0xa6: {  	s5 =	sshll.u32 s26, $0x1;
	_ =	strace $0x80000049;
	[dreg:$0x1] =	wrdreg $0xFFFFFFFF  }
0xa7: {  	s28 =	simm.s32 $_size_execute0_lowered;
	s3 =	sadd.s32 s3, s5;
	[dreg:$0x0] =	wrdreg $0x0  }
0xa8: {  	s5 =	sshll.u32 s28, $0x1;
	[dreg:$0x2] =	wrdreg s3  }
0xa9: {  	[dreg:$0x3] =	wrdreg s5  }
0xaa: {  	[dreg:$0x4] =	wrdreg $0xC0  }
0xab: {  	_ =	task [dreg:s7], $0x5FFFF  }
0xac: {  	[dreg:$0x1] =	wrdreg $0xFFFFFFFF  }
0xad: {  	[dreg:$0x0] =	wrdreg $0x60  }
0xae: {  	[dreg:$0x2] =	wrdreg s24  }
0xaf: {  	[dreg:$0x3] =	wrdreg s2  }
0xb0: {  	[dreg:$0x4] =	wrdreg $0x28000  }
0xb1: {  	[dreg:$0x5] =	wrdreg $0x9  }
0xb2: {  	_ =	task.clear_ibuf [dreg:s7], $0x6FFFF;
	_ =	strace $0x90000049  }
0xb3: {  	s29 =	simm.s32 $0x9;
	_ =	strace $0x8000004B  }
0xb4: {  	_ =	swait.ge [sflag:s29], $0x1  }
0xb5: {  	[sflag:s29] =	ssyncadd.s32 $0xFFFFFFFF  }
0xb6: {  	_ =	strace $0x9000004B  }
0xb7: {  	_ =	sfence  }
0xb8: {  	s30 =	sld [smem:$0x0];
	_ =	sdelay $0x2  }
0xb9: {  	s31 =	sshll.u32 s1, $0xD;
	s1 =	sshrl.u32 s1, $0x2  }
0xba: {  	s3 =	sand.u32 $0x4000, s31;
	s1 =	sadd.s32 s1, s30  }
0xbb: {  	s0 =	sor.u32 s3, s0;
	s1 =	sshll.u32 s1, $0x11  }
0xbc: {  	s0 =	sor.u32 s1, s0  }
0xbd: {  	s0 =	sadd.s32 $0x8F2B, s0  }
0xbe: {  	[sflag:s0] =	ssyncadd.remote.s32 $0x1  }
0xbf: {  	_ =	sfence.sel $0xFFFF  }
0xc0: {  	[dreg:$0x0] =	wrdreg $0xFFFFFFFF;
	(pc) =	sbr.abs _section_cstart, $3  }
0xc1: {  	[dreg:$0x1] =	wrdreg $0xFFFFFFFF  }
0xc2: {  	_ =	task.clear_ibuf [dreg:s7], $0x2FFFF;
	_ =	strace $0x9FFFFFFF  }
0xc3: {  	(tm) =	ssettm $0x7FFFFFFF  }
tec
execute0_lowered:
.L_overlay_start_1:
0x0: {  	(tag) =	ssettag $0x1  }
0x1: {  	s0 =	rddreg [dreg:$0x0]  }
0x2: {  	s2 =	rddreg [dreg:$0x2];
	s1 =	srdreg.scid  }
0x3: {  	s4 =	simm.s32 $0x0;
	s10 =	stileid.u32;
	s28 =	simm.s32 $0x4  }
0x4: {  	s29 =	simm.s32 $0x180;
	s30 =	simm.s32 $0x3;
	s31 =	simm.s32 $0x1500  }
0x5: {  	s11 =	simm.s32 $0x2700;
	s12 =	simm.s32 $0x2780;
	s13 =	simm.s32 $0x0  }
0x6: {  	s1 =	sand.u32 $0x1, s1;
	[smem:$0x7FF] =	sst s4;
	s15 =	smul.u32 $0x14000, s10  }
0x7: {  	s5 =	sadd.s32 $0x1FC00, s0;
	s7 =	sadd.s32 $0x1C00, s0;
	s9 =	smul.u32 $0x50000, s10  }
0x8: {  	s8 =	sadd.s32 $0x10C00, s0;
	s20 =	sshll.u32 s10, $0x6;
	s3 =	smul.u32 $0x140000, s1  }
0x9: {  	_ =	strace $0x8000004A;
	s16 =	ssub.s32 $0x2, s1;
	s1 =	sshll.u32 s1, $0x4  }
0xa: {  	s6 =	sshrl.u32 s16, $0x1;
	s1 =	sor.u32 s10, s1;
	s19 =	sshrl.u32 s9, $0x2  }
0xb: {  	s9 =	simm.s32 $0x2680;
	s10 =	simm.s32 $0x1380;
	s18 =	smul.u32 $0x3C00, s1  }
0xc: {  	s3 =	sadd.s32 s15, s3;
	s17 =	ssub.s32 s16, s6;
	s1 =	smul.u32 $0x780, s1  }
0xd: {  	s21 =	sadd.s32 s19, s2;
	s6 =	sor.u32 $0x1C07, s20;
	s16 =	simm.s32 $0x7  }
0xe: {  	s19 =	simm.s32 $0x16800;
	s20 =	simm.s32 $0x80;
	s3 =	sshrl.u32 s3, $0x3  }
0xf: {  	s26 =	smax.u32 s17, $0x1;
	s15 =	sshrl.u32 s21, $0x3;
	s17 =	simm.s32 $0x1400  }
0x10: {  	s21 =	simm.s32 $0x19400;
	s0 =	sadd.s32 s3, s0;
	s4 =	sshrl.u32 s18, $0x3  }
0x11: {  	s22 =	sadd.s32 s7, s1;
	s1 =	sadd.s32 s8, s1;
	[dreg:$0xb] =	wrdreg s26  }
0x12: {  	s18 =	simm.s32 $0x58;
	s3 =	simm.s32 $0x200;
	[dreg:$0x4] =	wrdreg s22  }
0x13: {  	[dreg:$0x5] =	wrdreg s1;
	s23 =	sadd.s32 $0x280, s4;
	s0 =	sadd.s32 $0x46E00, s0  }
0x14: {  	s25 =	sadd.s32 $0x500, s4;
	s24 =	sadd.s32 s7, s23;
	[dreg:$0xa] =	wrdreg s0  }
0x15: {  	s22 =	simm.s32 $0x1;
	s1 =	sadd.s32 s8, s23;
	[dreg:$0x6] =	wrdreg s24  }
0x16: {  	s4 =	sadd.s32 s7, s25;
	s23 =	simm.s32 $0x100;
	[dreg:$0x7] =	wrdreg s1  }
0x17: {  	s0 =	simm.s32 $0x5;
	s7 =	simm.s32 $0x2600;
	[dreg:$0x8] =	wrdreg s4  }
0x18: {  	s1 =	sadd.s32 s8, s25;
	s24 =	simm.s32 $0x1C000;
	s25 =	simm.s32 $0x2  }
0x19: {  	s8 =	simm.s32 $0x1300;
	[dreg:$0x9] =	wrdreg s1;
	s1 =	simm.s32 $0x6  }
.LBB2_1:
0x1a: {  	s4 =	rddreg [dreg:$0x1]  }
0x1b: {  	[spmem:s15], [sflag:s6] =	dma.local [hbm:s4], $0x2800  }
0x1c: {  	_ =	swait.ge [sflag:s16], $0x2800  }
0x1d: {  	[sflag:s16] =	ssyncset.done $0x0  }
0x1e: {  	[sflag:s16] =	ssyncadd.s32 $0xFFFFD800  }
0x1f: {  	[bflag:$0x0] =	sbarrier.arrive $0xFFFF  }
0x20: {  	s4 =	simm.s32 $0x0;
	s14 =	rddreg [dreg:$0x4]  }
0x21: {  	[tilespmem:s4], [sflag:$0x7] =	stream.linear.gather [hbm4b:s14+s4], $0x1400, $0x38;
	[tilespmem:$0x1EC00] =	vst v63  }
0x22: {  	_ =	swait.ge [sflag:s16], $0x1400  }
0x23: {  	[sflag:s16] =	ssyncset.done $0x0  }
0x24: {  	s26 =	rddreg [dreg:$0x5];
	[sflag:s16] =	ssyncadd.s32 $0xFFFFEC00  }
0x25: {  	[tilespmem:s17], [sflag:$0x7] =	stream.linear.gather [hbm4b:s26+s4], $0x1400, $0x38;
	[tilespmem:$0x1EC00] =	vst v63  }
0x26: {  	_ =	swait.ge [sflag:s16], $0x1400  }
0x27: {  	[sflag:s16] =	ssyncset.done $0x0  }
0x28: {  	[sflag:s16] =	ssyncadd.s32 $0xFFFFEC00  }
0x29: {  	[tilespmem:s19], [sflag:$0x1] =	stream.indirect.gather [hbm4b:s5+s18], $0x80, s4, s18, $0xb8;
	[tilespmem:$0x1EC00] =	vst v63  }
0x2a: {  	_ = 	snop  }
0x2b: {  	[tilespmem:s21], [sflag:$0x2] =	stream.indirect.gather [hbm4b:s5+s18], $0x80, s20, s18, $0xb8;
	[tilespmem:$0x1EC00] =	vst v63  }
0x2c: {  	_ =	swait.ge [sflag:s22], $0x2C00  }
0x2d: {  	[sflag:s22] =	ssyncset.done $0x0  }
0x2e: {  	[sflag:s22] =	ssyncadd.s32 $0xFFFFD400  }
0x2f: {  	[spmem:s2] =	stream.indirect.scatter.add.f32 [tilespmem:s19], [sflag:$0x4], $0x80, s17, s18, $0xb8;
	[tilespmem:$0x1EC00] =	vst v63  }
0x30: {  	_ = 	snop  }
0x31: {  	[tilespmem:s24], [sflag:$0x3] =	stream.indirect.gather [hbm4b:s5+s18], $0x80, s23, s18, $0xb8;
	[tilespmem:$0x1EC00] =	vst v63  }
0x32: {  	_ =	swait.ge [sflag:s25], $0x2C00  }
0x33: {  	[sflag:s25] =	ssyncset.done $0x0  }
0x34: {  	s14 =	simm.s32 $0x1480;
	[sflag:s25] =	ssyncadd.s32 $0xFFFFD400  }
0x35: {  	[spmem:s2] =	stream.indirect.scatter.add.f32 [tilespmem:s21], [sflag:$0x5], $0x80, s14, s18, $0xb8;
	[tilespmem:$0x1EC00] =	vst v63  }
0x36: {  	_ =	swait.ge [sflag:s28], $0x2C00  }
0x37: {  	[sflag:s28] =	ssyncset.done $0x0  }
0x38: {  	[sflag:s28] =	ssyncadd.s32 $0xFFFFD400  }
0x39: {  	[tilespmem:s19], [sflag:$0x1] =	stream.indirect.gather [hbm4b:s5+s18], $0x80, s29, s18, $0xb8;
	[tilespmem:$0x1EC00] =	vst v63  }
0x3a: {  	_ =	swait.ge [sflag:s30], $0x2C00  }
0x3b: {  	[sflag:s30] =	ssyncset.done $0x0  }
0x3c: {  	[sflag:s30] =	ssyncadd.s32 $0xFFFFD400  }
0x3d: {  	[spmem:s2] =	stream.indirect.scatter.add.f32 [tilespmem:s24], [sflag:$0x6], $0x80, s31, s18, $0xb8;
	[tilespmem:$0x1EC00] =	vst v63  }
0x3e: {  	_ =	swait.ge [sflag:s0], $0x2C00  }
0x3f: {  	[sflag:s0] =	ssyncset.done $0x0  }
0x40: {  	[sflag:s0] =	ssyncadd.s32 $0xFFFFD400  }
0x41: {  	[tilespmem:s21], [sflag:$0x2] =	stream.indirect.gather [hbm4b:s5+s18], $0x80, s3, s18, $0xb8;
	[tilespmem:$0x1EC00] =	vst v63  }
0x42: {  	_ =	swait.ge [sflag:s22], $0x2C00  }
0x43: {  	[sflag:s22] =	ssyncset.done $0x0  }
0x44: {  	s26 =	simm.s32 $0x1580;
	[sflag:s22] =	ssyncadd.s32 $0xFFFFD400  }
0x45: {  	[spmem:s2] =	stream.indirect.scatter.add.f32 [tilespmem:s19], [sflag:$0x4], $0x80, s26, s18, $0xb8;
	[tilespmem:$0x1EC00] =	vst v63  }
0x46: {  	_ =	swait.ge [sflag:s1], $0x2C00  }
0x47: {  	[sflag:s1] =	ssyncset.done $0x0  }
0x48: {  	s14 =	simm.s32 $0x280;
	[sflag:s1] =	ssyncadd.s32 $0xFFFFD400  }
0x49: {  	[tilespmem:s24], [sflag:$0x3] =	stream.indirect.gather [hbm4b:s5+s18], $0x80, s14, s18, $0xb8;
	[tilespmem:$0x1EC00] =	vst v63  }
0x4a: {  	_ =	swait.ge [sflag:s25], $0x2C00  }
0x4b: {  	[sflag:s25] =	ssyncset.done $0x0  }
0x4c: {  	s26 =	simm.s32 $0x1600;
	[sflag:s25] =	ssyncadd.s32 $0xFFFFD400  }
0x4d: {  	[spmem:s2] =	stream.indirect.scatter.add.f32 [tilespmem:s21], [sflag:$0x5], $0x80, s26, s18, $0xb8;
	[tilespmem:$0x1EC00] =	vst v63  }
0x4e: {  	_ =	swait.ge [sflag:s28], $0x2C00  }
0x4f: {  	[sflag:s28] =	ssyncset.done $0x0  }
0x50: {  	s14 =	simm.s32 $0x300;
	[sflag:s28] =	ssyncadd.s32 $0xFFFFD400  }
0x51: {  	[tilespmem:s19], [sflag:$0x1] =	stream.indirect.gather [hbm4b:s5+s18], $0x80, s14, s18, $0xb8;
	[tilespmem:$0x1EC00] =	vst v63  }
0x52: {  	_ =	swait.ge [sflag:s30], $0x2C00  }
0x53: {  	[sflag:s30] =	ssyncset.done $0x0  }
0x54: {  	s26 =	simm.s32 $0x1680;
	[sflag:s30] =	ssyncadd.s32 $0xFFFFD400  }
0x55: {  	[spmem:s2] =	stream.indirect.scatter.add.f32 [tilespmem:s24], [sflag:$0x6], $0x80, s26, s18, $0xb8;
	[tilespmem:$0x1EC00] =	vst v63  }
0x56: {  	_ =	swait.ge [sflag:s0], $0x2C00  }
0x57: {  	[sflag:s0] =	ssyncset.done $0x0  }
0x58: {  	s4 =	simm.s32 $0x380;
	s14 =	simm.s32 $0x600;
	[sflag:s0] =	ssyncadd.s32 $0xFFFFD400  }
.LBB2_2:
0x59: {  	[tilespmem:s21], [sflag:$0x2] =	stream.indirect.gather [hbm4b:s5+s18], $0x80, s4, s18, $0xb8;
	[tilespmem:$0x1EC00] =	vst v63  }
0x5a: {  	s4 =	smov.u32 s14  }
0x5b: {  	p0 =	sne.s32 s14, $0x3C00;
	s14 =	sadd.s32 $0x600, s14;
	_ =	swait.ge [sflag:s22], $0x2C00  }
0x5c: {  	s4 =	sshra.s32 s4, $0x2;
	[sflag:s22] =	ssyncset.done $0x0  }
0x5d: {  	s26 =	sadd.s32 $0x1580, s4;
	[sflag:s22] =	ssyncadd.s32 $0xFFFFD400  }
0x5e: {  	[spmem:s2] =	stream.indirect.scatter.add.f32 [tilespmem:s19], [sflag:$0x4], $0x80, s26, s18, $0xb8;
	[tilespmem:$0x1EC00] =	vst v63  }
0x5f: {  	_ =	swait.ge [sflag:s1], $0x2C00  }
0x60: {  	[sflag:s1] =	ssyncset.done $0x0  }
0x61: {  	s26 =	sadd.s32 $0x280, s4;
	[sflag:s1] =	ssyncadd.s32 $0xFFFFD400  }
0x62: {  	[tilespmem:s24], [sflag:$0x3] =	stream.indirect.gather [hbm4b:s5+s18], $0x80, s26, s18, $0xb8;
	[tilespmem:$0x1EC00] =	vst v63  }
0x63: {  	_ =	swait.ge [sflag:s25], $0x2C00  }
0x64: {  	[sflag:s25] =	ssyncset.done $0x0  }
0x65: {  	s26 =	sadd.s32 $0x1600, s4;
	[sflag:s25] =	ssyncadd.s32 $0xFFFFD400  }
0x66: {  	[spmem:s2] =	stream.indirect.scatter.add.f32 [tilespmem:s21], [sflag:$0x5], $0x80, s26, s18, $0xb8;
	[tilespmem:$0x1EC00] =	vst v63  }
0x67: {  	_ =	swait.ge [sflag:s28], $0x2C00  }
0x68: {  	[sflag:s28] =	ssyncset.done $0x0  }
0x69: {  	s26 =	sadd.s32 $0x300, s4;
	[sflag:s28] =	ssyncadd.s32 $0xFFFFD400  }
0x6a: {  	[tilespmem:s19], [sflag:$0x1] =	stream.indirect.gather [hbm4b:s5+s18], $0x80, s26, s18, $0xb8;
	[tilespmem:$0x1EC00] =	vst v63  }
0x6b: {  	_ =	swait.ge [sflag:s30], $0x2C00  }
0x6c: {  	[sflag:s30] =	ssyncset.done $0x0  }
.Ltmp0:
0x6d: {  	s26 =	sadd.s32 $0x1680, s4;
	[sflag:s30] =	ssyncadd.s32 $0xFFFFD400;
	(pc) =	sbr.rel @p0 .LBB2_2-.Ltmp0, $4  }
0x6e: {  	[spmem:s2] =	stream.indirect.scatter.add.f32 [tilespmem:s24], [sflag:$0x6], $0x80, s26, s18, $0xb8;
	[tilespmem:$0x1EC00] =	vst v63  }
0x6f: {  	_ =	swait.ge [sflag:s0], $0x2C00  }
0x70: {  	[sflag:s0] =	ssyncset.done $0x0  }
0x71: {  	s4 =	sadd.s32 $0x380, s4;
	[sflag:s0] =	ssyncadd.s32 $0xFFFFD400  }
0x72: {  	[tilespmem:s21], [sflag:$0x2] =	stream.indirect.gather [hbm4b:s5+s18], $0x80, s4, s18, $0xb8;
	[tilespmem:$0x1EC00] =	vst v63  }
0x73: {  	_ =	swait.ge [sflag:s22], $0x2C00  }
0x74: {  	[sflag:s22] =	ssyncset.done $0x0  }
0x75: {  	[sflag:s22] =	ssyncadd.s32 $0xFFFFD400  }
0x76: {  	[spmem:s2] =	stream.indirect.scatter.add.f32 [tilespmem:s19], [sflag:$0x4], $0x80, s7, s18, $0xb8;
	[tilespmem:$0x1EC00] =	vst v63  }
0x77: {  	_ =	swait.ge [sflag:s1], $0x2C00  }
0x78: {  	[sflag:s1] =	ssyncset.done $0x0  }
0x79: {  	[sflag:s1] =	ssyncadd.s32 $0xFFFFD400  }
0x7a: {  	[tilespmem:s24], [sflag:$0x3] =	stream.indirect.gather [hbm4b:s5+s18], $0x80, s8, s18, $0xb8;
	[tilespmem:$0x1EC00] =	vst v63  }
0x7b: {  	_ =	swait.ge [sflag:s25], $0x2C00  }
0x7c: {  	[sflag:s25] =	ssyncset.done $0x0  }
0x7d: {  	[sflag:s25] =	ssyncadd.s32 $0xFFFFD400  }
0x7e: {  	[spmem:s2] =	stream.indirect.scatter.add.f32 [tilespmem:s21], [sflag:$0x5], $0x80, s9, s18, $0xb8;
	[tilespmem:$0x1EC00] =	vst v63  }
0x7f: {  	_ =	swait.ge [sflag:s28], $0x2C00  }
0x80: {  	[sflag:s28] =	ssyncset.done $0x0  }
0x81: {  	[sflag:s28] =	ssyncadd.s32 $0xFFFFD400  }
0x82: {  	[tilespmem:s19], [sflag:$0x1] =	stream.indirect.gather [hbm4b:s5+s18], $0x80, s10, s18, $0xb8;
	[tilespmem:$0x1EC00] =	vst v63  }
0x83: {  	_ =	swait.ge [sflag:s30], $0x2C00  }
0x84: {  	[sflag:s30] =	ssyncset.done $0x0  }
0x85: {  	[sflag:s30] =	ssyncadd.s32 $0xFFFFD400  }
0x86: {  	[spmem:s2] =	stream.indirect.scatter.add.f32 [tilespmem:s24], [sflag:$0x6], $0x80, s11, s18, $0xb8;
	[tilespmem:$0x1EC00] =	vst v63  }
0x87: {  	_ =	swait.ge [sflag:s0], $0x2C00  }
0x88: {  	[sflag:s0] =	ssyncset.done $0x0  }
0x89: {  	[sflag:s0] =	ssyncadd.s32 $0xFFFFD400  }
0x8a: {  	[tilespmem:s21], [sflag:$0x2] =	stream.indirect.gather [hbm4b:s5+s18], $0x80, s20, s18, $0xb8;
	[tilespmem:$0x1EC00] =	vst v63  }
0x8b: {  	_ =	swait.ge [sflag:s22], $0x2C00  }
0x8c: {  	[sflag:s22] =	ssyncset.done $0x0  }
0x8d: {  	[sflag:s22] =	ssyncadd.s32 $0xFFFFD400  }
0x8e: {  	[spmem:s2] =	stream.indirect.scatter.add.f32 [tilespmem:s19], [sflag:$0x4], $0x80, s12, s18, $0xb8;
	[tilespmem:$0x1EC00] =	vst v63  }
0x8f: {  	_ =	swait.ge [sflag:s1], $0x2C00  }
0x90: {  	[sflag:s1] =	ssyncset.done $0x0  }
0x91: {  	[sflag:s1] =	ssyncadd.s32 $0xFFFFD400  }
0x92: {  	[tilespmem:s24], [sflag:$0x3] =	stream.indirect.gather [hbm4b:s5+s18], $0x80, s23, s18, $0xb8;
	[tilespmem:$0x1EC00] =	vst v63  }
0x93: {  	_ =	swait.ge [sflag:s25], $0x2C00  }
0x94: {  	[sflag:s25] =	ssyncset.done $0x0  }
0x95: {  	[sflag:s25] =	ssyncadd.s32 $0xFFFFD400  }
0x96: {  	_ =	swait.ge [sflag:s30], $0x2C00  }
0x97: {  	[sflag:s30] =	ssyncset.done $0x0  }
0x98: {  	[sflag:s30] =	ssyncadd.s32 $0xFFFFD400  }
0x99: {  	_ =	swait.ge [sflag:s28], $0x2C00  }
0x9a: {  	[sflag:s28] =	ssyncset.done $0x0  }
0x9b: {  	s4 =	simm.s32 $0x0;
	s14 =	rddreg [dreg:$0x6];
	[sflag:s28] =	ssyncadd.s32 $0xFFFFD400  }
0x9c: {  	[tilespmem:s4], [sflag:$0x7] =	stream.linear.gather [hbm4b:s14+s4], $0x1400, $0x38;
	[tilespmem:$0x1EC00] =	vst v63  }
0x9d: {  	_ =	swait.ge [sflag:s16], $0x1400  }
0x9e: {  	[sflag:s16] =	ssyncset.done $0x0  }
0x9f: {  	s26 =	rddreg [dreg:$0x7];
	[sflag:s16] =	ssyncadd.s32 $0xFFFFEC00  }
0xa0: {  	[tilespmem:s17], [sflag:$0x7] =	stream.linear.gather [hbm4b:s26+s4], $0x1400, $0x38;
	[tilespmem:$0x1EC00] =	vst v63  }
0xa1: {  	_ =	swait.ge [sflag:s16], $0x1400  }
0xa2: {  	[sflag:s16] =	ssyncset.done $0x0  }
0xa3: {  	[sflag:s16] =	ssyncadd.s32 $0xFFFFEC00  }
0xa4: {  	[tilespmem:s19], [sflag:$0x1] =	stream.indirect.gather [hbm4b:s5+s18], $0x80, s4, s18, $0xb8;
	[tilespmem:$0x1EC00] =	vst v63  }
0xa5: {  	_ = 	snop  }
0xa6: {  	[tilespmem:s21], [sflag:$0x2] =	stream.indirect.gather [hbm4b:s5+s18], $0x80, s20, s18, $0xb8;
	[tilespmem:$0x1EC00] =	vst v63  }
0xa7: {  	_ =	swait.ge [sflag:s22], $0x2C00  }
0xa8: {  	[sflag:s22] =	ssyncset.done $0x0  }
0xa9: {  	[sflag:s22] =	ssyncadd.s32 $0xFFFFD400  }
0xaa: {  	[spmem:s2] =	stream.indirect.scatter.add.f32 [tilespmem:s19], [sflag:$0x4], $0x80, s17, s18, $0xb8;
	[tilespmem:$0x1EC00] =	vst v63  }
0xab: {  	_ = 	snop  }
0xac: {  	[tilespmem:s24], [sflag:$0x3] =	stream.indirect.gather [hbm4b:s5+s18], $0x80, s23, s18, $0xb8;
	[tilespmem:$0x1EC00] =	vst v63  }
0xad: {  	_ =	swait.ge [sflag:s25], $0x2C00  }
0xae: {  	[sflag:s25] =	ssyncset.done $0x0  }
0xaf: {  	s14 =	simm.s32 $0x1480;
	[sflag:s25] =	ssyncadd.s32 $0xFFFFD400  }
0xb0: {  	[spmem:s2] =	stream.indirect.scatter.add.f32 [tilespmem:s21], [sflag:$0x5], $0x80, s14, s18, $0xb8;
	[tilespmem:$0x1EC00] =	vst v63  }
0xb1: {  	_ =	swait.ge [sflag:s28], $0x2C00  }
0xb2: {  	[sflag:s28] =	ssyncset.done $0x0  }
0xb3: {  	[sflag:s28] =	ssyncadd.s32 $0xFFFFD400  }
0xb4: {  	[tilespmem:s19], [sflag:$0x1] =	stream.indirect.gather [hbm4b:s5+s18], $0x80, s29, s18, $0xb8;
	[tilespmem:$0x1EC00] =	vst v63  }
0xb5: {  	_ =	swait.ge [sflag:s30], $0x2C00  }
0xb6: {  	[sflag:s30] =	ssyncset.done $0x0  }
0xb7: {  	[sflag:s30] =	ssyncadd.s32 $0xFFFFD400  }
0xb8: {  	[spmem:s2] =	stream.indirect.scatter.add.f32 [tilespmem:s24], [sflag:$0x6], $0x80, s31, s18, $0xb8;
	[tilespmem:$0x1EC00] =	vst v63  }
0xb9: {  	_ =	swait.ge [sflag:s0], $0x2C00  }
0xba: {  	[sflag:s0] =	ssyncset.done $0x0  }
0xbb: {  	[sflag:s0] =	ssyncadd.s32 $0xFFFFD400  }
0xbc: {  	[tilespmem:s21], [sflag:$0x2] =	stream.indirect.gather [hbm4b:s5+s18], $0x80, s3, s18, $0xb8;
	[tilespmem:$0x1EC00] =	vst v63  }
0xbd: {  	_ =	swait.ge [sflag:s22], $0x2C00  }
0xbe: {  	[sflag:s22] =	ssyncset.done $0x0  }
0xbf: {  	s26 =	simm.s32 $0x1580;
	[sflag:s22] =	ssyncadd.s32 $0xFFFFD400  }
0xc0: {  	[spmem:s2] =	stream.indirect.scatter.add.f32 [tilespmem:s19], [sflag:$0x4], $0x80, s26, s18, $0xb8;
	[tilespmem:$0x1EC00] =	vst v63  }
0xc1: {  	_ =	swait.ge [sflag:s1], $0x2C00  }
0xc2: {  	[sflag:s1] =	ssyncset.done $0x0  }
0xc3: {  	s14 =	simm.s32 $0x280;
	[sflag:s1] =	ssyncadd.s32 $0xFFFFD400  }
0xc4: {  	[tilespmem:s24], [sflag:$0x3] =	stream.indirect.gather [hbm4b:s5+s18], $0x80, s14, s18, $0xb8;
	[tilespmem:$0x1EC00] =	vst v63  }
0xc5: {  	_ =	swait.ge [sflag:s25], $0x2C00  }
0xc6: {  	[sflag:s25] =	ssyncset.done $0x0  }
0xc7: {  	s26 =	simm.s32 $0x1600;
	[sflag:s25] =	ssyncadd.s32 $0xFFFFD400  }
0xc8: {  	[spmem:s2] =	stream.indirect.scatter.add.f32 [tilespmem:s21], [sflag:$0x5], $0x80, s26, s18, $0xb8;
	[tilespmem:$0x1EC00] =	vst v63  }
0xc9: {  	_ =	swait.ge [sflag:s28], $0x2C00  }
0xca: {  	[sflag:s28] =	ssyncset.done $0x0  }
0xcb: {  	s14 =	simm.s32 $0x300;
	[sflag:s28] =	ssyncadd.s32 $0xFFFFD400  }
0xcc: {  	[tilespmem:s19], [sflag:$0x1] =	stream.indirect.gather [hbm4b:s5+s18], $0x80, s14, s18, $0xb8;
	[tilespmem:$0x1EC00] =	vst v63  }
0xcd: {  	_ =	swait.ge [sflag:s30], $0x2C00  }
0xce: {  	[sflag:s30] =	ssyncset.done $0x0  }
0xcf: {  	s26 =	simm.s32 $0x1680;
	[sflag:s30] =	ssyncadd.s32 $0xFFFFD400  }
0xd0: {  	[spmem:s2] =	stream.indirect.scatter.add.f32 [tilespmem:s24], [sflag:$0x6], $0x80, s26, s18, $0xb8;
	[tilespmem:$0x1EC00] =	vst v63  }
0xd1: {  	_ =	swait.ge [sflag:s0], $0x2C00  }
0xd2: {  	[sflag:s0] =	ssyncset.done $0x0  }
0xd3: {  	s4 =	simm.s32 $0x380;
	s14 =	simm.s32 $0x600;
	[sflag:s0] =	ssyncadd.s32 $0xFFFFD400  }
.LBB2_4:
0xd4: {  	[tilespmem:s21], [sflag:$0x2] =	stream.indirect.gather [hbm4b:s5+s18], $0x80, s4, s18, $0xb8;
	[tilespmem:$0x1EC00] =	vst v63  }
0xd5: {  	s4 =	smov.u32 s14  }
0xd6: {  	p0 =	sne.s32 s14, $0x3C00;
	s14 =	sadd.s32 $0x600, s14;
	_ =	swait.ge [sflag:s22], $0x2C00  }
0xd7: {  	s4 =	sshra.s32 s4, $0x2;
	[sflag:s22] =	ssyncset.done $0x0  }
0xd8: {  	s26 =	sadd.s32 $0x1580, s4;
	[sflag:s22] =	ssyncadd.s32 $0xFFFFD400  }
0xd9: {  	[spmem:s2] =	stream.indirect.scatter.add.f32 [tilespmem:s19], [sflag:$0x4], $0x80, s26, s18, $0xb8;
	[tilespmem:$0x1EC00] =	vst v63  }
0xda: {  	_ =	swait.ge [sflag:s1], $0x2C00  }
0xdb: {  	[sflag:s1] =	ssyncset.done $0x0  }
0xdc: {  	s26 =	sadd.s32 $0x280, s4;
	[sflag:s1] =	ssyncadd.s32 $0xFFFFD400  }
0xdd: {  	[tilespmem:s24], [sflag:$0x3] =	stream.indirect.gather [hbm4b:s5+s18], $0x80, s26, s18, $0xb8;
	[tilespmem:$0x1EC00] =	vst v63  }
0xde: {  	_ =	swait.ge [sflag:s25], $0x2C00  }
0xdf: {  	[sflag:s25] =	ssyncset.done $0x0  }
0xe0: {  	s26 =	sadd.s32 $0x1600, s4;
	[sflag:s25] =	ssyncadd.s32 $0xFFFFD400  }
0xe1: {  	[spmem:s2] =	stream.indirect.scatter.add.f32 [tilespmem:s21], [sflag:$0x5], $0x80, s26, s18, $0xb8;
	[tilespmem:$0x1EC00] =	vst v63  }
0xe2: {  	_ =	swait.ge [sflag:s28], $0x2C00  }
0xe3: {  	[sflag:s28] =	ssyncset.done $0x0  }
0xe4: {  	s26 =	sadd.s32 $0x300, s4;
	[sflag:s28] =	ssyncadd.s32 $0xFFFFD400  }
0xe5: {  	[tilespmem:s19], [sflag:$0x1] =	stream.indirect.gather [hbm4b:s5+s18], $0x80, s26, s18, $0xb8;
	[tilespmem:$0x1EC00] =	vst v63  }
0xe6: {  	_ =	swait.ge [sflag:s30], $0x2C00  }
0xe7: {  	[sflag:s30] =	ssyncset.done $0x0  }
.Ltmp1:
0xe8: {  	s26 =	sadd.s32 $0x1680, s4;
	[sflag:s30] =	ssyncadd.s32 $0xFFFFD400;
	(pc) =	sbr.rel @p0 .LBB2_4-.Ltmp1, $4  }
0xe9: {  	[spmem:s2] =	stream.indirect.scatter.add.f32 [tilespmem:s24], [sflag:$0x6], $0x80, s26, s18, $0xb8;
	[tilespmem:$0x1EC00] =	vst v63  }
0xea: {  	_ =	swait.ge [sflag:s0], $0x2C00  }
0xeb: {  	[sflag:s0] =	ssyncset.done $0x0  }
0xec: {  	s4 =	sadd.s32 $0x380, s4;
	[sflag:s0] =	ssyncadd.s32 $0xFFFFD400  }
0xed: {  	[tilespmem:s21], [sflag:$0x2] =	stream.indirect.gather [hbm4b:s5+s18], $0x80, s4, s18, $0xb8;
	[tilespmem:$0x1EC00] =	vst v63  }
0xee: {  	_ =	swait.ge [sflag:s22], $0x2C00  }
0xef: {  	[sflag:s22] =	ssyncset.done $0x0  }
0xf0: {  	[sflag:s22] =	ssyncadd.s32 $0xFFFFD400  }
0xf1: {  	[spmem:s2] =	stream.indirect.scatter.add.f32 [tilespmem:s19], [sflag:$0x4], $0x80, s7, s18, $0xb8;
	[tilespmem:$0x1EC00] =	vst v63  }
0xf2: {  	_ =	swait.ge [sflag:s1], $0x2C00  }
0xf3: {  	[sflag:s1] =	ssyncset.done $0x0  }
0xf4: {  	[sflag:s1] =	ssyncadd.s32 $0xFFFFD400  }
0xf5: {  	[tilespmem:s24], [sflag:$0x3] =	stream.indirect.gather [hbm4b:s5+s18], $0x80, s8, s18, $0xb8;
	[tilespmem:$0x1EC00] =	vst v63  }
0xf6: {  	_ =	swait.ge [sflag:s25], $0x2C00  }
0xf7: {  	[sflag:s25] =	ssyncset.done $0x0  }
0xf8: {  	[sflag:s25] =	ssyncadd.s32 $0xFFFFD400  }
0xf9: {  	[spmem:s2] =	stream.indirect.scatter.add.f32 [tilespmem:s21], [sflag:$0x5], $0x80, s9, s18, $0xb8;
	[tilespmem:$0x1EC00] =	vst v63  }
0xfa: {  	_ =	swait.ge [sflag:s28], $0x2C00  }
0xfb: {  	[sflag:s28] =	ssyncset.done $0x0  }
0xfc: {  	[sflag:s28] =	ssyncadd.s32 $0xFFFFD400  }
0xfd: {  	[tilespmem:s19], [sflag:$0x1] =	stream.indirect.gather [hbm4b:s5+s18], $0x80, s10, s18, $0xb8;
	[tilespmem:$0x1EC00] =	vst v63  }
0xfe: {  	_ =	swait.ge [sflag:s30], $0x2C00  }
0xff: {  	[sflag:s30] =	ssyncset.done $0x0  }
0x100: {  	[sflag:s30] =	ssyncadd.s32 $0xFFFFD400  }
0x101: {  	[spmem:s2] =	stream.indirect.scatter.add.f32 [tilespmem:s24], [sflag:$0x6], $0x80, s11, s18, $0xb8;
	[tilespmem:$0x1EC00] =	vst v63  }
0x102: {  	_ =	swait.ge [sflag:s0], $0x2C00  }
0x103: {  	[sflag:s0] =	ssyncset.done $0x0  }
0x104: {  	[sflag:s0] =	ssyncadd.s32 $0xFFFFD400  }
0x105: {  	[tilespmem:s21], [sflag:$0x2] =	stream.indirect.gather [hbm4b:s5+s18], $0x80, s20, s18, $0xb8;
	[tilespmem:$0x1EC00] =	vst v63  }
0x106: {  	_ =	swait.ge [sflag:s22], $0x2C00  }
0x107: {  	[sflag:s22] =	ssyncset.done $0x0  }
0x108: {  	[sflag:s22] =	ssyncadd.s32 $0xFFFFD400  }
0x109: {  	[spmem:s2] =	stream.indirect.scatter.add.f32 [tilespmem:s19], [sflag:$0x4], $0x80, s12, s18, $0xb8;
	[tilespmem:$0x1EC00] =	vst v63  }
0x10a: {  	_ =	swait.ge [sflag:s1], $0x2C00  }
0x10b: {  	[sflag:s1] =	ssyncset.done $0x0  }
0x10c: {  	[sflag:s1] =	ssyncadd.s32 $0xFFFFD400  }
0x10d: {  	[tilespmem:s24], [sflag:$0x3] =	stream.indirect.gather [hbm4b:s5+s18], $0x80, s23, s18, $0xb8;
	[tilespmem:$0x1EC00] =	vst v63  }
0x10e: {  	_ =	swait.ge [sflag:s25], $0x2C00  }
0x10f: {  	[sflag:s25] =	ssyncset.done $0x0  }
0x110: {  	[sflag:s25] =	ssyncadd.s32 $0xFFFFD400  }
0x111: {  	_ =	swait.ge [sflag:s30], $0x2C00  }
0x112: {  	[sflag:s30] =	ssyncset.done $0x0  }
0x113: {  	[sflag:s30] =	ssyncadd.s32 $0xFFFFD400  }
0x114: {  	_ =	swait.ge [sflag:s28], $0x2C00  }
0x115: {  	[sflag:s28] =	ssyncset.done $0x0  }
0x116: {  	s4 =	simm.s32 $0x0;
	s14 =	rddreg [dreg:$0x8];
	[sflag:s28] =	ssyncadd.s32 $0xFFFFD400  }
0x117: {  	[tilespmem:s4], [sflag:$0x7] =	stream.linear.gather [hbm4b:s14+s4], $0x1400, $0x38;
	[tilespmem:$0x1EC00] =	vst v63  }
0x118: {  	_ =	swait.ge [sflag:s16], $0x1400  }
0x119: {  	[sflag:s16] =	ssyncset.done $0x0  }
0x11a: {  	s26 =	rddreg [dreg:$0x9];
	[sflag:s16] =	ssyncadd.s32 $0xFFFFEC00  }
0x11b: {  	[tilespmem:s17], [sflag:$0x7] =	stream.linear.gather [hbm4b:s26+s4], $0x1400, $0x38;
	[tilespmem:$0x1EC00] =	vst v63  }
0x11c: {  	_ =	swait.ge [sflag:s16], $0x1400  }
0x11d: {  	[sflag:s16] =	ssyncset.done $0x0  }
0x11e: {  	[sflag:s16] =	ssyncadd.s32 $0xFFFFEC00  }
0x11f: {  	[tilespmem:s19], [sflag:$0x1] =	stream.indirect.gather [hbm4b:s5+s18], $0x80, s4, s18, $0xb8;
	[tilespmem:$0x1EC00] =	vst v63  }
0x120: {  	_ = 	snop  }
0x121: {  	[tilespmem:s21], [sflag:$0x2] =	stream.indirect.gather [hbm4b:s5+s18], $0x80, s20, s18, $0xb8;
	[tilespmem:$0x1EC00] =	vst v63  }
0x122: {  	_ =	swait.ge [sflag:s22], $0x2C00  }
0x123: {  	[sflag:s22] =	ssyncset.done $0x0  }
0x124: {  	[sflag:s22] =	ssyncadd.s32 $0xFFFFD400  }
0x125: {  	[spmem:s2] =	stream.indirect.scatter.add.f32 [tilespmem:s19], [sflag:$0x4], $0x80, s17, s18, $0xb8;
	[tilespmem:$0x1EC00] =	vst v63  }
0x126: {  	_ = 	snop  }
0x127: {  	[tilespmem:s24], [sflag:$0x3] =	stream.indirect.gather [hbm4b:s5+s18], $0x80, s23, s18, $0xb8;
	[tilespmem:$0x1EC00] =	vst v63  }
0x128: {  	_ =	swait.ge [sflag:s25], $0x2C00  }
0x129: {  	[sflag:s25] =	ssyncset.done $0x0  }
0x12a: {  	s14 =	simm.s32 $0x1480;
	[sflag:s25] =	ssyncadd.s32 $0xFFFFD400  }
0x12b: {  	[spmem:s2] =	stream.indirect.scatter.add.f32 [tilespmem:s21], [sflag:$0x5], $0x80, s14, s18, $0xb8;
	[tilespmem:$0x1EC00] =	vst v63  }
0x12c: {  	_ =	swait.ge [sflag:s28], $0x2C00  }
0x12d: {  	[sflag:s28] =	ssyncset.done $0x0  }
0x12e: {  	[sflag:s28] =	ssyncadd.s32 $0xFFFFD400  }
0x12f: {  	[tilespmem:s19], [sflag:$0x1] =	stream.indirect.gather [hbm4b:s5+s18], $0x80, s29, s18, $0xb8;
	[tilespmem:$0x1EC00] =	vst v63  }
0x130: {  	_ =	swait.ge [sflag:s30], $0x2C00  }
0x131: {  	[sflag:s30] =	ssyncset.done $0x0  }
0x132: {  	[sflag:s30] =	ssyncadd.s32 $0xFFFFD400  }
0x133: {  	[spmem:s2] =	stream.indirect.scatter.add.f32 [tilespmem:s24], [sflag:$0x6], $0x80, s31, s18, $0xb8;
	[tilespmem:$0x1EC00] =	vst v63  }
0x134: {  	_ =	swait.ge [sflag:s0], $0x2C00  }
0x135: {  	[sflag:s0] =	ssyncset.done $0x0  }
0x136: {  	[sflag:s0] =	ssyncadd.s32 $0xFFFFD400  }
0x137: {  	[tilespmem:s21], [sflag:$0x2] =	stream.indirect.gather [hbm4b:s5+s18], $0x80, s3, s18, $0xb8;
	[tilespmem:$0x1EC00] =	vst v63  }
0x138: {  	_ =	swait.ge [sflag:s22], $0x2C00  }
0x139: {  	[sflag:s22] =	ssyncset.done $0x0  }
0x13a: {  	s26 =	simm.s32 $0x1580;
	[sflag:s22] =	ssyncadd.s32 $0xFFFFD400  }
0x13b: {  	[spmem:s2] =	stream.indirect.scatter.add.f32 [tilespmem:s19], [sflag:$0x4], $0x80, s26, s18, $0xb8;
	[tilespmem:$0x1EC00] =	vst v63  }
0x13c: {  	_ =	swait.ge [sflag:s1], $0x2C00  }
0x13d: {  	[sflag:s1] =	ssyncset.done $0x0  }
0x13e: {  	s14 =	simm.s32 $0x280;
	[sflag:s1] =	ssyncadd.s32 $0xFFFFD400  }
0x13f: {  	[tilespmem:s24], [sflag:$0x3] =	stream.indirect.gather [hbm4b:s5+s18], $0x80, s14, s18, $0xb8;
	[tilespmem:$0x1EC00] =	vst v63  }
0x140: {  	_ =	swait.ge [sflag:s25], $0x2C00  }
0x141: {  	[sflag:s25] =	ssyncset.done $0x0  }
0x142: {  	s26 =	simm.s32 $0x1600;
	[sflag:s25] =	ssyncadd.s32 $0xFFFFD400  }
0x143: {  	[spmem:s2] =	stream.indirect.scatter.add.f32 [tilespmem:s21], [sflag:$0x5], $0x80, s26, s18, $0xb8;
	[tilespmem:$0x1EC00] =	vst v63  }
0x144: {  	_ =	swait.ge [sflag:s28], $0x2C00  }
0x145: {  	[sflag:s28] =	ssyncset.done $0x0  }
0x146: {  	s14 =	simm.s32 $0x300;
	[sflag:s28] =	ssyncadd.s32 $0xFFFFD400  }
0x147: {  	[tilespmem:s19], [sflag:$0x1] =	stream.indirect.gather [hbm4b:s5+s18], $0x80, s14, s18, $0xb8;
	[tilespmem:$0x1EC00] =	vst v63  }
0x148: {  	_ =	swait.ge [sflag:s30], $0x2C00  }
0x149: {  	[sflag:s30] =	ssyncset.done $0x0  }
0x14a: {  	s26 =	simm.s32 $0x1680;
	[sflag:s30] =	ssyncadd.s32 $0xFFFFD400  }
0x14b: {  	[spmem:s2] =	stream.indirect.scatter.add.f32 [tilespmem:s24], [sflag:$0x6], $0x80, s26, s18, $0xb8;
	[tilespmem:$0x1EC00] =	vst v63  }
0x14c: {  	_ =	swait.ge [sflag:s0], $0x2C00  }
0x14d: {  	[sflag:s0] =	ssyncset.done $0x0  }
0x14e: {  	s4 =	simm.s32 $0x380;
	s14 =	simm.s32 $0x600;
	[sflag:s0] =	ssyncadd.s32 $0xFFFFD400  }
.LBB2_6:
0x14f: {  	[tilespmem:s21], [sflag:$0x2] =	stream.indirect.gather [hbm4b:s5+s18], $0x80, s4, s18, $0xb8;
	[tilespmem:$0x1EC00] =	vst v63  }
0x150: {  	s4 =	smov.u32 s14  }
0x151: {  	p0 =	sne.s32 s14, $0x3C00;
	s14 =	sadd.s32 $0x600, s14;
	_ =	swait.ge [sflag:s22], $0x2C00  }
0x152: {  	s4 =	sshra.s32 s4, $0x2;
	[sflag:s22] =	ssyncset.done $0x0  }
0x153: {  	s26 =	sadd.s32 $0x1580, s4;
	[sflag:s22] =	ssyncadd.s32 $0xFFFFD400  }
0x154: {  	[spmem:s2] =	stream.indirect.scatter.add.f32 [tilespmem:s19], [sflag:$0x4], $0x80, s26, s18, $0xb8;
	[tilespmem:$0x1EC00] =	vst v63  }
0x155: {  	_ =	swait.ge [sflag:s1], $0x2C00  }
0x156: {  	[sflag:s1] =	ssyncset.done $0x0  }
0x157: {  	s26 =	sadd.s32 $0x280, s4;
	[sflag:s1] =	ssyncadd.s32 $0xFFFFD400  }
0x158: {  	[tilespmem:s24], [sflag:$0x3] =	stream.indirect.gather [hbm4b:s5+s18], $0x80, s26, s18, $0xb8;
	[tilespmem:$0x1EC00] =	vst v63  }
0x159: {  	_ =	swait.ge [sflag:s25], $0x2C00  }
0x15a: {  	[sflag:s25] =	ssyncset.done $0x0  }
0x15b: {  	s26 =	sadd.s32 $0x1600, s4;
	[sflag:s25] =	ssyncadd.s32 $0xFFFFD400  }
0x15c: {  	[spmem:s2] =	stream.indirect.scatter.add.f32 [tilespmem:s21], [sflag:$0x5], $0x80, s26, s18, $0xb8;
	[tilespmem:$0x1EC00] =	vst v63  }
0x15d: {  	_ =	swait.ge [sflag:s28], $0x2C00  }
0x15e: {  	[sflag:s28] =	ssyncset.done $0x0  }
0x15f: {  	s26 =	sadd.s32 $0x300, s4;
	[sflag:s28] =	ssyncadd.s32 $0xFFFFD400  }
0x160: {  	[tilespmem:s19], [sflag:$0x1] =	stream.indirect.gather [hbm4b:s5+s18], $0x80, s26, s18, $0xb8;
	[tilespmem:$0x1EC00] =	vst v63  }
0x161: {  	_ =	swait.ge [sflag:s30], $0x2C00  }
0x162: {  	[sflag:s30] =	ssyncset.done $0x0  }
.Ltmp2:
0x163: {  	s26 =	sadd.s32 $0x1680, s4;
	[sflag:s30] =	ssyncadd.s32 $0xFFFFD400;
	(pc) =	sbr.rel @p0 .LBB2_6-.Ltmp2, $4  }
0x164: {  	[spmem:s2] =	stream.indirect.scatter.add.f32 [tilespmem:s24], [sflag:$0x6], $0x80, s26, s18, $0xb8;
	[tilespmem:$0x1EC00] =	vst v63  }
0x165: {  	_ =	swait.ge [sflag:s0], $0x2C00  }
0x166: {  	[sflag:s0] =	ssyncset.done $0x0  }
0x167: {  	s4 =	sadd.s32 $0x380, s4;
	[sflag:s0] =	ssyncadd.s32 $0xFFFFD400  }
0x168: {  	[tilespmem:s21], [sflag:$0x2] =	stream.indirect.gather [hbm4b:s5+s18], $0x80, s4, s18, $0xb8;
	[tilespmem:$0x1EC00] =	vst v63  }
0x169: {  	_ =	swait.ge [sflag:s22], $0x2C00  }
0x16a: {  	[sflag:s22] =	ssyncset.done $0x0  }
0x16b: {  	[sflag:s22] =	ssyncadd.s32 $0xFFFFD400  }
0x16c: {  	[spmem:s2] =	stream.indirect.scatter.add.f32 [tilespmem:s19], [sflag:$0x4], $0x80, s7, s18, $0xb8;
	[tilespmem:$0x1EC00] =	vst v63  }
0x16d: {  	_ =	swait.ge [sflag:s1], $0x2C00  }
0x16e: {  	[sflag:s1] =	ssyncset.done $0x0  }
0x16f: {  	[sflag:s1] =	ssyncadd.s32 $0xFFFFD400  }
0x170: {  	[tilespmem:s24], [sflag:$0x3] =	stream.indirect.gather [hbm4b:s5+s18], $0x80, s8, s18, $0xb8;
	[tilespmem:$0x1EC00] =	vst v63  }
0x171: {  	_ =	swait.ge [sflag:s25], $0x2C00  }
0x172: {  	[sflag:s25] =	ssyncset.done $0x0  }
0x173: {  	[sflag:s25] =	ssyncadd.s32 $0xFFFFD400  }
0x174: {  	[spmem:s2] =	stream.indirect.scatter.add.f32 [tilespmem:s21], [sflag:$0x5], $0x80, s9, s18, $0xb8;
	[tilespmem:$0x1EC00] =	vst v63  }
0x175: {  	_ =	swait.ge [sflag:s28], $0x2C00  }
0x176: {  	[sflag:s28] =	ssyncset.done $0x0  }
0x177: {  	[sflag:s28] =	ssyncadd.s32 $0xFFFFD400  }
0x178: {  	[tilespmem:s19], [sflag:$0x1] =	stream.indirect.gather [hbm4b:s5+s18], $0x80, s10, s18, $0xb8;
	[tilespmem:$0x1EC00] =	vst v63  }
0x179: {  	_ =	swait.ge [sflag:s30], $0x2C00  }
0x17a: {  	[sflag:s30] =	ssyncset.done $0x0  }
0x17b: {  	[sflag:s30] =	ssyncadd.s32 $0xFFFFD400  }
0x17c: {  	[spmem:s2] =	stream.indirect.scatter.add.f32 [tilespmem:s24], [sflag:$0x6], $0x80, s11, s18, $0xb8;
	[tilespmem:$0x1EC00] =	vst v63  }
0x17d: {  	_ =	swait.ge [sflag:s0], $0x2C00  }
0x17e: {  	[sflag:s0] =	ssyncset.done $0x0  }
0x17f: {  	[sflag:s0] =	ssyncadd.s32 $0xFFFFD400  }
0x180: {  	[tilespmem:s21], [sflag:$0x2] =	stream.indirect.gather [hbm4b:s5+s18], $0x80, s20, s18, $0xb8;
	[tilespmem:$0x1EC00] =	vst v63  }
0x181: {  	_ =	swait.ge [sflag:s22], $0x2C00  }
0x182: {  	[sflag:s22] =	ssyncset.done $0x0  }
0x183: {  	[sflag:s22] =	ssyncadd.s32 $0xFFFFD400  }
0x184: {  	[spmem:s2] =	stream.indirect.scatter.add.f32 [tilespmem:s19], [sflag:$0x4], $0x80, s12, s18, $0xb8;
	[tilespmem:$0x1EC00] =	vst v63  }
0x185: {  	_ =	swait.ge [sflag:s1], $0x2C00  }
0x186: {  	[sflag:s1] =	ssyncset.done $0x0  }
0x187: {  	[sflag:s1] =	ssyncadd.s32 $0xFFFFD400  }
0x188: {  	[tilespmem:s24], [sflag:$0x3] =	stream.indirect.gather [hbm4b:s5+s18], $0x80, s23, s18, $0xb8;
	[tilespmem:$0x1EC00] =	vst v63  }
0x189: {  	_ =	swait.ge [sflag:s25], $0x2C00  }
0x18a: {  	[sflag:s25] =	ssyncset.done $0x0  }
0x18b: {  	[sflag:s25] =	ssyncadd.s32 $0xFFFFD400  }
0x18c: {  	_ =	swait.ge [sflag:s30], $0x2C00  }
0x18d: {  	[sflag:s30] =	ssyncset.done $0x0  }
0x18e: {  	[sflag:s30] =	ssyncadd.s32 $0xFFFFD400  }
0x18f: {  	_ =	swait.ge [sflag:s28], $0x2C00  }
0x190: {  	[sflag:s28] =	ssyncset.done $0x0  }
0x191: {  	[sflag:s28] =	ssyncadd.s32 $0xFFFFD400  }
0x192: {  	[bflag:$0x0] =	sbarrier.arrive $0xFFFF  }
0x193: {  	s14 =	rddreg [dreg:$0xa]  }
0x194: {  	[hbm:s14], [sflag:s6] =	dma.local [spmem:s15], $0x2800  }
0x195: {  	_ =	swait.ge [sflag:s16], $0x2800  }
0x196: {  	s13 =	sadd.s32 $0x1, s13;
	s26 =	rddreg [dreg:$0xb]  }
0x197: {  	p0 =	sne.s32 s13, s26  }
.Ltmp3:
0x198: {  	_ = 	snop;
	(pc) =	sbr.rel @p0 .LBB2_1-.Ltmp3, $3  }
0x199: {  	_ =	sdelay $0x1  }
0x19a: {  	[sflag:s16] =	ssyncset.done $0x0  }
0x19b: {  	[sflag:s16] =	ssyncadd.s32 $0xFFFFD800  }
0x19c: {  	_ =	sfence.sel $0x180000  }
0x19d: {  	[bflag:$0x0] =	sbarrier.arrive $0xFFFF  }
0x19e: {  	_ =	strace $0x9000004A  }
0x19f: {  	s0 =	stileid.u32;
	[bflag:$0x2] =	sbarrier.arrive $0xFFFF  }
0x1a0: {  	p0 =	sne.s32 s0, $0x0;
	s0 =	rddreg [dreg:$0x3]  }
0x1a1: {  	s0 =	sadd.s32 @!p0 $0x100000, s0  }
0x1a2: {  	[sflag:s0] =	ssyncadd.tile.s32 @!p0 $0x1;
	_ =	shalt  }
.Lfunc_end2:
_tile_overlayer_lowered:
.L_overlay_start_2:
0x1a3: {  	(tag) =	ssettag $0x2  }
0x1a4: {  	s0 =	rddreg [dreg:$0x0];
	s2 =	stileid.u32  }
0x1a5: {  	s1 =	rddreg [dreg:$0x1];
	p0 =	sne.s32 s2, $0x0  }
0x1a6: {  	s3 =	rddreg [dreg:$0x2];
	[bflag:$0x3] =	sbarrier.arrive $0xFFFF;
	s2 =	simm.s32 @!p0 $0x1C07  }
0x1a7: {  	[timem:s3], [sflag:s2] =	dma.local @!p0 [hbm:s0], s1  }
0x1a8: {  	s0 =	simm.s32 @!p0 $0x7  }
0x1a9: {  	_ =	swait.ge @!p0 [sflag:s0], s1  }
0x1aa: {  	s1 =	ssub.s32 @!p0 $0x0, s1;
	[sflag:s0] =	ssyncset.done @!p0 $0x0  }
0x1ab: {  	[sflag:s0] =	ssyncadd.s32 @!p0 s1  }
0x1ac: {  	[bflag:$0x3] =	sbarrier.arrive $0xFFFF  }
0x1ad: {  	_ =	shalt  }

// kernel: kernel.7.cloned.1.call-start
scs
__scs_entry_jumppad:
0x0: {  	(pc) =	sbr.rel $0x88, $3  }
0x1: {  	(tag) =	ssettag $0x0;
	lr =	simm.s32 $0x1  }
0x2: {  	[smem:$0x3F99] =	sst lr;
	_ =	strace $0xD0000000  }
0x3: {  	_ = 	snop  }
0x4: {  	_ = 	snop  }
0x5: {  	_ = 	snop  }
0x6: {  	_ = 	snop  }
0x7: {  	_ = 	snop  }
__scs_overlays_trampoline_lowered:
0x8: {  	[smem:$0x3FA8] =	sst s0  }
0x9: {  	[smem:$0x3FA9] =	sst s1  }
0xa: {  	[smem:$0x3FAA] =	sst s2  }
0xb: {  	[smem:$0x3FAB] =	sst s3  }
0xc: {  	[smem:$0x3FAC] =	sst s4  }
0xd: {  	[smem:$0x3FAD] =	sst s5  }
0xe: {  	[smem:$0x3FAE] =	sst s6  }
0xf: {  	[smem:$0x3FAF] =	sst s7  }
0x10: {  	[smem:$0x3FB0] =	sst s8  }
0x11: {  	[smem:$0x3FB1] =	sst s9;
	s0 =	simm.s32 @!p0 $0x0  }
0x12: {  	s1 =	sld [smem:$0x3F97];
	s0 =	simm.s32 @p0 $0x1  }
0x13: {  	[smem:$0x3FB2] =	sst s0;
	s0 =	simm.s32 @!p1 $0x0  }
0x14: {  	s2 =	sld [smem:$0x3F96];
	s0 =	simm.s32 @p1 $0x1  }
0x15: {  	[smem:$0x3FB3] =	sst s0;
	s0 =	simm.s32 @!p2 $0x0  }
0x16: {  	s3 =	sld [smem:$0x3FDB];
	s0 =	simm.s32 @p2 $0x1  }
0x17: {  	s4 =	simm.s32 $0x1BF5;
	[smem:$0x3FB5] =	sst s0  }
0x18: {  	s0 =	sld [smem:$0x3F98];
	_ =	swait.ge [sflag:s4], $0x0  }
0x19: {  	s7 =	sld [smem:$0x3F99]  }
0x1a: {  	s8 =	sadd.s32 $0xFFFFE003, lr  }
0x1b: {  	s9 =	sadd.s32 $0xFFFFFEF7, lr;
	s5 =	simm.s32 $0xFFFFFFFF;
	p2 =	slt.u32 s8, $0xFFFFF086  }
0x1c: {  	p1 =	slt.u32 s9, $0xF7A;
	s5 =	simm.s32 @!p2 $0x0  }
0x1d: {  	s5 =	simm.s32 @p1 $0x1;
	p0 =	seq.s32 s7, s2  }
0x1e: {  	s7 =	smul.u32 @!p0 $0xF7A, s2;
	p2 =	seq.s32 @!p0 s5, $0x0  }
0x1f: {  	s9 =	smul.u32 $0xF7A, s1;
	s8 =	simm.s32 @!p0 $0x1BF5;
	p2 =	por !p2, p0  }
0x20: {  	[sflag:s8] =	ssyncset.s32 @!p0 $0xFFFFF086;
	s6 =	sadd.s32 @!p0 s3, s7;
	s7 =	simm.s32 @!p0 $0x108  }
0x21: {  	s3 =	sadd.s32 s3, s9;
	s6 =	sadd.s32 @!p0 $0x88, s6;
	s7 =	simm.s32 @p2 $0x1082  }
0x22: {  	[simem:s7], [sflag:s8] =	dma.local @!p0 [hbm:s6], $0xF7A  }
0x23: {  	s9 =	sor.u32 $0xD0000000, s2;
	s6 =	simm.s32 $0x108;
	_ =	swait.ge @!p0 [sflag:s8], $0x0  }
0x24: {  	s3 =	sadd.s32 $0x88, s3;
	s6 =	simm.s32 @!p1 $0x1082;
	[sflag:s4] =	ssyncset.s32 $0xFFFFF086  }
0x25: {  	[simem:s6], [sflag:s4] =	dma.local [hbm:s3], $0xF7A  }
0x26: {  	[smem:$0x3F99] =	sst s1;
	(tag) =	ssettag s2;
	_ =	strace s9  }
0x27: {  	s1 =	sld [smem:$0x3FA9]  }
0x28: {  	s2 =	sld [smem:$0x3FAA]  }
0x29: {  	s4 =	sld [smem:$0x3FAC]  }
0x2a: {  	p0 =	seq.s32 s5, $0x0;
	s5 =	sld [smem:$0x3FAD]  }
0x2b: {  	s6 =	sld [smem:$0x3FAE]  }
0x2c: {  	s7 =	sld [smem:$0x3FAF]  }
0x2d: {  	s3 =	simm.s32 $0x108;
	s8 =	sld [smem:$0x3FB0]  }
0x2e: {  	s3 =	simm.s32 @!p0 $0x1082;
	s9 =	sld [smem:$0x3FB1]  }
0x2f: {  	lr =	sadd.s32 s0, s3;
	s0 =	sld [smem:$0x3FA8]  }
0x30: {  	s3 =	sld [smem:$0x3FAB]  }
0x31: {  	[smem:$0x3FB4] =	sst s10  }
0x32: {  	s10 =	sld [smem:$0x3FB2];
	_ =	sdelay $0x3  }
0x33: {  	p0 =	seq.s32 s10, $0x1;
	s10 =	sld [smem:$0x3FB4];
	_ =	sdelay $0x3  }
0x34: {  	[smem:$0x3FB4] =	sst s10  }
0x35: {  	s10 =	sld [smem:$0x3FB3];
	_ =	sdelay $0x3  }
0x36: {  	p1 =	seq.s32 s10, $0x1;
	s10 =	sld [smem:$0x3FB4];
	_ =	sdelay $0x3  }
0x37: {  	[smem:$0x3FB4] =	sst s10  }
0x38: {  	s10 =	sld [smem:$0x3FB5]  }
0x39: {  	_ = 	snop;
	(pc) =	sbr.ind lr, $3  }
0x3a: {  	_ = 	snop  }
0x3b: {  	_ = 	snop  }
0x3c: {  	p2 =	seq.s32 s10, $0x1;
	s10 =	sld [smem:$0x3FB4]  }
0x3d: {  	_ =	shalt  }
0x3e: {  	_ =	shalt  }
0x3f: {  	_ =	shalt  }
0x40: {  	_ =	shalt  }
0x41: {  	_ =	shalt  }
0x42: {  	_ =	shalt  }
0x43: {  	_ =	shalt  }
0x44: {  	_ =	shalt  }
0x45: {  	_ =	shalt  }
0x46: {  	_ =	shalt  }
0x47: {  	_ =	shalt  }
0x48: {  	_ =	shalt  }
0x49: {  	_ =	shalt  }
0x4a: {  	_ =	shalt  }
0x4b: {  	_ =	shalt  }
0x4c: {  	_ =	shalt  }
0x4d: {  	_ =	shalt  }
0x4e: {  	_ =	shalt  }
0x4f: {  	_ =	shalt  }
0x50: {  	_ =	shalt  }
0x51: {  	_ =	shalt  }
0x52: {  	_ =	shalt  }
0x53: {  	_ =	shalt  }
0x54: {  	_ =	shalt  }
0x55: {  	_ =	shalt  }
0x56: {  	_ =	shalt  }
0x57: {  	_ =	shalt  }
0x58: {  	_ =	shalt  }
0x59: {  	_ =	shalt  }
0x5a: {  	_ =	shalt  }
0x5b: {  	_ =	shalt  }
0x5c: {  	_ =	shalt  }
0x5d: {  	_ =	shalt  }
0x5e: {  	_ =	shalt  }
0x5f: {  	_ =	shalt  }
0x60: {  	_ =	shalt  }
0x61: {  	_ =	shalt  }
0x62: {  	_ =	shalt  }
0x63: {  	_ =	shalt  }
0x64: {  	_ =	shalt  }
0x65: {  	_ =	shalt  }
0x66: {  	_ =	shalt  }
0x67: {  	_ =	shalt  }
0x68: {  	_ =	shalt  }
0x69: {  	_ =	shalt  }
0x6a: {  	_ =	shalt  }
0x6b: {  	_ =	shalt  }
0x6c: {  	_ =	shalt  }
0x6d: {  	_ =	shalt  }
0x6e: {  	_ =	shalt  }
0x6f: {  	_ =	shalt  }
0x70: {  	_ =	shalt  }
0x71: {  	_ =	shalt  }
0x72: {  	_ =	shalt  }
0x73: {  	_ =	shalt  }
0x74: {  	_ =	shalt  }
0x75: {  	_ =	shalt  }
0x76: {  	_ =	shalt  }
0x77: {  	_ =	shalt  }
0x78: {  	_ =	shalt  }
0x79: {  	_ =	shalt  }
0x7a: {  	_ =	shalt  }
0x7b: {  	_ =	shalt  }
0x7c: {  	_ =	shalt  }
0x7d: {  	_ =	shalt  }
0x7e: {  	_ =	shalt  }
0x7f: {  	_ =	shalt  }
0x80: {  	_ =	shalt  }
0x81: {  	_ =	shalt  }
0x82: {  	_ =	shalt  }
0x83: {  	_ =	shalt  }
0x84: {  	_ =	shalt  }
0x85: {  	_ =	shalt  }
0x86: {  	_ =	shalt  }
0x87: {  	_ =	shalt  }
.Lfunc_end0:
.L_simem_size_0:
called_computation_lowered:
.L_overlay_start_0:
0x88: {  	s2 =	sld [smem:$0x3FD9]  }
0x89: {  	s3 =	sld [smem:$0x3FFE];
	_ =	sdelay $0x1  }
0x8a: {  	s1 =	srdreg.scid  }
0x8b: {  	s0 =	sand.u32 $0x1, s1  }
0x8c: {  	s17 =	sshll.u32 s0, $0xA;
	s2 =	sadd.s32 s3, s2  }
0x8d: {  	s2 =	sadd.s32 s2, s17  }
0x8e: {  	[smem:$0x3FC0] =	sst s2  }
0x8f: {  	_ = 	snop  }
0x90: {  	s2 =	sld [smem:$0x3FD0];
	(tm) =	ssettm $0x1  }
0x91: {  	s18 =	sld [smem:$0x3FFB];
	_ =	sdelay $0x3  }
0x92: {  	_ =	strace s18  }
0x93: {  	s3 =	sld [smem:$0x3FFC];
	_ =	sdelay $0x3  }
0x94: {  	_ =	strace s3  }
0x95: {  	s3 =	sld [smem:$0x3FFD];
	_ =	sdelay $0x3  }
0x96: {  	_ =	strace s3  }
0x97: {  	_ =	strace $0x8FFFFFFF  }
0x98: {  	s19 =	sld [smem:$0x3FDB];
	_ =	sdelay $0x1  }
0x99: {  	s4 =	simm.s32 $_scs_section_size  }
0x9a: {  	s5 =	simm.s32 $_size__tile_overlayer_lowered;
	s6 =	simm.s32 $_tile_overlayer_lowered  }
0x9b: {  	s22 =	simm.s32 $0x1BFF;
	s21 =	sshll.u32 s6, $0x1;
	s3 =	sadd.s32 s4, s19  }
0x9c: {  	s7 =	simm.s32 $0x0;
	s20 =	sshll.u32 s5, $0x1;
	s5 =	sadd.s32 s21, s3  }
0x9d: {  	[timem:s7], [sflag:s22] =	dma.local [hbm:s5], s20  }
0x9e: {  	_ =	swait.ge [sflag:s22], s20  }
0x9f: {  	s4 =	ssub.s32 $0x0, s20;
	[sflag:s22] =	ssyncset.done $0x0  }
0xa0: {  	[sflag:s22] =	ssyncadd.s32 s4;
	_ =	sdelay $0x1  }
0xa1: {  	s23 =	simm.s32 $0x1B8B  }
0xa2: {  	_ =	swait.ge [sflag:s23], $0x1  }
0xa3: {  	[sflag:s23] =	ssyncset.done $0x0  }
0xa4: {  	s25 =	simm.s32 $0x1B8E;
	s24 =	sld [smem:$0x3FFE];
	[sflag:s23] =	ssyncadd.s32 $0xFFFFFFFF  }
0xa5: {  	s26 =	simm.s32 $execute0_lowered;
	[smem:$0x3FD2] =	sst s25  }
0xa6: {  	s5 =	sshll.u32 s26, $0x1;
	_ =	strace $0x80000046;
	[dreg:$0x1] =	wrdreg $0xFFFFFFFF  }
0xa7: {  	s28 =	simm.s32 $_size_execute0_lowered;
	s3 =	sadd.s32 s3, s5;
	[dreg:$0x0] =	wrdreg $0x0  }
0xa8: {  	s5 =	sshll.u32 s28, $0x1;
	[dreg:$0x2] =	wrdreg s3  }
0xa9: {  	[dreg:$0x3] =	wrdreg s5  }
0xaa: {  	[dreg:$0x4] =	wrdreg $0xC0  }
0xab: {  	_ =	task [dreg:s7], $0x5FFFF  }
0xac: {  	[dreg:$0x1] =	wrdreg $0xFFFFFFFF  }
0xad: {  	[dreg:$0x0] =	wrdreg $0x60  }
0xae: {  	[dreg:$0x2] =	wrdreg s24  }
0xaf: {  	[dreg:$0x3] =	wrdreg s2  }
0xb0: {  	[dreg:$0x4] =	wrdreg $0x28000  }
0xb1: {  	[dreg:$0x5] =	wrdreg $0x9  }
0xb2: {  	_ =	task.clear_ibuf [dreg:s7], $0x6FFFF;
	_ =	strace $0x90000046  }
0xb3: {  	s29 =	simm.s32 $0x9;
	_ =	strace $0x80000048  }
0xb4: {  	_ =	swait.ge [sflag:s29], $0x1  }
0xb5: {  	[sflag:s29] =	ssyncadd.s32 $0xFFFFFFFF  }
0xb6: {  	_ =	strace $0x90000048  }
0xb7: {  	_ =	sfence  }
0xb8: {  	s30 =	sld [smem:$0x0];
	_ =	sdelay $0x2  }
0xb9: {  	s31 =	sshll.u32 s1, $0xD;
	s1 =	sshrl.u32 s1, $0x2  }
0xba: {  	s3 =	sand.u32 $0x4000, s31;
	s1 =	sadd.s32 s1, s30  }
0xbb: {  	s0 =	sor.u32 s3, s0;
	s1 =	sshll.u32 s1, $0x11  }
0xbc: {  	s0 =	sor.u32 s1, s0  }
0xbd: {  	s0 =	sadd.s32 $0x8F2B, s0  }
0xbe: {  	[sflag:s0] =	ssyncadd.remote.s32 $0x1  }
0xbf: {  	_ =	sfence.sel $0xFFFF  }
0xc0: {  	[dreg:$0x0] =	wrdreg $0xFFFFFFFF;
	(pc) =	sbr.abs _section_cstart, $3  }
0xc1: {  	[dreg:$0x1] =	wrdreg $0xFFFFFFFF  }
0xc2: {  	_ =	task.clear_ibuf [dreg:s7], $0x2FFFF;
	_ =	strace $0x9FFFFFFF  }
0xc3: {  	(tm) =	ssettm $0x7FFFFFFF  }
tec
execute0_lowered:
.L_overlay_start_1:
0x0: {  	(tag) =	ssettag $0x1  }
0x1: {  	s0 =	rddreg [dreg:$0x0]  }
0x2: {  	s2 =	rddreg [dreg:$0x2];
	s1 =	srdreg.scid  }
0x3: {  	s4 =	simm.s32 $0x0;
	s10 =	stileid.u32;
	s28 =	simm.s32 $0x4  }
0x4: {  	s29 =	simm.s32 $0x180;
	s30 =	simm.s32 $0x3;
	s31 =	simm.s32 $0x1500  }
0x5: {  	s11 =	simm.s32 $0x2700;
	s12 =	simm.s32 $0x2780;
	s13 =	simm.s32 $0x0  }
0x6: {  	s1 =	sand.u32 $0x1, s1;
	[smem:$0x7FF] =	sst s4;
	s15 =	smul.u32 $0x14000, s10  }
0x7: {  	s5 =	sadd.s32 $0x1FC00, s0;
	s7 =	sadd.s32 $0x1C00, s0;
	s9 =	smul.u32 $0x50000, s10  }
0x8: {  	s8 =	sadd.s32 $0x10C00, s0;
	s20 =	sshll.u32 s10, $0x6;
	s3 =	smul.u32 $0x140000, s1  }
0x9: {  	_ =	strace $0x80000047;
	s16 =	ssub.s32 $0x2, s1;
	s1 =	sshll.u32 s1, $0x4  }
0xa: {  	s6 =	sshrl.u32 s16, $0x1;
	s1 =	sor.u32 s10, s1;
	s19 =	sshrl.u32 s9, $0x2  }
0xb: {  	s9 =	simm.s32 $0x2680;
	s10 =	simm.s32 $0x1380;
	s18 =	smul.u32 $0x3C00, s1  }
0xc: {  	s3 =	sadd.s32 s15, s3;
	s17 =	ssub.s32 s16, s6;
	s1 =	smul.u32 $0x780, s1  }
0xd: {  	s21 =	sadd.s32 s19, s2;
	s6 =	sor.u32 $0x1C07, s20;
	s16 =	simm.s32 $0x7  }
0xe: {  	s19 =	simm.s32 $0x16800;
	s20 =	simm.s32 $0x80;
	s3 =	sshrl.u32 s3, $0x3  }
0xf: {  	s26 =	smax.u32 s17, $0x1;
	s15 =	sshrl.u32 s21, $0x3;
	s17 =	simm.s32 $0x1400  }
0x10: {  	s21 =	simm.s32 $0x19400;
	s0 =	sadd.s32 s3, s0;
	s4 =	sshrl.u32 s18, $0x3  }
0x11: {  	s22 =	sadd.s32 s7, s1;
	s1 =	sadd.s32 s8, s1;
	[dreg:$0xb] =	wrdreg s26  }
0x12: {  	s18 =	simm.s32 $0x58;
	s3 =	simm.s32 $0x200;
	[dreg:$0x4] =	wrdreg s22  }
0x13: {  	[dreg:$0x5] =	wrdreg s1;
	s23 =	sadd.s32 $0x280, s4;
	s0 =	sadd.s32 $0x46E00, s0  }
0x14: {  	s25 =	sadd.s32 $0x500, s4;
	s24 =	sadd.s32 s7, s23;
	[dreg:$0xa] =	wrdreg s0  }
0x15: {  	s22 =	simm.s32 $0x1;
	s1 =	sadd.s32 s8, s23;
	[dreg:$0x6] =	wrdreg s24  }
0x16: {  	s4 =	sadd.s32 s7, s25;
	s23 =	simm.s32 $0x100;
	[dreg:$0x7] =	wrdreg s1  }
0x17: {  	s0 =	simm.s32 $0x5;
	s7 =	simm.s32 $0x2600;
	[dreg:$0x8] =	wrdreg s4  }
0x18: {  	s1 =	sadd.s32 s8, s25;
	s24 =	simm.s32 $0x1C000;
	s25 =	simm.s32 $0x2  }
0x19: {  	s8 =	simm.s32 $0x1300;
	[dreg:$0x9] =	wrdreg s1;
	s1 =	simm.s32 $0x6  }
.LBB2_1:
0x1a: {  	s4 =	rddreg [dreg:$0x1]  }
0x1b: {  	[spmem:s15], [sflag:s6] =	dma.local [hbm:s4], $0x2800  }
0x1c: {  	_ =	swait.ge [sflag:s16], $0x2800  }
0x1d: {  	[sflag:s16] =	ssyncset.done $0x0  }
0x1e: {  	[sflag:s16] =	ssyncadd.s32 $0xFFFFD800  }
0x1f: {  	[bflag:$0x0] =	sbarrier.arrive $0xFFFF  }
0x20: {  	s4 =	simm.s32 $0x0;
	s14 =	rddreg [dreg:$0x4]  }
0x21: {  	[tilespmem:s4], [sflag:$0x7] =	stream.linear.gather [hbm4b:s14+s4], $0x1400, $0x38;
	[tilespmem:$0x1EC00] =	vst v63  }
0x22: {  	_ =	swait.ge [sflag:s16], $0x1400  }
0x23: {  	[sflag:s16] =	ssyncset.done $0x0  }
0x24: {  	s26 =	rddreg [dreg:$0x5];
	[sflag:s16] =	ssyncadd.s32 $0xFFFFEC00  }
0x25: {  	[tilespmem:s17], [sflag:$0x7] =	stream.linear.gather [hbm4b:s26+s4], $0x1400, $0x38;
	[tilespmem:$0x1EC00] =	vst v63  }
0x26: {  	_ =	swait.ge [sflag:s16], $0x1400  }
0x27: {  	[sflag:s16] =	ssyncset.done $0x0  }
0x28: {  	[sflag:s16] =	ssyncadd.s32 $0xFFFFEC00  }
0x29: {  	[tilespmem:s19], [sflag:$0x1] =	stream.indirect.gather [hbm4b:s5+s18], $0x80, s4, s18, $0xb8;
	[tilespmem:$0x1EC00] =	vst v63  }
0x2a: {  	_ = 	snop  }
0x2b: {  	[tilespmem:s21], [sflag:$0x2] =	stream.indirect.gather [hbm4b:s5+s18], $0x80, s20, s18, $0xb8;
	[tilespmem:$0x1EC00] =	vst v63  }
0x2c: {  	_ =	swait.ge [sflag:s22], $0x2C00  }
0x2d: {  	[sflag:s22] =	ssyncset.done $0x0  }
0x2e: {  	[sflag:s22] =	ssyncadd.s32 $0xFFFFD400  }
0x2f: {  	[spmem:s2] =	stream.indirect.scatter.add.f32 [tilespmem:s19], [sflag:$0x4], $0x80, s17, s18, $0xb8;
	[tilespmem:$0x1EC00] =	vst v63  }
0x30: {  	_ = 	snop  }
0x31: {  	[tilespmem:s24], [sflag:$0x3] =	stream.indirect.gather [hbm4b:s5+s18], $0x80, s23, s18, $0xb8;
	[tilespmem:$0x1EC00] =	vst v63  }
0x32: {  	_ =	swait.ge [sflag:s25], $0x2C00  }
0x33: {  	[sflag:s25] =	ssyncset.done $0x0  }
0x34: {  	s14 =	simm.s32 $0x1480;
	[sflag:s25] =	ssyncadd.s32 $0xFFFFD400  }
0x35: {  	[spmem:s2] =	stream.indirect.scatter.add.f32 [tilespmem:s21], [sflag:$0x5], $0x80, s14, s18, $0xb8;
	[tilespmem:$0x1EC00] =	vst v63  }
0x36: {  	_ =	swait.ge [sflag:s28], $0x2C00  }
0x37: {  	[sflag:s28] =	ssyncset.done $0x0  }
0x38: {  	[sflag:s28] =	ssyncadd.s32 $0xFFFFD400  }
0x39: {  	[tilespmem:s19], [sflag:$0x1] =	stream.indirect.gather [hbm4b:s5+s18], $0x80, s29, s18, $0xb8;
	[tilespmem:$0x1EC00] =	vst v63  }
0x3a: {  	_ =	swait.ge [sflag:s30], $0x2C00  }
0x3b: {  	[sflag:s30] =	ssyncset.done $0x0  }
0x3c: {  	[sflag:s30] =	ssyncadd.s32 $0xFFFFD400  }
0x3d: {  	[spmem:s2] =	stream.indirect.scatter.add.f32 [tilespmem:s24], [sflag:$0x6], $0x80, s31, s18, $0xb8;
	[tilespmem:$0x1EC00] =	vst v63  }
0x3e: {  	_ =	swait.ge [sflag:s0], $0x2C00  }
0x3f: {  	[sflag:s0] =	ssyncset.done $0x0  }
0x40: {  	[sflag:s0] =	ssyncadd.s32 $0xFFFFD400  }
0x41: {  	[tilespmem:s21], [sflag:$0x2] =	stream.indirect.gather [hbm4b:s5+s18], $0x80, s3, s18, $0xb8;
	[tilespmem:$0x1EC00] =	vst v63  }
0x42: {  	_ =	swait.ge [sflag:s22], $0x2C00  }
0x43: {  	[sflag:s22] =	ssyncset.done $0x0  }
0x44: {  	s26 =	simm.s32 $0x1580;
	[sflag:s22] =	ssyncadd.s32 $0xFFFFD400  }
0x45: {  	[spmem:s2] =	stream.indirect.scatter.add.f32 [tilespmem:s19], [sflag:$0x4], $0x80, s26, s18, $0xb8;
	[tilespmem:$0x1EC00] =	vst v63  }
0x46: {  	_ =	swait.ge [sflag:s1], $0x2C00  }
0x47: {  	[sflag:s1] =	ssyncset.done $0x0  }
0x48: {  	s14 =	simm.s32 $0x280;
	[sflag:s1] =	ssyncadd.s32 $0xFFFFD400  }
0x49: {  	[tilespmem:s24], [sflag:$0x3] =	stream.indirect.gather [hbm4b:s5+s18], $0x80, s14, s18, $0xb8;
	[tilespmem:$0x1EC00] =	vst v63  }
0x4a: {  	_ =	swait.ge [sflag:s25], $0x2C00  }
0x4b: {  	[sflag:s25] =	ssyncset.done $0x0  }
0x4c: {  	s26 =	simm.s32 $0x1600;
	[sflag:s25] =	ssyncadd.s32 $0xFFFFD400  }
0x4d: {  	[spmem:s2] =	stream.indirect.scatter.add.f32 [tilespmem:s21], [sflag:$0x5], $0x80, s26, s18, $0xb8;
	[tilespmem:$0x1EC00] =	vst v63  }
0x4e: {  	_ =	swait.ge [sflag:s28], $0x2C00  }
0x4f: {  	[sflag:s28] =	ssyncset.done $0x0  }
0x50: {  	s14 =	simm.s32 $0x300;
	[sflag:s28] =	ssyncadd.s32 $0xFFFFD400  }
0x51: {  	[tilespmem:s19], [sflag:$0x1] =	stream.indirect.gather [hbm4b:s5+s18], $0x80, s14, s18, $0xb8;
	[tilespmem:$0x1EC00] =	vst v63  }
0x52: {  	_ =	swait.ge [sflag:s30], $0x2C00  }
0x53: {  	[sflag:s30] =	ssyncset.done $0x0  }
0x54: {  	s26 =	simm.s32 $0x1680;
	[sflag:s30] =	ssyncadd.s32 $0xFFFFD400  }
0x55: {  	[spmem:s2] =	stream.indirect.scatter.add.f32 [tilespmem:s24], [sflag:$0x6], $0x80, s26, s18, $0xb8;
	[tilespmem:$0x1EC00] =	vst v63  }
0x56: {  	_ =	swait.ge [sflag:s0], $0x2C00  }
0x57: {  	[sflag:s0] =	ssyncset.done $0x0  }
0x58: {  	s4 =	simm.s32 $0x380;
	s14 =	simm.s32 $0x600;
	[sflag:s0] =	ssyncadd.s32 $0xFFFFD400  }
.LBB2_2:
0x59: {  	[tilespmem:s21], [sflag:$0x2] =	stream.indirect.gather [hbm4b:s5+s18], $0x80, s4, s18, $0xb8;
	[tilespmem:$0x1EC00] =	vst v63  }
0x5a: {  	s4 =	smov.u32 s14  }
0x5b: {  	p0 =	sne.s32 s14, $0x3C00;
	s14 =	sadd.s32 $0x600, s14;
	_ =	swait.ge [sflag:s22], $0x2C00  }
0x5c: {  	s4 =	sshra.s32 s4, $0x2;
	[sflag:s22] =	ssyncset.done $0x0  }
0x5d: {  	s26 =	sadd.s32 $0x1580, s4;
	[sflag:s22] =	ssyncadd.s32 $0xFFFFD400  }
0x5e: {  	[spmem:s2] =	stream.indirect.scatter.add.f32 [tilespmem:s19], [sflag:$0x4], $0x80, s26, s18, $0xb8;
	[tilespmem:$0x1EC00] =	vst v63  }
0x5f: {  	_ =	swait.ge [sflag:s1], $0x2C00  }
0x60: {  	[sflag:s1] =	ssyncset.done $0x0  }
0x61: {  	s26 =	sadd.s32 $0x280, s4;
	[sflag:s1] =	ssyncadd.s32 $0xFFFFD400  }
0x62: {  	[tilespmem:s24], [sflag:$0x3] =	stream.indirect.gather [hbm4b:s5+s18], $0x80, s26, s18, $0xb8;
	[tilespmem:$0x1EC00] =	vst v63  }
0x63: {  	_ =	swait.ge [sflag:s25], $0x2C00  }
0x64: {  	[sflag:s25] =	ssyncset.done $0x0  }
0x65: {  	s26 =	sadd.s32 $0x1600, s4;
	[sflag:s25] =	ssyncadd.s32 $0xFFFFD400  }
0x66: {  	[spmem:s2] =	stream.indirect.scatter.add.f32 [tilespmem:s21], [sflag:$0x5], $0x80, s26, s18, $0xb8;
	[tilespmem:$0x1EC00] =	vst v63  }
0x67: {  	_ =	swait.ge [sflag:s28], $0x2C00  }
0x68: {  	[sflag:s28] =	ssyncset.done $0x0  }
0x69: {  	s26 =	sadd.s32 $0x300, s4;
	[sflag:s28] =	ssyncadd.s32 $0xFFFFD400  }
0x6a: {  	[tilespmem:s19], [sflag:$0x1] =	stream.indirect.gather [hbm4b:s5+s18], $0x80, s26, s18, $0xb8;
	[tilespmem:$0x1EC00] =	vst v63  }
0x6b: {  	_ =	swait.ge [sflag:s30], $0x2C00  }
0x6c: {  	[sflag:s30] =	ssyncset.done $0x0  }
.Ltmp0:
0x6d: {  	s26 =	sadd.s32 $0x1680, s4;
	[sflag:s30] =	ssyncadd.s32 $0xFFFFD400;
	(pc) =	sbr.rel @p0 .LBB2_2-.Ltmp0, $4  }
0x6e: {  	[spmem:s2] =	stream.indirect.scatter.add.f32 [tilespmem:s24], [sflag:$0x6], $0x80, s26, s18, $0xb8;
	[tilespmem:$0x1EC00] =	vst v63  }
0x6f: {  	_ =	swait.ge [sflag:s0], $0x2C00  }
0x70: {  	[sflag:s0] =	ssyncset.done $0x0  }
0x71: {  	s4 =	sadd.s32 $0x380, s4;
	[sflag:s0] =	ssyncadd.s32 $0xFFFFD400  }
0x72: {  	[tilespmem:s21], [sflag:$0x2] =	stream.indirect.gather [hbm4b:s5+s18], $0x80, s4, s18, $0xb8;
	[tilespmem:$0x1EC00] =	vst v63  }
0x73: {  	_ =	swait.ge [sflag:s22], $0x2C00  }
0x74: {  	[sflag:s22] =	ssyncset.done $0x0  }
0x75: {  	[sflag:s22] =	ssyncadd.s32 $0xFFFFD400  }
0x76: {  	[spmem:s2] =	stream.indirect.scatter.add.f32 [tilespmem:s19], [sflag:$0x4], $0x80, s7, s18, $0xb8;
	[tilespmem:$0x1EC00] =	vst v63  }
0x77: {  	_ =	swait.ge [sflag:s1], $0x2C00  }
0x78: {  	[sflag:s1] =	ssyncset.done $0x0  }
0x79: {  	[sflag:s1] =	ssyncadd.s32 $0xFFFFD400  }
0x7a: {  	[tilespmem:s24], [sflag:$0x3] =	stream.indirect.gather [hbm4b:s5+s18], $0x80, s8, s18, $0xb8;
	[tilespmem:$0x1EC00] =	vst v63  }
0x7b: {  	_ =	swait.ge [sflag:s25], $0x2C00  }
0x7c: {  	[sflag:s25] =	ssyncset.done $0x0  }
0x7d: {  	[sflag:s25] =	ssyncadd.s32 $0xFFFFD400  }
0x7e: {  	[spmem:s2] =	stream.indirect.scatter.add.f32 [tilespmem:s21], [sflag:$0x5], $0x80, s9, s18, $0xb8;
	[tilespmem:$0x1EC00] =	vst v63  }
0x7f: {  	_ =	swait.ge [sflag:s28], $0x2C00  }
0x80: {  	[sflag:s28] =	ssyncset.done $0x0  }
0x81: {  	[sflag:s28] =	ssyncadd.s32 $0xFFFFD400  }
0x82: {  	[tilespmem:s19], [sflag:$0x1] =	stream.indirect.gather [hbm4b:s5+s18], $0x80, s10, s18, $0xb8;
	[tilespmem:$0x1EC00] =	vst v63  }
0x83: {  	_ =	swait.ge [sflag:s30], $0x2C00  }
0x84: {  	[sflag:s30] =	ssyncset.done $0x0  }
0x85: {  	[sflag:s30] =	ssyncadd.s32 $0xFFFFD400  }
0x86: {  	[spmem:s2] =	stream.indirect.scatter.add.f32 [tilespmem:s24], [sflag:$0x6], $0x80, s11, s18, $0xb8;
	[tilespmem:$0x1EC00] =	vst v63  }
0x87: {  	_ =	swait.ge [sflag:s0], $0x2C00  }
0x88: {  	[sflag:s0] =	ssyncset.done $0x0  }
0x89: {  	[sflag:s0] =	ssyncadd.s32 $0xFFFFD400  }
0x8a: {  	[tilespmem:s21], [sflag:$0x2] =	stream.indirect.gather [hbm4b:s5+s18], $0x80, s20, s18, $0xb8;
	[tilespmem:$0x1EC00] =	vst v63  }
0x8b: {  	_ =	swait.ge [sflag:s22], $0x2C00  }
0x8c: {  	[sflag:s22] =	ssyncset.done $0x0  }
0x8d: {  	[sflag:s22] =	ssyncadd.s32 $0xFFFFD400  }
0x8e: {  	[spmem:s2] =	stream.indirect.scatter.add.f32 [tilespmem:s19], [sflag:$0x4], $0x80, s12, s18, $0xb8;
	[tilespmem:$0x1EC00] =	vst v63  }
0x8f: {  	_ =	swait.ge [sflag:s1], $0x2C00  }
0x90: {  	[sflag:s1] =	ssyncset.done $0x0  }
0x91: {  	[sflag:s1] =	ssyncadd.s32 $0xFFFFD400  }
0x92: {  	[tilespmem:s24], [sflag:$0x3] =	stream.indirect.gather [hbm4b:s5+s18], $0x80, s23, s18, $0xb8;
	[tilespmem:$0x1EC00] =	vst v63  }
0x93: {  	_ =	swait.ge [sflag:s25], $0x2C00  }
0x94: {  	[sflag:s25] =	ssyncset.done $0x0  }
0x95: {  	[sflag:s25] =	ssyncadd.s32 $0xFFFFD400  }
0x96: {  	_ =	swait.ge [sflag:s30], $0x2C00  }
0x97: {  	[sflag:s30] =	ssyncset.done $0x0  }
0x98: {  	[sflag:s30] =	ssyncadd.s32 $0xFFFFD400  }
0x99: {  	_ =	swait.ge [sflag:s28], $0x2C00  }
0x9a: {  	[sflag:s28] =	ssyncset.done $0x0  }
0x9b: {  	s4 =	simm.s32 $0x0;
	s14 =	rddreg [dreg:$0x6];
	[sflag:s28] =	ssyncadd.s32 $0xFFFFD400  }
0x9c: {  	[tilespmem:s4], [sflag:$0x7] =	stream.linear.gather [hbm4b:s14+s4], $0x1400, $0x38;
	[tilespmem:$0x1EC00] =	vst v63  }
0x9d: {  	_ =	swait.ge [sflag:s16], $0x1400  }
0x9e: {  	[sflag:s16] =	ssyncset.done $0x0  }
0x9f: {  	s26 =	rddreg [dreg:$0x7];
	[sflag:s16] =	ssyncadd.s32 $0xFFFFEC00  }
0xa0: {  	[tilespmem:s17], [sflag:$0x7] =	stream.linear.gather [hbm4b:s26+s4], $0x1400, $0x38;
	[tilespmem:$0x1EC00] =	vst v63  }
0xa1: {  	_ =	swait.ge [sflag:s16], $0x1400  }
0xa2: {  	[sflag:s16] =	ssyncset.done $0x0  }
0xa3: {  	[sflag:s16] =	ssyncadd.s32 $0xFFFFEC00  }
0xa4: {  	[tilespmem:s19], [sflag:$0x1] =	stream.indirect.gather [hbm4b:s5+s18], $0x80, s4, s18, $0xb8;
	[tilespmem:$0x1EC00] =	vst v63  }
0xa5: {  	_ = 	snop  }
0xa6: {  	[tilespmem:s21], [sflag:$0x2] =	stream.indirect.gather [hbm4b:s5+s18], $0x80, s20, s18, $0xb8;
	[tilespmem:$0x1EC00] =	vst v63  }
0xa7: {  	_ =	swait.ge [sflag:s22], $0x2C00  }
0xa8: {  	[sflag:s22] =	ssyncset.done $0x0  }
0xa9: {  	[sflag:s22] =	ssyncadd.s32 $0xFFFFD400  }
0xaa: {  	[spmem:s2] =	stream.indirect.scatter.add.f32 [tilespmem:s19], [sflag:$0x4], $0x80, s17, s18, $0xb8;
	[tilespmem:$0x1EC00] =	vst v63  }
0xab: {  	_ = 	snop  }
0xac: {  	[tilespmem:s24], [sflag:$0x3] =	stream.indirect.gather [hbm4b:s5+s18], $0x80, s23, s18, $0xb8;
	[tilespmem:$0x1EC00] =	vst v63  }
0xad: {  	_ =	swait.ge [sflag:s25], $0x2C00  }
0xae: {  	[sflag:s25] =	ssyncset.done $0x0  }
0xaf: {  	s14 =	simm.s32 $0x1480;
	[sflag:s25] =	ssyncadd.s32 $0xFFFFD400  }
0xb0: {  	[spmem:s2] =	stream.indirect.scatter.add.f32 [tilespmem:s21], [sflag:$0x5], $0x80, s14, s18, $0xb8;
	[tilespmem:$0x1EC00] =	vst v63  }
0xb1: {  	_ =	swait.ge [sflag:s28], $0x2C00  }
0xb2: {  	[sflag:s28] =	ssyncset.done $0x0  }
0xb3: {  	[sflag:s28] =	ssyncadd.s32 $0xFFFFD400  }
0xb4: {  	[tilespmem:s19], [sflag:$0x1] =	stream.indirect.gather [hbm4b:s5+s18], $0x80, s29, s18, $0xb8;
	[tilespmem:$0x1EC00] =	vst v63  }
0xb5: {  	_ =	swait.ge [sflag:s30], $0x2C00  }
0xb6: {  	[sflag:s30] =	ssyncset.done $0x0  }
0xb7: {  	[sflag:s30] =	ssyncadd.s32 $0xFFFFD400  }
0xb8: {  	[spmem:s2] =	stream.indirect.scatter.add.f32 [tilespmem:s24], [sflag:$0x6], $0x80, s31, s18, $0xb8;
	[tilespmem:$0x1EC00] =	vst v63  }
0xb9: {  	_ =	swait.ge [sflag:s0], $0x2C00  }
0xba: {  	[sflag:s0] =	ssyncset.done $0x0  }
0xbb: {  	[sflag:s0] =	ssyncadd.s32 $0xFFFFD400  }
0xbc: {  	[tilespmem:s21], [sflag:$0x2] =	stream.indirect.gather [hbm4b:s5+s18], $0x80, s3, s18, $0xb8;
	[tilespmem:$0x1EC00] =	vst v63  }
0xbd: {  	_ =	swait.ge [sflag:s22], $0x2C00  }
0xbe: {  	[sflag:s22] =	ssyncset.done $0x0  }
0xbf: {  	s26 =	simm.s32 $0x1580;
	[sflag:s22] =	ssyncadd.s32 $0xFFFFD400  }
0xc0: {  	[spmem:s2] =	stream.indirect.scatter.add.f32 [tilespmem:s19], [sflag:$0x4], $0x80, s26, s18, $0xb8;
	[tilespmem:$0x1EC00] =	vst v63  }
0xc1: {  	_ =	swait.ge [sflag:s1], $0x2C00  }
0xc2: {  	[sflag:s1] =	ssyncset.done $0x0  }
0xc3: {  	s14 =	simm.s32 $0x280;
	[sflag:s1] =	ssyncadd.s32 $0xFFFFD400  }
0xc4: {  	[tilespmem:s24], [sflag:$0x3] =	stream.indirect.gather [hbm4b:s5+s18], $0x80, s14, s18, $0xb8;
	[tilespmem:$0x1EC00] =	vst v63  }
0xc5: {  	_ =	swait.ge [sflag:s25], $0x2C00  }
0xc6: {  	[sflag:s25] =	ssyncset.done $0x0  }
0xc7: {  	s26 =	simm.s32 $0x1600;
	[sflag:s25] =	ssyncadd.s32 $0xFFFFD400  }
0xc8: {  	[spmem:s2] =	stream.indirect.scatter.add.f32 [tilespmem:s21], [sflag:$0x5], $0x80, s26, s18, $0xb8;
	[tilespmem:$0x1EC00] =	vst v63  }
0xc9: {  	_ =	swait.ge [sflag:s28], $0x2C00  }
0xca: {  	[sflag:s28] =	ssyncset.done $0x0  }
0xcb: {  	s14 =	simm.s32 $0x300;
	[sflag:s28] =	ssyncadd.s32 $0xFFFFD400  }
0xcc: {  	[tilespmem:s19], [sflag:$0x1] =	stream.indirect.gather [hbm4b:s5+s18], $0x80, s14, s18, $0xb8;
	[tilespmem:$0x1EC00] =	vst v63  }
0xcd: {  	_ =	swait.ge [sflag:s30], $0x2C00  }
0xce: {  	[sflag:s30] =	ssyncset.done $0x0  }
0xcf: {  	s26 =	simm.s32 $0x1680;
	[sflag:s30] =	ssyncadd.s32 $0xFFFFD400  }
0xd0: {  	[spmem:s2] =	stream.indirect.scatter.add.f32 [tilespmem:s24], [sflag:$0x6], $0x80, s26, s18, $0xb8;
	[tilespmem:$0x1EC00] =	vst v63  }
0xd1: {  	_ =	swait.ge [sflag:s0], $0x2C00  }
0xd2: {  	[sflag:s0] =	ssyncset.done $0x0  }
0xd3: {  	s4 =	simm.s32 $0x380;
	s14 =	simm.s32 $0x600;
	[sflag:s0] =	ssyncadd.s32 $0xFFFFD400  }
.LBB2_4:
0xd4: {  	[tilespmem:s21], [sflag:$0x2] =	stream.indirect.gather [hbm4b:s5+s18], $0x80, s4, s18, $0xb8;
	[tilespmem:$0x1EC00] =	vst v63  }
0xd5: {  	s4 =	smov.u32 s14  }
0xd6: {  	p0 =	sne.s32 s14, $0x3C00;
	s14 =	sadd.s32 $0x600, s14;
	_ =	swait.ge [sflag:s22], $0x2C00  }
0xd7: {  	s4 =	sshra.s32 s4, $0x2;
	[sflag:s22] =	ssyncset.done $0x0  }
0xd8: {  	s26 =	sadd.s32 $0x1580, s4;
	[sflag:s22] =	ssyncadd.s32 $0xFFFFD400  }
0xd9: {  	[spmem:s2] =	stream.indirect.scatter.add.f32 [tilespmem:s19], [sflag:$0x4], $0x80, s26, s18, $0xb8;
	[tilespmem:$0x1EC00] =	vst v63  }
0xda: {  	_ =	swait.ge [sflag:s1], $0x2C00  }
0xdb: {  	[sflag:s1] =	ssyncset.done $0x0  }
0xdc: {  	s26 =	sadd.s32 $0x280, s4;
	[sflag:s1] =	ssyncadd.s32 $0xFFFFD400  }
0xdd: {  	[tilespmem:s24], [sflag:$0x3] =	stream.indirect.gather [hbm4b:s5+s18], $0x80, s26, s18, $0xb8;
	[tilespmem:$0x1EC00] =	vst v63  }
0xde: {  	_ =	swait.ge [sflag:s25], $0x2C00  }
0xdf: {  	[sflag:s25] =	ssyncset.done $0x0  }
0xe0: {  	s26 =	sadd.s32 $0x1600, s4;
	[sflag:s25] =	ssyncadd.s32 $0xFFFFD400  }
0xe1: {  	[spmem:s2] =	stream.indirect.scatter.add.f32 [tilespmem:s21], [sflag:$0x5], $0x80, s26, s18, $0xb8;
	[tilespmem:$0x1EC00] =	vst v63  }
0xe2: {  	_ =	swait.ge [sflag:s28], $0x2C00  }
0xe3: {  	[sflag:s28] =	ssyncset.done $0x0  }
0xe4: {  	s26 =	sadd.s32 $0x300, s4;
	[sflag:s28] =	ssyncadd.s32 $0xFFFFD400  }
0xe5: {  	[tilespmem:s19], [sflag:$0x1] =	stream.indirect.gather [hbm4b:s5+s18], $0x80, s26, s18, $0xb8;
	[tilespmem:$0x1EC00] =	vst v63  }
0xe6: {  	_ =	swait.ge [sflag:s30], $0x2C00  }
0xe7: {  	[sflag:s30] =	ssyncset.done $0x0  }
.Ltmp1:
0xe8: {  	s26 =	sadd.s32 $0x1680, s4;
	[sflag:s30] =	ssyncadd.s32 $0xFFFFD400;
	(pc) =	sbr.rel @p0 .LBB2_4-.Ltmp1, $4  }
0xe9: {  	[spmem:s2] =	stream.indirect.scatter.add.f32 [tilespmem:s24], [sflag:$0x6], $0x80, s26, s18, $0xb8;
	[tilespmem:$0x1EC00] =	vst v63  }
0xea: {  	_ =	swait.ge [sflag:s0], $0x2C00  }
0xeb: {  	[sflag:s0] =	ssyncset.done $0x0  }
0xec: {  	s4 =	sadd.s32 $0x380, s4;
	[sflag:s0] =	ssyncadd.s32 $0xFFFFD400  }
0xed: {  	[tilespmem:s21], [sflag:$0x2] =	stream.indirect.gather [hbm4b:s5+s18], $0x80, s4, s18, $0xb8;
	[tilespmem:$0x1EC00] =	vst v63  }
0xee: {  	_ =	swait.ge [sflag:s22], $0x2C00  }
0xef: {  	[sflag:s22] =	ssyncset.done $0x0  }
0xf0: {  	[sflag:s22] =	ssyncadd.s32 $0xFFFFD400  }
0xf1: {  	[spmem:s2] =	stream.indirect.scatter.add.f32 [tilespmem:s19], [sflag:$0x4], $0x80, s7, s18, $0xb8;
	[tilespmem:$0x1EC00] =	vst v63  }
0xf2: {  	_ =	swait.ge [sflag:s1], $0x2C00  }
0xf3: {  	[sflag:s1] =	ssyncset.done $0x0  }
0xf4: {  	[sflag:s1] =	ssyncadd.s32 $0xFFFFD400  }
0xf5: {  	[tilespmem:s24], [sflag:$0x3] =	stream.indirect.gather [hbm4b:s5+s18], $0x80, s8, s18, $0xb8;
	[tilespmem:$0x1EC00] =	vst v63  }
0xf6: {  	_ =	swait.ge [sflag:s25], $0x2C00  }
0xf7: {  	[sflag:s25] =	ssyncset.done $0x0  }
0xf8: {  	[sflag:s25] =	ssyncadd.s32 $0xFFFFD400  }
0xf9: {  	[spmem:s2] =	stream.indirect.scatter.add.f32 [tilespmem:s21], [sflag:$0x5], $0x80, s9, s18, $0xb8;
	[tilespmem:$0x1EC00] =	vst v63  }
0xfa: {  	_ =	swait.ge [sflag:s28], $0x2C00  }
0xfb: {  	[sflag:s28] =	ssyncset.done $0x0  }
0xfc: {  	[sflag:s28] =	ssyncadd.s32 $0xFFFFD400  }
0xfd: {  	[tilespmem:s19], [sflag:$0x1] =	stream.indirect.gather [hbm4b:s5+s18], $0x80, s10, s18, $0xb8;
	[tilespmem:$0x1EC00] =	vst v63  }
0xfe: {  	_ =	swait.ge [sflag:s30], $0x2C00  }
0xff: {  	[sflag:s30] =	ssyncset.done $0x0  }
0x100: {  	[sflag:s30] =	ssyncadd.s32 $0xFFFFD400  }
0x101: {  	[spmem:s2] =	stream.indirect.scatter.add.f32 [tilespmem:s24], [sflag:$0x6], $0x80, s11, s18, $0xb8;
	[tilespmem:$0x1EC00] =	vst v63  }
0x102: {  	_ =	swait.ge [sflag:s0], $0x2C00  }
0x103: {  	[sflag:s0] =	ssyncset.done $0x0  }
0x104: {  	[sflag:s0] =	ssyncadd.s32 $0xFFFFD400  }
0x105: {  	[tilespmem:s21], [sflag:$0x2] =	stream.indirect.gather [hbm4b:s5+s18], $0x80, s20, s18, $0xb8;
	[tilespmem:$0x1EC00] =	vst v63  }
0x106: {  	_ =	swait.ge [sflag:s22], $0x2C00  }
0x107: {  	[sflag:s22] =	ssyncset.done $0x0  }
0x108: {  	[sflag:s22] =	ssyncadd.s32 $0xFFFFD400  }
0x109: {  	[spmem:s2] =	stream.indirect.scatter.add.f32 [tilespmem:s19], [sflag:$0x4], $0x80, s12, s18, $0xb8;
	[tilespmem:$0x1EC00] =	vst v63  }
0x10a: {  	_ =	swait.ge [sflag:s1], $0x2C00  }
0x10b: {  	[sflag:s1] =	ssyncset.done $0x0  }
0x10c: {  	[sflag:s1] =	ssyncadd.s32 $0xFFFFD400  }
0x10d: {  	[tilespmem:s24], [sflag:$0x3] =	stream.indirect.gather [hbm4b:s5+s18], $0x80, s23, s18, $0xb8;
	[tilespmem:$0x1EC00] =	vst v63  }
0x10e: {  	_ =	swait.ge [sflag:s25], $0x2C00  }
0x10f: {  	[sflag:s25] =	ssyncset.done $0x0  }
0x110: {  	[sflag:s25] =	ssyncadd.s32 $0xFFFFD400  }
0x111: {  	_ =	swait.ge [sflag:s30], $0x2C00  }
0x112: {  	[sflag:s30] =	ssyncset.done $0x0  }
0x113: {  	[sflag:s30] =	ssyncadd.s32 $0xFFFFD400  }
0x114: {  	_ =	swait.ge [sflag:s28], $0x2C00  }
0x115: {  	[sflag:s28] =	ssyncset.done $0x0  }
0x116: {  	s4 =	simm.s32 $0x0;
	s14 =	rddreg [dreg:$0x8];
	[sflag:s28] =	ssyncadd.s32 $0xFFFFD400  }
0x117: {  	[tilespmem:s4], [sflag:$0x7] =	stream.linear.gather [hbm4b:s14+s4], $0x1400, $0x38;
	[tilespmem:$0x1EC00] =	vst v63  }
0x118: {  	_ =	swait.ge [sflag:s16], $0x1400  }
0x119: {  	[sflag:s16] =	ssyncset.done $0x0  }
0x11a: {  	s26 =	rddreg [dreg:$0x9];
	[sflag:s16] =	ssyncadd.s32 $0xFFFFEC00  }
0x11b: {  	[tilespmem:s17], [sflag:$0x7] =	stream.linear.gather [hbm4b:s26+s4], $0x1400, $0x38;
	[tilespmem:$0x1EC00] =	vst v63  }
0x11c: {  	_ =	swait.ge [sflag:s16], $0x1400  }
0x11d: {  	[sflag:s16] =	ssyncset.done $0x0  }
0x11e: {  	[sflag:s16] =	ssyncadd.s32 $0xFFFFEC00  }
0x11f: {  	[tilespmem:s19], [sflag:$0x1] =	stream.indirect.gather [hbm4b:s5+s18], $0x80, s4, s18, $0xb8;
	[tilespmem:$0x1EC00] =	vst v63  }
0x120: {  	_ = 	snop  }
0x121: {  	[tilespmem:s21], [sflag:$0x2] =	stream.indirect.gather [hbm4b:s5+s18], $0x80, s20, s18, $0xb8;
	[tilespmem:$0x1EC00] =	vst v63  }
0x122: {  	_ =	swait.ge [sflag:s22], $0x2C00  }
0x123: {  	[sflag:s22] =	ssyncset.done $0x0  }
0x124: {  	[sflag:s22] =	ssyncadd.s32 $0xFFFFD400  }
0x125: {  	[spmem:s2] =	stream.indirect.scatter.add.f32 [tilespmem:s19], [sflag:$0x4], $0x80, s17, s18, $0xb8;
	[tilespmem:$0x1EC00] =	vst v63  }
0x126: {  	_ = 	snop  }
0x127: {  	[tilespmem:s24], [sflag:$0x3] =	stream.indirect.gather [hbm4b:s5+s18], $0x80, s23, s18, $0xb8;
	[tilespmem:$0x1EC00] =	vst v63  }
0x128: {  	_ =	swait.ge [sflag:s25], $0x2C00  }
0x129: {  	[sflag:s25] =	ssyncset.done $0x0  }
0x12a: {  	s14 =	simm.s32 $0x1480;
	[sflag:s25] =	ssyncadd.s32 $0xFFFFD400  }
0x12b: {  	[spmem:s2] =	stream.indirect.scatter.add.f32 [tilespmem:s21], [sflag:$0x5], $0x80, s14, s18, $0xb8;
	[tilespmem:$0x1EC00] =	vst v63  }
0x12c: {  	_ =	swait.ge [sflag:s28], $0x2C00  }
0x12d: {  	[sflag:s28] =	ssyncset.done $0x0  }
0x12e: {  	[sflag:s28] =	ssyncadd.s32 $0xFFFFD400  }
0x12f: {  	[tilespmem:s19], [sflag:$0x1] =	stream.indirect.gather [hbm4b:s5+s18], $0x80, s29, s18, $0xb8;
	[tilespmem:$0x1EC00] =	vst v63  }
0x130: {  	_ =	swait.ge [sflag:s30], $0x2C00  }
0x131: {  	[sflag:s30] =	ssyncset.done $0x0  }
0x132: {  	[sflag:s30] =	ssyncadd.s32 $0xFFFFD400  }
0x133: {  	[spmem:s2] =	stream.indirect.scatter.add.f32 [tilespmem:s24], [sflag:$0x6], $0x80, s31, s18, $0xb8;
	[tilespmem:$0x1EC00] =	vst v63  }
0x134: {  	_ =	swait.ge [sflag:s0], $0x2C00  }
0x135: {  	[sflag:s0] =	ssyncset.done $0x0  }
0x136: {  	[sflag:s0] =	ssyncadd.s32 $0xFFFFD400  }
0x137: {  	[tilespmem:s21], [sflag:$0x2] =	stream.indirect.gather [hbm4b:s5+s18], $0x80, s3, s18, $0xb8;
	[tilespmem:$0x1EC00] =	vst v63  }
0x138: {  	_ =	swait.ge [sflag:s22], $0x2C00  }
0x139: {  	[sflag:s22] =	ssyncset.done $0x0  }
0x13a: {  	s26 =	simm.s32 $0x1580;
	[sflag:s22] =	ssyncadd.s32 $0xFFFFD400  }
0x13b: {  	[spmem:s2] =	stream.indirect.scatter.add.f32 [tilespmem:s19], [sflag:$0x4], $0x80, s26, s18, $0xb8;
	[tilespmem:$0x1EC00] =	vst v63  }
0x13c: {  	_ =	swait.ge [sflag:s1], $0x2C00  }
0x13d: {  	[sflag:s1] =	ssyncset.done $0x0  }
0x13e: {  	s14 =	simm.s32 $0x280;
	[sflag:s1] =	ssyncadd.s32 $0xFFFFD400  }
0x13f: {  	[tilespmem:s24], [sflag:$0x3] =	stream.indirect.gather [hbm4b:s5+s18], $0x80, s14, s18, $0xb8;
	[tilespmem:$0x1EC00] =	vst v63  }
0x140: {  	_ =	swait.ge [sflag:s25], $0x2C00  }
0x141: {  	[sflag:s25] =	ssyncset.done $0x0  }
0x142: {  	s26 =	simm.s32 $0x1600;
	[sflag:s25] =	ssyncadd.s32 $0xFFFFD400  }
0x143: {  	[spmem:s2] =	stream.indirect.scatter.add.f32 [tilespmem:s21], [sflag:$0x5], $0x80, s26, s18, $0xb8;
	[tilespmem:$0x1EC00] =	vst v63  }
0x144: {  	_ =	swait.ge [sflag:s28], $0x2C00  }
0x145: {  	[sflag:s28] =	ssyncset.done $0x0  }
0x146: {  	s14 =	simm.s32 $0x300;
	[sflag:s28] =	ssyncadd.s32 $0xFFFFD400  }
0x147: {  	[tilespmem:s19], [sflag:$0x1] =	stream.indirect.gather [hbm4b:s5+s18], $0x80, s14, s18, $0xb8;
	[tilespmem:$0x1EC00] =	vst v63  }
0x148: {  	_ =	swait.ge [sflag:s30], $0x2C00  }
0x149: {  	[sflag:s30] =	ssyncset.done $0x0  }
0x14a: {  	s26 =	simm.s32 $0x1680;
	[sflag:s30] =	ssyncadd.s32 $0xFFFFD400  }
0x14b: {  	[spmem:s2] =	stream.indirect.scatter.add.f32 [tilespmem:s24], [sflag:$0x6], $0x80, s26, s18, $0xb8;
	[tilespmem:$0x1EC00] =	vst v63  }
0x14c: {  	_ =	swait.ge [sflag:s0], $0x2C00  }
0x14d: {  	[sflag:s0] =	ssyncset.done $0x0  }
0x14e: {  	s4 =	simm.s32 $0x380;
	s14 =	simm.s32 $0x600;
	[sflag:s0] =	ssyncadd.s32 $0xFFFFD400  }
.LBB2_6:
0x14f: {  	[tilespmem:s21], [sflag:$0x2] =	stream.indirect.gather [hbm4b:s5+s18], $0x80, s4, s18, $0xb8;
	[tilespmem:$0x1EC00] =	vst v63  }
0x150: {  	s4 =	smov.u32 s14  }
0x151: {  	p0 =	sne.s32 s14, $0x3C00;
	s14 =	sadd.s32 $0x600, s14;
	_ =	swait.ge [sflag:s22], $0x2C00  }
0x152: {  	s4 =	sshra.s32 s4, $0x2;
	[sflag:s22] =	ssyncset.done $0x0  }
0x153: {  	s26 =	sadd.s32 $0x1580, s4;
	[sflag:s22] =	ssyncadd.s32 $0xFFFFD400  }
0x154: {  	[spmem:s2] =	stream.indirect.scatter.add.f32 [tilespmem:s19], [sflag:$0x4], $0x80, s26, s18, $0xb8;
	[tilespmem:$0x1EC00] =	vst v63  }
0x155: {  	_ =	swait.ge [sflag:s1], $0x2C00  }
0x156: {  	[sflag:s1] =	ssyncset.done $0x0  }
0x157: {  	s26 =	sadd.s32 $0x280, s4;
	[sflag:s1] =	ssyncadd.s32 $0xFFFFD400  }
0x158: {  	[tilespmem:s24], [sflag:$0x3] =	stream.indirect.gather [hbm4b:s5+s18], $0x80, s26, s18, $0xb8;
	[tilespmem:$0x1EC00] =	vst v63  }
0x159: {  	_ =	swait.ge [sflag:s25], $0x2C00  }
0x15a: {  	[sflag:s25] =	ssyncset.done $0x0  }
0x15b: {  	s26 =	sadd.s32 $0x1600, s4;
	[sflag:s25] =	ssyncadd.s32 $0xFFFFD400  }
0x15c: {  	[spmem:s2] =	stream.indirect.scatter.add.f32 [tilespmem:s21], [sflag:$0x5], $0x80, s26, s18, $0xb8;
	[tilespmem:$0x1EC00] =	vst v63  }
0x15d: {  	_ =	swait.ge [sflag:s28], $0x2C00  }
0x15e: {  	[sflag:s28] =	ssyncset.done $0x0  }
0x15f: {  	s26 =	sadd.s32 $0x300, s4;
	[sflag:s28] =	ssyncadd.s32 $0xFFFFD400  }
0x160: {  	[tilespmem:s19], [sflag:$0x1] =	stream.indirect.gather [hbm4b:s5+s18], $0x80, s26, s18, $0xb8;
	[tilespmem:$0x1EC00] =	vst v63  }
0x161: {  	_ =	swait.ge [sflag:s30], $0x2C00  }
0x162: {  	[sflag:s30] =	ssyncset.done $0x0  }
.Ltmp2:
0x163: {  	s26 =	sadd.s32 $0x1680, s4;
	[sflag:s30] =	ssyncadd.s32 $0xFFFFD400;
	(pc) =	sbr.rel @p0 .LBB2_6-.Ltmp2, $4  }
0x164: {  	[spmem:s2] =	stream.indirect.scatter.add.f32 [tilespmem:s24], [sflag:$0x6], $0x80, s26, s18, $0xb8;
	[tilespmem:$0x1EC00] =	vst v63  }
0x165: {  	_ =	swait.ge [sflag:s0], $0x2C00  }
0x166: {  	[sflag:s0] =	ssyncset.done $0x0  }
0x167: {  	s4 =	sadd.s32 $0x380, s4;
	[sflag:s0] =	ssyncadd.s32 $0xFFFFD400  }
0x168: {  	[tilespmem:s21], [sflag:$0x2] =	stream.indirect.gather [hbm4b:s5+s18], $0x80, s4, s18, $0xb8;
	[tilespmem:$0x1EC00] =	vst v63  }
0x169: {  	_ =	swait.ge [sflag:s22], $0x2C00  }
0x16a: {  	[sflag:s22] =	ssyncset.done $0x0  }
0x16b: {  	[sflag:s22] =	ssyncadd.s32 $0xFFFFD400  }
0x16c: {  	[spmem:s2] =	stream.indirect.scatter.add.f32 [tilespmem:s19], [sflag:$0x4], $0x80, s7, s18, $0xb8;
	[tilespmem:$0x1EC00] =	vst v63  }
0x16d: {  	_ =	swait.ge [sflag:s1], $0x2C00  }
0x16e: {  	[sflag:s1] =	ssyncset.done $0x0  }
0x16f: {  	[sflag:s1] =	ssyncadd.s32 $0xFFFFD400  }
0x170: {  	[tilespmem:s24], [sflag:$0x3] =	stream.indirect.gather [hbm4b:s5+s18], $0x80, s8, s18, $0xb8;
	[tilespmem:$0x1EC00] =	vst v63  }
0x171: {  	_ =	swait.ge [sflag:s25], $0x2C00  }
0x172: {  	[sflag:s25] =	ssyncset.done $0x0  }
0x173: {  	[sflag:s25] =	ssyncadd.s32 $0xFFFFD400  }
0x174: {  	[spmem:s2] =	stream.indirect.scatter.add.f32 [tilespmem:s21], [sflag:$0x5], $0x80, s9, s18, $0xb8;
	[tilespmem:$0x1EC00] =	vst v63  }
0x175: {  	_ =	swait.ge [sflag:s28], $0x2C00  }
0x176: {  	[sflag:s28] =	ssyncset.done $0x0  }
0x177: {  	[sflag:s28] =	ssyncadd.s32 $0xFFFFD400  }
0x178: {  	[tilespmem:s19], [sflag:$0x1] =	stream.indirect.gather [hbm4b:s5+s18], $0x80, s10, s18, $0xb8;
	[tilespmem:$0x1EC00] =	vst v63  }
0x179: {  	_ =	swait.ge [sflag:s30], $0x2C00  }
0x17a: {  	[sflag:s30] =	ssyncset.done $0x0  }
0x17b: {  	[sflag:s30] =	ssyncadd.s32 $0xFFFFD400  }
0x17c: {  	[spmem:s2] =	stream.indirect.scatter.add.f32 [tilespmem:s24], [sflag:$0x6], $0x80, s11, s18, $0xb8;
	[tilespmem:$0x1EC00] =	vst v63  }
0x17d: {  	_ =	swait.ge [sflag:s0], $0x2C00  }
0x17e: {  	[sflag:s0] =	ssyncset.done $0x0  }
0x17f: {  	[sflag:s0] =	ssyncadd.s32 $0xFFFFD400  }
0x180: {  	[tilespmem:s21], [sflag:$0x2] =	stream.indirect.gather [hbm4b:s5+s18], $0x80, s20, s18, $0xb8;
	[tilespmem:$0x1EC00] =	vst v63  }
0x181: {  	_ =	swait.ge [sflag:s22], $0x2C00  }
0x182: {  	[sflag:s22] =	ssyncset.done $0x0  }
0x183: {  	[sflag:s22] =	ssyncadd.s32 $0xFFFFD400  }
0x184: {  	[spmem:s2] =	stream.indirect.scatter.add.f32 [tilespmem:s19], [sflag:$0x4], $0x80, s12, s18, $0xb8;
	[tilespmem:$0x1EC00] =	vst v63  }
0x185: {  	_ =	swait.ge [sflag:s1], $0x2C00  }
0x186: {  	[sflag:s1] =	ssyncset.done $0x0  }
0x187: {  	[sflag:s1] =	ssyncadd.s32 $0xFFFFD400  }
0x188: {  	[tilespmem:s24], [sflag:$0x3] =	stream.indirect.gather [hbm4b:s5+s18], $0x80, s23, s18, $0xb8;
	[tilespmem:$0x1EC00] =	vst v63  }
0x189: {  	_ =	swait.ge [sflag:s25], $0x2C00  }
0x18a: {  	[sflag:s25] =	ssyncset.done $0x0  }
0x18b: {  	[sflag:s25] =	ssyncadd.s32 $0xFFFFD400  }
0x18c: {  	_ =	swait.ge [sflag:s30], $0x2C00  }
0x18d: {  	[sflag:s30] =	ssyncset.done $0x0  }
0x18e: {  	[sflag:s30] =	ssyncadd.s32 $0xFFFFD400  }
0x18f: {  	_ =	swait.ge [sflag:s28], $0x2C00  }
0x190: {  	[sflag:s28] =	ssyncset.done $0x0  }
0x191: {  	[sflag:s28] =	ssyncadd.s32 $0xFFFFD400  }
0x192: {  	[bflag:$0x0] =	sbarrier.arrive $0xFFFF  }
0x193: {  	s14 =	rddreg [dreg:$0xa]  }
0x194: {  	[hbm:s14], [sflag:s6] =	dma.local [spmem:s15], $0x2800  }
0x195: {  	_ =	swait.ge [sflag:s16], $0x2800  }
0x196: {  	s13 =	sadd.s32 $0x1, s13;
	s26 =	rddreg [dreg:$0xb]  }
0x197: {  	p0 =	sne.s32 s13, s26  }
.Ltmp3:
0x198: {  	_ = 	snop;
	(pc) =	sbr.rel @p0 .LBB2_1-.Ltmp3, $3  }
0x199: {  	_ =	sdelay $0x1  }
0x19a: {  	[sflag:s16] =	ssyncset.done $0x0  }
0x19b: {  	[sflag:s16] =	ssyncadd.s32 $0xFFFFD800  }
0x19c: {  	_ =	sfence.sel $0x180000  }
0x19d: {  	[bflag:$0x0] =	sbarrier.arrive $0xFFFF  }
0x19e: {  	_ =	strace $0x90000047  }
0x19f: {  	s0 =	stileid.u32;
	[bflag:$0x2] =	sbarrier.arrive $0xFFFF  }
0x1a0: {  	p0 =	sne.s32 s0, $0x0;
	s0 =	rddreg [dreg:$0x3]  }
0x1a1: {  	s0 =	sadd.s32 @!p0 $0x100000, s0  }
0x1a2: {  	[sflag:s0] =	ssyncadd.tile.s32 @!p0 $0x1;
	_ =	shalt  }
.Lfunc_end2:
_tile_overlayer_lowered:
.L_overlay_start_2:
0x1a3: {  	(tag) =	ssettag $0x2  }
0x1a4: {  	s0 =	rddreg [dreg:$0x0];
	s2 =	stileid.u32  }
0x1a5: {  	s1 =	rddreg [dreg:$0x1];
	p0 =	sne.s32 s2, $0x0  }
0x1a6: {  	s3 =	rddreg [dreg:$0x2];
	[bflag:$0x3] =	sbarrier.arrive $0xFFFF;
	s2 =	simm.s32 @!p0 $0x1C07  }
0x1a7: {  	[timem:s3], [sflag:s2] =	dma.local @!p0 [hbm:s0], s1  }
0x1a8: {  	s0 =	simm.s32 @!p0 $0x7  }
0x1a9: {  	_ =	swait.ge @!p0 [sflag:s0], s1  }
0x1aa: {  	s1 =	ssub.s32 @!p0 $0x0, s1;
	[sflag:s0] =	ssyncset.done @!p0 $0x0  }
0x1ab: {  	[sflag:s0] =	ssyncadd.s32 @!p0 s1  }
0x1ac: {  	[bflag:$0x3] =	sbarrier.arrive $0xFFFF  }
0x1ad: {  	_ =	shalt  }

</sc_bundles>
